<compile_context>
chip_gen: v7x
topology: tpu7x:2x2x1
jax: 0.10.2.dev20260603
libtpu: 0.0.44.dev20260713+nightly
codegen_flags: <defaults>
</compile_context>

<pallas_src>
import functools

import jax
import jax.numpy as jnp
from jax import lax
from jax.experimental import pallas as pl
from jax.experimental.pallas import tpu as pltpu
from jax.experimental.pallas import tpu_sc as plsc

N = 10000
NC = 2
NS = 16
CH = 128
NCHUNK = 2560
SPLIT64 = (48, 112)
SPLIT32 = (60, 100)
NBUF = 4
R = 10240
RPT = R // NS
DW = 16


def _zero_rows(ref, nrows, width):
    z = jnp.zeros((16,), jnp.float32)

    def body(i, _):
        for t in range(width // 16):
            ref[i, pl.ds(t * 16, 16)] = z
        return 0

    lax.fori_loop(0, nrows, body, 0)


def _make_edge_pass(D, with_deg, split):
    NCH0, NCH1 = split
    mesh = plsc.VectorSubcoreMesh(core_axis_name="c", subcore_axis_name="s")
    out_type = [jax.ShapeDtypeStruct((NC, R, D), jnp.float32)]
    if with_deg:
        out_type.append(jax.ShapeDtypeStruct((NC, R, DW), jnp.float32))
    nmax = max(NCH0, NCH1)
    scratch = [
        pltpu.VMEM((nmax, CH), jnp.int32),
        pltpu.VMEM((nmax, CH), jnp.int32),
        [pltpu.VMEM((CH, D), jnp.float32) for _ in range(NBUF)],
        pltpu.VMEM_SHARED((R, D), jnp.float32),
        [pltpu.SemaphoreType.DMA for _ in range(NBUF)],
        [pltpu.SemaphoreType.DMA for _ in range(NBUF)],
    ]
    if with_deg:
        scratch += [
            pltpu.VMEM((CH, DW), jnp.float32),
            pltpu.VMEM((CH, DW), jnp.float32),
            pltpu.VMEM_SHARED((R, DW), jnp.float32),
        ]

    def body(y, src0, dst0, src1, dst1, *refs):
        if with_deg:
            (out, dout, src_idx, dst_idx, rows, acc, gsem, ssem,
             ones, zb, dacc) = refs
        else:
            (out, src_idx, dst_idx, rows, acc, gsem, ssem) = refs
        rows_a = rows[0]
        c = lax.axis_index("c")
        s = lax.axis_index("s")

        @pl.when(c == 0)
        def _():
            pltpu.sync_copy(src0.at[s], src_idx.at[pl.ds(0, NCH0)])
            pltpu.sync_copy(dst0.at[s], dst_idx.at[pl.ds(0, NCH0)])

        @pl.when(c == 1)
        def _():
            pltpu.sync_copy(src1.at[s], src_idx.at[pl.ds(0, NCH1)])
            pltpu.sync_copy(dst1.at[s], dst_idx.at[pl.ds(0, NCH1)])

        _zero_rows(rows_a, CH, D)
        for k in range(RPT // CH):
            pltpu.sync_copy(rows_a, acc.at[pl.ds(s * RPT + k * CH, CH)])
        if with_deg:
            _zero_rows(zb, CH, DW)
            one = jnp.full((16,), 1.0, jnp.float32)

            def fill_ones(i, _):
                ones[i, pl.ds(0, 16)] = one
                return 0

            lax.fori_loop(0, CH, fill_ones, 0)
            for k in range(RPT // CH):
                pltpu.sync_copy(zb, dacc.at[pl.ds(s * RPT + k * CH, CH)])
        plsc.subcore_barrier()

        def wait_scatter(k, j):
            pltpu.make_async_copy(rows[k], acc.at[dst_idx.at[j]],
                                  ssem[k]).wait()
            if with_deg:
                pltpu.make_async_copy(ones, dacc.at[dst_idx.at[j]],
                                      ssem[k]).wait()

        def run_edges(nch):
            pltpu.async_copy(y.at[src_idx.at[0]], rows[0], gsem[0])
            pltpu.async_copy(y.at[src_idx.at[1]], rows[1], gsem[1])

            def step(g, _):
                for k in range(NBUF):
                    j = NBUF * g + k
                    pltpu.make_async_copy(y.at[src_idx.at[j]], rows[k],
                                          gsem[k]).wait()
                    pltpu.async_copy(rows[k], acc.at[dst_idx.at[j]], ssem[k],
                                     add=True)
                    if with_deg:
                        pltpu.async_copy(ones, dacc.at[dst_idx.at[j]],
                                         ssem[k], add=True)
                    kn = (k + 2) % NBUF

                    @pl.when(j + 2 < nch)
                    def _():
                        @pl.when(j >= 2)
                        def _():
                            wait_scatter(kn, j - 2)

                        pltpu.async_copy(y.at[src_idx.at[j + 2]], rows[kn],
                                         gsem[kn])

                return 0

            lax.fori_loop(0, nch // NBUF, step, 0)
            for m in range(nch - NBUF, nch):
                wait_scatter(m % NBUF, m)

        @pl.when(c == 0)
        def _():
            run_edges(NCH0)

        @pl.when(c == 1)
        def _():
            run_edges(NCH1)

        plsc.subcore_barrier()

        pltpu.sync_copy(acc.at[pl.ds(s * RPT, RPT)],
                        out.at[c, pl.ds(s * RPT, RPT)])
        if with_deg:
            pltpu.sync_copy(dacc.at[pl.ds(s * RPT, RPT)],
                            dout.at[c, pl.ds(s * RPT, RPT)])

    return pl.kernel(
        body, out_type=out_type, mesh=mesh, scratch_types=scratch,
        compiler_params=pltpu.CompilerParams(use_tc_tiling_on_sc=False))


_edge64_deg = _make_edge_pass(64, True, SPLIT64)
_edge64 = _make_edge_pass(64, False, SPLIT64)
_edge32 = _make_edge_pass(32, False, SPLIT32)


def _tc_in(x, wcat):

    def body(x_ref, w_ref, y_ref, r_ref):
        p = jnp.dot(x_ref[...], w_ref[...], preferred_element_type=jnp.float32)
        y_ref[...] = p[:, :64]
        r_ref[...] = p[:, 64:]

    return pl.pallas_call(
        body,
        out_shape=[jax.ShapeDtypeStruct((N, 64), jnp.float32),
                   jax.ShapeDtypeStruct((N, 64), jnp.float32)],
    )(x, wcat)


def _tc_mid(aA, aB, dA, dB, rprev, b, wcat, d_out):

    def body(aA_r, aB_r, dA_r, dB_r, rp_r, b_r, w_r, y_ref, r_ref):
        invd = 1.0 / jnp.maximum(dA_r[...] + dB_r[...], 1.0)
        h = jnp.maximum((aA_r[...] + aB_r[...]) * invd + rp_r[...] + b_r[...],
                        0.0)
        p = jnp.dot(h, w_r[...], preferred_element_type=jnp.float32)
        y_ref[...] = p[:, :d_out]
        r_ref[...] = p[:, d_out:]

    return pl.pallas_call(
        body,
        out_shape=[jax.ShapeDtypeStruct((N, d_out), jnp.float32),
                   jax.ShapeDtypeStruct((N, wcat.shape[1] - d_out),
                                        jnp.float32)],
    )(aA, aB, dA, dB, rprev, b, wcat)


def _tc_out(aA, aB, dA, dB, rprev, b, wc_pad, bc):

    def body(aA_r, aB_r, dA_r, dB_r, rp_r, b_r, w_r, bc_r, o_ref):
        invd = 1.0 / jnp.maximum(dA_r[...] + dB_r[...], 1.0)
        h = (aA_r[...] + aB_r[...]) * invd + rp_r[...] + b_r[...]
        p = jnp.dot(h, w_r[...], preferred_element_type=jnp.float32)
        o_ref[...] = jax.nn.sigmoid(p + bc_r[...])

    return pl.pallas_call(
        body,
        out_shape=jax.ShapeDtypeStruct((N, 128), jnp.float32),
    )(aA, aB, dA, dB, rprev, b, wc_pad, bc)


def kernel(x, edge_index, Wl1, bl1, Wr1, Wl2, bl2, Wr2, Wl3, bl3, Wr3, Wc, bc):
    ei = edge_index.astype(jnp.int32)
    e = ei.shape[1]
    pad = NCHUNK * CH - e
    src = jnp.concatenate([ei[0], jnp.zeros((pad,), jnp.int32)])
    dst = jnp.concatenate(
        [ei[1], N + (jnp.arange(pad, dtype=jnp.int32) % (R - N))])
    def layout(split):
        n0, n1 = split
        cut = NS * n0 * CH
        return (src[:cut].reshape(NS, n0, CH), dst[:cut].reshape(NS, n0, CH),
                src[cut:].reshape(NS, n1, CH), dst[cut:].reshape(NS, n1, CH))

    e64 = layout(SPLIT64)
    e32 = layout(SPLIT32)

    y1, r1 = _tc_in(x, jnp.concatenate([Wl1, Wr1], axis=1))
    acc1, degs = _edge64_deg(y1, *e64)
    dA = degs[0, :N, 0:1]
    dB = degs[1, :N, 0:1]

    y2, r2 = _tc_mid(acc1[0, :N], acc1[1, :N], dA, dB, r1,
                     bl1.reshape(1, 64), jnp.concatenate([Wl2, Wr2], axis=1),
                     64)
    acc2, = _edge64(y2, *e64)

    y3, r3 = _tc_mid(acc2[0, :N], acc2[1, :N], dA, dB, r2,
                     bl2.reshape(1, 64), jnp.concatenate([Wl3, Wr3], axis=1),
                     32)
    acc3, = _edge32(y3, *e32)

    wc_pad = jnp.pad(Wc, ((0, 0), (0, 127)))
    o = _tc_out(acc3[0, :N], acc3[1, :N], dA, dB, r3,
                bl3.reshape(1, 32), wc_pad, bc.reshape(1, 1))
    return o[:, :1]

# --- scband reference (transcript-rebuilt; emitter-appended) ---
"""Pipeline reference for scband-graph-sagemule-detector-764504178985 (READ-ONLY COPY).

The authoritative reference and input builder live on the scoring server;
editing this copy changes nothing except your own understanding.
"""

import jax, jax.numpy as jnp
import numpy as np

N_NODES = 10000
N_EDGES = 320000
D_IN = 128
H = 64
H2 = 32


def _init_linear(key, fan_in, fan_out):
    k1, k2 = jax.random.split(key)
    bound = 1.0 / np.sqrt(fan_in)
    W = jax.random.uniform(k1, (fan_in, fan_out), minval=-bound, maxval=bound, dtype=jnp.float32)
    b = jax.random.uniform(k2, (fan_out,), minval=-bound, maxval=bound, dtype=jnp.float32)
    return W, b


def setup_inputs(seed: int = 0) -> dict:
    key = jax.random.key(seed)
    ks = jax.random.split(key, 12)
    x = jax.random.normal(ks[0], (N_NODES, D_IN), dtype=jnp.float32)
    edge_index = jax.random.randint(ks[1], (2, N_EDGES), 0, N_NODES, dtype=jnp.int64)
    Wl1, bl1 = _init_linear(ks[2], D_IN, H)
    Wr1, _ = _init_linear(ks[3], D_IN, H)
    Wl2, bl2 = _init_linear(ks[4], H, H)
    Wr2, _ = _init_linear(ks[5], H, H)
    Wl3, bl3 = _init_linear(ks[6], H, H2)
    Wr3, _ = _init_linear(ks[7], H, H2)
    Wc, bc = _init_linear(ks[8], H2, 1)
    return {"x": x, "edge_index": edge_index,
            "Wl1": Wl1, "bl1": bl1, "Wr1": Wr1,
            "Wl2": Wl2, "bl2": bl2, "Wr2": Wr2,
            "Wl3": Wl3, "bl3": bl3, "Wr3": Wr3,
            "Wc": Wc, "bc": bc}


def _sage_conv(x, src, dst, Wl, bl, Wr):
    # PyG SAGEConv with mean aggregation: out = lin_l(mean_j x_j) + lin_r(x_root)
    msg = jnp.take(x, src, axis=0)
    agg_sum = jax.ops.segment_sum(msg, dst, num_segments=N_NODES)
    deg = jax.ops.segment_sum(jnp.ones((msg.shape[0],), dtype=x.dtype), dst, num_segments=N_NODES)
    deg = jnp.maximum(deg, 1.0)
    agg = agg_sum / deg[:, None]
    return agg @ Wl + bl + x @ Wr


def reference(x, edge_index, Wl1, bl1, Wr1, Wl2, bl2, Wr2, Wl3, bl3, Wr3, Wc, bc):
    src = edge_index[0]
    dst = edge_index[1]
    h = _sage_conv(x, src, dst, Wl1, bl1, Wr1)
    h = jax.nn.relu(h)  # dropout is identity at inference
    h = _sage_conv(h, src, dst, Wl2, bl2, Wr2)
    h = jax.nn.relu(h)
    h = _sage_conv(h, src, dst, Wl3, bl3, Wr3)
    out = jax.nn.sigmoid(h @ Wc + bc)
    return out

if __name__ == "__main__":
    import jax
    _d = setup_inputs()
    print(jax.jit(kernel)(*tuple(_d.values())))

</pallas_src>

<mosaic_0001>
#map = affine_map<(d0, d1) -> (0, 0)>
#map1 = affine_map<(d0, d1) -> (0, 0, 0)>
module attributes {stable_mosaic.version = 14 : i64} {
  func.func @body(%arg0: i32, %arg1: i32, %arg2: memref<10000x64xf32, #tpu.memory_space<hbm>>, %arg3: memref<16x48x128xi32, #tpu.memory_space<hbm>>, %arg4: memref<16x48x128xi32, #tpu.memory_space<hbm>>, %arg5: memref<16x112x128xi32, #tpu.memory_space<hbm>>, %arg6: memref<16x112x128xi32, #tpu.memory_space<hbm>>, %arg7: memref<2x10240x64xf32, #tpu.memory_space<hbm>>, %arg8: memref<2x10240x16xf32, #tpu.memory_space<hbm>>, %arg9: memref<112x128xi32, #tpu.memory_space<vmem>>, %arg10: memref<112x128xi32, #tpu.memory_space<vmem>>, %arg11: memref<128x64xf32, #tpu.memory_space<vmem>>, %arg12: memref<128x64xf32, #tpu.memory_space<vmem>>, %arg13: memref<128x64xf32, #tpu.memory_space<vmem>>, %arg14: memref<128x64xf32, #tpu.memory_space<vmem>>, %arg15: memref<10240x64xf32, #tpu.memory_space<vmem_shared>>, %arg16: memref<!tpu.dma_semaphore, #tpu.memory_space<semaphore_mem>>, %arg17: memref<!tpu.dma_semaphore, #tpu.memory_space<semaphore_mem>>, %arg18: memref<!tpu.dma_semaphore, #tpu.memory_space<semaphore_mem>>, %arg19: memref<!tpu.dma_semaphore, #tpu.memory_space<semaphore_mem>>, %arg20: memref<!tpu.dma_semaphore, #tpu.memory_space<semaphore_mem>>, %arg21: memref<!tpu.dma_semaphore, #tpu.memory_space<semaphore_mem>>, %arg22: memref<!tpu.dma_semaphore, #tpu.memory_space<semaphore_mem>>, %arg23: memref<!tpu.dma_semaphore, #tpu.memory_space<semaphore_mem>>, %arg24: memref<128x16xf32, #tpu.memory_space<vmem>>, %arg25: memref<128x16xf32, #tpu.memory_space<vmem>>, %arg26: memref<10240x16xf32, #tpu.memory_space<vmem_shared>>) attributes {dimension_semantics = [#tpu.dimension_semantics<core_parallel>, #tpu.dimension_semantics<subcore_parallel>], iteration_bounds = array<i64: 2, 16>, scalar_prefetch = 0 : i64, scratch_operands = 18 : i64, tpu.core_type = #tpu.core_type<sc_vector_subcore>, window_params = [{transform_indices = #map}, {transform_indices = #map1}, {transform_indices = #map1}, {transform_indices = #map1}, {transform_indices = #map1}, {transform_indices = #map1}, {transform_indices = #map1}]} {
    %eq3A = arith.constant 0 : i32
    %eq3A_0 = arith.cmpi eq, %arg0, %eq3A : i32
    %convert_element_type3A = arith.extui %eq3A_0 : i1 to i32
    %cond3A = arith.constant 0 : i32
    %cond3A_1 = arith.cmpi ne, %convert_element_type3A, %cond3A : i32
    scf.if %cond3A_1 {
      "tpu.region"() ({
        %run_scoped3A = tpu.sem_alloc : memref<!tpu.dma_semaphore, #tpu.memory_space<semaphore_mem>>
        %dma_start3A = arith.constant 0 : i32
        %dma_start3A_89 = arith.constant 0 : i32
        %dma_start3A_90 = tpu.memref_slice %arg9[%dma_start3A, %dma_start3A_89] : memref<112x128xi32, #tpu.memory_space<vmem>> -> memref<48x128xi32, #tpu.memory_space<vmem>>
        %dma_start3A_91 = arith.constant 0 : i32
        %dma_start3A_92 = arith.constant 0 : i32
        %dma_start3A_93 = tpu.memref_slice %arg3[%arg1, %dma_start3A_91, %dma_start3A_92] : memref<16x48x128xi32, #tpu.memory_space<hbm>> -> memref<1x48x128xi32, #tpu.memory_space<hbm>>
        %dma_start3A_94 = tpu.memref_squeeze %dma_start3A_93 : memref<1x48x128xi32, #tpu.memory_space<hbm>> -> memref<48x128xi32, #tpu.memory_space<hbm>>
        %dma_start3A_95 = arith.constant 0 : i32
        %dma_start3A_96 = arith.constant 0 : i32
        %dma_start3A_97 = tpu.memref_slice %arg9[%dma_start3A_95, %dma_start3A_96] : memref<112x128xi32, #tpu.memory_space<vmem>> -> memref<48x128xi32, #tpu.memory_space<vmem>>
        %dma_start3A_98 = arith.constant 0 : i32
        %dma_start3A_99 = arith.constant 0 : i32
        %dma_start3A_100 = tpu.memref_slice %arg3[%arg1, %dma_start3A_98, %dma_start3A_99] : memref<16x48x128xi32, #tpu.memory_space<hbm>> -> memref<1x48x128xi32, #tpu.memory_space<hbm>>
        %dma_start3A_101 = tpu.memref_squeeze %dma_start3A_100 : memref<1x48x128xi32, #tpu.memory_space<hbm>> -> memref<48x128xi32, #tpu.memory_space<hbm>>
        tpu.enqueue_dma source(%dma_start3A_101 : memref<48x128xi32, #tpu.memory_space<hbm>>) target(%dma_start3A_97 : memref<48x128xi32, #tpu.memory_space<vmem>>) target_semaphore(%run_scoped3A : memref<!tpu.dma_semaphore, #tpu.memory_space<semaphore_mem>>)
        %dma_wait3A = arith.constant 0 : i32
        %dma_wait3A_102 = arith.constant 0 : i32
        %dma_wait3A_103 = tpu.memref_slice %arg9[%dma_wait3A, %dma_wait3A_102] : memref<112x128xi32, #tpu.memory_space<vmem>> -> memref<48x128xi32, #tpu.memory_space<vmem>>
        %dma_wait3A_104 = arith.constant 0 : i32
        %dma_wait3A_105 = arith.constant 0 : i32
        %dma_wait3A_106 = tpu.memref_slice %arg3[%arg1, %dma_wait3A_104, %dma_wait3A_105] : memref<16x48x128xi32, #tpu.memory_space<hbm>> -> memref<1x48x128xi32, #tpu.memory_space<hbm>>
        %dma_wait3A_107 = tpu.memref_squeeze %dma_wait3A_106 : memref<1x48x128xi32, #tpu.memory_space<hbm>> -> memref<48x128xi32, #tpu.memory_space<hbm>>
        %dma_wait3A_108 = arith.constant 0 : i32
        %dma_wait3A_109 = arith.constant 0 : i32
        %dma_wait3A_110 = tpu.memref_slice %arg9[%dma_wait3A_108, %dma_wait3A_109] : memref<112x128xi32, #tpu.memory_space<vmem>> -> memref<48x128xi32, #tpu.memory_space<vmem>>
        %dma_wait3A_111 = arith.constant 0 : i32
        %dma_wait3A_112 = arith.constant 0 : i32
        %dma_wait3A_113 = tpu.memref_slice %arg3[%arg1, %dma_wait3A_111, %dma_wait3A_112] : memref<16x48x128xi32, #tpu.memory_space<hbm>> -> memref<1x48x128xi32, #tpu.memory_space<hbm>>
        %dma_wait3A_114 = tpu.memref_squeeze %dma_wait3A_113 : memref<1x48x128xi32, #tpu.memory_space<hbm>> -> memref<48x128xi32, #tpu.memory_space<hbm>>
        tpu.wait_dma2 semaphore(%run_scoped3A : memref<!tpu.dma_semaphore, #tpu.memory_space<semaphore_mem>>) src(%dma_wait3A_114 : memref<48x128xi32, #tpu.memory_space<hbm>>) dst(%dma_wait3A_110 : memref<48x128xi32, #tpu.memory_space<vmem>>)
        tpu.yield
      }) : () -> ()
      "tpu.region"() ({
        %run_scoped3A = tpu.sem_alloc : memref<!tpu.dma_semaphore, #tpu.memory_space<semaphore_mem>>
        %dma_start3A = arith.constant 0 : i32
        %dma_start3A_89 = arith.constant 0 : i32
        %dma_start3A_90 = tpu.memref_slice %arg10[%dma_start3A, %dma_start3A_89] : memref<112x128xi32, #tpu.memory_space<vmem>> -> memref<48x128xi32, #tpu.memory_space<vmem>>
        %dma_start3A_91 = arith.constant 0 : i32
        %dma_start3A_92 = arith.constant 0 : i32
        %dma_start3A_93 = tpu.memref_slice %arg4[%arg1, %dma_start3A_91, %dma_start3A_92] : memref<16x48x128xi32, #tpu.memory_space<hbm>> -> memref<1x48x128xi32, #tpu.memory_space<hbm>>
        %dma_start3A_94 = tpu.memref_squeeze %dma_start3A_93 : memref<1x48x128xi32, #tpu.memory_space<hbm>> -> memref<48x128xi32, #tpu.memory_space<hbm>>
        %dma_start3A_95 = arith.constant 0 : i32
        %dma_start3A_96 = arith.constant 0 : i32
        %dma_start3A_97 = tpu.memref_slice %arg10[%dma_start3A_95, %dma_start3A_96] : memref<112x128xi32, #tpu.memory_space<vmem>> -> memref<48x128xi32, #tpu.memory_space<vmem>>
        %dma_start3A_98 = arith.constant 0 : i32
        %dma_start3A_99 = arith.constant 0 : i32
        %dma_start3A_100 = tpu.memref_slice %arg4[%arg1, %dma_start3A_98, %dma_start3A_99] : memref<16x48x128xi32, #tpu.memory_space<hbm>> -> memref<1x48x128xi32, #tpu.memory_space<hbm>>
        %dma_start3A_101 = tpu.memref_squeeze %dma_start3A_100 : memref<1x48x128xi32, #tpu.memory_space<hbm>> -> memref<48x128xi32, #tpu.memory_space<hbm>>
        tpu.enqueue_dma source(%dma_start3A_101 : memref<48x128xi32, #tpu.memory_space<hbm>>) target(%dma_start3A_97 : memref<48x128xi32, #tpu.memory_space<vmem>>) target_semaphore(%run_scoped3A : memref<!tpu.dma_semaphore, #tpu.memory_space<semaphore_mem>>)
        %dma_wait3A = arith.constant 0 : i32
        %dma_wait3A_102 = arith.constant 0 : i32
        %dma_wait3A_103 = tpu.memref_slice %arg10[%dma_wait3A, %dma_wait3A_102] : memref<112x128xi32, #tpu.memory_space<vmem>> -> memref<48x128xi32, #tpu.memory_space<vmem>>
        %dma_wait3A_104 = arith.constant 0 : i32
        %dma_wait3A_105 = arith.constant 0 : i32
        %dma_wait3A_106 = tpu.memref_slice %arg4[%arg1, %dma_wait3A_104, %dma_wait3A_105] : memref<16x48x128xi32, #tpu.memory_space<hbm>> -> memref<1x48x128xi32, #tpu.memory_space<hbm>>
        %dma_wait3A_107 = tpu.memref_squeeze %dma_wait3A_106 : memref<1x48x128xi32, #tpu.memory_space<hbm>> -> memref<48x128xi32, #tpu.memory_space<hbm>>
        %dma_wait3A_108 = arith.constant 0 : i32
        %dma_wait3A_109 = arith.constant 0 : i32
        %dma_wait3A_110 = tpu.memref_slice %arg10[%dma_wait3A_108, %dma_wait3A_109] : memref<112x128xi32, #tpu.memory_space<vmem>> -> memref<48x128xi32, #tpu.memory_space<vmem>>
        %dma_wait3A_111 = arith.constant 0 : i32
        %dma_wait3A_112 = arith.constant 0 : i32
        %dma_wait3A_113 = tpu.memref_slice %arg4[%arg1, %dma_wait3A_111, %dma_wait3A_112] : memref<16x48x128xi32, #tpu.memory_space<hbm>> -> memref<1x48x128xi32, #tpu.memory_space<hbm>>
        %dma_wait3A_114 = tpu.memref_squeeze %dma_wait3A_113 : memref<1x48x128xi32, #tpu.memory_space<hbm>> -> memref<48x128xi32, #tpu.memory_space<hbm>>
        tpu.wait_dma2 semaphore(%run_scoped3A : memref<!tpu.dma_semaphore, #tpu.memory_space<semaphore_mem>>) src(%dma_wait3A_114 : memref<48x128xi32, #tpu.memory_space<hbm>>) dst(%dma_wait3A_110 : memref<48x128xi32, #tpu.memory_space<vmem>>)
        tpu.yield
      }) : () -> ()
    } else {
    }
    %eq3A_2 = arith.constant 1 : i32
    %eq3A_3 = arith.cmpi eq, %arg0, %eq3A_2 : i32
    %convert_element_type3A_4 = arith.extui %eq3A_3 : i1 to i32
    %cond3A_5 = arith.constant 0 : i32
    %cond3A_6 = arith.cmpi ne, %convert_element_type3A_4, %cond3A_5 : i32
    scf.if %cond3A_6 {
      "tpu.region"() ({
        %run_scoped3A = tpu.sem_alloc : memref<!tpu.dma_semaphore, #tpu.memory_space<semaphore_mem>>
        %dma_start3A = arith.constant 0 : i32
        %dma_start3A_89 = arith.constant 0 : i32
        %dma_start3A_90 = tpu.memref_slice %arg9[%dma_start3A, %dma_start3A_89] : memref<112x128xi32, #tpu.memory_space<vmem>> -> memref<112x128xi32, #tpu.memory_space<vmem>>
        %dma_start3A_91 = arith.constant 0 : i32
        %dma_start3A_92 = arith.constant 0 : i32
        %dma_start3A_93 = tpu.memref_slice %arg5[%arg1, %dma_start3A_91, %dma_start3A_92] : memref<16x112x128xi32, #tpu.memory_space<hbm>> -> memref<1x112x128xi32, #tpu.memory_space<hbm>>
        %dma_start3A_94 = tpu.memref_squeeze %dma_start3A_93 : memref<1x112x128xi32, #tpu.memory_space<hbm>> -> memref<112x128xi32, #tpu.memory_space<hbm>>
        %dma_start3A_95 = arith.constant 0 : i32
        %dma_start3A_96 = arith.constant 0 : i32
        %dma_start3A_97 = tpu.memref_slice %arg9[%dma_start3A_95, %dma_start3A_96] : memref<112x128xi32, #tpu.memory_space<vmem>> -> memref<112x128xi32, #tpu.memory_space<vmem>>
        %dma_start3A_98 = arith.constant 0 : i32
        %dma_start3A_99 = arith.constant 0 : i32
        %dma_start3A_100 = tpu.memref_slice %arg5[%arg1, %dma_start3A_98, %dma_start3A_99] : memref<16x112x128xi32, #tpu.memory_space<hbm>> -> memref<1x112x128xi32, #tpu.memory_space<hbm>>
        %dma_start3A_101 = tpu.memref_squeeze %dma_start3A_100 : memref<1x112x128xi32, #tpu.memory_space<hbm>> -> memref<112x128xi32, #tpu.memory_space<hbm>>
        tpu.enqueue_dma source(%dma_start3A_101 : memref<112x128xi32, #tpu.memory_space<hbm>>) target(%dma_start3A_97 : memref<112x128xi32, #tpu.memory_space<vmem>>) target_semaphore(%run_scoped3A : memref<!tpu.dma_semaphore, #tpu.memory_space<semaphore_mem>>)
        %dma_wait3A = arith.constant 0 : i32
        %dma_wait3A_102 = arith.constant 0 : i32
        %dma_wait3A_103 = tpu.memref_slice %arg9[%dma_wait3A, %dma_wait3A_102] : memref<112x128xi32, #tpu.memory_space<vmem>> -> memref<112x128xi32, #tpu.memory_space<vmem>>
        %dma_wait3A_104 = arith.constant 0 : i32
        %dma_wait3A_105 = arith.constant 0 : i32
        %dma_wait3A_106 = tpu.memref_slice %arg5[%arg1, %dma_wait3A_104, %dma_wait3A_105] : memref<16x112x128xi32, #tpu.memory_space<hbm>> -> memref<1x112x128xi32, #tpu.memory_space<hbm>>
        %dma_wait3A_107 = tpu.memref_squeeze %dma_wait3A_106 : memref<1x112x128xi32, #tpu.memory_space<hbm>> -> memref<112x128xi32, #tpu.memory_space<hbm>>
        %dma_wait3A_108 = arith.constant 0 : i32
        %dma_wait3A_109 = arith.constant 0 : i32
        %dma_wait3A_110 = tpu.memref_slice %arg9[%dma_wait3A_108, %dma_wait3A_109] : memref<112x128xi32, #tpu.memory_space<vmem>> -> memref<112x128xi32, #tpu.memory_space<vmem>>
        %dma_wait3A_111 = arith.constant 0 : i32
        %dma_wait3A_112 = arith.constant 0 : i32
        %dma_wait3A_113 = tpu.memref_slice %arg5[%arg1, %dma_wait3A_111, %dma_wait3A_112] : memref<16x112x128xi32, #tpu.memory_space<hbm>> -> memref<1x112x128xi32, #tpu.memory_space<hbm>>
        %dma_wait3A_114 = tpu.memref_squeeze %dma_wait3A_113 : memref<1x112x128xi32, #tpu.memory_space<hbm>> -> memref<112x128xi32, #tpu.memory_space<hbm>>
        tpu.wait_dma2 semaphore(%run_scoped3A : memref<!tpu.dma_semaphore, #tpu.memory_space<semaphore_mem>>) src(%dma_wait3A_114 : memref<112x128xi32, #tpu.memory_space<hbm>>) dst(%dma_wait3A_110 : memref<112x128xi32, #tpu.memory_space<vmem>>)
        tpu.yield
      }) : () -> ()
      "tpu.region"() ({
        %run_scoped3A = tpu.sem_alloc : memref<!tpu.dma_semaphore, #tpu.memory_space<semaphore_mem>>
        %dma_start3A = arith.constant 0 : i32
        %dma_start3A_89 = arith.constant 0 : i32
        %dma_start3A_90 = tpu.memref_slice %arg10[%dma_start3A, %dma_start3A_89] : memref<112x128xi32, #tpu.memory_space<vmem>> -> memref<112x128xi32, #tpu.memory_space<vmem>>
        %dma_start3A_91 = arith.constant 0 : i32
        %dma_start3A_92 = arith.constant 0 : i32
        %dma_start3A_93 = tpu.memref_slice %arg6[%arg1, %dma_start3A_91, %dma_start3A_92] : memref<16x112x128xi32, #tpu.memory_space<hbm>> -> memref<1x112x128xi32, #tpu.memory_space<hbm>>
        %dma_start3A_94 = tpu.memref_squeeze %dma_start3A_93 : memref<1x112x128xi32, #tpu.memory_space<hbm>> -> memref<112x128xi32, #tpu.memory_space<hbm>>
        %dma_start3A_95 = arith.constant 0 : i32
        %dma_start3A_96 = arith.constant 0 : i32
        %dma_start3A_97 = tpu.memref_slice %arg10[%dma_start3A_95, %dma_start3A_96] : memref<112x128xi32, #tpu.memory_space<vmem>> -> memref<112x128xi32, #tpu.memory_space<vmem>>
        %dma_start3A_98 = arith.constant 0 : i32
        %dma_start3A_99 = arith.constant 0 : i32
        %dma_start3A_100 = tpu.memref_slice %arg6[%arg1, %dma_start3A_98, %dma_start3A_99] : memref<16x112x128xi32, #tpu.memory_space<hbm>> -> memref<1x112x128xi32, #tpu.memory_space<hbm>>
        %dma_start3A_101 = tpu.memref_squeeze %dma_start3A_100 : memref<1x112x128xi32, #tpu.memory_space<hbm>> -> memref<112x128xi32, #tpu.memory_space<hbm>>
        tpu.enqueue_dma source(%dma_start3A_101 : memref<112x128xi32, #tpu.memory_space<hbm>>) target(%dma_start3A_97 : memref<112x128xi32, #tpu.memory_space<vmem>>) target_semaphore(%run_scoped3A : memref<!tpu.dma_semaphore, #tpu.memory_space<semaphore_mem>>)
        %dma_wait3A = arith.constant 0 : i32
        %dma_wait3A_102 = arith.constant 0 : i32
        %dma_wait3A_103 = tpu.memref_slice %arg10[%dma_wait3A, %dma_wait3A_102] : memref<112x128xi32, #tpu.memory_space<vmem>> -> memref<112x128xi32, #tpu.memory_space<vmem>>
        %dma_wait3A_104 = arith.constant 0 : i32
        %dma_wait3A_105 = arith.constant 0 : i32
        %dma_wait3A_106 = tpu.memref_slice %arg6[%arg1, %dma_wait3A_104, %dma_wait3A_105] : memref<16x112x128xi32, #tpu.memory_space<hbm>> -> memref<1x112x128xi32, #tpu.memory_space<hbm>>
        %dma_wait3A_107 = tpu.memref_squeeze %dma_wait3A_106 : memref<1x112x128xi32, #tpu.memory_space<hbm>> -> memref<112x128xi32, #tpu.memory_space<hbm>>
        %dma_wait3A_108 = arith.constant 0 : i32
        %dma_wait3A_109 = arith.constant 0 : i32
        %dma_wait3A_110 = tpu.memref_slice %arg10[%dma_wait3A_108, %dma_wait3A_109] : memref<112x128xi32, #tpu.memory_space<vmem>> -> memref<112x128xi32, #tpu.memory_space<vmem>>
        %dma_wait3A_111 = arith.constant 0 : i32
        %dma_wait3A_112 = arith.constant 0 : i32
        %dma_wait3A_113 = tpu.memref_slice %arg6[%arg1, %dma_wait3A_111, %dma_wait3A_112] : memref<16x112x128xi32, #tpu.memory_space<hbm>> -> memref<1x112x128xi32, #tpu.memory_space<hbm>>
        %dma_wait3A_114 = tpu.memref_squeeze %dma_wait3A_113 : memref<1x112x128xi32, #tpu.memory_space<hbm>> -> memref<112x128xi32, #tpu.memory_space<hbm>>
        tpu.wait_dma2 semaphore(%run_scoped3A : memref<!tpu.dma_semaphore, #tpu.memory_space<semaphore_mem>>) src(%dma_wait3A_114 : memref<112x128xi32, #tpu.memory_space<hbm>>) dst(%dma_wait3A_110 : memref<112x128xi32, #tpu.memory_space<vmem>>)
        tpu.yield
      }) : () -> ()
    } else {
    }
    %broadcast_in_dim3A = arith.constant 0.000000e+00 : f32
    %broadcast_in_dim3A_7 = vector.broadcast %broadcast_in_dim3A : f32 to vector<16xf32>
    %scan3A = arith.constant 0 : i32
    %scan3A_8 = arith.constant 0 : i32
    %scan3A_9 = arith.constant 128 : i32
    %scan3A_10 = arith.addi %scan3A_8, %scan3A_9 : i32
    %scan3A_11 = arith.constant 1 : i32
    %scan3A_12 = scf.for %scan3A_89 = %scan3A_8 to %scan3A_10 step %scan3A_11 iter_args(%scan3A_90 = %scan3A) -> (i32)  : i32 {
      %swap3A = arith.index_cast %scan3A_89 : i32 to index
      %swap3A_91 = arith.constant 0 : index
      %swap3A_92 = tpu.vector_load %arg11[%swap3A, %swap3A_91] {strides = array<i32>} : memref<128x64xf32, #tpu.memory_space<vmem>>, vector<1x16xf32>,
      %swap3A_93 = vector.shape_cast %swap3A_92 : vector<1x16xf32> to vector<16xf32>
      %swap3A_94 = vector.shape_cast %broadcast_in_dim3A_7 : vector<16xf32> to vector<1x16xf32>
      tpu.vector_store %arg11[%swap3A, %swap3A_91], %swap3A_94 {strides = array<i32>} : memref<128x64xf32, #tpu.memory_space<vmem>>, vector<1x16xf32>,
      %swap3A_95 = arith.index_cast %scan3A_89 : i32 to index
      %swap3A_96 = arith.constant 16 : index
      %swap3A_97 = tpu.vector_load %arg11[%swap3A_95, %swap3A_96] {strides = array<i32>} : memref<128x64xf32, #tpu.memory_space<vmem>>, vector<1x16xf32>,
      %swap3A_98 = vector.shape_cast %swap3A_97 : vector<1x16xf32> to vector<16xf32>
      %swap3A_99 = vector.shape_cast %broadcast_in_dim3A_7 : vector<16xf32> to vector<1x16xf32>
      tpu.vector_store %arg11[%swap3A_95, %swap3A_96], %swap3A_99 {strides = array<i32>} : memref<128x64xf32, #tpu.memory_space<vmem>>, vector<1x16xf32>,
      %swap3A_100 = arith.index_cast %scan3A_89 : i32 to index
      %swap3A_101 = arith.constant 32 : index
      %swap3A_102 = tpu.vector_load %arg11[%swap3A_100, %swap3A_101] {strides = array<i32>} : memref<128x64xf32, #tpu.memory_space<vmem>>, vector<1x16xf32>,
      %swap3A_103 = vector.shape_cast %swap3A_102 : vector<1x16xf32> to vector<16xf32>
      %swap3A_104 = vector.shape_cast %broadcast_in_dim3A_7 : vector<16xf32> to vector<1x16xf32>
      tpu.vector_store %arg11[%swap3A_100, %swap3A_101], %swap3A_104 {strides = array<i32>} : memref<128x64xf32, #tpu.memory_space<vmem>>, vector<1x16xf32>,
      %swap3A_105 = arith.index_cast %scan3A_89 : i32 to index
      %swap3A_106 = arith.constant 48 : index
      %swap3A_107 = tpu.vector_load %arg11[%swap3A_105, %swap3A_106] {strides = array<i32>} : memref<128x64xf32, #tpu.memory_space<vmem>>, vector<1x16xf32>,
      %swap3A_108 = vector.shape_cast %swap3A_107 : vector<1x16xf32> to vector<16xf32>
      %swap3A_109 = vector.shape_cast %broadcast_in_dim3A_7 : vector<16xf32> to vector<1x16xf32>
      tpu.vector_store %arg11[%swap3A_105, %swap3A_106], %swap3A_109 {strides = array<i32>} : memref<128x64xf32, #tpu.memory_space<vmem>>, vector<1x16xf32>,
      %scan3A_110 = arith.constant 0 : i32
      scf.yield %scan3A_110 : i32
    }
    %scan3A_13 = arith.constant 128 : i32
    %mul3A = arith.constant 640 : i32
    %mul3A_14 = arith.muli %arg1, %mul3A : i32
    %add3A = arith.constant 0 : i32
    %add3A_15 = arith.addi %mul3A_14, %add3A : i32
    "tpu.region"() ({
      %run_scoped3A = tpu.sem_alloc : memref<!tpu.dma_semaphore, #tpu.memory_space<semaphore_mem>>
      %dma_start3A = arith.constant 0 : i32
      %dma_start3A_89 = tpu.memref_slice %arg15[%add3A_15, %dma_start3A] : memref<10240x64xf32, #tpu.memory_space<vmem_shared>> -> memref<128x64xf32, #tpu.memory_space<vmem_shared>>
      %dma_start3A_90 = arith.constant 0 : i32
      %dma_start3A_91 = tpu.memref_slice %arg15[%add3A_15, %dma_start3A_90] : memref<10240x64xf32, #tpu.memory_space<vmem_shared>> -> memref<128x64xf32, #tpu.memory_space<vmem_shared>>
      tpu.enqueue_dma source(%arg11 : memref<128x64xf32, #tpu.memory_space<vmem>>) target(%dma_start3A_91 : memref<128x64xf32, #tpu.memory_space<vmem_shared>>) target_semaphore(%run_scoped3A : memref<!tpu.dma_semaphore, #tpu.memory_space<semaphore_mem>>)
      %dma_wait3A = arith.constant 0 : i32
      %dma_wait3A_92 = tpu.memref_slice %arg15[%add3A_15, %dma_wait3A] : memref<10240x64xf32, #tpu.memory_space<vmem_shared>> -> memref<128x64xf32, #tpu.memory_space<vmem_shared>>
      %dma_wait3A_93 = arith.constant 0 : i32
      %dma_wait3A_94 = tpu.memref_slice %arg15[%add3A_15, %dma_wait3A_93] : memref<10240x64xf32, #tpu.memory_space<vmem_shared>> -> memref<128x64xf32, #tpu.memory_space<vmem_shared>>
      tpu.wait_dma2 semaphore(%run_scoped3A : memref<!tpu.dma_semaphore, #tpu.memory_space<semaphore_mem>>) src(%arg11 : memref<128x64xf32, #tpu.memory_space<vmem>>) dst(%dma_wait3A_94 : memref<128x64xf32, #tpu.memory_space<vmem_shared>>)
      tpu.yield
    }) : () -> ()
    %mul3A_16 = arith.constant 640 : i32
    %mul3A_17 = arith.muli %arg1, %mul3A_16 : i32
    %add3A_18 = arith.constant 128 : i32
    %add3A_19 = arith.addi %mul3A_17, %add3A_18 : i32
    "tpu.region"() ({
      %run_scoped3A = tpu.sem_alloc : memref<!tpu.dma_semaphore, #tpu.memory_space<semaphore_mem>>
      %dma_start3A = arith.constant 0 : i32
      %dma_start3A_89 = tpu.memref_slice %arg15[%add3A_19, %dma_start3A] : memref<10240x64xf32, #tpu.memory_space<vmem_shared>> -> memref<128x64xf32, #tpu.memory_space<vmem_shared>>
      %dma_start3A_90 = arith.constant 0 : i32
      %dma_start3A_91 = tpu.memref_slice %arg15[%add3A_19, %dma_start3A_90] : memref<10240x64xf32, #tpu.memory_space<vmem_shared>> -> memref<128x64xf32, #tpu.memory_space<vmem_shared>>
      tpu.enqueue_dma source(%arg11 : memref<128x64xf32, #tpu.memory_space<vmem>>) target(%dma_start3A_91 : memref<128x64xf32, #tpu.memory_space<vmem_shared>>) target_semaphore(%run_scoped3A : memref<!tpu.dma_semaphore, #tpu.memory_space<semaphore_mem>>)
      %dma_wait3A = arith.constant 0 : i32
      %dma_wait3A_92 = tpu.memref_slice %arg15[%add3A_19, %dma_wait3A] : memref<10240x64xf32, #tpu.memory_space<vmem_shared>> -> memref<128x64xf32, #tpu.memory_space<vmem_shared>>
      %dma_wait3A_93 = arith.constant 0 : i32
      %dma_wait3A_94 = tpu.memref_slice %arg15[%add3A_19, %dma_wait3A_93] : memref<10240x64xf32, #tpu.memory_space<vmem_shared>> -> memref<128x64xf32, #tpu.memory_space<vmem_shared>>
      tpu.wait_dma2 semaphore(%run_scoped3A : memref<!tpu.dma_semaphore, #tpu.memory_space<semaphore_mem>>) src(%arg11 : memref<128x64xf32, #tpu.memory_space<vmem>>) dst(%dma_wait3A_94 : memref<128x64xf32, #tpu.memory_space<vmem_shared>>)
      tpu.yield
    }) : () -> ()
    %mul3A_20 = arith.constant 640 : i32
    %mul3A_21 = arith.muli %arg1, %mul3A_20 : i32
    %add3A_22 = arith.constant 256 : i32
    %add3A_23 = arith.addi %mul3A_21, %add3A_22 : i32
    "tpu.region"() ({
      %run_scoped3A = tpu.sem_alloc : memref<!tpu.dma_semaphore, #tpu.memory_space<semaphore_mem>>
      %dma_start3A = arith.constant 0 : i32
      %dma_start3A_89 = tpu.memref_slice %arg15[%add3A_23, %dma_start3A] : memref<10240x64xf32, #tpu.memory_space<vmem_shared>> -> memref<128x64xf32, #tpu.memory_space<vmem_shared>>
      %dma_start3A_90 = arith.constant 0 : i32
      %dma_start3A_91 = tpu.memref_slice %arg15[%add3A_23, %dma_start3A_90] : memref<10240x64xf32, #tpu.memory_space<vmem_shared>> -> memref<128x64xf32, #tpu.memory_space<vmem_shared>>
      tpu.enqueue_dma source(%arg11 : memref<128x64xf32, #tpu.memory_space<vmem>>) target(%dma_start3A_91 : memref<128x64xf32, #tpu.memory_space<vmem_shared>>) target_semaphore(%run_scoped3A : memref<!tpu.dma_semaphore, #tpu.memory_space<semaphore_mem>>)
      %dma_wait3A = arith.constant 0 : i32
      %dma_wait3A_92 = tpu.memref_slice %arg15[%add3A_23, %dma_wait3A] : memref<10240x64xf32, #tpu.memory_space<vmem_shared>> -> memref<128x64xf32, #tpu.memory_space<vmem_shared>>
      %dma_wait3A_93 = arith.constant 0 : i32
      %dma_wait3A_94 = tpu.memref_slice %arg15[%add3A_23, %dma_wait3A_93] : memref<10240x64xf32, #tpu.memory_space<vmem_shared>> -> memref<128x64xf32, #tpu.memory_space<vmem_shared>>
      tpu.wait_dma2 semaphore(%run_scoped3A : memref<!tpu.dma_semaphore, #tpu.memory_space<semaphore_mem>>) src(%arg11 : memref<128x64xf32, #tpu.memory_space<vmem>>) dst(%dma_wait3A_94 : memref<128x64xf32, #tpu.memory_space<vmem_shared>>)
      tpu.yield
    }) : () -> ()
    %mul3A_24 = arith.constant 640 : i32
    %mul3A_25 = arith.muli %arg1, %mul3A_24 : i32
    %add3A_26 = arith.constant 384 : i32
    %add3A_27 = arith.addi %mul3A_25, %add3A_26 : i32
    "tpu.region"() ({
      %run_scoped3A = tpu.sem_alloc : memref<!tpu.dma_semaphore, #tpu.memory_space<semaphore_mem>>
      %dma_start3A = arith.constant 0 : i32
      %dma_start3A_89 = tpu.memref_slice %arg15[%add3A_27, %dma_start3A] : memref<10240x64xf32, #tpu.memory_space<vmem_shared>> -> memref<128x64xf32, #tpu.memory_space<vmem_shared>>
      %dma_start3A_90 = arith.constant 0 : i32
      %dma_start3A_91 = tpu.memref_slice %arg15[%add3A_27, %dma_start3A_90] : memref<10240x64xf32, #tpu.memory_space<vmem_shared>> -> memref<128x64xf32, #tpu.memory_space<vmem_shared>>
      tpu.enqueue_dma source(%arg11 : memref<128x64xf32, #tpu.memory_space<vmem>>) target(%dma_start3A_91 : memref<128x64xf32, #tpu.memory_space<vmem_shared>>) target_semaphore(%run_scoped3A : memref<!tpu.dma_semaphore, #tpu.memory_space<semaphore_mem>>)
      %dma_wait3A = arith.constant 0 : i32
      %dma_wait3A_92 = tpu.memref_slice %arg15[%add3A_27, %dma_wait3A] : memref<10240x64xf32, #tpu.memory_space<vmem_shared>> -> memref<128x64xf32, #tpu.memory_space<vmem_shared>>
      %dma_wait3A_93 = arith.constant 0 : i32
      %dma_wait3A_94 = tpu.memref_slice %arg15[%add3A_27, %dma_wait3A_93] : memref<10240x64xf32, #tpu.memory_space<vmem_shared>> -> memref<128x64xf32, #tpu.memory_space<vmem_shared>>
      tpu.wait_dma2 semaphore(%run_scoped3A : memref<!tpu.dma_semaphore, #tpu.memory_space<semaphore_mem>>) src(%arg11 : memref<128x64xf32, #tpu.memory_space<vmem>>) dst(%dma_wait3A_94 : memref<128x64xf32, #tpu.memory_space<vmem_shared>>)
      tpu.yield
    }) : () -> ()
    %mul3A_28 = arith.constant 640 : i32
    %mul3A_29 = arith.muli %arg1, %mul3A_28 : i32
    %add3A_30 = arith.constant 512 : i32
    %add3A_31 = arith.addi %mul3A_29, %add3A_30 : i32
    "tpu.region"() ({
      %run_scoped3A = tpu.sem_alloc : memref<!tpu.dma_semaphore, #tpu.memory_space<semaphore_mem>>
      %dma_start3A = arith.constant 0 : i32
      %dma_start3A_89 = tpu.memref_slice %arg15[%add3A_31, %dma_start3A] : memref<10240x64xf32, #tpu.memory_space<vmem_shared>> -> memref<128x64xf32, #tpu.memory_space<vmem_shared>>
      %dma_start3A_90 = arith.constant 0 : i32
      %dma_start3A_91 = tpu.memref_slice %arg15[%add3A_31, %dma_start3A_90] : memref<10240x64xf32, #tpu.memory_space<vmem_shared>> -> memref<128x64xf32, #tpu.memory_space<vmem_shared>>
      tpu.enqueue_dma source(%arg11 : memref<128x64xf32, #tpu.memory_space<vmem>>) target(%dma_start3A_91 : memref<128x64xf32, #tpu.memory_space<vmem_shared>>) target_semaphore(%run_scoped3A : memref<!tpu.dma_semaphore, #tpu.memory_space<semaphore_mem>>)
      %dma_wait3A = arith.constant 0 : i32
      %dma_wait3A_92 = tpu.memref_slice %arg15[%add3A_31, %dma_wait3A] : memref<10240x64xf32, #tpu.memory_space<vmem_shared>> -> memref<128x64xf32, #tpu.memory_space<vmem_shared>>
      %dma_wait3A_93 = arith.constant 0 : i32
      %dma_wait3A_94 = tpu.memref_slice %arg15[%add3A_31, %dma_wait3A_93] : memref<10240x64xf32, #tpu.memory_space<vmem_shared>> -> memref<128x64xf32, #tpu.memory_space<vmem_shared>>
      tpu.wait_dma2 semaphore(%run_scoped3A : memref<!tpu.dma_semaphore, #tpu.memory_space<semaphore_mem>>) src(%arg11 : memref<128x64xf32, #tpu.memory_space<vmem>>) dst(%dma_wait3A_94 : memref<128x64xf32, #tpu.memory_space<vmem_shared>>)
      tpu.yield
    }) : () -> ()
    %broadcast_in_dim3A_32 = arith.constant 0.000000e+00 : f32
    %broadcast_in_dim3A_33 = vector.broadcast %broadcast_in_dim3A_32 : f32 to vector<16xf32>
    %scan3A_34 = arith.constant 0 : i32
    %scan3A_35 = arith.constant 0 : i32
    %scan3A_36 = arith.constant 128 : i32
    %scan3A_37 = arith.addi %scan3A_35, %scan3A_36 : i32
    %scan3A_38 = arith.constant 1 : i32
    %scan3A_39 = scf.for %scan3A_89 = %scan3A_35 to %scan3A_37 step %scan3A_38 iter_args(%scan3A_90 = %scan3A_34) -> (i32)  : i32 {
      %swap3A = arith.index_cast %scan3A_89 : i32 to index
      %swap3A_91 = arith.constant 0 : index
      %swap3A_92 = tpu.vector_load %arg25[%swap3A, %swap3A_91] {strides = array<i32>} : memref<128x16xf32, #tpu.memory_space<vmem>>, vector<1x16xf32>,
      %swap3A_93 = vector.shape_cast %swap3A_92 : vector<1x16xf32> to vector<16xf32>
      %swap3A_94 = vector.shape_cast %broadcast_in_dim3A_33 : vector<16xf32> to vector<1x16xf32>
      tpu.vector_store %arg25[%swap3A, %swap3A_91], %swap3A_94 {strides = array<i32>} : memref<128x16xf32, #tpu.memory_space<vmem>>, vector<1x16xf32>,
      %scan3A_95 = arith.constant 0 : i32
      scf.yield %scan3A_95 : i32
    }
    %scan3A_40 = arith.constant 128 : i32
    %broadcast_in_dim3A_41 = arith.constant 1.000000e+00 : f32
    %broadcast_in_dim3A_42 = vector.broadcast %broadcast_in_dim3A_41 : f32 to vector<16xf32>
    %scan3A_43 = arith.constant 0 : i32
    %scan3A_44 = arith.constant 0 : i32
    %scan3A_45 = arith.constant 128 : i32
    %scan3A_46 = arith.addi %scan3A_44, %scan3A_45 : i32
    %scan3A_47 = arith.constant 1 : i32
    %scan3A_48 = scf.for %scan3A_89 = %scan3A_44 to %scan3A_46 step %scan3A_47 iter_args(%scan3A_90 = %scan3A_43) -> (i32)  : i32 {
      %swap3A = arith.index_cast %scan3A_89 : i32 to index
      %swap3A_91 = arith.constant 0 : index
      %swap3A_92 = tpu.vector_load %arg24[%swap3A, %swap3A_91] {strides = array<i32>} : memref<128x16xf32, #tpu.memory_space<vmem>>, vector<1x16xf32>,
      %swap3A_93 = vector.shape_cast %swap3A_92 : vector<1x16xf32> to vector<16xf32>
      %swap3A_94 = vector.shape_cast %broadcast_in_dim3A_42 : vector<16xf32> to vector<1x16xf32>
      tpu.vector_store %arg24[%swap3A, %swap3A_91], %swap3A_94 {strides = array<i32>} : memref<128x16xf32, #tpu.memory_space<vmem>>, vector<1x16xf32>,
      %scan3A_95 = arith.constant 0 : i32
      scf.yield %scan3A_95 : i32
    }
    %scan3A_49 = arith.constant 128 : i32
    %mul3A_50 = arith.constant 640 : i32
    %mul3A_51 = arith.muli %arg1, %mul3A_50 : i32
    %add3A_52 = arith.constant 0 : i32
    %add3A_53 = arith.addi %mul3A_51, %add3A_52 : i32
    "tpu.region"() ({
      %run_scoped3A = tpu.sem_alloc : memref<!tpu.dma_semaphore, #tpu.memory_space<semaphore_mem>>
      %dma_start3A = arith.constant 0 : i32
      %dma_start3A_89 = tpu.memref_slice %arg26[%add3A_53, %dma_start3A] : memref<10240x16xf32, #tpu.memory_space<vmem_shared>> -> memref<128x16xf32, #tpu.memory_space<vmem_shared>>
      %dma_start3A_90 = arith.constant 0 : i32
      %dma_start3A_91 = tpu.memref_slice %arg26[%add3A_53, %dma_start3A_90] : memref<10240x16xf32, #tpu.memory_space<vmem_shared>> -> memref<128x16xf32, #tpu.memory_space<vmem_shared>>
      tpu.enqueue_dma source(%arg25 : memref<128x16xf32, #tpu.memory_space<vmem>>) target(%dma_start3A_91 : memref<128x16xf32, #tpu.memory_space<vmem_shared>>) target_semaphore(%run_scoped3A : memref<!tpu.dma_semaphore, #tpu.memory_space<semaphore_mem>>)
      %dma_wait3A = arith.constant 0 : i32
      %dma_wait3A_92 = tpu.memref_slice %arg26[%add3A_53, %dma_wait3A] : memref<10240x16xf32, #tpu.memory_space<vmem_shared>> -> memref<128x16xf32, #tpu.memory_space<vmem_shared>>
      %dma_wait3A_93 = arith.constant 0 : i32
      %dma_wait3A_94 = tpu.memref_slice %arg26[%add3A_53, %dma_wait3A_93] : memref<10240x16xf32, #tpu.memory_space<vmem_shared>> -> memref<128x16xf32, #tpu.memory_space<vmem_shared>>
      tpu.wait_dma2 semaphore(%run_scoped3A : memref<!tpu.dma_semaphore, #tpu.memory_space<semaphore_mem>>) src(%arg25 : memref<128x16xf32, #tpu.memory_space<vmem>>) dst(%dma_wait3A_94 : memref<128x16xf32, #tpu.memory_space<vmem_shared>>)
      tpu.yield
    }) : () -> ()
    %mul3A_54 = arith.constant 640 : i32
    %mul3A_55 = arith.muli %arg1, %mul3A_54 : i32
    %add3A_56 = arith.constant 128 : i32
    %add3A_57 = arith.addi %mul3A_55, %add3A_56 : i32
    "tpu.region"() ({
      %run_scoped3A = tpu.sem_alloc : memref<!tpu.dma_semaphore, #tpu.memory_space<semaphore_mem>>
      %dma_start3A = arith.constant 0 : i32
      %dma_start3A_89 = tpu.memref_slice %arg26[%add3A_57, %dma_start3A] : memref<10240x16xf32, #tpu.memory_space<vmem_shared>> -> memref<128x16xf32, #tpu.memory_space<vmem_shared>>
      %dma_start3A_90 = arith.constant 0 : i32
      %dma_start3A_91 = tpu.memref_slice %arg26[%add3A_57, %dma_start3A_90] : memref<10240x16xf32, #tpu.memory_space<vmem_shared>> -> memref<128x16xf32, #tpu.memory_space<vmem_shared>>
      tpu.enqueue_dma source(%arg25 : memref<128x16xf32, #tpu.memory_space<vmem>>) target(%dma_start3A_91 : memref<128x16xf32, #tpu.memory_space<vmem_shared>>) target_semaphore(%run_scoped3A : memref<!tpu.dma_semaphore, #tpu.memory_space<semaphore_mem>>)
      %dma_wait3A = arith.constant 0 : i32
      %dma_wait3A_92 = tpu.memref_slice %arg26[%add3A_57, %dma_wait3A] : memref<10240x16xf32, #tpu.memory_space<vmem_shared>> -> memref<128x16xf32, #tpu.memory_space<vmem_shared>>
      %dma_wait3A_93 = arith.constant 0 : i32
      %dma_wait3A_94 = tpu.memref_slice %arg26[%add3A_57, %dma_wait3A_93] : memref<10240x16xf32, #tpu.memory_space<vmem_shared>> -> memref<128x16xf32, #tpu.memory_space<vmem_shared>>
      tpu.wait_dma2 semaphore(%run_scoped3A : memref<!tpu.dma_semaphore, #tpu.memory_space<semaphore_mem>>) src(%arg25 : memref<128x16xf32, #tpu.memory_space<vmem>>) dst(%dma_wait3A_94 : memref<128x16xf32, #tpu.memory_space<vmem_shared>>)
      tpu.yield
    }) : () -> ()
    %mul3A_58 = arith.constant 640 : i32
    %mul3A_59 = arith.muli %arg1, %mul3A_58 : i32
    %add3A_60 = arith.constant 256 : i32
    %add3A_61 = arith.addi %mul3A_59, %add3A_60 : i32
    "tpu.region"() ({
      %run_scoped3A = tpu.sem_alloc : memref<!tpu.dma_semaphore, #tpu.memory_space<semaphore_mem>>
      %dma_start3A = arith.constant 0 : i32
      %dma_start3A_89 = tpu.memref_slice %arg26[%add3A_61, %dma_start3A] : memref<10240x16xf32, #tpu.memory_space<vmem_shared>> -> memref<128x16xf32, #tpu.memory_space<vmem_shared>>
      %dma_start3A_90 = arith.constant 0 : i32
      %dma_start3A_91 = tpu.memref_slice %arg26[%add3A_61, %dma_start3A_90] : memref<10240x16xf32, #tpu.memory_space<vmem_shared>> -> memref<128x16xf32, #tpu.memory_space<vmem_shared>>
      tpu.enqueue_dma source(%arg25 : memref<128x16xf32, #tpu.memory_space<vmem>>) target(%dma_start3A_91 : memref<128x16xf32, #tpu.memory_space<vmem_shared>>) target_semaphore(%run_scoped3A : memref<!tpu.dma_semaphore, #tpu.memory_space<semaphore_mem>>)
      %dma_wait3A = arith.constant 0 : i32
      %dma_wait3A_92 = tpu.memref_slice %arg26[%add3A_61, %dma_wait3A] : memref<10240x16xf32, #tpu.memory_space<vmem_shared>> -> memref<128x16xf32, #tpu.memory_space<vmem_shared>>
      %dma_wait3A_93 = arith.constant 0 : i32
      %dma_wait3A_94 = tpu.memref_slice %arg26[%add3A_61, %dma_wait3A_93] : memref<10240x16xf32, #tpu.memory_space<vmem_shared>> -> memref<128x16xf32, #tpu.memory_space<vmem_shared>>
      tpu.wait_dma2 semaphore(%run_scoped3A : memref<!tpu.dma_semaphore, #tpu.memory_space<semaphore_mem>>) src(%arg25 : memref<128x16xf32, #tpu.memory_space<vmem>>) dst(%dma_wait3A_94 : memref<128x16xf32, #tpu.memory_space<vmem_shared>>)
      tpu.yield
    }) : () -> ()
    %mul3A_62 = arith.constant 640 : i32
    %mul3A_63 = arith.muli %arg1, %mul3A_62 : i32
    %add3A_64 = arith.constant 384 : i32
    %add3A_65 = arith.addi %mul3A_63, %add3A_64 : i32
    "tpu.region"() ({
      %run_scoped3A = tpu.sem_alloc : memref<!tpu.dma_semaphore, #tpu.memory_space<semaphore_mem>>
      %dma_start3A = arith.constant 0 : i32
      %dma_start3A_89 = tpu.memref_slice %arg26[%add3A_65, %dma_start3A] : memref<10240x16xf32, #tpu.memory_space<vmem_shared>> -> memref<128x16xf32, #tpu.memory_space<vmem_shared>>
      %dma_start3A_90 = arith.constant 0 : i32
      %dma_start3A_91 = tpu.memref_slice %arg26[%add3A_65, %dma_start3A_90] : memref<10240x16xf32, #tpu.memory_space<vmem_shared>> -> memref<128x16xf32, #tpu.memory_space<vmem_shared>>
      tpu.enqueue_dma source(%arg25 : memref<128x16xf32, #tpu.memory_space<vmem>>) target(%dma_start3A_91 : memref<128x16xf32, #tpu.memory_space<vmem_shared>>) target_semaphore(%run_scoped3A : memref<!tpu.dma_semaphore, #tpu.memory_space<semaphore_mem>>)
      %dma_wait3A = arith.constant 0 : i32
      %dma_wait3A_92 = tpu.memref_slice %arg26[%add3A_65, %dma_wait3A] : memref<10240x16xf32, #tpu.memory_space<vmem_shared>> -> memref<128x16xf32, #tpu.memory_space<vmem_shared>>
      %dma_wait3A_93 = arith.constant 0 : i32
      %dma_wait3A_94 = tpu.memref_slice %arg26[%add3A_65, %dma_wait3A_93] : memref<10240x16xf32, #tpu.memory_space<vmem_shared>> -> memref<128x16xf32, #tpu.memory_space<vmem_shared>>
      tpu.wait_dma2 semaphore(%run_scoped3A : memref<!tpu.dma_semaphore, #tpu.memory_space<semaphore_mem>>) src(%arg25 : memref<128x16xf32, #tpu.memory_space<vmem>>) dst(%dma_wait3A_94 : memref<128x16xf32, #tpu.memory_space<vmem_shared>>)
      tpu.yield
    }) : () -> ()
    %mul3A_66 = arith.constant 640 : i32
    %mul3A_67 = arith.muli %arg1, %mul3A_66 : i32
    %add3A_68 = arith.constant 512 : i32
    %add3A_69 = arith.addi %mul3A_67, %add3A_68 : i32
    "tpu.region"() ({
      %run_scoped3A = tpu.sem_alloc : memref<!tpu.dma_semaphore, #tpu.memory_space<semaphore_mem>>
      %dma_start3A = arith.constant 0 : i32
      %dma_start3A_89 = tpu.memref_slice %arg26[%add3A_69, %dma_start3A] : memref<10240x16xf32, #tpu.memory_space<vmem_shared>> -> memref<128x16xf32, #tpu.memory_space<vmem_shared>>
      %dma_start3A_90 = arith.constant 0 : i32
      %dma_start3A_91 = tpu.memref_slice %arg26[%add3A_69, %dma_start3A_90] : memref<10240x16xf32, #tpu.memory_space<vmem_shared>> -> memref<128x16xf32, #tpu.memory_space<vmem_shared>>
      tpu.enqueue_dma source(%arg25 : memref<128x16xf32, #tpu.memory_space<vmem>>) target(%dma_start3A_91 : memref<128x16xf32, #tpu.memory_space<vmem_shared>>) target_semaphore(%run_scoped3A : memref<!tpu.dma_semaphore, #tpu.memory_space<semaphore_mem>>)
      %dma_wait3A = arith.constant 0 : i32
      %dma_wait3A_92 = tpu.memref_slice %arg26[%add3A_69, %dma_wait3A] : memref<10240x16xf32, #tpu.memory_space<vmem_shared>> -> memref<128x16xf32, #tpu.memory_space<vmem_shared>>
      %dma_wait3A_93 = arith.constant 0 : i32
      %dma_wait3A_94 = tpu.memref_slice %arg26[%add3A_69, %dma_wait3A_93] : memref<10240x16xf32, #tpu.memory_space<vmem_shared>> -> memref<128x16xf32, #tpu.memory_space<vmem_shared>>
      tpu.wait_dma2 semaphore(%run_scoped3A : memref<!tpu.dma_semaphore, #tpu.memory_space<semaphore_mem>>) src(%arg25 : memref<128x16xf32, #tpu.memory_space<vmem>>) dst(%dma_wait3A_94 : memref<128x16xf32, #tpu.memory_space<vmem_shared>>)
      tpu.yield
    }) : () -> ()
    %barrier3A = arith.constant 0 : index
    tpu.barrier barrier_id(%barrier3A)
    %eq3A_70 = arith.constant 0 : i32
    %eq3A_71 = arith.cmpi eq, %arg0, %eq3A_70 : i32
    %convert_element_type3A_72 = arith.extui %eq3A_71 : i1 to i32
    %cond3A_73 = arith.constant 0 : i32
    %cond3A_74 = arith.cmpi ne, %convert_element_type3A_72, %cond3A_73 : i32
    scf.if %cond3A_74 {
      %dma_start3A = arith.constant 0 : i32
      %dma_start3A_89 = arith.constant 0 : i32
      %dma_start3A_90 = tpu.memref_slice %arg9[%dma_start3A, %dma_start3A_89] : memref<112x128xi32, #tpu.memory_space<vmem>> -> memref<1x128xi32, #tpu.memory_space<vmem>>
      %dma_start3A_91 = tpu.memref_squeeze %dma_start3A_90 : memref<1x128xi32, #tpu.memory_space<vmem>> -> memref<128xi32, #tpu.memory_space<vmem>>
      %dma_start3A_92 = arith.constant 0 : i32
      %dma_start3A_93 = arith.constant 0 : i32
      %dma_start3A_94 = tpu.memref_slice %arg2[%dma_start3A_92, %dma_start3A_93] : memref<10000x64xf32, #tpu.memory_space<hbm>> -> memref<10000x64xf32, #tpu.memory_space<hbm>>
      tpu.enqueue_indirect_dma source(%dma_start3A_94 : memref<10000x64xf32, #tpu.memory_space<hbm>>) target(%arg11 : memref<128x64xf32, #tpu.memory_space<vmem>>) offsets(%dma_start3A_91 : memref<128xi32, #tpu.memory_space<vmem>>) semaphore(%arg16 : memref<!tpu.dma_semaphore, #tpu.memory_space<semaphore_mem>>)
      %dma_start3A_95 = arith.constant 1 : i32
      %dma_start3A_96 = arith.constant 0 : i32
      %dma_start3A_97 = tpu.memref_slice %arg9[%dma_start3A_95, %dma_start3A_96] : memref<112x128xi32, #tpu.memory_space<vmem>> -> memref<1x128xi32, #tpu.memory_space<vmem>>
      %dma_start3A_98 = tpu.memref_squeeze %dma_start3A_97 : memref<1x128xi32, #tpu.memory_space<vmem>> -> memref<128xi32, #tpu.memory_space<vmem>>
      %dma_start3A_99 = arith.constant 0 : i32
      %dma_start3A_100 = arith.constant 0 : i32
      %dma_start3A_101 = tpu.memref_slice %arg2[%dma_start3A_99, %dma_start3A_100] : memref<10000x64xf32, #tpu.memory_space<hbm>> -> memref<10000x64xf32, #tpu.memory_space<hbm>>
      tpu.enqueue_indirect_dma source(%dma_start3A_101 : memref<10000x64xf32, #tpu.memory_space<hbm>>) target(%arg12 : memref<128x64xf32, #tpu.memory_space<vmem>>) offsets(%dma_start3A_98 : memref<128xi32, #tpu.memory_space<vmem>>) semaphore(%arg17 : memref<!tpu.dma_semaphore, #tpu.memory_space<semaphore_mem>>)
      %scan3A_102 = arith.constant 0 : i32
      %scan3A_103 = arith.constant 0 : i32
      %scan3A_104 = arith.constant 12 : i32
      %scan3A_105 = arith.addi %scan3A_103, %scan3A_104 : i32
      %scan3A_106 = arith.constant 1 : i32
      %scan3A_107 = scf.for %scan3A_164 = %scan3A_103 to %scan3A_105 step %scan3A_106 iter_args(%scan3A_165 = %scan3A_102) -> (i32)  : i32 {
        %mul3A_166 = arith.constant 4 : i32
        %mul3A_167 = arith.muli %mul3A_166, %scan3A_164 : i32
        %add3A_168 = arith.constant 0 : i32
        %add3A_169 = arith.addi %mul3A_167, %add3A_168 : i32
        %dma_wait3A_170 = arith.constant 0 : i32
        %dma_wait3A_171 = tpu.memref_slice %arg9[%add3A_169, %dma_wait3A_170] : memref<112x128xi32, #tpu.memory_space<vmem>> -> memref<1x128xi32, #tpu.memory_space<vmem>>
        %dma_wait3A_172 = tpu.memref_squeeze %dma_wait3A_171 : memref<1x128xi32, #tpu.memory_space<vmem>> -> memref<128xi32, #tpu.memory_space<vmem>>
        %dma_wait3A_173 = arith.constant 0 : i32
        %dma_wait3A_174 = arith.constant 0 : i32
        %dma_wait3A_175 = tpu.memref_slice %arg2[%dma_wait3A_173, %dma_wait3A_174] : memref<10000x64xf32, #tpu.memory_space<hbm>> -> memref<10000x64xf32, #tpu.memory_space<hbm>>
        tpu.wait_indirect_dma semaphore(%arg16 : memref<!tpu.dma_semaphore, #tpu.memory_space<semaphore_mem>>) src(%dma_wait3A_175 : memref<10000x64xf32, #tpu.memory_space<hbm>>) dst(%arg11 : memref<128x64xf32, #tpu.memory_space<vmem>>)
        %dma_start3A_176 = arith.constant 0 : i32
        %dma_start3A_177 = tpu.memref_slice %arg10[%add3A_169, %dma_start3A_176] : memref<112x128xi32, #tpu.memory_space<vmem>> -> memref<1x128xi32, #tpu.memory_space<vmem>>
        %dma_start3A_178 = tpu.memref_squeeze %dma_start3A_177 : memref<1x128xi32, #tpu.memory_space<vmem>> -> memref<128xi32, #tpu.memory_space<vmem>>
        %dma_start3A_179 = arith.constant 0 : i32
        %dma_start3A_180 = arith.constant 0 : i32
        %dma_start3A_181 = tpu.memref_slice %arg15[%dma_start3A_179, %dma_start3A_180] : memref<10240x64xf32, #tpu.memory_space<vmem_shared>> -> memref<10240x64xf32, #tpu.memory_space<vmem_shared>>
        tpu.enqueue_indirect_dma source(%arg11 : memref<128x64xf32, #tpu.memory_space<vmem>>) target(%dma_start3A_181 : memref<10240x64xf32, #tpu.memory_space<vmem_shared>>) offsets(%dma_start3A_178 : memref<128xi32, #tpu.memory_space<vmem>>) semaphore(%arg20 : memref<!tpu.dma_semaphore, #tpu.memory_space<semaphore_mem>>) {add = true}
        %dma_start3A_182 = arith.constant 0 : i32
        %dma_start3A_183 = tpu.memref_slice %arg10[%add3A_169, %dma_start3A_182] : memref<112x128xi32, #tpu.memory_space<vmem>> -> memref<1x128xi32, #tpu.memory_space<vmem>>
        %dma_start3A_184 = tpu.memref_squeeze %dma_start3A_183 : memref<1x128xi32, #tpu.memory_space<vmem>> -> memref<128xi32, #tpu.memory_space<vmem>>
        %dma_start3A_185 = arith.constant 0 : i32
        %dma_start3A_186 = arith.constant 0 : i32
        %dma_start3A_187 = tpu.memref_slice %arg26[%dma_start3A_185, %dma_start3A_186] : memref<10240x16xf32, #tpu.memory_space<vmem_shared>> -> memref<10240x16xf32, #tpu.memory_space<vmem_shared>>
        tpu.enqueue_indirect_dma source(%arg24 : memref<128x16xf32, #tpu.memory_space<vmem>>) target(%dma_start3A_187 : memref<10240x16xf32, #tpu.memory_space<vmem_shared>>) offsets(%dma_start3A_184 : memref<128xi32, #tpu.memory_space<vmem>>) semaphore(%arg20 : memref<!tpu.dma_semaphore, #tpu.memory_space<semaphore_mem>>) {add = true}
        %add3A_188 = arith.constant 2 : i32
        %add3A_189 = arith.addi %add3A_169, %add3A_188 : i32
        %lt3A = arith.constant 48 : i32
        %lt3A_190 = arith.cmpi slt, %add3A_189, %lt3A : i32
        %convert_element_type3A_191 = arith.extui %lt3A_190 : i1 to i32
        %cond3A_192 = arith.constant 0 : i32
        %cond3A_193 = arith.cmpi ne, %convert_element_type3A_191, %cond3A_192 : i32
        scf.if %cond3A_193 {
          %ge3A = arith.constant 2 : i32
          %ge3A_282 = arith.cmpi sge, %add3A_169, %ge3A : i32
          %convert_element_type3A_283 = arith.extui %ge3A_282 : i1 to i32
          %cond3A_284 = arith.constant 0 : i32
          %cond3A_285 = arith.cmpi ne, %convert_element_type3A_283, %cond3A_284 : i32
          scf.if %cond3A_285 {
            %sub3A = arith.constant 2 : i32
            %sub3A_294 = arith.subi %add3A_169, %sub3A : i32
            %dma_wait3A_295 = arith.constant 0 : i32
            %dma_wait3A_296 = tpu.memref_slice %arg10[%sub3A_294, %dma_wait3A_295] : memref<112x128xi32, #tpu.memory_space<vmem>> -> memref<1x128xi32, #tpu.memory_space<vmem>>
            %dma_wait3A_297 = tpu.memref_squeeze %dma_wait3A_296 : memref<1x128xi32, #tpu.memory_space<vmem>> -> memref<128xi32, #tpu.memory_space<vmem>>
            %dma_wait3A_298 = arith.constant 0 : i32
            %dma_wait3A_299 = arith.constant 0 : i32
            %dma_wait3A_300 = tpu.memref_slice %arg15[%dma_wait3A_298, %dma_wait3A_299] : memref<10240x64xf32, #tpu.memory_space<vmem_shared>> -> memref<10240x64xf32, #tpu.memory_space<vmem_shared>>
            tpu.wait_indirect_dma semaphore(%arg22 : memref<!tpu.dma_semaphore, #tpu.memory_space<semaphore_mem>>) src(%arg13 : memref<128x64xf32, #tpu.memory_space<vmem>>) dst(%dma_wait3A_300 : memref<10240x64xf32, #tpu.memory_space<vmem_shared>>)
            %dma_wait3A_301 = arith.constant 0 : i32
            %dma_wait3A_302 = tpu.memref_slice %arg10[%sub3A_294, %dma_wait3A_301] : memref<112x128xi32, #tpu.memory_space<vmem>> -> memref<1x128xi32, #tpu.memory_space<vmem>>
            %dma_wait3A_303 = tpu.memref_squeeze %dma_wait3A_302 : memref<1x128xi32, #tpu.memory_space<vmem>> -> memref<128xi32, #tpu.memory_space<vmem>>
            %dma_wait3A_304 = arith.constant 0 : i32
            %dma_wait3A_305 = arith.constant 0 : i32
            %dma_wait3A_306 = tpu.memref_slice %arg26[%dma_wait3A_304, %dma_wait3A_305] : memref<10240x16xf32, #tpu.memory_space<vmem_shared>> -> memref<10240x16xf32, #tpu.memory_space<vmem_shared>>
            tpu.wait_indirect_dma semaphore(%arg22 : memref<!tpu.dma_semaphore, #tpu.memory_space<semaphore_mem>>) src(%arg24 : memref<128x16xf32, #tpu.memory_space<vmem>>) dst(%dma_wait3A_306 : memref<10240x16xf32, #tpu.memory_space<vmem_shared>>)
          } else {
          }
          %add3A_286 = arith.constant 2 : i32
          %add3A_287 = arith.addi %add3A_169, %add3A_286 : i32
          %dma_start3A_288 = arith.constant 0 : i32
          %dma_start3A_289 = tpu.memref_slice %arg9[%add3A_287, %dma_start3A_288] : memref<112x128xi32, #tpu.memory_space<vmem>> -> memref<1x128xi32, #tpu.memory_space<vmem>>
          %dma_start3A_290 = tpu.memref_squeeze %dma_start3A_289 : memref<1x128xi32, #tpu.memory_space<vmem>> -> memref<128xi32, #tpu.memory_space<vmem>>
          %dma_start3A_291 = arith.constant 0 : i32
          %dma_start3A_292 = arith.constant 0 : i32
          %dma_start3A_293 = tpu.memref_slice %arg2[%dma_start3A_291, %dma_start3A_292] : memref<10000x64xf32, #tpu.memory_space<hbm>> -> memref<10000x64xf32, #tpu.memory_space<hbm>>
          tpu.enqueue_indirect_dma source(%dma_start3A_293 : memref<10000x64xf32, #tpu.memory_space<hbm>>) target(%arg13 : memref<128x64xf32, #tpu.memory_space<vmem>>) offsets(%dma_start3A_290 : memref<128xi32, #tpu.memory_space<vmem>>) semaphore(%arg18 : memref<!tpu.dma_semaphore, #tpu.memory_space<semaphore_mem>>)
        } else {
        }
        %mul3A_194 = arith.constant 4 : i32
        %mul3A_195 = arith.muli %mul3A_194, %scan3A_164 : i32
        %add3A_196 = arith.constant 1 : i32
        %add3A_197 = arith.addi %mul3A_195, %add3A_196 : i32
        %dma_wait3A_198 = arith.constant 0 : i32
        %dma_wait3A_199 = tpu.memref_slice %arg9[%add3A_197, %dma_wait3A_198] : memref<112x128xi32, #tpu.memory_space<vmem>> -> memref<1x128xi32, #tpu.memory_space<vmem>>
        %dma_wait3A_200 = tpu.memref_squeeze %dma_wait3A_199 : memref<1x128xi32, #tpu.memory_space<vmem>> -> memref<128xi32, #tpu.memory_space<vmem>>
        %dma_wait3A_201 = arith.constant 0 : i32
        %dma_wait3A_202 = arith.constant 0 : i32
        %dma_wait3A_203 = tpu.memref_slice %arg2[%dma_wait3A_201, %dma_wait3A_202] : memref<10000x64xf32, #tpu.memory_space<hbm>> -> memref<10000x64xf32, #tpu.memory_space<hbm>>
        tpu.wait_indirect_dma semaphore(%arg17 : memref<!tpu.dma_semaphore, #tpu.memory_space<semaphore_mem>>) src(%dma_wait3A_203 : memref<10000x64xf32, #tpu.memory_space<hbm>>) dst(%arg12 : memref<128x64xf32, #tpu.memory_space<vmem>>)
        %dma_start3A_204 = arith.constant 0 : i32
        %dma_start3A_205 = tpu.memref_slice %arg10[%add3A_197, %dma_start3A_204] : memref<112x128xi32, #tpu.memory_space<vmem>> -> memref<1x128xi32, #tpu.memory_space<vmem>>
        %dma_start3A_206 = tpu.memref_squeeze %dma_start3A_205 : memref<1x128xi32, #tpu.memory_space<vmem>> -> memref<128xi32, #tpu.memory_space<vmem>>
        %dma_start3A_207 = arith.constant 0 : i32
        %dma_start3A_208 = arith.constant 0 : i32
        %dma_start3A_209 = tpu.memref_slice %arg15[%dma_start3A_207, %dma_start3A_208] : memref<10240x64xf32, #tpu.memory_space<vmem_shared>> -> memref<10240x64xf32, #tpu.memory_space<vmem_shared>>
        tpu.enqueue_indirect_dma source(%arg12 : memref<128x64xf32, #tpu.memory_space<vmem>>) target(%dma_start3A_209 : memref<10240x64xf32, #tpu.memory_space<vmem_shared>>) offsets(%dma_start3A_206 : memref<128xi32, #tpu.memory_space<vmem>>) semaphore(%arg21 : memref<!tpu.dma_semaphore, #tpu.memory_space<semaphore_mem>>) {add = true}
        %dma_start3A_210 = arith.constant 0 : i32
        %dma_start3A_211 = tpu.memref_slice %arg10[%add3A_197, %dma_start3A_210] : memref<112x128xi32, #tpu.memory_space<vmem>> -> memref<1x128xi32, #tpu.memory_space<vmem>>
        %dma_start3A_212 = tpu.memref_squeeze %dma_start3A_211 : memref<1x128xi32, #tpu.memory_space<vmem>> -> memref<128xi32, #tpu.memory_space<vmem>>
        %dma_start3A_213 = arith.constant 0 : i32
        %dma_start3A_214 = arith.constant 0 : i32
        %dma_start3A_215 = tpu.memref_slice %arg26[%dma_start3A_213, %dma_start3A_214] : memref<10240x16xf32, #tpu.memory_space<vmem_shared>> -> memref<10240x16xf32, #tpu.memory_space<vmem_shared>>
        tpu.enqueue_indirect_dma source(%arg24 : memref<128x16xf32, #tpu.memory_space<vmem>>) target(%dma_start3A_215 : memref<10240x16xf32, #tpu.memory_space<vmem_shared>>) offsets(%dma_start3A_212 : memref<128xi32, #tpu.memory_space<vmem>>) semaphore(%arg21 : memref<!tpu.dma_semaphore, #tpu.memory_space<semaphore_mem>>) {add = true}
        %add3A_216 = arith.constant 2 : i32
        %add3A_217 = arith.addi %add3A_197, %add3A_216 : i32
        %lt3A_218 = arith.constant 48 : i32
        %lt3A_219 = arith.cmpi slt, %add3A_217, %lt3A_218 : i32
        %convert_element_type3A_220 = arith.extui %lt3A_219 : i1 to i32
        %cond3A_221 = arith.constant 0 : i32
        %cond3A_222 = arith.cmpi ne, %convert_element_type3A_220, %cond3A_221 : i32
        scf.if %cond3A_222 {
          %ge3A = arith.constant 2 : i32
          %ge3A_282 = arith.cmpi sge, %add3A_197, %ge3A : i32
          %convert_element_type3A_283 = arith.extui %ge3A_282 : i1 to i32
          %cond3A_284 = arith.constant 0 : i32
          %cond3A_285 = arith.cmpi ne, %convert_element_type3A_283, %cond3A_284 : i32
          scf.if %cond3A_285 {
            %sub3A = arith.constant 2 : i32
            %sub3A_294 = arith.subi %add3A_197, %sub3A : i32
            %dma_wait3A_295 = arith.constant 0 : i32
            %dma_wait3A_296 = tpu.memref_slice %arg10[%sub3A_294, %dma_wait3A_295] : memref<112x128xi32, #tpu.memory_space<vmem>> -> memref<1x128xi32, #tpu.memory_space<vmem>>
            %dma_wait3A_297 = tpu.memref_squeeze %dma_wait3A_296 : memref<1x128xi32, #tpu.memory_space<vmem>> -> memref<128xi32, #tpu.memory_space<vmem>>
            %dma_wait3A_298 = arith.constant 0 : i32
            %dma_wait3A_299 = arith.constant 0 : i32
            %dma_wait3A_300 = tpu.memref_slice %arg15[%dma_wait3A_298, %dma_wait3A_299] : memref<10240x64xf32, #tpu.memory_space<vmem_shared>> -> memref<10240x64xf32, #tpu.memory_space<vmem_shared>>
            tpu.wait_indirect_dma semaphore(%arg23 : memref<!tpu.dma_semaphore, #tpu.memory_space<semaphore_mem>>) src(%arg14 : memref<128x64xf32, #tpu.memory_space<vmem>>) dst(%dma_wait3A_300 : memref<10240x64xf32, #tpu.memory_space<vmem_shared>>)
            %dma_wait3A_301 = arith.constant 0 : i32
            %dma_wait3A_302 = tpu.memref_slice %arg10[%sub3A_294, %dma_wait3A_301] : memref<112x128xi32, #tpu.memory_space<vmem>> -> memref<1x128xi32, #tpu.memory_space<vmem>>
            %dma_wait3A_303 = tpu.memref_squeeze %dma_wait3A_302 : memref<1x128xi32, #tpu.memory_space<vmem>> -> memref<128xi32, #tpu.memory_space<vmem>>
            %dma_wait3A_304 = arith.constant 0 : i32
            %dma_wait3A_305 = arith.constant 0 : i32
            %dma_wait3A_306 = tpu.memref_slice %arg26[%dma_wait3A_304, %dma_wait3A_305] : memref<10240x16xf32, #tpu.memory_space<vmem_shared>> -> memref<10240x16xf32, #tpu.memory_space<vmem_shared>>
            tpu.wait_indirect_dma semaphore(%arg23 : memref<!tpu.dma_semaphore, #tpu.memory_space<semaphore_mem>>) src(%arg24 : memref<128x16xf32, #tpu.memory_space<vmem>>) dst(%dma_wait3A_306 : memref<10240x16xf32, #tpu.memory_space<vmem_shared>>)
          } else {
          }
          %add3A_286 = arith.constant 2 : i32
          %add3A_287 = arith.addi %add3A_197, %add3A_286 : i32
          %dma_start3A_288 = arith.constant 0 : i32
          %dma_start3A_289 = tpu.memref_slice %arg9[%add3A_287, %dma_start3A_288] : memref<112x128xi32, #tpu.memory_space<vmem>> -> memref<1x128xi32, #tpu.memory_space<vmem>>
          %dma_start3A_290 = tpu.memref_squeeze %dma_start3A_289 : memref<1x128xi32, #tpu.memory_space<vmem>> -> memref<128xi32, #tpu.memory_space<vmem>>
          %dma_start3A_291 = arith.constant 0 : i32
          %dma_start3A_292 = arith.constant 0 : i32
          %dma_start3A_293 = tpu.memref_slice %arg2[%dma_start3A_291, %dma_start3A_292] : memref<10000x64xf32, #tpu.memory_space<hbm>> -> memref<10000x64xf32, #tpu.memory_space<hbm>>
          tpu.enqueue_indirect_dma source(%dma_start3A_293 : memref<10000x64xf32, #tpu.memory_space<hbm>>) target(%arg14 : memref<128x64xf32, #tpu.memory_space<vmem>>) offsets(%dma_start3A_290 : memref<128xi32, #tpu.memory_space<vmem>>) semaphore(%arg19 : memref<!tpu.dma_semaphore, #tpu.memory_space<semaphore_mem>>)
        } else {
        }
        %mul3A_223 = arith.constant 4 : i32
        %mul3A_224 = arith.muli %mul3A_223, %scan3A_164 : i32
        %add3A_225 = arith.constant 2 : i32
        %add3A_226 = arith.addi %mul3A_224, %add3A_225 : i32
        %dma_wait3A_227 = arith.constant 0 : i32
        %dma_wait3A_228 = tpu.memref_slice %arg9[%add3A_226, %dma_wait3A_227] : memref<112x128xi32, #tpu.memory_space<vmem>> -> memref<1x128xi32, #tpu.memory_space<vmem>>
        %dma_wait3A_229 = tpu.memref_squeeze %dma_wait3A_228 : memref<1x128xi32, #tpu.memory_space<vmem>> -> memref<128xi32, #tpu.memory_space<vmem>>
        %dma_wait3A_230 = arith.constant 0 : i32
        %dma_wait3A_231 = arith.constant 0 : i32
        %dma_wait3A_232 = tpu.memref_slice %arg2[%dma_wait3A_230, %dma_wait3A_231] : memref<10000x64xf32, #tpu.memory_space<hbm>> -> memref<10000x64xf32, #tpu.memory_space<hbm>>
        tpu.wait_indirect_dma semaphore(%arg18 : memref<!tpu.dma_semaphore, #tpu.memory_space<semaphore_mem>>) src(%dma_wait3A_232 : memref<10000x64xf32, #tpu.memory_space<hbm>>) dst(%arg13 : memref<128x64xf32, #tpu.memory_space<vmem>>)
        %dma_start3A_233 = arith.constant 0 : i32
        %dma_start3A_234 = tpu.memref_slice %arg10[%add3A_226, %dma_start3A_233] : memref<112x128xi32, #tpu.memory_space<vmem>> -> memref<1x128xi32, #tpu.memory_space<vmem>>
        %dma_start3A_235 = tpu.memref_squeeze %dma_start3A_234 : memref<1x128xi32, #tpu.memory_space<vmem>> -> memref<128xi32, #tpu.memory_space<vmem>>
        %dma_start3A_236 = arith.constant 0 : i32
        %dma_start3A_237 = arith.constant 0 : i32
        %dma_start3A_238 = tpu.memref_slice %arg15[%dma_start3A_236, %dma_start3A_237] : memref<10240x64xf32, #tpu.memory_space<vmem_shared>> -> memref<10240x64xf32, #tpu.memory_space<vmem_shared>>
        tpu.enqueue_indirect_dma source(%arg13 : memref<128x64xf32, #tpu.memory_space<vmem>>) target(%dma_start3A_238 : memref<10240x64xf32, #tpu.memory_space<vmem_shared>>) offsets(%dma_start3A_235 : memref<128xi32, #tpu.memory_space<vmem>>) semaphore(%arg22 : memref<!tpu.dma_semaphore, #tpu.memory_space<semaphore_mem>>) {add = true}
        %dma_start3A_239 = arith.constant 0 : i32
        %dma_start3A_240 = tpu.memref_slice %arg10[%add3A_226, %dma_start3A_239] : memref<112x128xi32, #tpu.memory_space<vmem>> -> memref<1x128xi32, #tpu.memory_space<vmem>>
        %dma_start3A_241 = tpu.memref_squeeze %dma_start3A_240 : memref<1x128xi32, #tpu.memory_space<vmem>> -> memref<128xi32, #tpu.memory_space<vmem>>
        %dma_start3A_242 = arith.constant 0 : i32
        %dma_start3A_243 = arith.constant 0 : i32
        %dma_start3A_244 = tpu.memref_slice %arg26[%dma_start3A_242, %dma_start3A_243] : memref<10240x16xf32, #tpu.memory_space<vmem_shared>> -> memref<10240x16xf32, #tpu.memory_space<vmem_shared>>
        tpu.enqueue_indirect_dma source(%arg24 : memref<128x16xf32, #tpu.memory_space<vmem>>) target(%dma_start3A_244 : memref<10240x16xf32, #tpu.memory_space<vmem_shared>>) offsets(%dma_start3A_241 : memref<128xi32, #tpu.memory_space<vmem>>) semaphore(%arg22 : memref<!tpu.dma_semaphore, #tpu.memory_space<semaphore_mem>>) {add = true}
        %add3A_245 = arith.constant 2 : i32
        %add3A_246 = arith.addi %add3A_226, %add3A_245 : i32
        %lt3A_247 = arith.constant 48 : i32
        %lt3A_248 = arith.cmpi slt, %add3A_246, %lt3A_247 : i32
        %convert_element_type3A_249 = arith.extui %lt3A_248 : i1 to i32
        %cond3A_250 = arith.constant 0 : i32
        %cond3A_251 = arith.cmpi ne, %convert_element_type3A_249, %cond3A_250 : i32
        scf.if %cond3A_251 {
          %ge3A = arith.constant 2 : i32
          %ge3A_282 = arith.cmpi sge, %add3A_226, %ge3A : i32
          %convert_element_type3A_283 = arith.extui %ge3A_282 : i1 to i32
          %cond3A_284 = arith.constant 0 : i32
          %cond3A_285 = arith.cmpi ne, %convert_element_type3A_283, %cond3A_284 : i32
          scf.if %cond3A_285 {
            %sub3A = arith.constant 2 : i32
            %sub3A_294 = arith.subi %add3A_226, %sub3A : i32
            %dma_wait3A_295 = arith.constant 0 : i32
            %dma_wait3A_296 = tpu.memref_slice %arg10[%sub3A_294, %dma_wait3A_295] : memref<112x128xi32, #tpu.memory_space<vmem>> -> memref<1x128xi32, #tpu.memory_space<vmem>>
            %dma_wait3A_297 = tpu.memref_squeeze %dma_wait3A_296 : memref<1x128xi32, #tpu.memory_space<vmem>> -> memref<128xi32, #tpu.memory_space<vmem>>
            %dma_wait3A_298 = arith.constant 0 : i32
            %dma_wait3A_299 = arith.constant 0 : i32
            %dma_wait3A_300 = tpu.memref_slice %arg15[%dma_wait3A_298, %dma_wait3A_299] : memref<10240x64xf32, #tpu.memory_space<vmem_shared>> -> memref<10240x64xf32, #tpu.memory_space<vmem_shared>>
            tpu.wait_indirect_dma semaphore(%arg20 : memref<!tpu.dma_semaphore, #tpu.memory_space<semaphore_mem>>) src(%arg11 : memref<128x64xf32, #tpu.memory_space<vmem>>) dst(%dma_wait3A_300 : memref<10240x64xf32, #tpu.memory_space<vmem_shared>>)
            %dma_wait3A_301 = arith.constant 0 : i32
            %dma_wait3A_302 = tpu.memref_slice %arg10[%sub3A_294, %dma_wait3A_301] : memref<112x128xi32, #tpu.memory_space<vmem>> -> memref<1x128xi32, #tpu.memory_space<vmem>>
            %dma_wait3A_303 = tpu.memref_squeeze %dma_wait3A_302 : memref<1x128xi32, #tpu.memory_space<vmem>> -> memref<128xi32, #tpu.memory_space<vmem>>
            %dma_wait3A_304 = arith.constant 0 : i32
            %dma_wait3A_305 = arith.constant 0 : i32
            %dma_wait3A_306 = tpu.memref_slice %arg26[%dma_wait3A_304, %dma_wait3A_305] : memref<10240x16xf32, #tpu.memory_space<vmem_shared>> -> memref<10240x16xf32, #tpu.memory_space<vmem_shared>>
            tpu.wait_indirect_dma semaphore(%arg20 : memref<!tpu.dma_semaphore, #tpu.memory_space<semaphore_mem>>) src(%arg24 : memref<128x16xf32, #tpu.memory_space<vmem>>) dst(%dma_wait3A_306 : memref<10240x16xf32, #tpu.memory_space<vmem_shared>>)
          } else {
          }
          %add3A_286 = arith.constant 2 : i32
          %add3A_287 = arith.addi %add3A_226, %add3A_286 : i32
          %dma_start3A_288 = arith.constant 0 : i32
          %dma_start3A_289 = tpu.memref_slice %arg9[%add3A_287, %dma_start3A_288] : memref<112x128xi32, #tpu.memory_space<vmem>> -> memref<1x128xi32, #tpu.memory_space<vmem>>
          %dma_start3A_290 = tpu.memref_squeeze %dma_start3A_289 : memref<1x128xi32, #tpu.memory_space<vmem>> -> memref<128xi32, #tpu.memory_space<vmem>>
          %dma_start3A_291 = arith.constant 0 : i32
          %dma_start3A_292 = arith.constant 0 : i32
          %dma_start3A_293 = tpu.memref_slice %arg2[%dma_start3A_291, %dma_start3A_292] : memref<10000x64xf32, #tpu.memory_space<hbm>> -> memref<10000x64xf32, #tpu.memory_space<hbm>>
          tpu.enqueue_indirect_dma source(%dma_start3A_293 : memref<10000x64xf32, #tpu.memory_space<hbm>>) target(%arg11 : memref<128x64xf32, #tpu.memory_space<vmem>>) offsets(%dma_start3A_290 : memref<128xi32, #tpu.memory_space<vmem>>) semaphore(%arg16 : memref<!tpu.dma_semaphore, #tpu.memory_space<semaphore_mem>>)
        } else {
        }
        %mul3A_252 = arith.constant 4 : i32
        %mul3A_253 = arith.muli %mul3A_252, %scan3A_164 : i32
        %add3A_254 = arith.constant 3 : i32
        %add3A_255 = arith.addi %mul3A_253, %add3A_254 : i32
        %dma_wait3A_256 = arith.constant 0 : i32
        %dma_wait3A_257 = tpu.memref_slice %arg9[%add3A_255, %dma_wait3A_256] : memref<112x128xi32, #tpu.memory_space<vmem>> -> memref<1x128xi32, #tpu.memory_space<vmem>>
        %dma_wait3A_258 = tpu.memref_squeeze %dma_wait3A_257 : memref<1x128xi32, #tpu.memory_space<vmem>> -> memref<128xi32, #tpu.memory_space<vmem>>
        %dma_wait3A_259 = arith.constant 0 : i32
        %dma_wait3A_260 = arith.constant 0 : i32
        %dma_wait3A_261 = tpu.memref_slice %arg2[%dma_wait3A_259, %dma_wait3A_260] : memref<10000x64xf32, #tpu.memory_space<hbm>> -> memref<10000x64xf32, #tpu.memory_space<hbm>>
        tpu.wait_indirect_dma semaphore(%arg19 : memref<!tpu.dma_semaphore, #tpu.memory_space<semaphore_mem>>) src(%dma_wait3A_261 : memref<10000x64xf32, #tpu.memory_space<hbm>>) dst(%arg14 : memref<128x64xf32, #tpu.memory_space<vmem>>)
        %dma_start3A_262 = arith.constant 0 : i32
        %dma_start3A_263 = tpu.memref_slice %arg10[%add3A_255, %dma_start3A_262] : memref<112x128xi32, #tpu.memory_space<vmem>> -> memref<1x128xi32, #tpu.memory_space<vmem>>
        %dma_start3A_264 = tpu.memref_squeeze %dma_start3A_263 : memref<1x128xi32, #tpu.memory_space<vmem>> -> memref<128xi32, #tpu.memory_space<vmem>>
        %dma_start3A_265 = arith.constant 0 : i32
        %dma_start3A_266 = arith.constant 0 : i32
        %dma_start3A_267 = tpu.memref_slice %arg15[%dma_start3A_265, %dma_start3A_266] : memref<10240x64xf32, #tpu.memory_space<vmem_shared>> -> memref<10240x64xf32, #tpu.memory_space<vmem_shared>>
        tpu.enqueue_indirect_dma source(%arg14 : memref<128x64xf32, #tpu.memory_space<vmem>>) target(%dma_start3A_267 : memref<10240x64xf32, #tpu.memory_space<vmem_shared>>) offsets(%dma_start3A_264 : memref<128xi32, #tpu.memory_space<vmem>>) semaphore(%arg23 : memref<!tpu.dma_semaphore, #tpu.memory_space<semaphore_mem>>) {add = true}
        %dma_start3A_268 = arith.constant 0 : i32
        %dma_start3A_269 = tpu.memref_slice %arg10[%add3A_255, %dma_start3A_268] : memref<112x128xi32, #tpu.memory_space<vmem>> -> memref<1x128xi32, #tpu.memory_space<vmem>>
        %dma_start3A_270 = tpu.memref_squeeze %dma_start3A_269 : memref<1x128xi32, #tpu.memory_space<vmem>> -> memref<128xi32, #tpu.memory_space<vmem>>
        %dma_start3A_271 = arith.constant 0 : i32
        %dma_start3A_272 = arith.constant 0 : i32
        %dma_start3A_273 = tpu.memref_slice %arg26[%dma_start3A_271, %dma_start3A_272] : memref<10240x16xf32, #tpu.memory_space<vmem_shared>> -> memref<10240x16xf32, #tpu.memory_space<vmem_shared>>
        tpu.enqueue_indirect_dma source(%arg24 : memref<128x16xf32, #tpu.memory_space<vmem>>) target(%dma_start3A_273 : memref<10240x16xf32, #tpu.memory_space<vmem_shared>>) offsets(%dma_start3A_270 : memref<128xi32, #tpu.memory_space<vmem>>) semaphore(%arg23 : memref<!tpu.dma_semaphore, #tpu.memory_space<semaphore_mem>>) {add = true}
        %add3A_274 = arith.constant 2 : i32
        %add3A_275 = arith.addi %add3A_255, %add3A_274 : i32
        %lt3A_276 = arith.constant 48 : i32
        %lt3A_277 = arith.cmpi slt, %add3A_275, %lt3A_276 : i32
        %convert_element_type3A_278 = arith.extui %lt3A_277 : i1 to i32
        %cond3A_279 = arith.constant 0 : i32
        %cond3A_280 = arith.cmpi ne, %convert_element_type3A_278, %cond3A_279 : i32
        scf.if %cond3A_280 {
          %ge3A = arith.constant 2 : i32
          %ge3A_282 = arith.cmpi sge, %add3A_255, %ge3A : i32
          %convert_element_type3A_283 = arith.extui %ge3A_282 : i1 to i32
          %cond3A_284 = arith.constant 0 : i32
          %cond3A_285 = arith.cmpi ne, %convert_element_type3A_283, %cond3A_284 : i32
          scf.if %cond3A_285 {
            %sub3A = arith.constant 2 : i32
            %sub3A_294 = arith.subi %add3A_255, %sub3A : i32
            %dma_wait3A_295 = arith.constant 0 : i32
            %dma_wait3A_296 = tpu.memref_slice %arg10[%sub3A_294, %dma_wait3A_295] : memref<112x128xi32, #tpu.memory_space<vmem>> -> memref<1x128xi32, #tpu.memory_space<vmem>>
            %dma_wait3A_297 = tpu.memref_squeeze %dma_wait3A_296 : memref<1x128xi32, #tpu.memory_space<vmem>> -> memref<128xi32, #tpu.memory_space<vmem>>
            %dma_wait3A_298 = arith.constant 0 : i32
            %dma_wait3A_299 = arith.constant 0 : i32
            %dma_wait3A_300 = tpu.memref_slice %arg15[%dma_wait3A_298, %dma_wait3A_299] : memref<10240x64xf32, #tpu.memory_space<vmem_shared>> -> memref<10240x64xf32, #tpu.memory_space<vmem_shared>>
            tpu.wait_indirect_dma semaphore(%arg21 : memref<!tpu.dma_semaphore, #tpu.memory_space<semaphore_mem>>) src(%arg12 : memref<128x64xf32, #tpu.memory_space<vmem>>) dst(%dma_wait3A_300 : memref<10240x64xf32, #tpu.memory_space<vmem_shared>>)
            %dma_wait3A_301 = arith.constant 0 : i32
            %dma_wait3A_302 = tpu.memref_slice %arg10[%sub3A_294, %dma_wait3A_301] : memref<112x128xi32, #tpu.memory_space<vmem>> -> memref<1x128xi32, #tpu.memory_space<vmem>>
            %dma_wait3A_303 = tpu.memref_squeeze %dma_wait3A_302 : memref<1x128xi32, #tpu.memory_space<vmem>> -> memref<128xi32, #tpu.memory_space<vmem>>
            %dma_wait3A_304 = arith.constant 0 : i32
            %dma_wait3A_305 = arith.constant 0 : i32
            %dma_wait3A_306 = tpu.memref_slice %arg26[%dma_wait3A_304, %dma_wait3A_305] : memref<10240x16xf32, #tpu.memory_space<vmem_shared>> -> memref<10240x16xf32, #tpu.memory_space<vmem_shared>>
            tpu.wait_indirect_dma semaphore(%arg21 : memref<!tpu.dma_semaphore, #tpu.memory_space<semaphore_mem>>) src(%arg24 : memref<128x16xf32, #tpu.memory_space<vmem>>) dst(%dma_wait3A_306 : memref<10240x16xf32, #tpu.memory_space<vmem_shared>>)
          } else {
          }
          %add3A_286 = arith.constant 2 : i32
          %add3A_287 = arith.addi %add3A_255, %add3A_286 : i32
          %dma_start3A_288 = arith.constant 0 : i32
          %dma_start3A_289 = tpu.memref_slice %arg9[%add3A_287, %dma_start3A_288] : memref<112x128xi32, #tpu.memory_space<vmem>> -> memref<1x128xi32, #tpu.memory_space<vmem>>
          %dma_start3A_290 = tpu.memref_squeeze %dma_start3A_289 : memref<1x128xi32, #tpu.memory_space<vmem>> -> memref<128xi32, #tpu.memory_space<vmem>>
          %dma_start3A_291 = arith.constant 0 : i32
          %dma_start3A_292 = arith.constant 0 : i32
          %dma_start3A_293 = tpu.memref_slice %arg2[%dma_start3A_291, %dma_start3A_292] : memref<10000x64xf32, #tpu.memory_space<hbm>> -> memref<10000x64xf32, #tpu.memory_space<hbm>>
          tpu.enqueue_indirect_dma source(%dma_start3A_293 : memref<10000x64xf32, #tpu.memory_space<hbm>>) target(%arg12 : memref<128x64xf32, #tpu.memory_space<vmem>>) offsets(%dma_start3A_290 : memref<128xi32, #tpu.memory_space<vmem>>) semaphore(%arg17 : memref<!tpu.dma_semaphore, #tpu.memory_space<semaphore_mem>>)
        } else {
        }
        %scan3A_281 = arith.constant 0 : i32
        scf.yield %scan3A_281 : i32
      }
      %scan3A_108 = arith.constant 12 : i32
      %dma_wait3A = arith.constant 44 : i32
      %dma_wait3A_109 = arith.constant 0 : i32
      %dma_wait3A_110 = tpu.memref_slice %arg10[%dma_wait3A, %dma_wait3A_109] : memref<112x128xi32, #tpu.memory_space<vmem>> -> memref<1x128xi32, #tpu.memory_space<vmem>>
      %dma_wait3A_111 = tpu.memref_squeeze %dma_wait3A_110 : memref<1x128xi32, #tpu.memory_space<vmem>> -> memref<128xi32, #tpu.memory_space<vmem>>
      %dma_wait3A_112 = arith.constant 0 : i32
      %dma_wait3A_113 = arith.constant 0 : i32
      %dma_wait3A_114 = tpu.memref_slice %arg15[%dma_wait3A_112, %dma_wait3A_113] : memref<10240x64xf32, #tpu.memory_space<vmem_shared>> -> memref<10240x64xf32, #tpu.memory_space<vmem_shared>>
      tpu.wait_indirect_dma semaphore(%arg20 : memref<!tpu.dma_semaphore, #tpu.memory_space<semaphore_mem>>) src(%arg11 : memref<128x64xf32, #tpu.memory_space<vmem>>) dst(%dma_wait3A_114 : memref<10240x64xf32, #tpu.memory_space<vmem_shared>>)
      %dma_wait3A_115 = arith.constant 44 : i32
      %dma_wait3A_116 = arith.constant 0 : i32
      %dma_wait3A_117 = tpu.memref_slice %arg10[%dma_wait3A_115, %dma_wait3A_116] : memref<112x128xi32, #tpu.memory_space<vmem>> -> memref<1x128xi32, #tpu.memory_space<vmem>>
      %dma_wait3A_118 = tpu.memref_squeeze %dma_wait3A_117 : memref<1x128xi32, #tpu.memory_space<vmem>> -> memref<128xi32, #tpu.memory_space<vmem>>
      %dma_wait3A_119 = arith.constant 0 : i32
      %dma_wait3A_120 = arith.constant 0 : i32
      %dma_wait3A_121 = tpu.memref_slice %arg26[%dma_wait3A_119, %dma_wait3A_120] : memref<10240x16xf32, #tpu.memory_space<vmem_shared>> -> memref<10240x16xf32, #tpu.memory_space<vmem_shared>>
      tpu.wait_indirect_dma semaphore(%arg20 : memref<!tpu.dma_semaphore, #tpu.memory_space<semaphore_mem>>) src(%arg24 : memref<128x16xf32, #tpu.memory_space<vmem>>) dst(%dma_wait3A_121 : memref<10240x16xf32, #tpu.memory_space<vmem_shared>>)
      %dma_wait3A_122 = arith.constant 45 : i32
      %dma_wait3A_123 = arith.constant 0 : i32
      %dma_wait3A_124 = tpu.memref_slice %arg10[%dma_wait3A_122, %dma_wait3A_123] : memref<112x128xi32, #tpu.memory_space<vmem>> -> memref<1x128xi32, #tpu.memory_space<vmem>>
      %dma_wait3A_125 = tpu.memref_squeeze %dma_wait3A_124 : memref<1x128xi32, #tpu.memory_space<vmem>> -> memref<128xi32, #tpu.memory_space<vmem>>
      %dma_wait3A_126 = arith.constant 0 : i32
      %dma_wait3A_127 = arith.constant 0 : i32
      %dma_wait3A_128 = tpu.memref_slice %arg15[%dma_wait3A_126, %dma_wait3A_127] : memref<10240x64xf32, #tpu.memory_space<vmem_shared>> -> memref<10240x64xf32, #tpu.memory_space<vmem_shared>>
      tpu.wait_indirect_dma semaphore(%arg21 : memref<!tpu.dma_semaphore, #tpu.memory_space<semaphore_mem>>) src(%arg12 : memref<128x64xf32, #tpu.memory_space<vmem>>) dst(%dma_wait3A_128 : memref<10240x64xf32, #tpu.memory_space<vmem_shared>>)
      %dma_wait3A_129 = arith.constant 45 : i32
      %dma_wait3A_130 = arith.constant 0 : i32
      %dma_wait3A_131 = tpu.memref_slice %arg10[%dma_wait3A_129, %dma_wait3A_130] : memref<112x128xi32, #tpu.memory_space<vmem>> -> memref<1x128xi32, #tpu.memory_space<vmem>>
      %dma_wait3A_132 = tpu.memref_squeeze %dma_wait3A_131 : memref<1x128xi32, #tpu.memory_space<vmem>> -> memref<128xi32, #tpu.memory_space<vmem>>
      %dma_wait3A_133 = arith.constant 0 : i32
      %dma_wait3A_134 = arith.constant 0 : i32
      %dma_wait3A_135 = tpu.memref_slice %arg26[%dma_wait3A_133, %dma_wait3A_134] : memref<10240x16xf32, #tpu.memory_space<vmem_shared>> -> memref<10240x16xf32, #tpu.memory_space<vmem_shared>>
      tpu.wait_indirect_dma semaphore(%arg21 : memref<!tpu.dma_semaphore, #tpu.memory_space<semaphore_mem>>) src(%arg24 : memref<128x16xf32, #tpu.memory_space<vmem>>) dst(%dma_wait3A_135 : memref<10240x16xf32, #tpu.memory_space<vmem_shared>>)
      %dma_wait3A_136 = arith.constant 46 : i32
      %dma_wait3A_137 = arith.constant 0 : i32
      %dma_wait3A_138 = tpu.memref_slice %arg10[%dma_wait3A_136, %dma_wait3A_137] : memref<112x128xi32, #tpu.memory_space<vmem>> -> memref<1x128xi32, #tpu.memory_space<vmem>>
      %dma_wait3A_139 = tpu.memref_squeeze %dma_wait3A_138 : memref<1x128xi32, #tpu.memory_space<vmem>> -> memref<128xi32, #tpu.memory_space<vmem>>
      %dma_wait3A_140 = arith.constant 0 : i32
      %dma_wait3A_141 = arith.constant 0 : i32
      %dma_wait3A_142 = tpu.memref_slice %arg15[%dma_wait3A_140, %dma_wait3A_141] : memref<10240x64xf32, #tpu.memory_space<vmem_shared>> -> memref<10240x64xf32, #tpu.memory_space<vmem_shared>>
      tpu.wait_indirect_dma semaphore(%arg22 : memref<!tpu.dma_semaphore, #tpu.memory_space<semaphore_mem>>) src(%arg13 : memref<128x64xf32, #tpu.memory_space<vmem>>) dst(%dma_wait3A_142 : memref<10240x64xf32, #tpu.memory_space<vmem_shared>>)
      %dma_wait3A_143 = arith.constant 46 : i32
      %dma_wait3A_144 = arith.constant 0 : i32
      %dma_wait3A_145 = tpu.memref_slice %arg10[%dma_wait3A_143, %dma_wait3A_144] : memref<112x128xi32, #tpu.memory_space<vmem>> -> memref<1x128xi32, #tpu.memory_space<vmem>>
      %dma_wait3A_146 = tpu.memref_squeeze %dma_wait3A_145 : memref<1x128xi32, #tpu.memory_space<vmem>> -> memref<128xi32, #tpu.memory_space<vmem>>
      %dma_wait3A_147 = arith.constant 0 : i32
      %dma_wait3A_148 = arith.constant 0 : i32
      %dma_wait3A_149 = tpu.memref_slice %arg26[%dma_wait3A_147, %dma_wait3A_148] : memref<10240x16xf32, #tpu.memory_space<vmem_shared>> -> memref<10240x16xf32, #tpu.memory_space<vmem_shared>>
      tpu.wait_indirect_dma semaphore(%arg22 : memref<!tpu.dma_semaphore, #tpu.memory_space<semaphore_mem>>) src(%arg24 : memref<128x16xf32, #tpu.memory_space<vmem>>) dst(%dma_wait3A_149 : memref<10240x16xf32, #tpu.memory_space<vmem_shared>>)
      %dma_wait3A_150 = arith.constant 47 : i32
      %dma_wait3A_151 = arith.constant 0 : i32
      %dma_wait3A_152 = tpu.memref_slice %arg10[%dma_wait3A_150, %dma_wait3A_151] : memref<112x128xi32, #tpu.memory_space<vmem>> -> memref<1x128xi32, #tpu.memory_space<vmem>>
      %dma_wait3A_153 = tpu.memref_squeeze %dma_wait3A_152 : memref<1x128xi32, #tpu.memory_space<vmem>> -> memref<128xi32, #tpu.memory_space<vmem>>
      %dma_wait3A_154 = arith.constant 0 : i32
      %dma_wait3A_155 = arith.constant 0 : i32
      %dma_wait3A_156 = tpu.memref_slice %arg15[%dma_wait3A_154, %dma_wait3A_155] : memref<10240x64xf32, #tpu.memory_space<vmem_shared>> -> memref<10240x64xf32, #tpu.memory_space<vmem_shared>>
      tpu.wait_indirect_dma semaphore(%arg23 : memref<!tpu.dma_semaphore, #tpu.memory_space<semaphore_mem>>) src(%arg14 : memref<128x64xf32, #tpu.memory_space<vmem>>) dst(%dma_wait3A_156 : memref<10240x64xf32, #tpu.memory_space<vmem_shared>>)
      %dma_wait3A_157 = arith.constant 47 : i32
      %dma_wait3A_158 = arith.constant 0 : i32
      %dma_wait3A_159 = tpu.memref_slice %arg10[%dma_wait3A_157, %dma_wait3A_158] : memref<112x128xi32, #tpu.memory_space<vmem>> -> memref<1x128xi32, #tpu.memory_space<vmem>>
      %dma_wait3A_160 = tpu.memref_squeeze %dma_wait3A_159 : memref<1x128xi32, #tpu.memory_space<vmem>> -> memref<128xi32, #tpu.memory_space<vmem>>
      %dma_wait3A_161 = arith.constant 0 : i32
      %dma_wait3A_162 = arith.constant 0 : i32
      %dma_wait3A_163 = tpu.memref_slice %arg26[%dma_wait3A_161, %dma_wait3A_162] : memref<10240x16xf32, #tpu.memory_space<vmem_shared>> -> memref<10240x16xf32, #tpu.memory_space<vmem_shared>>
      tpu.wait_indirect_dma semaphore(%arg23 : memref<!tpu.dma_semaphore, #tpu.memory_space<semaphore_mem>>) src(%arg24 : memref<128x16xf32, #tpu.memory_space<vmem>>) dst(%dma_wait3A_163 : memref<10240x16xf32, #tpu.memory_space<vmem_shared>>)
    } else {
    }
    %eq3A_75 = arith.constant 1 : i32
    %eq3A_76 = arith.cmpi eq, %arg0, %eq3A_75 : i32
    %convert_element_type3A_77 = arith.extui %eq3A_76 : i1 to i32
    %cond3A_78 = arith.constant 0 : i32
    %cond3A_79 = arith.cmpi ne, %convert_element_type3A_77, %cond3A_78 : i32
    scf.if %cond3A_79 {
      %dma_start3A = arith.constant 0 : i32
      %dma_start3A_89 = arith.constant 0 : i32
      %dma_start3A_90 = tpu.memref_slice %arg9[%dma_start3A, %dma_start3A_89] : memref<112x128xi32, #tpu.memory_space<vmem>> -> memref<1x128xi32, #tpu.memory_space<vmem>>
      %dma_start3A_91 = tpu.memref_squeeze %dma_start3A_90 : memref<1x128xi32, #tpu.memory_space<vmem>> -> memref<128xi32, #tpu.memory_space<vmem>>
      %dma_start3A_92 = arith.constant 0 : i32
      %dma_start3A_93 = arith.constant 0 : i32
      %dma_start3A_94 = tpu.memref_slice %arg2[%dma_start3A_92, %dma_start3A_93] : memref<10000x64xf32, #tpu.memory_space<hbm>> -> memref<10000x64xf32, #tpu.memory_space<hbm>>
      tpu.enqueue_indirect_dma source(%dma_start3A_94 : memref<10000x64xf32, #tpu.memory_space<hbm>>) target(%arg11 : memref<128x64xf32, #tpu.memory_space<vmem>>) offsets(%dma_start3A_91 : memref<128xi32, #tpu.memory_space<vmem>>) semaphore(%arg16 : memref<!tpu.dma_semaphore, #tpu.memory_space<semaphore_mem>>)
      %dma_start3A_95 = arith.constant 1 : i32
      %dma_start3A_96 = arith.constant 0 : i32
      %dma_start3A_97 = tpu.memref_slice %arg9[%dma_start3A_95, %dma_start3A_96] : memref<112x128xi32, #tpu.memory_space<vmem>> -> memref<1x128xi32, #tpu.memory_space<vmem>>
      %dma_start3A_98 = tpu.memref_squeeze %dma_start3A_97 : memref<1x128xi32, #tpu.memory_space<vmem>> -> memref<128xi32, #tpu.memory_space<vmem>>
      %dma_start3A_99 = arith.constant 0 : i32
      %dma_start3A_100 = arith.constant 0 : i32
      %dma_start3A_101 = tpu.memref_slice %arg2[%dma_start3A_99, %dma_start3A_100] : memref<10000x64xf32, #tpu.memory_space<hbm>> -> memref<10000x64xf32, #tpu.memory_space<hbm>>
      tpu.enqueue_indirect_dma source(%dma_start3A_101 : memref<10000x64xf32, #tpu.memory_space<hbm>>) target(%arg12 : memref<128x64xf32, #tpu.memory_space<vmem>>) offsets(%dma_start3A_98 : memref<128xi32, #tpu.memory_space<vmem>>) semaphore(%arg17 : memref<!tpu.dma_semaphore, #tpu.memory_space<semaphore_mem>>)
      %scan3A_102 = arith.constant 0 : i32
      %scan3A_103 = arith.constant 0 : i32
      %scan3A_104 = arith.constant 28 : i32
      %scan3A_105 = arith.addi %scan3A_103, %scan3A_104 : i32
      %scan3A_106 = arith.constant 1 : i32
      %scan3A_107 = scf.for %scan3A_164 = %scan3A_103 to %scan3A_105 step %scan3A_106 iter_args(%scan3A_165 = %scan3A_102) -> (i32)  : i32 {
        %mul3A_166 = arith.constant 4 : i32
        %mul3A_167 = arith.muli %mul3A_166, %scan3A_164 : i32
        %add3A_168 = arith.constant 0 : i32
        %add3A_169 = arith.addi %mul3A_167, %add3A_168 : i32
        %dma_wait3A_170 = arith.constant 0 : i32
        %dma_wait3A_171 = tpu.memref_slice %arg9[%add3A_169, %dma_wait3A_170] : memref<112x128xi32, #tpu.memory_space<vmem>> -> memref<1x128xi32, #tpu.memory_space<vmem>>
        %dma_wait3A_172 = tpu.memref_squeeze %dma_wait3A_171 : memref<1x128xi32, #tpu.memory_space<vmem>> -> memref<128xi32, #tpu.memory_space<vmem>>
        %dma_wait3A_173 = arith.constant 0 : i32
        %dma_wait3A_174 = arith.constant 0 : i32
        %dma_wait3A_175 = tpu.memref_slice %arg2[%dma_wait3A_173, %dma_wait3A_174] : memref<10000x64xf32, #tpu.memory_space<hbm>> -> memref<10000x64xf32, #tpu.memory_space<hbm>>
        tpu.wait_indirect_dma semaphore(%arg16 : memref<!tpu.dma_semaphore, #tpu.memory_space<semaphore_mem>>) src(%dma_wait3A_175 : memref<10000x64xf32, #tpu.memory_space<hbm>>) dst(%arg11 : memref<128x64xf32, #tpu.memory_space<vmem>>)
        %dma_start3A_176 = arith.constant 0 : i32
        %dma_start3A_177 = tpu.memref_slice %arg10[%add3A_169, %dma_start3A_176] : memref<112x128xi32, #tpu.memory_space<vmem>> -> memref<1x128xi32, #tpu.memory_space<vmem>>
        %dma_start3A_178 = tpu.memref_squeeze %dma_start3A_177 : memref<1x128xi32, #tpu.memory_space<vmem>> -> memref<128xi32, #tpu.memory_space<vmem>>
        %dma_start3A_179 = arith.constant 0 : i32
        %dma_start3A_180 = arith.constant 0 : i32
        %dma_start3A_181 = tpu.memref_slice %arg15[%dma_start3A_179, %dma_start3A_180] : memref<10240x64xf32, #tpu.memory_space<vmem_shared>> -> memref<10240x64xf32, #tpu.memory_space<vmem_shared>>
        tpu.enqueue_indirect_dma source(%arg11 : memref<128x64xf32, #tpu.memory_space<vmem>>) target(%dma_start3A_181 : memref<10240x64xf32, #tpu.memory_space<vmem_shared>>) offsets(%dma_start3A_178 : memref<128xi32, #tpu.memory_space<vmem>>) semaphore(%arg20 : memref<!tpu.dma_semaphore, #tpu.memory_space<semaphore_mem>>) {add = true}
        %dma_start3A_182 = arith.constant 0 : i32
        %dma_start3A_183 = tpu.memref_slice %arg10[%add3A_169, %dma_start3A_182] : memref<112x128xi32, #tpu.memory_space<vmem>> -> memref<1x128xi32, #tpu.memory_space<vmem>>
        %dma_start3A_184 = tpu.memref_squeeze %dma_start3A_183 : memref<1x128xi32, #tpu.memory_space<vmem>> -> memref<128xi32, #tpu.memory_space<vmem>>
        %dma_start3A_185 = arith.constant 0 : i32
        %dma_start3A_186 = arith.constant 0 : i32
        %dma_start3A_187 = tpu.memref_slice %arg26[%dma_start3A_185, %dma_start3A_186] : memref<10240x16xf32, #tpu.memory_space<vmem_shared>> -> memref<10240x16xf32, #tpu.memory_space<vmem_shared>>
        tpu.enqueue_indirect_dma source(%arg24 : memref<128x16xf32, #tpu.memory_space<vmem>>) target(%dma_start3A_187 : memref<10240x16xf32, #tpu.memory_space<vmem_shared>>) offsets(%dma_start3A_184 : memref<128xi32, #tpu.memory_space<vmem>>) semaphore(%arg20 : memref<!tpu.dma_semaphore, #tpu.memory_space<semaphore_mem>>) {add = true}
        %add3A_188 = arith.constant 2 : i32
        %add3A_189 = arith.addi %add3A_169, %add3A_188 : i32
        %lt3A = arith.constant 112 : i32
        %lt3A_190 = arith.cmpi slt, %add3A_189, %lt3A : i32
        %convert_element_type3A_191 = arith.extui %lt3A_190 : i1 to i32
        %cond3A_192 = arith.constant 0 : i32
        %cond3A_193 = arith.cmpi ne, %convert_element_type3A_191, %cond3A_192 : i32
        scf.if %cond3A_193 {
          %ge3A = arith.constant 2 : i32
          %ge3A_282 = arith.cmpi sge, %add3A_169, %ge3A : i32
          %convert_element_type3A_283 = arith.extui %ge3A_282 : i1 to i32
          %cond3A_284 = arith.constant 0 : i32
          %cond3A_285 = arith.cmpi ne, %convert_element_type3A_283, %cond3A_284 : i32
          scf.if %cond3A_285 {
            %sub3A = arith.constant 2 : i32
            %sub3A_294 = arith.subi %add3A_169, %sub3A : i32
            %dma_wait3A_295 = arith.constant 0 : i32
            %dma_wait3A_296 = tpu.memref_slice %arg10[%sub3A_294, %dma_wait3A_295] : memref<112x128xi32, #tpu.memory_space<vmem>> -> memref<1x128xi32, #tpu.memory_space<vmem>>
            %dma_wait3A_297 = tpu.memref_squeeze %dma_wait3A_296 : memref<1x128xi32, #tpu.memory_space<vmem>> -> memref<128xi32, #tpu.memory_space<vmem>>
            %dma_wait3A_298 = arith.constant 0 : i32
            %dma_wait3A_299 = arith.constant 0 : i32
            %dma_wait3A_300 = tpu.memref_slice %arg15[%dma_wait3A_298, %dma_wait3A_299] : memref<10240x64xf32, #tpu.memory_space<vmem_shared>> -> memref<10240x64xf32, #tpu.memory_space<vmem_shared>>
            tpu.wait_indirect_dma semaphore(%arg22 : memref<!tpu.dma_semaphore, #tpu.memory_space<semaphore_mem>>) src(%arg13 : memref<128x64xf32, #tpu.memory_space<vmem>>) dst(%dma_wait3A_300 : memref<10240x64xf32, #tpu.memory_space<vmem_shared>>)
            %dma_wait3A_301 = arith.constant 0 : i32
            %dma_wait3A_302 = tpu.memref_slice %arg10[%sub3A_294, %dma_wait3A_301] : memref<112x128xi32, #tpu.memory_space<vmem>> -> memref<1x128xi32, #tpu.memory_space<vmem>>
            %dma_wait3A_303 = tpu.memref_squeeze %dma_wait3A_302 : memref<1x128xi32, #tpu.memory_space<vmem>> -> memref<128xi32, #tpu.memory_space<vmem>>
            %dma_wait3A_304 = arith.constant 0 : i32
            %dma_wait3A_305 = arith.constant 0 : i32
            %dma_wait3A_306 = tpu.memref_slice %arg26[%dma_wait3A_304, %dma_wait3A_305] : memref<10240x16xf32, #tpu.memory_space<vmem_shared>> -> memref<10240x16xf32, #tpu.memory_space<vmem_shared>>
            tpu.wait_indirect_dma semaphore(%arg22 : memref<!tpu.dma_semaphore, #tpu.memory_space<semaphore_mem>>) src(%arg24 : memref<128x16xf32, #tpu.memory_space<vmem>>) dst(%dma_wait3A_306 : memref<10240x16xf32, #tpu.memory_space<vmem_shared>>)
          } else {
          }
          %add3A_286 = arith.constant 2 : i32
          %add3A_287 = arith.addi %add3A_169, %add3A_286 : i32
          %dma_start3A_288 = arith.constant 0 : i32
          %dma_start3A_289 = tpu.memref_slice %arg9[%add3A_287, %dma_start3A_288] : memref<112x128xi32, #tpu.memory_space<vmem>> -> memref<1x128xi32, #tpu.memory_space<vmem>>
          %dma_start3A_290 = tpu.memref_squeeze %dma_start3A_289 : memref<1x128xi32, #tpu.memory_space<vmem>> -> memref<128xi32, #tpu.memory_space<vmem>>
          %dma_start3A_291 = arith.constant 0 : i32
          %dma_start3A_292 = arith.constant 0 : i32
          %dma_start3A_293 = tpu.memref_slice %arg2[%dma_start3A_291, %dma_start3A_292] : memref<10000x64xf32, #tpu.memory_space<hbm>> -> memref<10000x64xf32, #tpu.memory_space<hbm>>
          tpu.enqueue_indirect_dma source(%dma_start3A_293 : memref<10000x64xf32, #tpu.memory_space<hbm>>) target(%arg13 : memref<128x64xf32, #tpu.memory_space<vmem>>) offsets(%dma_start3A_290 : memref<128xi32, #tpu.memory_space<vmem>>) semaphore(%arg18 : memref<!tpu.dma_semaphore, #tpu.memory_space<semaphore_mem>>)
        } else {
        }
        %mul3A_194 = arith.constant 4 : i32
        %mul3A_195 = arith.muli %mul3A_194, %scan3A_164 : i32
        %add3A_196 = arith.constant 1 : i32
        %add3A_197 = arith.addi %mul3A_195, %add3A_196 : i32
        %dma_wait3A_198 = arith.constant 0 : i32
        %dma_wait3A_199 = tpu.memref_slice %arg9[%add3A_197, %dma_wait3A_198] : memref<112x128xi32, #tpu.memory_space<vmem>> -> memref<1x128xi32, #tpu.memory_space<vmem>>
        %dma_wait3A_200 = tpu.memref_squeeze %dma_wait3A_199 : memref<1x128xi32, #tpu.memory_space<vmem>> -> memref<128xi32, #tpu.memory_space<vmem>>
        %dma_wait3A_201 = arith.constant 0 : i32
        %dma_wait3A_202 = arith.constant 0 : i32
        %dma_wait3A_203 = tpu.memref_slice %arg2[%dma_wait3A_201, %dma_wait3A_202] : memref<10000x64xf32, #tpu.memory_space<hbm>> -> memref<10000x64xf32, #tpu.memory_space<hbm>>
        tpu.wait_indirect_dma semaphore(%arg17 : memref<!tpu.dma_semaphore, #tpu.memory_space<semaphore_mem>>) src(%dma_wait3A_203 : memref<10000x64xf32, #tpu.memory_space<hbm>>) dst(%arg12 : memref<128x64xf32, #tpu.memory_space<vmem>>)
        %dma_start3A_204 = arith.constant 0 : i32
        %dma_start3A_205 = tpu.memref_slice %arg10[%add3A_197, %dma_start3A_204] : memref<112x128xi32, #tpu.memory_space<vmem>> -> memref<1x128xi32, #tpu.memory_space<vmem>>
        %dma_start3A_206 = tpu.memref_squeeze %dma_start3A_205 : memref<1x128xi32, #tpu.memory_space<vmem>> -> memref<128xi32, #tpu.memory_space<vmem>>
        %dma_start3A_207 = arith.constant 0 : i32
        %dma_start3A_208 = arith.constant 0 : i32
        %dma_start3A_209 = tpu.memref_slice %arg15[%dma_start3A_207, %dma_start3A_208] : memref<10240x64xf32, #tpu.memory_space<vmem_shared>> -> memref<10240x64xf32, #tpu.memory_space<vmem_shared>>
        tpu.enqueue_indirect_dma source(%arg12 : memref<128x64xf32, #tpu.memory_space<vmem>>) target(%dma_start3A_209 : memref<10240x64xf32, #tpu.memory_space<vmem_shared>>) offsets(%dma_start3A_206 : memref<128xi32, #tpu.memory_space<vmem>>) semaphore(%arg21 : memref<!tpu.dma_semaphore, #tpu.memory_space<semaphore_mem>>) {add = true}
        %dma_start3A_210 = arith.constant 0 : i32
        %dma_start3A_211 = tpu.memref_slice %arg10[%add3A_197, %dma_start3A_210] : memref<112x128xi32, #tpu.memory_space<vmem>> -> memref<1x128xi32, #tpu.memory_space<vmem>>
        %dma_start3A_212 = tpu.memref_squeeze %dma_start3A_211 : memref<1x128xi32, #tpu.memory_space<vmem>> -> memref<128xi32, #tpu.memory_space<vmem>>
        %dma_start3A_213 = arith.constant 0 : i32
        %dma_start3A_214 = arith.constant 0 : i32
        %dma_start3A_215 = tpu.memref_slice %arg26[%dma_start3A_213, %dma_start3A_214] : memref<10240x16xf32, #tpu.memory_space<vmem_shared>> -> memref<10240x16xf32, #tpu.memory_space<vmem_shared>>
        tpu.enqueue_indirect_dma source(%arg24 : memref<128x16xf32, #tpu.memory_space<vmem>>) target(%dma_start3A_215 : memref<10240x16xf32, #tpu.memory_space<vmem_shared>>) offsets(%dma_start3A_212 : memref<128xi32, #tpu.memory_space<vmem>>) semaphore(%arg21 : memref<!tpu.dma_semaphore, #tpu.memory_space<semaphore_mem>>) {add = true}
        %add3A_216 = arith.constant 2 : i32
        %add3A_217 = arith.addi %add3A_197, %add3A_216 : i32
        %lt3A_218 = arith.constant 112 : i32
        %lt3A_219 = arith.cmpi slt, %add3A_217, %lt3A_218 : i32
        %convert_element_type3A_220 = arith.extui %lt3A_219 : i1 to i32
        %cond3A_221 = arith.constant 0 : i32
        %cond3A_222 = arith.cmpi ne, %convert_element_type3A_220, %cond3A_221 : i32
        scf.if %cond3A_222 {
          %ge3A = arith.constant 2 : i32
          %ge3A_282 = arith.cmpi sge, %add3A_197, %ge3A : i32
          %convert_element_type3A_283 = arith.extui %ge3A_282 : i1 to i32
          %cond3A_284 = arith.constant 0 : i32
          %cond3A_285 = arith.cmpi ne, %convert_element_type3A_283, %cond3A_284 : i32
          scf.if %cond3A_285 {
            %sub3A = arith.constant 2 : i32
            %sub3A_294 = arith.subi %add3A_197, %sub3A : i32
            %dma_wait3A_295 = arith.constant 0 : i32
            %dma_wait3A_296 = tpu.memref_slice %arg10[%sub3A_294, %dma_wait3A_295] : memref<112x128xi32, #tpu.memory_space<vmem>> -> memref<1x128xi32, #tpu.memory_space<vmem>>
            %dma_wait3A_297 = tpu.memref_squeeze %dma_wait3A_296 : memref<1x128xi32, #tpu.memory_space<vmem>> -> memref<128xi32, #tpu.memory_space<vmem>>
            %dma_wait3A_298 = arith.constant 0 : i32
            %dma_wait3A_299 = arith.constant 0 : i32
            %dma_wait3A_300 = tpu.memref_slice %arg15[%dma_wait3A_298, %dma_wait3A_299] : memref<10240x64xf32, #tpu.memory_space<vmem_shared>> -> memref<10240x64xf32, #tpu.memory_space<vmem_shared>>
            tpu.wait_indirect_dma semaphore(%arg23 : memref<!tpu.dma_semaphore, #tpu.memory_space<semaphore_mem>>) src(%arg14 : memref<128x64xf32, #tpu.memory_space<vmem>>) dst(%dma_wait3A_300 : memref<10240x64xf32, #tpu.memory_space<vmem_shared>>)
            %dma_wait3A_301 = arith.constant 0 : i32
            %dma_wait3A_302 = tpu.memref_slice %arg10[%sub3A_294, %dma_wait3A_301] : memref<112x128xi32, #tpu.memory_space<vmem>> -> memref<1x128xi32, #tpu.memory_space<vmem>>
            %dma_wait3A_303 = tpu.memref_squeeze %dma_wait3A_302 : memref<1x128xi32, #tpu.memory_space<vmem>> -> memref<128xi32, #tpu.memory_space<vmem>>
            %dma_wait3A_304 = arith.constant 0 : i32
            %dma_wait3A_305 = arith.constant 0 : i32
            %dma_wait3A_306 = tpu.memref_slice %arg26[%dma_wait3A_304, %dma_wait3A_305] : memref<10240x16xf32, #tpu.memory_space<vmem_shared>> -> memref<10240x16xf32, #tpu.memory_space<vmem_shared>>
            tpu.wait_indirect_dma semaphore(%arg23 : memref<!tpu.dma_semaphore, #tpu.memory_space<semaphore_mem>>) src(%arg24 : memref<128x16xf32, #tpu.memory_space<vmem>>) dst(%dma_wait3A_306 : memref<10240x16xf32, #tpu.memory_space<vmem_shared>>)
          } else {
          }
          %add3A_286 = arith.constant 2 : i32
          %add3A_287 = arith.addi %add3A_197, %add3A_286 : i32
          %dma_start3A_288 = arith.constant 0 : i32
          %dma_start3A_289 = tpu.memref_slice %arg9[%add3A_287, %dma_start3A_288] : memref<112x128xi32, #tpu.memory_space<vmem>> -> memref<1x128xi32, #tpu.memory_space<vmem>>
          %dma_start3A_290 = tpu.memref_squeeze %dma_start3A_289 : memref<1x128xi32, #tpu.memory_space<vmem>> -> memref<128xi32, #tpu.memory_space<vmem>>
          %dma_start3A_291 = arith.constant 0 : i32
          %dma_start3A_292 = arith.constant 0 : i32
          %dma_start3A_293 = tpu.memref_slice %arg2[%dma_start3A_291, %dma_start3A_292] : memref<10000x64xf32, #tpu.memory_space<hbm>> -> memref<10000x64xf32, #tpu.memory_space<hbm>>
          tpu.enqueue_indirect_dma source(%dma_start3A_293 : memref<10000x64xf32, #tpu.memory_space<hbm>>) target(%arg14 : memref<128x64xf32, #tpu.memory_space<vmem>>) offsets(%dma_start3A_290 : memref<128xi32, #tpu.memory_space<vmem>>) semaphore(%arg19 : memref<!tpu.dma_semaphore, #tpu.memory_space<semaphore_mem>>)
        } else {
        }
        %mul3A_223 = arith.constant 4 : i32
        %mul3A_224 = arith.muli %mul3A_223, %scan3A_164 : i32
        %add3A_225 = arith.constant 2 : i32
        %add3A_226 = arith.addi %mul3A_224, %add3A_225 : i32
        %dma_wait3A_227 = arith.constant 0 : i32
        %dma_wait3A_228 = tpu.memref_slice %arg9[%add3A_226, %dma_wait3A_227] : memref<112x128xi32, #tpu.memory_space<vmem>> -> memref<1x128xi32, #tpu.memory_space<vmem>>
        %dma_wait3A_229 = tpu.memref_squeeze %dma_wait3A_228 : memref<1x128xi32, #tpu.memory_space<vmem>> -> memref<128xi32, #tpu.memory_space<vmem>>
        %dma_wait3A_230 = arith.constant 0 : i32
        %dma_wait3A_231 = arith.constant 0 : i32
        %dma_wait3A_232 = tpu.memref_slice %arg2[%dma_wait3A_230, %dma_wait3A_231] : memref<10000x64xf32, #tpu.memory_space<hbm>> -> memref<10000x64xf32, #tpu.memory_space<hbm>>
        tpu.wait_indirect_dma semaphore(%arg18 : memref<!tpu.dma_semaphore, #tpu.memory_space<semaphore_mem>>) src(%dma_wait3A_232 : memref<10000x64xf32, #tpu.memory_space<hbm>>) dst(%arg13 : memref<128x64xf32, #tpu.memory_space<vmem>>)
        %dma_start3A_233 = arith.constant 0 : i32
        %dma_start3A_234 = tpu.memref_slice %arg10[%add3A_226, %dma_start3A_233] : memref<112x128xi32, #tpu.memory_space<vmem>> -> memref<1x128xi32, #tpu.memory_space<vmem>>
        %dma_start3A_235 = tpu.memref_squeeze %dma_start3A_234 : memref<1x128xi32, #tpu.memory_space<vmem>> -> memref<128xi32, #tpu.memory_space<vmem>>
        %dma_start3A_236 = arith.constant 0 : i32
        %dma_start3A_237 = arith.constant 0 : i32
        %dma_start3A_238 = tpu.memref_slice %arg15[%dma_start3A_236, %dma_start3A_237] : memref<10240x64xf32, #tpu.memory_space<vmem_shared>> -> memref<10240x64xf32, #tpu.memory_space<vmem_shared>>
        tpu.enqueue_indirect_dma source(%arg13 : memref<128x64xf32, #tpu.memory_space<vmem>>) target(%dma_start3A_238 : memref<10240x64xf32, #tpu.memory_space<vmem_shared>>) offsets(%dma_start3A_235 : memref<128xi32, #tpu.memory_space<vmem>>) semaphore(%arg22 : memref<!tpu.dma_semaphore, #tpu.memory_space<semaphore_mem>>) {add = true}
        %dma_start3A_239 = arith.constant 0 : i32
        %dma_start3A_240 = tpu.memref_slice %arg10[%add3A_226, %dma_start3A_239] : memref<112x128xi32, #tpu.memory_space<vmem>> -> memref<1x128xi32, #tpu.memory_space<vmem>>
        %dma_start3A_241 = tpu.memref_squeeze %dma_start3A_240 : memref<1x128xi32, #tpu.memory_space<vmem>> -> memref<128xi32, #tpu.memory_space<vmem>>
        %dma_start3A_242 = arith.constant 0 : i32
        %dma_start3A_243 = arith.constant 0 : i32
        %dma_start3A_244 = tpu.memref_slice %arg26[%dma_start3A_242, %dma_start3A_243] : memref<10240x16xf32, #tpu.memory_space<vmem_shared>> -> memref<10240x16xf32, #tpu.memory_space<vmem_shared>>
        tpu.enqueue_indirect_dma source(%arg24 : memref<128x16xf32, #tpu.memory_space<vmem>>) target(%dma_start3A_244 : memref<10240x16xf32, #tpu.memory_space<vmem_shared>>) offsets(%dma_start3A_241 : memref<128xi32, #tpu.memory_space<vmem>>) semaphore(%arg22 : memref<!tpu.dma_semaphore, #tpu.memory_space<semaphore_mem>>) {add = true}
        %add3A_245 = arith.constant 2 : i32
        %add3A_246 = arith.addi %add3A_226, %add3A_245 : i32
        %lt3A_247 = arith.constant 112 : i32
        %lt3A_248 = arith.cmpi slt, %add3A_246, %lt3A_247 : i32
        %convert_element_type3A_249 = arith.extui %lt3A_248 : i1 to i32
        %cond3A_250 = arith.constant 0 : i32
        %cond3A_251 = arith.cmpi ne, %convert_element_type3A_249, %cond3A_250 : i32
        scf.if %cond3A_251 {
          %ge3A = arith.constant 2 : i32
          %ge3A_282 = arith.cmpi sge, %add3A_226, %ge3A : i32
          %convert_element_type3A_283 = arith.extui %ge3A_282 : i1 to i32
          %cond3A_284 = arith.constant 0 : i32
          %cond3A_285 = arith.cmpi ne, %convert_element_type3A_283, %cond3A_284 : i32
          scf.if %cond3A_285 {
            %sub3A = arith.constant 2 : i32
            %sub3A_294 = arith.subi %add3A_226, %sub3A : i32
            %dma_wait3A_295 = arith.constant 0 : i32
            %dma_wait3A_296 = tpu.memref_slice %arg10[%sub3A_294, %dma_wait3A_295] : memref<112x128xi32, #tpu.memory_space<vmem>> -> memref<1x128xi32, #tpu.memory_space<vmem>>
            %dma_wait3A_297 = tpu.memref_squeeze %dma_wait3A_296 : memref<1x128xi32, #tpu.memory_space<vmem>> -> memref<128xi32, #tpu.memory_space<vmem>>
            %dma_wait3A_298 = arith.constant 0 : i32
            %dma_wait3A_299 = arith.constant 0 : i32
            %dma_wait3A_300 = tpu.memref_slice %arg15[%dma_wait3A_298, %dma_wait3A_299] : memref<10240x64xf32, #tpu.memory_space<vmem_shared>> -> memref<10240x64xf32, #tpu.memory_space<vmem_shared>>
            tpu.wait_indirect_dma semaphore(%arg20 : memref<!tpu.dma_semaphore, #tpu.memory_space<semaphore_mem>>) src(%arg11 : memref<128x64xf32, #tpu.memory_space<vmem>>) dst(%dma_wait3A_300 : memref<10240x64xf32, #tpu.memory_space<vmem_shared>>)
            %dma_wait3A_301 = arith.constant 0 : i32
            %dma_wait3A_302 = tpu.memref_slice %arg10[%sub3A_294, %dma_wait3A_301] : memref<112x128xi32, #tpu.memory_space<vmem>> -> memref<1x128xi32, #tpu.memory_space<vmem>>
            %dma_wait3A_303 = tpu.memref_squeeze %dma_wait3A_302 : memref<1x128xi32, #tpu.memory_space<vmem>> -> memref<128xi32, #tpu.memory_space<vmem>>
            %dma_wait3A_304 = arith.constant 0 : i32
            %dma_wait3A_305 = arith.constant 0 : i32
            %dma_wait3A_306 = tpu.memref_slice %arg26[%dma_wait3A_304, %dma_wait3A_305] : memref<10240x16xf32, #tpu.memory_space<vmem_shared>> -> memref<10240x16xf32, #tpu.memory_space<vmem_shared>>
            tpu.wait_indirect_dma semaphore(%arg20 : memref<!tpu.dma_semaphore, #tpu.memory_space<semaphore_mem>>) src(%arg24 : memref<128x16xf32, #tpu.memory_space<vmem>>) dst(%dma_wait3A_306 : memref<10240x16xf32, #tpu.memory_space<vmem_shared>>)
          } else {
          }
          %add3A_286 = arith.constant 2 : i32
          %add3A_287 = arith.addi %add3A_226, %add3A_286 : i32
          %dma_start3A_288 = arith.constant 0 : i32
          %dma_start3A_289 = tpu.memref_slice %arg9[%add3A_287, %dma_start3A_288] : memref<112x128xi32, #tpu.memory_space<vmem>> -> memref<1x128xi32, #tpu.memory_space<vmem>>
          %dma_start3A_290 = tpu.memref_squeeze %dma_start3A_289 : memref<1x128xi32, #tpu.memory_space<vmem>> -> memref<128xi32, #tpu.memory_space<vmem>>
          %dma_start3A_291 = arith.constant 0 : i32
          %dma_start3A_292 = arith.constant 0 : i32
          %dma_start3A_293 = tpu.memref_slice %arg2[%dma_start3A_291, %dma_start3A_292] : memref<10000x64xf32, #tpu.memory_space<hbm>> -> memref<10000x64xf32, #tpu.memory_space<hbm>>
          tpu.enqueue_indirect_dma source(%dma_start3A_293 : memref<10000x64xf32, #tpu.memory_space<hbm>>) target(%arg11 : memref<128x64xf32, #tpu.memory_space<vmem>>) offsets(%dma_start3A_290 : memref<128xi32, #tpu.memory_space<vmem>>) semaphore(%arg16 : memref<!tpu.dma_semaphore, #tpu.memory_space<semaphore_mem>>)
        } else {
        }
        %mul3A_252 = arith.constant 4 : i32
        %mul3A_253 = arith.muli %mul3A_252, %scan3A_164 : i32
        %add3A_254 = arith.constant 3 : i32
        %add3A_255 = arith.addi %mul3A_253, %add3A_254 : i32
        %dma_wait3A_256 = arith.constant 0 : i32
        %dma_wait3A_257 = tpu.memref_slice %arg9[%add3A_255, %dma_wait3A_256] : memref<112x128xi32, #tpu.memory_space<vmem>> -> memref<1x128xi32, #tpu.memory_space<vmem>>
        %dma_wait3A_258 = tpu.memref_squeeze %dma_wait3A_257 : memref<1x128xi32, #tpu.memory_space<vmem>> -> memref<128xi32, #tpu.memory_space<vmem>>
        %dma_wait3A_259 = arith.constant 0 : i32
        %dma_wait3A_260 = arith.constant 0 : i32
        %dma_wait3A_261 = tpu.memref_slice %arg2[%dma_wait3A_259, %dma_wait3A_260] : memref<10000x64xf32, #tpu.memory_space<hbm>> -> memref<10000x64xf32, #tpu.memory_space<hbm>>
        tpu.wait_indirect_dma semaphore(%arg19 : memref<!tpu.dma_semaphore, #tpu.memory_space<semaphore_mem>>) src(%dma_wait3A_261 : memref<10000x64xf32, #tpu.memory_space<hbm>>) dst(%arg14 : memref<128x64xf32, #tpu.memory_space<vmem>>)
        %dma_start3A_262 = arith.constant 0 : i32
        %dma_start3A_263 = tpu.memref_slice %arg10[%add3A_255, %dma_start3A_262] : memref<112x128xi32, #tpu.memory_space<vmem>> -> memref<1x128xi32, #tpu.memory_space<vmem>>
        %dma_start3A_264 = tpu.memref_squeeze %dma_start3A_263 : memref<1x128xi32, #tpu.memory_space<vmem>> -> memref<128xi32, #tpu.memory_space<vmem>>
        %dma_start3A_265 = arith.constant 0 : i32
        %dma_start3A_266 = arith.constant 0 : i32
        %dma_start3A_267 = tpu.memref_slice %arg15[%dma_start3A_265, %dma_start3A_266] : memref<10240x64xf32, #tpu.memory_space<vmem_shared>> -> memref<10240x64xf32, #tpu.memory_space<vmem_shared>>
        tpu.enqueue_indirect_dma source(%arg14 : memref<128x64xf32, #tpu.memory_space<vmem>>) target(%dma_start3A_267 : memref<10240x64xf32, #tpu.memory_space<vmem_shared>>) offsets(%dma_start3A_264 : memref<128xi32, #tpu.memory_space<vmem>>) semaphore(%arg23 : memref<!tpu.dma_semaphore, #tpu.memory_space<semaphore_mem>>) {add = true}
        %dma_start3A_268 = arith.constant 0 : i32
        %dma_start3A_269 = tpu.memref_slice %arg10[%add3A_255, %dma_start3A_268] : memref<112x128xi32, #tpu.memory_space<vmem>> -> memref<1x128xi32, #tpu.memory_space<vmem>>
        %dma_start3A_270 = tpu.memref_squeeze %dma_start3A_269 : memref<1x128xi32, #tpu.memory_space<vmem>> -> memref<128xi32, #tpu.memory_space<vmem>>
        %dma_start3A_271 = arith.constant 0 : i32
        %dma_start3A_272 = arith.constant 0 : i32
        %dma_start3A_273 = tpu.memref_slice %arg26[%dma_start3A_271, %dma_start3A_272] : memref<10240x16xf32, #tpu.memory_space<vmem_shared>> -> memref<10240x16xf32, #tpu.memory_space<vmem_shared>>
        tpu.enqueue_indirect_dma source(%arg24 : memref<128x16xf32, #tpu.memory_space<vmem>>) target(%dma_start3A_273 : memref<10240x16xf32, #tpu.memory_space<vmem_shared>>) offsets(%dma_start3A_270 : memref<128xi32, #tpu.memory_space<vmem>>) semaphore(%arg23 : memref<!tpu.dma_semaphore, #tpu.memory_space<semaphore_mem>>) {add = true}
        %add3A_274 = arith.constant 2 : i32
        %add3A_275 = arith.addi %add3A_255, %add3A_274 : i32
        %lt3A_276 = arith.constant 112 : i32
        %lt3A_277 = arith.cmpi slt, %add3A_275, %lt3A_276 : i32
        %convert_element_type3A_278 = arith.extui %lt3A_277 : i1 to i32
        %cond3A_279 = arith.constant 0 : i32
        %cond3A_280 = arith.cmpi ne, %convert_element_type3A_278, %cond3A_279 : i32
        scf.if %cond3A_280 {
          %ge3A = arith.constant 2 : i32
          %ge3A_282 = arith.cmpi sge, %add3A_255, %ge3A : i32
          %convert_element_type3A_283 = arith.extui %ge3A_282 : i1 to i32
          %cond3A_284 = arith.constant 0 : i32
          %cond3A_285 = arith.cmpi ne, %convert_element_type3A_283, %cond3A_284 : i32
          scf.if %cond3A_285 {
            %sub3A = arith.constant 2 : i32
            %sub3A_294 = arith.subi %add3A_255, %sub3A : i32
            %dma_wait3A_295 = arith.constant 0 : i32
            %dma_wait3A_296 = tpu.memref_slice %arg10[%sub3A_294, %dma_wait3A_295] : memref<112x128xi32, #tpu.memory_space<vmem>> -> memref<1x128xi32, #tpu.memory_space<vmem>>
            %dma_wait3A_297 = tpu.memref_squeeze %dma_wait3A_296 : memref<1x128xi32, #tpu.memory_space<vmem>> -> memref<128xi32, #tpu.memory_space<vmem>>
            %dma_wait3A_298 = arith.constant 0 : i32
            %dma_wait3A_299 = arith.constant 0 : i32
            %dma_wait3A_300 = tpu.memref_slice %arg15[%dma_wait3A_298, %dma_wait3A_299] : memref<10240x64xf32, #tpu.memory_space<vmem_shared>> -> memref<10240x64xf32, #tpu.memory_space<vmem_shared>>
            tpu.wait_indirect_dma semaphore(%arg21 : memref<!tpu.dma_semaphore, #tpu.memory_space<semaphore_mem>>) src(%arg12 : memref<128x64xf32, #tpu.memory_space<vmem>>) dst(%dma_wait3A_300 : memref<10240x64xf32, #tpu.memory_space<vmem_shared>>)
            %dma_wait3A_301 = arith.constant 0 : i32
            %dma_wait3A_302 = tpu.memref_slice %arg10[%sub3A_294, %dma_wait3A_301] : memref<112x128xi32, #tpu.memory_space<vmem>> -> memref<1x128xi32, #tpu.memory_space<vmem>>
            %dma_wait3A_303 = tpu.memref_squeeze %dma_wait3A_302 : memref<1x128xi32, #tpu.memory_space<vmem>> -> memref<128xi32, #tpu.memory_space<vmem>>
            %dma_wait3A_304 = arith.constant 0 : i32
            %dma_wait3A_305 = arith.constant 0 : i32
            %dma_wait3A_306 = tpu.memref_slice %arg26[%dma_wait3A_304, %dma_wait3A_305] : memref<10240x16xf32, #tpu.memory_space<vmem_shared>> -> memref<10240x16xf32, #tpu.memory_space<vmem_shared>>
            tpu.wait_indirect_dma semaphore(%arg21 : memref<!tpu.dma_semaphore, #tpu.memory_space<semaphore_mem>>) src(%arg24 : memref<128x16xf32, #tpu.memory_space<vmem>>) dst(%dma_wait3A_306 : memref<10240x16xf32, #tpu.memory_space<vmem_shared>>)
          } else {
          }
          %add3A_286 = arith.constant 2 : i32
          %add3A_287 = arith.addi %add3A_255, %add3A_286 : i32
          %dma_start3A_288 = arith.constant 0 : i32
          %dma_start3A_289 = tpu.memref_slice %arg9[%add3A_287, %dma_start3A_288] : memref<112x128xi32, #tpu.memory_space<vmem>> -> memref<1x128xi32, #tpu.memory_space<vmem>>
          %dma_start3A_290 = tpu.memref_squeeze %dma_start3A_289 : memref<1x128xi32, #tpu.memory_space<vmem>> -> memref<128xi32, #tpu.memory_space<vmem>>
          %dma_start3A_291 = arith.constant 0 : i32
          %dma_start3A_292 = arith.constant 0 : i32
          %dma_start3A_293 = tpu.memref_slice %arg2[%dma_start3A_291, %dma_start3A_292] : memref<10000x64xf32, #tpu.memory_space<hbm>> -> memref<10000x64xf32, #tpu.memory_space<hbm>>
          tpu.enqueue_indirect_dma source(%dma_start3A_293 : memref<10000x64xf32, #tpu.memory_space<hbm>>) target(%arg12 : memref<128x64xf32, #tpu.memory_space<vmem>>) offsets(%dma_start3A_290 : memref<128xi32, #tpu.memory_space<vmem>>) semaphore(%arg17 : memref<!tpu.dma_semaphore, #tpu.memory_space<semaphore_mem>>)
        } else {
        }
        %scan3A_281 = arith.constant 0 : i32
        scf.yield %scan3A_281 : i32
      }
      %scan3A_108 = arith.constant 28 : i32
      %dma_wait3A = arith.constant 108 : i32
      %dma_wait3A_109 = arith.constant 0 : i32
      %dma_wait3A_110 = tpu.memref_slice %arg10[%dma_wait3A, %dma_wait3A_109] : memref<112x128xi32, #tpu.memory_space<vmem>> -> memref<1x128xi32, #tpu.memory_space<vmem>>
      %dma_wait3A_111 = tpu.memref_squeeze %dma_wait3A_110 : memref<1x128xi32, #tpu.memory_space<vmem>> -> memref<128xi32, #tpu.memory_space<vmem>>
      %dma_wait3A_112 = arith.constant 0 : i32
      %dma_wait3A_113 = arith.constant 0 : i32
      %dma_wait3A_114 = tpu.memref_slice %arg15[%dma_wait3A_112, %dma_wait3A_113] : memref<10240x64xf32, #tpu.memory_space<vmem_shared>> -> memref<10240x64xf32, #tpu.memory_space<vmem_shared>>
      tpu.wait_indirect_dma semaphore(%arg20 : memref<!tpu.dma_semaphore, #tpu.memory_space<semaphore_mem>>) src(%arg11 : memref<128x64xf32, #tpu.memory_space<vmem>>) dst(%dma_wait3A_114 : memref<10240x64xf32, #tpu.memory_space<vmem_shared>>)
      %dma_wait3A_115 = arith.constant 108 : i32
      %dma_wait3A_116 = arith.constant 0 : i32
      %dma_wait3A_117 = tpu.memref_slice %arg10[%dma_wait3A_115, %dma_wait3A_116] : memref<112x128xi32, #tpu.memory_space<vmem>> -> memref<1x128xi32, #tpu.memory_space<vmem>>
      %dma_wait3A_118 = tpu.memref_squeeze %dma_wait3A_117 : memref<1x128xi32, #tpu.memory_space<vmem>> -> memref<128xi32, #tpu.memory_space<vmem>>
      %dma_wait3A_119 = arith.constant 0 : i32
      %dma_wait3A_120 = arith.constant 0 : i32
      %dma_wait3A_121 = tpu.memref_slice %arg26[%dma_wait3A_119, %dma_wait3A_120] : memref<10240x16xf32, #tpu.memory_space<vmem_shared>> -> memref<10240x16xf32, #tpu.memory_space<vmem_shared>>
      tpu.wait_indirect_dma semaphore(%arg20 : memref<!tpu.dma_semaphore, #tpu.memory_space<semaphore_mem>>) src(%arg24 : memref<128x16xf32, #tpu.memory_space<vmem>>) dst(%dma_wait3A_121 : memref<10240x16xf32, #tpu.memory_space<vmem_shared>>)
      %dma_wait3A_122 = arith.constant 109 : i32
      %dma_wait3A_123 = arith.constant 0 : i32
      %dma_wait3A_124 = tpu.memref_slice %arg10[%dma_wait3A_122, %dma_wait3A_123] : memref<112x128xi32, #tpu.memory_space<vmem>> -> memref<1x128xi32, #tpu.memory_space<vmem>>
      %dma_wait3A_125 = tpu.memref_squeeze %dma_wait3A_124 : memref<1x128xi32, #tpu.memory_space<vmem>> -> memref<128xi32, #tpu.memory_space<vmem>>
      %dma_wait3A_126 = arith.constant 0 : i32
      %dma_wait3A_127 = arith.constant 0 : i32
      %dma_wait3A_128 = tpu.memref_slice %arg15[%dma_wait3A_126, %dma_wait3A_127] : memref<10240x64xf32, #tpu.memory_space<vmem_shared>> -> memref<10240x64xf32, #tpu.memory_space<vmem_shared>>
      tpu.wait_indirect_dma semaphore(%arg21 : memref<!tpu.dma_semaphore, #tpu.memory_space<semaphore_mem>>) src(%arg12 : memref<128x64xf32, #tpu.memory_space<vmem>>) dst(%dma_wait3A_128 : memref<10240x64xf32, #tpu.memory_space<vmem_shared>>)
      %dma_wait3A_129 = arith.constant 109 : i32
      %dma_wait3A_130 = arith.constant 0 : i32
      %dma_wait3A_131 = tpu.memref_slice %arg10[%dma_wait3A_129, %dma_wait3A_130] : memref<112x128xi32, #tpu.memory_space<vmem>> -> memref<1x128xi32, #tpu.memory_space<vmem>>
      %dma_wait3A_132 = tpu.memref_squeeze %dma_wait3A_131 : memref<1x128xi32, #tpu.memory_space<vmem>> -> memref<128xi32, #tpu.memory_space<vmem>>
      %dma_wait3A_133 = arith.constant 0 : i32
      %dma_wait3A_134 = arith.constant 0 : i32
      %dma_wait3A_135 = tpu.memref_slice %arg26[%dma_wait3A_133, %dma_wait3A_134] : memref<10240x16xf32, #tpu.memory_space<vmem_shared>> -> memref<10240x16xf32, #tpu.memory_space<vmem_shared>>
      tpu.wait_indirect_dma semaphore(%arg21 : memref<!tpu.dma_semaphore, #tpu.memory_space<semaphore_mem>>) src(%arg24 : memref<128x16xf32, #tpu.memory_space<vmem>>) dst(%dma_wait3A_135 : memref<10240x16xf32, #tpu.memory_space<vmem_shared>>)
      %dma_wait3A_136 = arith.constant 110 : i32
      %dma_wait3A_137 = arith.constant 0 : i32
      %dma_wait3A_138 = tpu.memref_slice %arg10[%dma_wait3A_136, %dma_wait3A_137] : memref<112x128xi32, #tpu.memory_space<vmem>> -> memref<1x128xi32, #tpu.memory_space<vmem>>
      %dma_wait3A_139 = tpu.memref_squeeze %dma_wait3A_138 : memref<1x128xi32, #tpu.memory_space<vmem>> -> memref<128xi32, #tpu.memory_space<vmem>>
      %dma_wait3A_140 = arith.constant 0 : i32
      %dma_wait3A_141 = arith.constant 0 : i32
      %dma_wait3A_142 = tpu.memref_slice %arg15[%dma_wait3A_140, %dma_wait3A_141] : memref<10240x64xf32, #tpu.memory_space<vmem_shared>> -> memref<10240x64xf32, #tpu.memory_space<vmem_shared>>
      tpu.wait_indirect_dma semaphore(%arg22 : memref<!tpu.dma_semaphore, #tpu.memory_space<semaphore_mem>>) src(%arg13 : memref<128x64xf32, #tpu.memory_space<vmem>>) dst(%dma_wait3A_142 : memref<10240x64xf32, #tpu.memory_space<vmem_shared>>)
      %dma_wait3A_143 = arith.constant 110 : i32
      %dma_wait3A_144 = arith.constant 0 : i32
      %dma_wait3A_145 = tpu.memref_slice %arg10[%dma_wait3A_143, %dma_wait3A_144] : memref<112x128xi32, #tpu.memory_space<vmem>> -> memref<1x128xi32, #tpu.memory_space<vmem>>
      %dma_wait3A_146 = tpu.memref_squeeze %dma_wait3A_145 : memref<1x128xi32, #tpu.memory_space<vmem>> -> memref<128xi32, #tpu.memory_space<vmem>>
      %dma_wait3A_147 = arith.constant 0 : i32
      %dma_wait3A_148 = arith.constant 0 : i32
      %dma_wait3A_149 = tpu.memref_slice %arg26[%dma_wait3A_147, %dma_wait3A_148] : memref<10240x16xf32, #tpu.memory_space<vmem_shared>> -> memref<10240x16xf32, #tpu.memory_space<vmem_shared>>
      tpu.wait_indirect_dma semaphore(%arg22 : memref<!tpu.dma_semaphore, #tpu.memory_space<semaphore_mem>>) src(%arg24 : memref<128x16xf32, #tpu.memory_space<vmem>>) dst(%dma_wait3A_149 : memref<10240x16xf32, #tpu.memory_space<vmem_shared>>)
      %dma_wait3A_150 = arith.constant 111 : i32
      %dma_wait3A_151 = arith.constant 0 : i32
      %dma_wait3A_152 = tpu.memref_slice %arg10[%dma_wait3A_150, %dma_wait3A_151] : memref<112x128xi32, #tpu.memory_space<vmem>> -> memref<1x128xi32, #tpu.memory_space<vmem>>
      %dma_wait3A_153 = tpu.memref_squeeze %dma_wait3A_152 : memref<1x128xi32, #tpu.memory_space<vmem>> -> memref<128xi32, #tpu.memory_space<vmem>>
      %dma_wait3A_154 = arith.constant 0 : i32
      %dma_wait3A_155 = arith.constant 0 : i32
      %dma_wait3A_156 = tpu.memref_slice %arg15[%dma_wait3A_154, %dma_wait3A_155] : memref<10240x64xf32, #tpu.memory_space<vmem_shared>> -> memref<10240x64xf32, #tpu.memory_space<vmem_shared>>
      tpu.wait_indirect_dma semaphore(%arg23 : memref<!tpu.dma_semaphore, #tpu.memory_space<semaphore_mem>>) src(%arg14 : memref<128x64xf32, #tpu.memory_space<vmem>>) dst(%dma_wait3A_156 : memref<10240x64xf32, #tpu.memory_space<vmem_shared>>)
      %dma_wait3A_157 = arith.constant 111 : i32
      %dma_wait3A_158 = arith.constant 0 : i32
      %dma_wait3A_159 = tpu.memref_slice %arg10[%dma_wait3A_157, %dma_wait3A_158] : memref<112x128xi32, #tpu.memory_space<vmem>> -> memref<1x128xi32, #tpu.memory_space<vmem>>
      %dma_wait3A_160 = tpu.memref_squeeze %dma_wait3A_159 : memref<1x128xi32, #tpu.memory_space<vmem>> -> memref<128xi32, #tpu.memory_space<vmem>>
      %dma_wait3A_161 = arith.constant 0 : i32
      %dma_wait3A_162 = arith.constant 0 : i32
      %dma_wait3A_163 = tpu.memref_slice %arg26[%dma_wait3A_161, %dma_wait3A_162] : memref<10240x16xf32, #tpu.memory_space<vmem_shared>> -> memref<10240x16xf32, #tpu.memory_space<vmem_shared>>
      tpu.wait_indirect_dma semaphore(%arg23 : memref<!tpu.dma_semaphore, #tpu.memory_space<semaphore_mem>>) src(%arg24 : memref<128x16xf32, #tpu.memory_space<vmem>>) dst(%dma_wait3A_163 : memref<10240x16xf32, #tpu.memory_space<vmem_shared>>)
    } else {
    }
    %barrier3A_80 = arith.constant 0 : index
    tpu.barrier barrier_id(%barrier3A_80)
    %mul3A_81 = arith.constant 640 : i32
    %mul3A_82 = arith.muli %arg1, %mul3A_81 : i32
    %mul3A_83 = arith.constant 640 : i32
    %mul3A_84 = arith.muli %arg1, %mul3A_83 : i32
    "tpu.region"() ({
      %run_scoped3A = tpu.sem_alloc : memref<!tpu.dma_semaphore, #tpu.memory_space<semaphore_mem>>
      %dma_start3A = arith.constant 0 : i32
      %dma_start3A_89 = tpu.memref_slice %arg7[%arg0, %mul3A_84, %dma_start3A] : memref<2x10240x64xf32, #tpu.memory_space<hbm>> -> memref<1x640x64xf32, #tpu.memory_space<hbm>>
      %dma_start3A_90 = tpu.memref_squeeze %dma_start3A_89 : memref<1x640x64xf32, #tpu.memory_space<hbm>> -> memref<640x64xf32, #tpu.memory_space<hbm>>
      %dma_start3A_91 = arith.constant 0 : i32
      %dma_start3A_92 = tpu.memref_slice %arg15[%mul3A_82, %dma_start3A_91] : memref<10240x64xf32, #tpu.memory_space<vmem_shared>> -> memref<640x64xf32, #tpu.memory_space<vmem_shared>>
      tpu.enqueue_dma source(%dma_start3A_92 : memref<640x64xf32, #tpu.memory_space<vmem_shared>>) target(%dma_start3A_90 : memref<640x64xf32, #tpu.memory_space<hbm>>) target_semaphore(%run_scoped3A : memref<!tpu.dma_semaphore, #tpu.memory_space<semaphore_mem>>)
      %dma_wait3A = arith.constant 0 : i32
      %dma_wait3A_93 = tpu.memref_slice %arg7[%arg0, %mul3A_84, %dma_wait3A] : memref<2x10240x64xf32, #tpu.memory_space<hbm>> -> memref<1x640x64xf32, #tpu.memory_space<hbm>>
      %dma_wait3A_94 = tpu.memref_squeeze %dma_wait3A_93 : memref<1x640x64xf32, #tpu.memory_space<hbm>> -> memref<640x64xf32, #tpu.memory_space<hbm>>
      %dma_wait3A_95 = arith.constant 0 : i32
      %dma_wait3A_96 = tpu.memref_slice %arg15[%mul3A_82, %dma_wait3A_95] : memref<10240x64xf32, #tpu.memory_space<vmem_shared>> -> memref<640x64xf32, #tpu.memory_space<vmem_shared>>
      tpu.wait_dma2 semaphore(%run_scoped3A : memref<!tpu.dma_semaphore, #tpu.memory_space<semaphore_mem>>) src(%dma_wait3A_96 : memref<640x64xf32, #tpu.memory_space<vmem_shared>>) dst(%dma_wait3A_94 : memref<640x64xf32, #tpu.memory_space<hbm>>)
      tpu.yield
    }) : () -> ()
    %mul3A_85 = arith.constant 640 : i32
    %mul3A_86 = arith.muli %arg1, %mul3A_85 : i32
    %mul3A_87 = arith.constant 640 : i32
    %mul3A_88 = arith.muli %arg1, %mul3A_87 : i32
    "tpu.region"() ({
      %run_scoped3A = tpu.sem_alloc : memref<!tpu.dma_semaphore, #tpu.memory_space<semaphore_mem>>
      %dma_start3A = arith.constant 0 : i32
      %dma_start3A_89 = tpu.memref_slice %arg8[%arg0, %mul3A_88, %dma_start3A] : memref<2x10240x16xf32, #tpu.memory_space<hbm>> -> memref<1x640x16xf32, #tpu.memory_space<hbm>>
      %dma_start3A_90 = tpu.memref_squeeze %dma_start3A_89 : memref<1x640x16xf32, #tpu.memory_space<hbm>> -> memref<640x16xf32, #tpu.memory_space<hbm>>
      %dma_start3A_91 = arith.constant 0 : i32
      %dma_start3A_92 = tpu.memref_slice %arg26[%mul3A_86, %dma_start3A_91] : memref<10240x16xf32, #tpu.memory_space<vmem_shared>> -> memref<640x16xf32, #tpu.memory_space<vmem_shared>>
      tpu.enqueue_dma source(%dma_start3A_92 : memref<640x16xf32, #tpu.memory_space<vmem_shared>>) target(%dma_start3A_90 : memref<640x16xf32, #tpu.memory_space<hbm>>) target_semaphore(%run_scoped3A : memref<!tpu.dma_semaphore, #tpu.memory_space<semaphore_mem>>)
      %dma_wait3A = arith.constant 0 : i32
      %dma_wait3A_93 = tpu.memref_slice %arg8[%arg0, %mul3A_88, %dma_wait3A] : memref<2x10240x16xf32, #tpu.memory_space<hbm>> -> memref<1x640x16xf32, #tpu.memory_space<hbm>>
      %dma_wait3A_94 = tpu.memref_squeeze %dma_wait3A_93 : memref<1x640x16xf32, #tpu.memory_space<hbm>> -> memref<640x16xf32, #tpu.memory_space<hbm>>
      %dma_wait3A_95 = arith.constant 0 : i32
      %dma_wait3A_96 = tpu.memref_slice %arg26[%mul3A_86, %dma_wait3A_95] : memref<10240x16xf32, #tpu.memory_space<vmem_shared>> -> memref<640x16xf32, #tpu.memory_space<vmem_shared>>
      tpu.wait_dma2 semaphore(%run_scoped3A : memref<!tpu.dma_semaphore, #tpu.memory_space<semaphore_mem>>) src(%dma_wait3A_96 : memref<640x16xf32, #tpu.memory_space<vmem_shared>>) dst(%dma_wait3A_94 : memref<640x16xf32, #tpu.memory_space<hbm>>)
      tpu.yield
    }) : () -> ()
    return
  }
}

#map = affine_map<(d0, d1) -> (0, 0)>
#map1 = affine_map<(d0, d1) -> (0, 0, 0)>
module attributes {stable_mosaic.version = 14 : i64} {
  func.func @body(%arg0: i32, %arg1: i32, %arg2: memref<10000x32xf32, #tpu.memory_space<hbm>>, %arg3: memref<16x60x128xi32, #tpu.memory_space<hbm>>, %arg4: memref<16x60x128xi32, #tpu.memory_space<hbm>>, %arg5: memref<16x100x128xi32, #tpu.memory_space<hbm>>, %arg6: memref<16x100x128xi32, #tpu.memory_space<hbm>>, %arg7: memref<2x10240x32xf32, #tpu.memory_space<hbm>>, %arg8: memref<100x128xi32, #tpu.memory_space<vmem>>, %arg9: memref<100x128xi32, #tpu.memory_space<vmem>>, %arg10: memref<128x32xf32, #tpu.memory_space<vmem>>, %arg11: memref<128x32xf32, #tpu.memory_space<vmem>>, %arg12: memref<128x32xf32, #tpu.memory_space<vmem>>, %arg13: memref<128x32xf32, #tpu.memory_space<vmem>>, %arg14: memref<10240x32xf32, #tpu.memory_space<vmem_shared>>, %arg15: memref<!tpu.dma_semaphore, #tpu.memory_space<semaphore_mem>>, %arg16: memref<!tpu.dma_semaphore, #tpu.memory_space<semaphore_mem>>, %arg17: memref<!tpu.dma_semaphore, #tpu.memory_space<semaphore_mem>>, %arg18: memref<!tpu.dma_semaphore, #tpu.memory_space<semaphore_mem>>, %arg19: memref<!tpu.dma_semaphore, #tpu.memory_space<semaphore_mem>>, %arg20: memref<!tpu.dma_semaphore, #tpu.memory_space<semaphore_mem>>, %arg21: memref<!tpu.dma_semaphore, #tpu.memory_space<semaphore_mem>>, %arg22: memref<!tpu.dma_semaphore, #tpu.memory_space<semaphore_mem>>) attributes {dimension_semantics = [#tpu.dimension_semantics<core_parallel>, #tpu.dimension_semantics<subcore_parallel>], iteration_bounds = array<i64: 2, 16>, scalar_prefetch = 0 : i64, scratch_operands = 15 : i64, tpu.core_type = #tpu.core_type<sc_vector_subcore>, window_params = [{transform_indices = #map}, {transform_indices = #map1}, {transform_indices = #map1}, {transform_indices = #map1}, {transform_indices = #map1}, {transform_indices = #map1}]} {
    %eq3A = arith.constant 0 : i32
    %eq3A_0 = arith.cmpi eq, %arg0, %eq3A : i32
    %convert_element_type3A = arith.extui %eq3A_0 : i1 to i32
    %cond3A = arith.constant 0 : i32
    %cond3A_1 = arith.cmpi ne, %convert_element_type3A, %cond3A : i32
    scf.if %cond3A_1 {
      "tpu.region"() ({
        %run_scoped3A = tpu.sem_alloc : memref<!tpu.dma_semaphore, #tpu.memory_space<semaphore_mem>>
        %dma_start3A = arith.constant 0 : i32
        %dma_start3A_47 = arith.constant 0 : i32
        %dma_start3A_48 = tpu.memref_slice %arg8[%dma_start3A, %dma_start3A_47] : memref<100x128xi32, #tpu.memory_space<vmem>> -> memref<60x128xi32, #tpu.memory_space<vmem>>
        %dma_start3A_49 = arith.constant 0 : i32
        %dma_start3A_50 = arith.constant 0 : i32
        %dma_start3A_51 = tpu.memref_slice %arg3[%arg1, %dma_start3A_49, %dma_start3A_50] : memref<16x60x128xi32, #tpu.memory_space<hbm>> -> memref<1x60x128xi32, #tpu.memory_space<hbm>>
        %dma_start3A_52 = tpu.memref_squeeze %dma_start3A_51 : memref<1x60x128xi32, #tpu.memory_space<hbm>> -> memref<60x128xi32, #tpu.memory_space<hbm>>
        %dma_start3A_53 = arith.constant 0 : i32
        %dma_start3A_54 = arith.constant 0 : i32
        %dma_start3A_55 = tpu.memref_slice %arg8[%dma_start3A_53, %dma_start3A_54] : memref<100x128xi32, #tpu.memory_space<vmem>> -> memref<60x128xi32, #tpu.memory_space<vmem>>
        %dma_start3A_56 = arith.constant 0 : i32
        %dma_start3A_57 = arith.constant 0 : i32
        %dma_start3A_58 = tpu.memref_slice %arg3[%arg1, %dma_start3A_56, %dma_start3A_57] : memref<16x60x128xi32, #tpu.memory_space<hbm>> -> memref<1x60x128xi32, #tpu.memory_space<hbm>>
        %dma_start3A_59 = tpu.memref_squeeze %dma_start3A_58 : memref<1x60x128xi32, #tpu.memory_space<hbm>> -> memref<60x128xi32, #tpu.memory_space<hbm>>
        tpu.enqueue_dma source(%dma_start3A_59 : memref<60x128xi32, #tpu.memory_space<hbm>>) target(%dma_start3A_55 : memref<60x128xi32, #tpu.memory_space<vmem>>) target_semaphore(%run_scoped3A : memref<!tpu.dma_semaphore, #tpu.memory_space<semaphore_mem>>)
        %dma_wait3A = arith.constant 0 : i32
        %dma_wait3A_60 = arith.constant 0 : i32
        %dma_wait3A_61 = tpu.memref_slice %arg8[%dma_wait3A, %dma_wait3A_60] : memref<100x128xi32, #tpu.memory_space<vmem>> -> memref<60x128xi32, #tpu.memory_space<vmem>>
        %dma_wait3A_62 = arith.constant 0 : i32
        %dma_wait3A_63 = arith.constant 0 : i32
        %dma_wait3A_64 = tpu.memref_slice %arg3[%arg1, %dma_wait3A_62, %dma_wait3A_63] : memref<16x60x128xi32, #tpu.memory_space<hbm>> -> memref<1x60x128xi32, #tpu.memory_space<hbm>>
        %dma_wait3A_65 = tpu.memref_squeeze %dma_wait3A_64 : memref<1x60x128xi32, #tpu.memory_space<hbm>> -> memref<60x128xi32, #tpu.memory_space<hbm>>
        %dma_wait3A_66 = arith.constant 0 : i32
        %dma_wait3A_67 = arith.constant 0 : i32
        %dma_wait3A_68 = tpu.memref_slice %arg8[%dma_wait3A_66, %dma_wait3A_67] : memref<100x128xi32, #tpu.memory_space<vmem>> -> memref<60x128xi32, #tpu.memory_space<vmem>>
        %dma_wait3A_69 = arith.constant 0 : i32
        %dma_wait3A_70 = arith.constant 0 : i32
        %dma_wait3A_71 = tpu.memref_slice %arg3[%arg1, %dma_wait3A_69, %dma_wait3A_70] : memref<16x60x128xi32, #tpu.memory_space<hbm>> -> memref<1x60x128xi32, #tpu.memory_space<hbm>>
        %dma_wait3A_72 = tpu.memref_squeeze %dma_wait3A_71 : memref<1x60x128xi32, #tpu.memory_space<hbm>> -> memref<60x128xi32, #tpu.memory_space<hbm>>
        tpu.wait_dma2 semaphore(%run_scoped3A : memref<!tpu.dma_semaphore, #tpu.memory_space<semaphore_mem>>) src(%dma_wait3A_72 : memref<60x128xi32, #tpu.memory_space<hbm>>) dst(%dma_wait3A_68 : memref<60x128xi32, #tpu.memory_space<vmem>>)
        tpu.yield
      }) : () -> ()
      "tpu.region"() ({
        %run_scoped3A = tpu.sem_alloc : memref<!tpu.dma_semaphore, #tpu.memory_space<semaphore_mem>>
        %dma_start3A = arith.constant 0 : i32
        %dma_start3A_47 = arith.constant 0 : i32
        %dma_start3A_48 = tpu.memref_slice %arg9[%dma_start3A, %dma_start3A_47] : memref<100x128xi32, #tpu.memory_space<vmem>> -> memref<60x128xi32, #tpu.memory_space<vmem>>
        %dma_start3A_49 = arith.constant 0 : i32
        %dma_start3A_50 = arith.constant 0 : i32
        %dma_start3A_51 = tpu.memref_slice %arg4[%arg1, %dma_start3A_49, %dma_start3A_50] : memref<16x60x128xi32, #tpu.memory_space<hbm>> -> memref<1x60x128xi32, #tpu.memory_space<hbm>>
        %dma_start3A_52 = tpu.memref_squeeze %dma_start3A_51 : memref<1x60x128xi32, #tpu.memory_space<hbm>> -> memref<60x128xi32, #tpu.memory_space<hbm>>
        %dma_start3A_53 = arith.constant 0 : i32
        %dma_start3A_54 = arith.constant 0 : i32
        %dma_start3A_55 = tpu.memref_slice %arg9[%dma_start3A_53, %dma_start3A_54] : memref<100x128xi32, #tpu.memory_space<vmem>> -> memref<60x128xi32, #tpu.memory_space<vmem>>
        %dma_start3A_56 = arith.constant 0 : i32
        %dma_start3A_57 = arith.constant 0 : i32
        %dma_start3A_58 = tpu.memref_slice %arg4[%arg1, %dma_start3A_56, %dma_start3A_57] : memref<16x60x128xi32, #tpu.memory_space<hbm>> -> memref<1x60x128xi32, #tpu.memory_space<hbm>>
        %dma_start3A_59 = tpu.memref_squeeze %dma_start3A_58 : memref<1x60x128xi32, #tpu.memory_space<hbm>> -> memref<60x128xi32, #tpu.memory_space<hbm>>
        tpu.enqueue_dma source(%dma_start3A_59 : memref<60x128xi32, #tpu.memory_space<hbm>>) target(%dma_start3A_55 : memref<60x128xi32, #tpu.memory_space<vmem>>) target_semaphore(%run_scoped3A : memref<!tpu.dma_semaphore, #tpu.memory_space<semaphore_mem>>)
        %dma_wait3A = arith.constant 0 : i32
        %dma_wait3A_60 = arith.constant 0 : i32
        %dma_wait3A_61 = tpu.memref_slice %arg9[%dma_wait3A, %dma_wait3A_60] : memref<100x128xi32, #tpu.memory_space<vmem>> -> memref<60x128xi32, #tpu.memory_space<vmem>>
        %dma_wait3A_62 = arith.constant 0 : i32
        %dma_wait3A_63 = arith.constant 0 : i32
        %dma_wait3A_64 = tpu.memref_slice %arg4[%arg1, %dma_wait3A_62, %dma_wait3A_63] : memref<16x60x128xi32, #tpu.memory_space<hbm>> -> memref<1x60x128xi32, #tpu.memory_space<hbm>>
        %dma_wait3A_65 = tpu.memref_squeeze %dma_wait3A_64 : memref<1x60x128xi32, #tpu.memory_space<hbm>> -> memref<60x128xi32, #tpu.memory_space<hbm>>
        %dma_wait3A_66 = arith.constant 0 : i32
        %dma_wait3A_67 = arith.constant 0 : i32
        %dma_wait3A_68 = tpu.memref_slice %arg9[%dma_wait3A_66, %dma_wait3A_67] : memref<100x128xi32, #tpu.memory_space<vmem>> -> memref<60x128xi32, #tpu.memory_space<vmem>>
        %dma_wait3A_69 = arith.constant 0 : i32
        %dma_wait3A_70 = arith.constant 0 : i32
        %dma_wait3A_71 = tpu.memref_slice %arg4[%arg1, %dma_wait3A_69, %dma_wait3A_70] : memref<16x60x128xi32, #tpu.memory_space<hbm>> -> memref<1x60x128xi32, #tpu.memory_space<hbm>>
        %dma_wait3A_72 = tpu.memref_squeeze %dma_wait3A_71 : memref<1x60x128xi32, #tpu.memory_space<hbm>> -> memref<60x128xi32, #tpu.memory_space<hbm>>
        tpu.wait_dma2 semaphore(%run_scoped3A : memref<!tpu.dma_semaphore, #tpu.memory_space<semaphore_mem>>) src(%dma_wait3A_72 : memref<60x128xi32, #tpu.memory_space<hbm>>) dst(%dma_wait3A_68 : memref<60x128xi32, #tpu.memory_space<vmem>>)
        tpu.yield
      }) : () -> ()
    } else {
    }
    %eq3A_2 = arith.constant 1 : i32
    %eq3A_3 = arith.cmpi eq, %arg0, %eq3A_2 : i32
    %convert_element_type3A_4 = arith.extui %eq3A_3 : i1 to i32
    %cond3A_5 = arith.constant 0 : i32
    %cond3A_6 = arith.cmpi ne, %convert_element_type3A_4, %cond3A_5 : i32
    scf.if %cond3A_6 {
      "tpu.region"() ({
        %run_scoped3A = tpu.sem_alloc : memref<!tpu.dma_semaphore, #tpu.memory_space<semaphore_mem>>
        %dma_start3A = arith.constant 0 : i32
        %dma_start3A_47 = arith.constant 0 : i32
        %dma_start3A_48 = tpu.memref_slice %arg8[%dma_start3A, %dma_start3A_47] : memref<100x128xi32, #tpu.memory_space<vmem>> -> memref<100x128xi32, #tpu.memory_space<vmem>>
        %dma_start3A_49 = arith.constant 0 : i32
        %dma_start3A_50 = arith.constant 0 : i32
        %dma_start3A_51 = tpu.memref_slice %arg5[%arg1, %dma_start3A_49, %dma_start3A_50] : memref<16x100x128xi32, #tpu.memory_space<hbm>> -> memref<1x100x128xi32, #tpu.memory_space<hbm>>
        %dma_start3A_52 = tpu.memref_squeeze %dma_start3A_51 : memref<1x100x128xi32, #tpu.memory_space<hbm>> -> memref<100x128xi32, #tpu.memory_space<hbm>>
        %dma_start3A_53 = arith.constant 0 : i32
        %dma_start3A_54 = arith.constant 0 : i32
        %dma_start3A_55 = tpu.memref_slice %arg8[%dma_start3A_53, %dma_start3A_54] : memref<100x128xi32, #tpu.memory_space<vmem>> -> memref<100x128xi32, #tpu.memory_space<vmem>>
        %dma_start3A_56 = arith.constant 0 : i32
        %dma_start3A_57 = arith.constant 0 : i32
        %dma_start3A_58 = tpu.memref_slice %arg5[%arg1, %dma_start3A_56, %dma_start3A_57] : memref<16x100x128xi32, #tpu.memory_space<hbm>> -> memref<1x100x128xi32, #tpu.memory_space<hbm>>
        %dma_start3A_59 = tpu.memref_squeeze %dma_start3A_58 : memref<1x100x128xi32, #tpu.memory_space<hbm>> -> memref<100x128xi32, #tpu.memory_space<hbm>>
        tpu.enqueue_dma source(%dma_start3A_59 : memref<100x128xi32, #tpu.memory_space<hbm>>) target(%dma_start3A_55 : memref<100x128xi32, #tpu.memory_space<vmem>>) target_semaphore(%run_scoped3A : memref<!tpu.dma_semaphore, #tpu.memory_space<semaphore_mem>>)
        %dma_wait3A = arith.constant 0 : i32
        %dma_wait3A_60 = arith.constant 0 : i32
        %dma_wait3A_61 = tpu.memref_slice %arg8[%dma_wait3A, %dma_wait3A_60] : memref<100x128xi32, #tpu.memory_space<vmem>> -> memref<100x128xi32, #tpu.memory_space<vmem>>
        %dma_wait3A_62 = arith.constant 0 : i32
        %dma_wait3A_63 = arith.constant 0 : i32
        %dma_wait3A_64 = tpu.memref_slice %arg5[%arg1, %dma_wait3A_62, %dma_wait3A_63] : memref<16x100x128xi32, #tpu.memory_space<hbm>> -> memref<1x100x128xi32, #tpu.memory_space<hbm>>
        %dma_wait3A_65 = tpu.memref_squeeze %dma_wait3A_64 : memref<1x100x128xi32, #tpu.memory_space<hbm>> -> memref<100x128xi32, #tpu.memory_space<hbm>>
        %dma_wait3A_66 = arith.constant 0 : i32
        %dma_wait3A_67 = arith.constant 0 : i32
        %dma_wait3A_68 = tpu.memref_slice %arg8[%dma_wait3A_66, %dma_wait3A_67] : memref<100x128xi32, #tpu.memory_space<vmem>> -> memref<100x128xi32, #tpu.memory_space<vmem>>
        %dma_wait3A_69 = arith.constant 0 : i32
        %dma_wait3A_70 = arith.constant 0 : i32
        %dma_wait3A_71 = tpu.memref_slice %arg5[%arg1, %dma_wait3A_69, %dma_wait3A_70] : memref<16x100x128xi32, #tpu.memory_space<hbm>> -> memref<1x100x128xi32, #tpu.memory_space<hbm>>
        %dma_wait3A_72 = tpu.memref_squeeze %dma_wait3A_71 : memref<1x100x128xi32, #tpu.memory_space<hbm>> -> memref<100x128xi32, #tpu.memory_space<hbm>>
        tpu.wait_dma2 semaphore(%run_scoped3A : memref<!tpu.dma_semaphore, #tpu.memory_space<semaphore_mem>>) src(%dma_wait3A_72 : memref<100x128xi32, #tpu.memory_space<hbm>>) dst(%dma_wait3A_68 : memref<100x128xi32, #tpu.memory_space<vmem>>)
        tpu.yield
      }) : () -> ()
      "tpu.region"() ({
        %run_scoped3A = tpu.sem_alloc : memref<!tpu.dma_semaphore, #tpu.memory_space<semaphore_mem>>
        %dma_start3A = arith.constant 0 : i32
        %dma_start3A_47 = arith.constant 0 : i32
        %dma_start3A_48 = tpu.memref_slice %arg9[%dma_start3A, %dma_start3A_47] : memref<100x128xi32, #tpu.memory_space<vmem>> -> memref<100x128xi32, #tpu.memory_space<vmem>>
        %dma_start3A_49 = arith.constant 0 : i32
        %dma_start3A_50 = arith.constant 0 : i32
        %dma_start3A_51 = tpu.memref_slice %arg6[%arg1, %dma_start3A_49, %dma_start3A_50] : memref<16x100x128xi32, #tpu.memory_space<hbm>> -> memref<1x100x128xi32, #tpu.memory_space<hbm>>
        %dma_start3A_52 = tpu.memref_squeeze %dma_start3A_51 : memref<1x100x128xi32, #tpu.memory_space<hbm>> -> memref<100x128xi32, #tpu.memory_space<hbm>>
        %dma_start3A_53 = arith.constant 0 : i32
        %dma_start3A_54 = arith.constant 0 : i32
        %dma_start3A_55 = tpu.memref_slice %arg9[%dma_start3A_53, %dma_start3A_54] : memref<100x128xi32, #tpu.memory_space<vmem>> -> memref<100x128xi32, #tpu.memory_space<vmem>>
        %dma_start3A_56 = arith.constant 0 : i32
        %dma_start3A_57 = arith.constant 0 : i32
        %dma_start3A_58 = tpu.memref_slice %arg6[%arg1, %dma_start3A_56, %dma_start3A_57] : memref<16x100x128xi32, #tpu.memory_space<hbm>> -> memref<1x100x128xi32, #tpu.memory_space<hbm>>
        %dma_start3A_59 = tpu.memref_squeeze %dma_start3A_58 : memref<1x100x128xi32, #tpu.memory_space<hbm>> -> memref<100x128xi32, #tpu.memory_space<hbm>>
        tpu.enqueue_dma source(%dma_start3A_59 : memref<100x128xi32, #tpu.memory_space<hbm>>) target(%dma_start3A_55 : memref<100x128xi32, #tpu.memory_space<vmem>>) target_semaphore(%run_scoped3A : memref<!tpu.dma_semaphore, #tpu.memory_space<semaphore_mem>>)
        %dma_wait3A = arith.constant 0 : i32
        %dma_wait3A_60 = arith.constant 0 : i32
        %dma_wait3A_61 = tpu.memref_slice %arg9[%dma_wait3A, %dma_wait3A_60] : memref<100x128xi32, #tpu.memory_space<vmem>> -> memref<100x128xi32, #tpu.memory_space<vmem>>
        %dma_wait3A_62 = arith.constant 0 : i32
        %dma_wait3A_63 = arith.constant 0 : i32
        %dma_wait3A_64 = tpu.memref_slice %arg6[%arg1, %dma_wait3A_62, %dma_wait3A_63] : memref<16x100x128xi32, #tpu.memory_space<hbm>> -> memref<1x100x128xi32, #tpu.memory_space<hbm>>
        %dma_wait3A_65 = tpu.memref_squeeze %dma_wait3A_64 : memref<1x100x128xi32, #tpu.memory_space<hbm>> -> memref<100x128xi32, #tpu.memory_space<hbm>>
        %dma_wait3A_66 = arith.constant 0 : i32
        %dma_wait3A_67 = arith.constant 0 : i32
        %dma_wait3A_68 = tpu.memref_slice %arg9[%dma_wait3A_66, %dma_wait3A_67] : memref<100x128xi32, #tpu.memory_space<vmem>> -> memref<100x128xi32, #tpu.memory_space<vmem>>
        %dma_wait3A_69 = arith.constant 0 : i32
        %dma_wait3A_70 = arith.constant 0 : i32
        %dma_wait3A_71 = tpu.memref_slice %arg6[%arg1, %dma_wait3A_69, %dma_wait3A_70] : memref<16x100x128xi32, #tpu.memory_space<hbm>> -> memref<1x100x128xi32, #tpu.memory_space<hbm>>
        %dma_wait3A_72 = tpu.memref_squeeze %dma_wait3A_71 : memref<1x100x128xi32, #tpu.memory_space<hbm>> -> memref<100x128xi32, #tpu.memory_space<hbm>>
        tpu.wait_dma2 semaphore(%run_scoped3A : memref<!tpu.dma_semaphore, #tpu.memory_space<semaphore_mem>>) src(%dma_wait3A_72 : memref<100x128xi32, #tpu.memory_space<hbm>>) dst(%dma_wait3A_68 : memref<100x128xi32, #tpu.memory_space<vmem>>)
        tpu.yield
      }) : () -> ()
    } else {
    }
    %broadcast_in_dim3A = arith.constant 0.000000e+00 : f32
    %broadcast_in_dim3A_7 = vector.broadcast %broadcast_in_dim3A : f32 to vector<16xf32>
    %scan3A = arith.constant 0 : i32
    %scan3A_8 = arith.constant 0 : i32
    %scan3A_9 = arith.constant 128 : i32
    %scan3A_10 = arith.addi %scan3A_8, %scan3A_9 : i32
    %scan3A_11 = arith.constant 1 : i32
    %scan3A_12 = scf.for %scan3A_47 = %scan3A_8 to %scan3A_10 step %scan3A_11 iter_args(%scan3A_48 = %scan3A) -> (i32)  : i32 {
      %swap3A = arith.index_cast %scan3A_47 : i32 to index
      %swap3A_49 = arith.constant 0 : index
      %swap3A_50 = tpu.vector_load %arg10[%swap3A, %swap3A_49] {strides = array<i32>} : memref<128x32xf32, #tpu.memory_space<vmem>>, vector<1x16xf32>,
      %swap3A_51 = vector.shape_cast %swap3A_50 : vector<1x16xf32> to vector<16xf32>
      %swap3A_52 = vector.shape_cast %broadcast_in_dim3A_7 : vector<16xf32> to vector<1x16xf32>
      tpu.vector_store %arg10[%swap3A, %swap3A_49], %swap3A_52 {strides = array<i32>} : memref<128x32xf32, #tpu.memory_space<vmem>>, vector<1x16xf32>,
      %swap3A_53 = arith.index_cast %scan3A_47 : i32 to index
      %swap3A_54 = arith.constant 16 : index
      %swap3A_55 = tpu.vector_load %arg10[%swap3A_53, %swap3A_54] {strides = array<i32>} : memref<128x32xf32, #tpu.memory_space<vmem>>, vector<1x16xf32>,
      %swap3A_56 = vector.shape_cast %swap3A_55 : vector<1x16xf32> to vector<16xf32>
      %swap3A_57 = vector.shape_cast %broadcast_in_dim3A_7 : vector<16xf32> to vector<1x16xf32>
      tpu.vector_store %arg10[%swap3A_53, %swap3A_54], %swap3A_57 {strides = array<i32>} : memref<128x32xf32, #tpu.memory_space<vmem>>, vector<1x16xf32>,
      %scan3A_58 = arith.constant 0 : i32
      scf.yield %scan3A_58 : i32
    }
    %scan3A_13 = arith.constant 128 : i32
    %mul3A = arith.constant 640 : i32
    %mul3A_14 = arith.muli %arg1, %mul3A : i32
    %add3A = arith.constant 0 : i32
    %add3A_15 = arith.addi %mul3A_14, %add3A : i32
    "tpu.region"() ({
      %run_scoped3A = tpu.sem_alloc : memref<!tpu.dma_semaphore, #tpu.memory_space<semaphore_mem>>
      %dma_start3A = arith.constant 0 : i32
      %dma_start3A_47 = tpu.memref_slice %arg14[%add3A_15, %dma_start3A] : memref<10240x32xf32, #tpu.memory_space<vmem_shared>> -> memref<128x32xf32, #tpu.memory_space<vmem_shared>>
      %dma_start3A_48 = arith.constant 0 : i32
      %dma_start3A_49 = tpu.memref_slice %arg14[%add3A_15, %dma_start3A_48] : memref<10240x32xf32, #tpu.memory_space<vmem_shared>> -> memref<128x32xf32, #tpu.memory_space<vmem_shared>>
      tpu.enqueue_dma source(%arg10 : memref<128x32xf32, #tpu.memory_space<vmem>>) target(%dma_start3A_49 : memref<128x32xf32, #tpu.memory_space<vmem_shared>>) target_semaphore(%run_scoped3A : memref<!tpu.dma_semaphore, #tpu.memory_space<semaphore_mem>>)
      %dma_wait3A = arith.constant 0 : i32
      %dma_wait3A_50 = tpu.memref_slice %arg14[%add3A_15, %dma_wait3A] : memref<10240x32xf32, #tpu.memory_space<vmem_shared>> -> memref<128x32xf32, #tpu.memory_space<vmem_shared>>
      %dma_wait3A_51 = arith.constant 0 : i32
      %dma_wait3A_52 = tpu.memref_slice %arg14[%add3A_15, %dma_wait3A_51] : memref<10240x32xf32, #tpu.memory_space<vmem_shared>> -> memref<128x32xf32, #tpu.memory_space<vmem_shared>>
      tpu.wait_dma2 semaphore(%run_scoped3A : memref<!tpu.dma_semaphore, #tpu.memory_space<semaphore_mem>>) src(%arg10 : memref<128x32xf32, #tpu.memory_space<vmem>>) dst(%dma_wait3A_52 : memref<128x32xf32, #tpu.memory_space<vmem_shared>>)
      tpu.yield
    }) : () -> ()
    %mul3A_16 = arith.constant 640 : i32
    %mul3A_17 = arith.muli %arg1, %mul3A_16 : i32
    %add3A_18 = arith.constant 128 : i32
    %add3A_19 = arith.addi %mul3A_17, %add3A_18 : i32
    "tpu.region"() ({
      %run_scoped3A = tpu.sem_alloc : memref<!tpu.dma_semaphore, #tpu.memory_space<semaphore_mem>>
      %dma_start3A = arith.constant 0 : i32
      %dma_start3A_47 = tpu.memref_slice %arg14[%add3A_19, %dma_start3A] : memref<10240x32xf32, #tpu.memory_space<vmem_shared>> -> memref<128x32xf32, #tpu.memory_space<vmem_shared>>
      %dma_start3A_48 = arith.constant 0 : i32
      %dma_start3A_49 = tpu.memref_slice %arg14[%add3A_19, %dma_start3A_48] : memref<10240x32xf32, #tpu.memory_space<vmem_shared>> -> memref<128x32xf32, #tpu.memory_space<vmem_shared>>
      tpu.enqueue_dma source(%arg10 : memref<128x32xf32, #tpu.memory_space<vmem>>) target(%dma_start3A_49 : memref<128x32xf32, #tpu.memory_space<vmem_shared>>) target_semaphore(%run_scoped3A : memref<!tpu.dma_semaphore, #tpu.memory_space<semaphore_mem>>)
      %dma_wait3A = arith.constant 0 : i32
      %dma_wait3A_50 = tpu.memref_slice %arg14[%add3A_19, %dma_wait3A] : memref<10240x32xf32, #tpu.memory_space<vmem_shared>> -> memref<128x32xf32, #tpu.memory_space<vmem_shared>>
      %dma_wait3A_51 = arith.constant 0 : i32
      %dma_wait3A_52 = tpu.memref_slice %arg14[%add3A_19, %dma_wait3A_51] : memref<10240x32xf32, #tpu.memory_space<vmem_shared>> -> memref<128x32xf32, #tpu.memory_space<vmem_shared>>
      tpu.wait_dma2 semaphore(%run_scoped3A : memref<!tpu.dma_semaphore, #tpu.memory_space<semaphore_mem>>) src(%arg10 : memref<128x32xf32, #tpu.memory_space<vmem>>) dst(%dma_wait3A_52 : memref<128x32xf32, #tpu.memory_space<vmem_shared>>)
      tpu.yield
    }) : () -> ()
    %mul3A_20 = arith.constant 640 : i32
    %mul3A_21 = arith.muli %arg1, %mul3A_20 : i32
    %add3A_22 = arith.constant 256 : i32
    %add3A_23 = arith.addi %mul3A_21, %add3A_22 : i32
    "tpu.region"() ({
      %run_scoped3A = tpu.sem_alloc : memref<!tpu.dma_semaphore, #tpu.memory_space<semaphore_mem>>
      %dma_start3A = arith.constant 0 : i32
      %dma_start3A_47 = tpu.memref_slice %arg14[%add3A_23, %dma_start3A] : memref<10240x32xf32, #tpu.memory_space<vmem_shared>> -> memref<128x32xf32, #tpu.memory_space<vmem_shared>>
      %dma_start3A_48 = arith.constant 0 : i32
      %dma_start3A_49 = tpu.memref_slice %arg14[%add3A_23, %dma_start3A_48] : memref<10240x32xf32, #tpu.memory_space<vmem_shared>> -> memref<128x32xf32, #tpu.memory_space<vmem_shared>>
      tpu.enqueue_dma source(%arg10 : memref<128x32xf32, #tpu.memory_space<vmem>>) target(%dma_start3A_49 : memref<128x32xf32, #tpu.memory_space<vmem_shared>>) target_semaphore(%run_scoped3A : memref<!tpu.dma_semaphore, #tpu.memory_space<semaphore_mem>>)
      %dma_wait3A = arith.constant 0 : i32
      %dma_wait3A_50 = tpu.memref_slice %arg14[%add3A_23, %dma_wait3A] : memref<10240x32xf32, #tpu.memory_space<vmem_shared>> -> memref<128x32xf32, #tpu.memory_space<vmem_shared>>
      %dma_wait3A_51 = arith.constant 0 : i32
      %dma_wait3A_52 = tpu.memref_slice %arg14[%add3A_23, %dma_wait3A_51] : memref<10240x32xf32, #tpu.memory_space<vmem_shared>> -> memref<128x32xf32, #tpu.memory_space<vmem_shared>>
      tpu.wait_dma2 semaphore(%run_scoped3A : memref<!tpu.dma_semaphore, #tpu.memory_space<semaphore_mem>>) src(%arg10 : memref<128x32xf32, #tpu.memory_space<vmem>>) dst(%dma_wait3A_52 : memref<128x32xf32, #tpu.memory_space<vmem_shared>>)
      tpu.yield
    }) : () -> ()
    %mul3A_24 = arith.constant 640 : i32
    %mul3A_25 = arith.muli %arg1, %mul3A_24 : i32
    %add3A_26 = arith.constant 384 : i32
    %add3A_27 = arith.addi %mul3A_25, %add3A_26 : i32
    "tpu.region"() ({
      %run_scoped3A = tpu.sem_alloc : memref<!tpu.dma_semaphore, #tpu.memory_space<semaphore_mem>>
      %dma_start3A = arith.constant 0 : i32
      %dma_start3A_47 = tpu.memref_slice %arg14[%add3A_27, %dma_start3A] : memref<10240x32xf32, #tpu.memory_space<vmem_shared>> -> memref<128x32xf32, #tpu.memory_space<vmem_shared>>
      %dma_start3A_48 = arith.constant 0 : i32
      %dma_start3A_49 = tpu.memref_slice %arg14[%add3A_27, %dma_start3A_48] : memref<10240x32xf32, #tpu.memory_space<vmem_shared>> -> memref<128x32xf32, #tpu.memory_space<vmem_shared>>
      tpu.enqueue_dma source(%arg10 : memref<128x32xf32, #tpu.memory_space<vmem>>) target(%dma_start3A_49 : memref<128x32xf32, #tpu.memory_space<vmem_shared>>) target_semaphore(%run_scoped3A : memref<!tpu.dma_semaphore, #tpu.memory_space<semaphore_mem>>)
      %dma_wait3A = arith.constant 0 : i32
      %dma_wait3A_50 = tpu.memref_slice %arg14[%add3A_27, %dma_wait3A] : memref<10240x32xf32, #tpu.memory_space<vmem_shared>> -> memref<128x32xf32, #tpu.memory_space<vmem_shared>>
      %dma_wait3A_51 = arith.constant 0 : i32
      %dma_wait3A_52 = tpu.memref_slice %arg14[%add3A_27, %dma_wait3A_51] : memref<10240x32xf32, #tpu.memory_space<vmem_shared>> -> memref<128x32xf32, #tpu.memory_space<vmem_shared>>
      tpu.wait_dma2 semaphore(%run_scoped3A : memref<!tpu.dma_semaphore, #tpu.memory_space<semaphore_mem>>) src(%arg10 : memref<128x32xf32, #tpu.memory_space<vmem>>) dst(%dma_wait3A_52 : memref<128x32xf32, #tpu.memory_space<vmem_shared>>)
      tpu.yield
    }) : () -> ()
    %mul3A_28 = arith.constant 640 : i32
    %mul3A_29 = arith.muli %arg1, %mul3A_28 : i32
    %add3A_30 = arith.constant 512 : i32
    %add3A_31 = arith.addi %mul3A_29, %add3A_30 : i32
    "tpu.region"() ({
      %run_scoped3A = tpu.sem_alloc : memref<!tpu.dma_semaphore, #tpu.memory_space<semaphore_mem>>
      %dma_start3A = arith.constant 0 : i32
      %dma_start3A_47 = tpu.memref_slice %arg14[%add3A_31, %dma_start3A] : memref<10240x32xf32, #tpu.memory_space<vmem_shared>> -> memref<128x32xf32, #tpu.memory_space<vmem_shared>>
      %dma_start3A_48 = arith.constant 0 : i32
      %dma_start3A_49 = tpu.memref_slice %arg14[%add3A_31, %dma_start3A_48] : memref<10240x32xf32, #tpu.memory_space<vmem_shared>> -> memref<128x32xf32, #tpu.memory_space<vmem_shared>>
      tpu.enqueue_dma source(%arg10 : memref<128x32xf32, #tpu.memory_space<vmem>>) target(%dma_start3A_49 : memref<128x32xf32, #tpu.memory_space<vmem_shared>>) target_semaphore(%run_scoped3A : memref<!tpu.dma_semaphore, #tpu.memory_space<semaphore_mem>>)
      %dma_wait3A = arith.constant 0 : i32
      %dma_wait3A_50 = tpu.memref_slice %arg14[%add3A_31, %dma_wait3A] : memref<10240x32xf32, #tpu.memory_space<vmem_shared>> -> memref<128x32xf32, #tpu.memory_space<vmem_shared>>
      %dma_wait3A_51 = arith.constant 0 : i32
      %dma_wait3A_52 = tpu.memref_slice %arg14[%add3A_31, %dma_wait3A_51] : memref<10240x32xf32, #tpu.memory_space<vmem_shared>> -> memref<128x32xf32, #tpu.memory_space<vmem_shared>>
      tpu.wait_dma2 semaphore(%run_scoped3A : memref<!tpu.dma_semaphore, #tpu.memory_space<semaphore_mem>>) src(%arg10 : memref<128x32xf32, #tpu.memory_space<vmem>>) dst(%dma_wait3A_52 : memref<128x32xf32, #tpu.memory_space<vmem_shared>>)
      tpu.yield
    }) : () -> ()
    %barrier3A = arith.constant 0 : index
    tpu.barrier barrier_id(%barrier3A)
    %eq3A_32 = arith.constant 0 : i32
    %eq3A_33 = arith.cmpi eq, %arg0, %eq3A_32 : i32
    %convert_element_type3A_34 = arith.extui %eq3A_33 : i1 to i32
    %cond3A_35 = arith.constant 0 : i32
    %cond3A_36 = arith.cmpi ne, %convert_element_type3A_34, %cond3A_35 : i32
    scf.if %cond3A_36 {
      %dma_start3A = arith.constant 0 : i32
      %dma_start3A_47 = arith.constant 0 : i32
      %dma_start3A_48 = tpu.memref_slice %arg8[%dma_start3A, %dma_start3A_47] : memref<100x128xi32, #tpu.memory_space<vmem>> -> memref<1x128xi32, #tpu.memory_space<vmem>>
      %dma_start3A_49 = tpu.memref_squeeze %dma_start3A_48 : memref<1x128xi32, #tpu.memory_space<vmem>> -> memref<128xi32, #tpu.memory_space<vmem>>
      %dma_start3A_50 = arith.constant 0 : i32
      %dma_start3A_51 = arith.constant 0 : i32
      %dma_start3A_52 = tpu.memref_slice %arg2[%dma_start3A_50, %dma_start3A_51] : memref<10000x32xf32, #tpu.memory_space<hbm>> -> memref<10000x32xf32, #tpu.memory_space<hbm>>
      tpu.enqueue_indirect_dma source(%dma_start3A_52 : memref<10000x32xf32, #tpu.memory_space<hbm>>) target(%arg10 : memref<128x32xf32, #tpu.memory_space<vmem>>) offsets(%dma_start3A_49 : memref<128xi32, #tpu.memory_space<vmem>>) semaphore(%arg15 : memref<!tpu.dma_semaphore, #tpu.memory_space<semaphore_mem>>)
      %dma_start3A_53 = arith.constant 1 : i32
      %dma_start3A_54 = arith.constant 0 : i32
      %dma_start3A_55 = tpu.memref_slice %arg8[%dma_start3A_53, %dma_start3A_54] : memref<100x128xi32, #tpu.memory_space<vmem>> -> memref<1x128xi32, #tpu.memory_space<vmem>>
      %dma_start3A_56 = tpu.memref_squeeze %dma_start3A_55 : memref<1x128xi32, #tpu.memory_space<vmem>> -> memref<128xi32, #tpu.memory_space<vmem>>
      %dma_start3A_57 = arith.constant 0 : i32
      %dma_start3A_58 = arith.constant 0 : i32
      %dma_start3A_59 = tpu.memref_slice %arg2[%dma_start3A_57, %dma_start3A_58] : memref<10000x32xf32, #tpu.memory_space<hbm>> -> memref<10000x32xf32, #tpu.memory_space<hbm>>
      tpu.enqueue_indirect_dma source(%dma_start3A_59 : memref<10000x32xf32, #tpu.memory_space<hbm>>) target(%arg11 : memref<128x32xf32, #tpu.memory_space<vmem>>) offsets(%dma_start3A_56 : memref<128xi32, #tpu.memory_space<vmem>>) semaphore(%arg16 : memref<!tpu.dma_semaphore, #tpu.memory_space<semaphore_mem>>)
      %scan3A_60 = arith.constant 0 : i32
      %scan3A_61 = arith.constant 0 : i32
      %scan3A_62 = arith.constant 15 : i32
      %scan3A_63 = arith.addi %scan3A_61, %scan3A_62 : i32
      %scan3A_64 = arith.constant 1 : i32
      %scan3A_65 = scf.for %scan3A_94 = %scan3A_61 to %scan3A_63 step %scan3A_64 iter_args(%scan3A_95 = %scan3A_60) -> (i32)  : i32 {
        %mul3A_96 = arith.constant 4 : i32
        %mul3A_97 = arith.muli %mul3A_96, %scan3A_94 : i32
        %add3A_98 = arith.constant 0 : i32
        %add3A_99 = arith.addi %mul3A_97, %add3A_98 : i32
        %dma_wait3A_100 = arith.constant 0 : i32
        %dma_wait3A_101 = tpu.memref_slice %arg8[%add3A_99, %dma_wait3A_100] : memref<100x128xi32, #tpu.memory_space<vmem>> -> memref<1x128xi32, #tpu.memory_space<vmem>>
        %dma_wait3A_102 = tpu.memref_squeeze %dma_wait3A_101 : memref<1x128xi32, #tpu.memory_space<vmem>> -> memref<128xi32, #tpu.memory_space<vmem>>
        %dma_wait3A_103 = arith.constant 0 : i32
        %dma_wait3A_104 = arith.constant 0 : i32
        %dma_wait3A_105 = tpu.memref_slice %arg2[%dma_wait3A_103, %dma_wait3A_104] : memref<10000x32xf32, #tpu.memory_space<hbm>> -> memref<10000x32xf32, #tpu.memory_space<hbm>>
        tpu.wait_indirect_dma semaphore(%arg15 : memref<!tpu.dma_semaphore, #tpu.memory_space<semaphore_mem>>) src(%dma_wait3A_105 : memref<10000x32xf32, #tpu.memory_space<hbm>>) dst(%arg10 : memref<128x32xf32, #tpu.memory_space<vmem>>)
        %dma_start3A_106 = arith.constant 0 : i32
        %dma_start3A_107 = tpu.memref_slice %arg9[%add3A_99, %dma_start3A_106] : memref<100x128xi32, #tpu.memory_space<vmem>> -> memref<1x128xi32, #tpu.memory_space<vmem>>
        %dma_start3A_108 = tpu.memref_squeeze %dma_start3A_107 : memref<1x128xi32, #tpu.memory_space<vmem>> -> memref<128xi32, #tpu.memory_space<vmem>>
        %dma_start3A_109 = arith.constant 0 : i32
        %dma_start3A_110 = arith.constant 0 : i32
        %dma_start3A_111 = tpu.memref_slice %arg14[%dma_start3A_109, %dma_start3A_110] : memref<10240x32xf32, #tpu.memory_space<vmem_shared>> -> memref<10240x32xf32, #tpu.memory_space<vmem_shared>>
        tpu.enqueue_indirect_dma source(%arg10 : memref<128x32xf32, #tpu.memory_space<vmem>>) target(%dma_start3A_111 : memref<10240x32xf32, #tpu.memory_space<vmem_shared>>) offsets(%dma_start3A_108 : memref<128xi32, #tpu.memory_space<vmem>>) semaphore(%arg19 : memref<!tpu.dma_semaphore, #tpu.memory_space<semaphore_mem>>) {add = true}
        %add3A_112 = arith.constant 2 : i32
        %add3A_113 = arith.addi %add3A_99, %add3A_112 : i32
        %lt3A = arith.constant 60 : i32
        %lt3A_114 = arith.cmpi slt, %add3A_113, %lt3A : i32
        %convert_element_type3A_115 = arith.extui %lt3A_114 : i1 to i32
        %cond3A_116 = arith.constant 0 : i32
        %cond3A_117 = arith.cmpi ne, %convert_element_type3A_115, %cond3A_116 : i32
        scf.if %cond3A_117 {
          %ge3A = arith.constant 2 : i32
          %ge3A_188 = arith.cmpi sge, %add3A_99, %ge3A : i32
          %convert_element_type3A_189 = arith.extui %ge3A_188 : i1 to i32
          %cond3A_190 = arith.constant 0 : i32
          %cond3A_191 = arith.cmpi ne, %convert_element_type3A_189, %cond3A_190 : i32
          scf.if %cond3A_191 {
            %sub3A = arith.constant 2 : i32
            %sub3A_200 = arith.subi %add3A_99, %sub3A : i32
            %dma_wait3A_201 = arith.constant 0 : i32
            %dma_wait3A_202 = tpu.memref_slice %arg9[%sub3A_200, %dma_wait3A_201] : memref<100x128xi32, #tpu.memory_space<vmem>> -> memref<1x128xi32, #tpu.memory_space<vmem>>
            %dma_wait3A_203 = tpu.memref_squeeze %dma_wait3A_202 : memref<1x128xi32, #tpu.memory_space<vmem>> -> memref<128xi32, #tpu.memory_space<vmem>>
            %dma_wait3A_204 = arith.constant 0 : i32
            %dma_wait3A_205 = arith.constant 0 : i32
            %dma_wait3A_206 = tpu.memref_slice %arg14[%dma_wait3A_204, %dma_wait3A_205] : memref<10240x32xf32, #tpu.memory_space<vmem_shared>> -> memref<10240x32xf32, #tpu.memory_space<vmem_shared>>
            tpu.wait_indirect_dma semaphore(%arg21 : memref<!tpu.dma_semaphore, #tpu.memory_space<semaphore_mem>>) src(%arg12 : memref<128x32xf32, #tpu.memory_space<vmem>>) dst(%dma_wait3A_206 : memref<10240x32xf32, #tpu.memory_space<vmem_shared>>)
          } else {
          }
          %add3A_192 = arith.constant 2 : i32
          %add3A_193 = arith.addi %add3A_99, %add3A_192 : i32
          %dma_start3A_194 = arith.constant 0 : i32
          %dma_start3A_195 = tpu.memref_slice %arg8[%add3A_193, %dma_start3A_194] : memref<100x128xi32, #tpu.memory_space<vmem>> -> memref<1x128xi32, #tpu.memory_space<vmem>>
          %dma_start3A_196 = tpu.memref_squeeze %dma_start3A_195 : memref<1x128xi32, #tpu.memory_space<vmem>> -> memref<128xi32, #tpu.memory_space<vmem>>
          %dma_start3A_197 = arith.constant 0 : i32
          %dma_start3A_198 = arith.constant 0 : i32
          %dma_start3A_199 = tpu.memref_slice %arg2[%dma_start3A_197, %dma_start3A_198] : memref<10000x32xf32, #tpu.memory_space<hbm>> -> memref<10000x32xf32, #tpu.memory_space<hbm>>
          tpu.enqueue_indirect_dma source(%dma_start3A_199 : memref<10000x32xf32, #tpu.memory_space<hbm>>) target(%arg12 : memref<128x32xf32, #tpu.memory_space<vmem>>) offsets(%dma_start3A_196 : memref<128xi32, #tpu.memory_space<vmem>>) semaphore(%arg17 : memref<!tpu.dma_semaphore, #tpu.memory_space<semaphore_mem>>)
        } else {
        }
        %mul3A_118 = arith.constant 4 : i32
        %mul3A_119 = arith.muli %mul3A_118, %scan3A_94 : i32
        %add3A_120 = arith.constant 1 : i32
        %add3A_121 = arith.addi %mul3A_119, %add3A_120 : i32
        %dma_wait3A_122 = arith.constant 0 : i32
        %dma_wait3A_123 = tpu.memref_slice %arg8[%add3A_121, %dma_wait3A_122] : memref<100x128xi32, #tpu.memory_space<vmem>> -> memref<1x128xi32, #tpu.memory_space<vmem>>
        %dma_wait3A_124 = tpu.memref_squeeze %dma_wait3A_123 : memref<1x128xi32, #tpu.memory_space<vmem>> -> memref<128xi32, #tpu.memory_space<vmem>>
        %dma_wait3A_125 = arith.constant 0 : i32
        %dma_wait3A_126 = arith.constant 0 : i32
        %dma_wait3A_127 = tpu.memref_slice %arg2[%dma_wait3A_125, %dma_wait3A_126] : memref<10000x32xf32, #tpu.memory_space<hbm>> -> memref<10000x32xf32, #tpu.memory_space<hbm>>
        tpu.wait_indirect_dma semaphore(%arg16 : memref<!tpu.dma_semaphore, #tpu.memory_space<semaphore_mem>>) src(%dma_wait3A_127 : memref<10000x32xf32, #tpu.memory_space<hbm>>) dst(%arg11 : memref<128x32xf32, #tpu.memory_space<vmem>>)
        %dma_start3A_128 = arith.constant 0 : i32
        %dma_start3A_129 = tpu.memref_slice %arg9[%add3A_121, %dma_start3A_128] : memref<100x128xi32, #tpu.memory_space<vmem>> -> memref<1x128xi32, #tpu.memory_space<vmem>>
        %dma_start3A_130 = tpu.memref_squeeze %dma_start3A_129 : memref<1x128xi32, #tpu.memory_space<vmem>> -> memref<128xi32, #tpu.memory_space<vmem>>
        %dma_start3A_131 = arith.constant 0 : i32
        %dma_start3A_132 = arith.constant 0 : i32
        %dma_start3A_133 = tpu.memref_slice %arg14[%dma_start3A_131, %dma_start3A_132] : memref<10240x32xf32, #tpu.memory_space<vmem_shared>> -> memref<10240x32xf32, #tpu.memory_space<vmem_shared>>
        tpu.enqueue_indirect_dma source(%arg11 : memref<128x32xf32, #tpu.memory_space<vmem>>) target(%dma_start3A_133 : memref<10240x32xf32, #tpu.memory_space<vmem_shared>>) offsets(%dma_start3A_130 : memref<128xi32, #tpu.memory_space<vmem>>) semaphore(%arg20 : memref<!tpu.dma_semaphore, #tpu.memory_space<semaphore_mem>>) {add = true}
        %add3A_134 = arith.constant 2 : i32
        %add3A_135 = arith.addi %add3A_121, %add3A_134 : i32
        %lt3A_136 = arith.constant 60 : i32
        %lt3A_137 = arith.cmpi slt, %add3A_135, %lt3A_136 : i32
        %convert_element_type3A_138 = arith.extui %lt3A_137 : i1 to i32
        %cond3A_139 = arith.constant 0 : i32
        %cond3A_140 = arith.cmpi ne, %convert_element_type3A_138, %cond3A_139 : i32
        scf.if %cond3A_140 {
          %ge3A = arith.constant 2 : i32
          %ge3A_188 = arith.cmpi sge, %add3A_121, %ge3A : i32
          %convert_element_type3A_189 = arith.extui %ge3A_188 : i1 to i32
          %cond3A_190 = arith.constant 0 : i32
          %cond3A_191 = arith.cmpi ne, %convert_element_type3A_189, %cond3A_190 : i32
          scf.if %cond3A_191 {
            %sub3A = arith.constant 2 : i32
            %sub3A_200 = arith.subi %add3A_121, %sub3A : i32
            %dma_wait3A_201 = arith.constant 0 : i32
            %dma_wait3A_202 = tpu.memref_slice %arg9[%sub3A_200, %dma_wait3A_201] : memref<100x128xi32, #tpu.memory_space<vmem>> -> memref<1x128xi32, #tpu.memory_space<vmem>>
            %dma_wait3A_203 = tpu.memref_squeeze %dma_wait3A_202 : memref<1x128xi32, #tpu.memory_space<vmem>> -> memref<128xi32, #tpu.memory_space<vmem>>
            %dma_wait3A_204 = arith.constant 0 : i32
            %dma_wait3A_205 = arith.constant 0 : i32
            %dma_wait3A_206 = tpu.memref_slice %arg14[%dma_wait3A_204, %dma_wait3A_205] : memref<10240x32xf32, #tpu.memory_space<vmem_shared>> -> memref<10240x32xf32, #tpu.memory_space<vmem_shared>>
            tpu.wait_indirect_dma semaphore(%arg22 : memref<!tpu.dma_semaphore, #tpu.memory_space<semaphore_mem>>) src(%arg13 : memref<128x32xf32, #tpu.memory_space<vmem>>) dst(%dma_wait3A_206 : memref<10240x32xf32, #tpu.memory_space<vmem_shared>>)
          } else {
          }
          %add3A_192 = arith.constant 2 : i32
          %add3A_193 = arith.addi %add3A_121, %add3A_192 : i32
          %dma_start3A_194 = arith.constant 0 : i32
          %dma_start3A_195 = tpu.memref_slice %arg8[%add3A_193, %dma_start3A_194] : memref<100x128xi32, #tpu.memory_space<vmem>> -> memref<1x128xi32, #tpu.memory_space<vmem>>
          %dma_start3A_196 = tpu.memref_squeeze %dma_start3A_195 : memref<1x128xi32, #tpu.memory_space<vmem>> -> memref<128xi32, #tpu.memory_space<vmem>>
          %dma_start3A_197 = arith.constant 0 : i32
          %dma_start3A_198 = arith.constant 0 : i32
          %dma_start3A_199 = tpu.memref_slice %arg2[%dma_start3A_197, %dma_start3A_198] : memref<10000x32xf32, #tpu.memory_space<hbm>> -> memref<10000x32xf32, #tpu.memory_space<hbm>>
          tpu.enqueue_indirect_dma source(%dma_start3A_199 : memref<10000x32xf32, #tpu.memory_space<hbm>>) target(%arg13 : memref<128x32xf32, #tpu.memory_space<vmem>>) offsets(%dma_start3A_196 : memref<128xi32, #tpu.memory_space<vmem>>) semaphore(%arg18 : memref<!tpu.dma_semaphore, #tpu.memory_space<semaphore_mem>>)
        } else {
        }
        %mul3A_141 = arith.constant 4 : i32
        %mul3A_142 = arith.muli %mul3A_141, %scan3A_94 : i32
        %add3A_143 = arith.constant 2 : i32
        %add3A_144 = arith.addi %mul3A_142, %add3A_143 : i32
        %dma_wait3A_145 = arith.constant 0 : i32
        %dma_wait3A_146 = tpu.memref_slice %arg8[%add3A_144, %dma_wait3A_145] : memref<100x128xi32, #tpu.memory_space<vmem>> -> memref<1x128xi32, #tpu.memory_space<vmem>>
        %dma_wait3A_147 = tpu.memref_squeeze %dma_wait3A_146 : memref<1x128xi32, #tpu.memory_space<vmem>> -> memref<128xi32, #tpu.memory_space<vmem>>
        %dma_wait3A_148 = arith.constant 0 : i32
        %dma_wait3A_149 = arith.constant 0 : i32
        %dma_wait3A_150 = tpu.memref_slice %arg2[%dma_wait3A_148, %dma_wait3A_149] : memref<10000x32xf32, #tpu.memory_space<hbm>> -> memref<10000x32xf32, #tpu.memory_space<hbm>>
        tpu.wait_indirect_dma semaphore(%arg17 : memref<!tpu.dma_semaphore, #tpu.memory_space<semaphore_mem>>) src(%dma_wait3A_150 : memref<10000x32xf32, #tpu.memory_space<hbm>>) dst(%arg12 : memref<128x32xf32, #tpu.memory_space<vmem>>)
        %dma_start3A_151 = arith.constant 0 : i32
        %dma_start3A_152 = tpu.memref_slice %arg9[%add3A_144, %dma_start3A_151] : memref<100x128xi32, #tpu.memory_space<vmem>> -> memref<1x128xi32, #tpu.memory_space<vmem>>
        %dma_start3A_153 = tpu.memref_squeeze %dma_start3A_152 : memref<1x128xi32, #tpu.memory_space<vmem>> -> memref<128xi32, #tpu.memory_space<vmem>>
        %dma_start3A_154 = arith.constant 0 : i32
        %dma_start3A_155 = arith.constant 0 : i32
        %dma_start3A_156 = tpu.memref_slice %arg14[%dma_start3A_154, %dma_start3A_155] : memref<10240x32xf32, #tpu.memory_space<vmem_shared>> -> memref<10240x32xf32, #tpu.memory_space<vmem_shared>>
        tpu.enqueue_indirect_dma source(%arg12 : memref<128x32xf32, #tpu.memory_space<vmem>>) target(%dma_start3A_156 : memref<10240x32xf32, #tpu.memory_space<vmem_shared>>) offsets(%dma_start3A_153 : memref<128xi32, #tpu.memory_space<vmem>>) semaphore(%arg21 : memref<!tpu.dma_semaphore, #tpu.memory_space<semaphore_mem>>) {add = true}
        %add3A_157 = arith.constant 2 : i32
        %add3A_158 = arith.addi %add3A_144, %add3A_157 : i32
        %lt3A_159 = arith.constant 60 : i32
        %lt3A_160 = arith.cmpi slt, %add3A_158, %lt3A_159 : i32
        %convert_element_type3A_161 = arith.extui %lt3A_160 : i1 to i32
        %cond3A_162 = arith.constant 0 : i32
        %cond3A_163 = arith.cmpi ne, %convert_element_type3A_161, %cond3A_162 : i32
        scf.if %cond3A_163 {
          %ge3A = arith.constant 2 : i32
          %ge3A_188 = arith.cmpi sge, %add3A_144, %ge3A : i32
          %convert_element_type3A_189 = arith.extui %ge3A_188 : i1 to i32
          %cond3A_190 = arith.constant 0 : i32
          %cond3A_191 = arith.cmpi ne, %convert_element_type3A_189, %cond3A_190 : i32
          scf.if %cond3A_191 {
            %sub3A = arith.constant 2 : i32
            %sub3A_200 = arith.subi %add3A_144, %sub3A : i32
            %dma_wait3A_201 = arith.constant 0 : i32
            %dma_wait3A_202 = tpu.memref_slice %arg9[%sub3A_200, %dma_wait3A_201] : memref<100x128xi32, #tpu.memory_space<vmem>> -> memref<1x128xi32, #tpu.memory_space<vmem>>
            %dma_wait3A_203 = tpu.memref_squeeze %dma_wait3A_202 : memref<1x128xi32, #tpu.memory_space<vmem>> -> memref<128xi32, #tpu.memory_space<vmem>>
            %dma_wait3A_204 = arith.constant 0 : i32
            %dma_wait3A_205 = arith.constant 0 : i32
            %dma_wait3A_206 = tpu.memref_slice %arg14[%dma_wait3A_204, %dma_wait3A_205] : memref<10240x32xf32, #tpu.memory_space<vmem_shared>> -> memref<10240x32xf32, #tpu.memory_space<vmem_shared>>
            tpu.wait_indirect_dma semaphore(%arg19 : memref<!tpu.dma_semaphore, #tpu.memory_space<semaphore_mem>>) src(%arg10 : memref<128x32xf32, #tpu.memory_space<vmem>>) dst(%dma_wait3A_206 : memref<10240x32xf32, #tpu.memory_space<vmem_shared>>)
          } else {
          }
          %add3A_192 = arith.constant 2 : i32
          %add3A_193 = arith.addi %add3A_144, %add3A_192 : i32
          %dma_start3A_194 = arith.constant 0 : i32
          %dma_start3A_195 = tpu.memref_slice %arg8[%add3A_193, %dma_start3A_194] : memref<100x128xi32, #tpu.memory_space<vmem>> -> memref<1x128xi32, #tpu.memory_space<vmem>>
          %dma_start3A_196 = tpu.memref_squeeze %dma_start3A_195 : memref<1x128xi32, #tpu.memory_space<vmem>> -> memref<128xi32, #tpu.memory_space<vmem>>
          %dma_start3A_197 = arith.constant 0 : i32
          %dma_start3A_198 = arith.constant 0 : i32
          %dma_start3A_199 = tpu.memref_slice %arg2[%dma_start3A_197, %dma_start3A_198] : memref<10000x32xf32, #tpu.memory_space<hbm>> -> memref<10000x32xf32, #tpu.memory_space<hbm>>
          tpu.enqueue_indirect_dma source(%dma_start3A_199 : memref<10000x32xf32, #tpu.memory_space<hbm>>) target(%arg10 : memref<128x32xf32, #tpu.memory_space<vmem>>) offsets(%dma_start3A_196 : memref<128xi32, #tpu.memory_space<vmem>>) semaphore(%arg15 : memref<!tpu.dma_semaphore, #tpu.memory_space<semaphore_mem>>)
        } else {
        }
        %mul3A_164 = arith.constant 4 : i32
        %mul3A_165 = arith.muli %mul3A_164, %scan3A_94 : i32
        %add3A_166 = arith.constant 3 : i32
        %add3A_167 = arith.addi %mul3A_165, %add3A_166 : i32
        %dma_wait3A_168 = arith.constant 0 : i32
        %dma_wait3A_169 = tpu.memref_slice %arg8[%add3A_167, %dma_wait3A_168] : memref<100x128xi32, #tpu.memory_space<vmem>> -> memref<1x128xi32, #tpu.memory_space<vmem>>
        %dma_wait3A_170 = tpu.memref_squeeze %dma_wait3A_169 : memref<1x128xi32, #tpu.memory_space<vmem>> -> memref<128xi32, #tpu.memory_space<vmem>>
        %dma_wait3A_171 = arith.constant 0 : i32
        %dma_wait3A_172 = arith.constant 0 : i32
        %dma_wait3A_173 = tpu.memref_slice %arg2[%dma_wait3A_171, %dma_wait3A_172] : memref<10000x32xf32, #tpu.memory_space<hbm>> -> memref<10000x32xf32, #tpu.memory_space<hbm>>
        tpu.wait_indirect_dma semaphore(%arg18 : memref<!tpu.dma_semaphore, #tpu.memory_space<semaphore_mem>>) src(%dma_wait3A_173 : memref<10000x32xf32, #tpu.memory_space<hbm>>) dst(%arg13 : memref<128x32xf32, #tpu.memory_space<vmem>>)
        %dma_start3A_174 = arith.constant 0 : i32
        %dma_start3A_175 = tpu.memref_slice %arg9[%add3A_167, %dma_start3A_174] : memref<100x128xi32, #tpu.memory_space<vmem>> -> memref<1x128xi32, #tpu.memory_space<vmem>>
        %dma_start3A_176 = tpu.memref_squeeze %dma_start3A_175 : memref<1x128xi32, #tpu.memory_space<vmem>> -> memref<128xi32, #tpu.memory_space<vmem>>
        %dma_start3A_177 = arith.constant 0 : i32
        %dma_start3A_178 = arith.constant 0 : i32
        %dma_start3A_179 = tpu.memref_slice %arg14[%dma_start3A_177, %dma_start3A_178] : memref<10240x32xf32, #tpu.memory_space<vmem_shared>> -> memref<10240x32xf32, #tpu.memory_space<vmem_shared>>
        tpu.enqueue_indirect_dma source(%arg13 : memref<128x32xf32, #tpu.memory_space<vmem>>) target(%dma_start3A_179 : memref<10240x32xf32, #tpu.memory_space<vmem_shared>>) offsets(%dma_start3A_176 : memref<128xi32, #tpu.memory_space<vmem>>) semaphore(%arg22 : memref<!tpu.dma_semaphore, #tpu.memory_space<semaphore_mem>>) {add = true}
        %add3A_180 = arith.constant 2 : i32
        %add3A_181 = arith.addi %add3A_167, %add3A_180 : i32
        %lt3A_182 = arith.constant 60 : i32
        %lt3A_183 = arith.cmpi slt, %add3A_181, %lt3A_182 : i32
        %convert_element_type3A_184 = arith.extui %lt3A_183 : i1 to i32
        %cond3A_185 = arith.constant 0 : i32
        %cond3A_186 = arith.cmpi ne, %convert_element_type3A_184, %cond3A_185 : i32
        scf.if %cond3A_186 {
          %ge3A = arith.constant 2 : i32
          %ge3A_188 = arith.cmpi sge, %add3A_167, %ge3A : i32
          %convert_element_type3A_189 = arith.extui %ge3A_188 : i1 to i32
          %cond3A_190 = arith.constant 0 : i32
          %cond3A_191 = arith.cmpi ne, %convert_element_type3A_189, %cond3A_190 : i32
          scf.if %cond3A_191 {
            %sub3A = arith.constant 2 : i32
            %sub3A_200 = arith.subi %add3A_167, %sub3A : i32
            %dma_wait3A_201 = arith.constant 0 : i32
            %dma_wait3A_202 = tpu.memref_slice %arg9[%sub3A_200, %dma_wait3A_201] : memref<100x128xi32, #tpu.memory_space<vmem>> -> memref<1x128xi32, #tpu.memory_space<vmem>>
            %dma_wait3A_203 = tpu.memref_squeeze %dma_wait3A_202 : memref<1x128xi32, #tpu.memory_space<vmem>> -> memref<128xi32, #tpu.memory_space<vmem>>
            %dma_wait3A_204 = arith.constant 0 : i32
            %dma_wait3A_205 = arith.constant 0 : i32
            %dma_wait3A_206 = tpu.memref_slice %arg14[%dma_wait3A_204, %dma_wait3A_205] : memref<10240x32xf32, #tpu.memory_space<vmem_shared>> -> memref<10240x32xf32, #tpu.memory_space<vmem_shared>>
            tpu.wait_indirect_dma semaphore(%arg20 : memref<!tpu.dma_semaphore, #tpu.memory_space<semaphore_mem>>) src(%arg11 : memref<128x32xf32, #tpu.memory_space<vmem>>) dst(%dma_wait3A_206 : memref<10240x32xf32, #tpu.memory_space<vmem_shared>>)
          } else {
          }
          %add3A_192 = arith.constant 2 : i32
          %add3A_193 = arith.addi %add3A_167, %add3A_192 : i32
          %dma_start3A_194 = arith.constant 0 : i32
          %dma_start3A_195 = tpu.memref_slice %arg8[%add3A_193, %dma_start3A_194] : memref<100x128xi32, #tpu.memory_space<vmem>> -> memref<1x128xi32, #tpu.memory_space<vmem>>
          %dma_start3A_196 = tpu.memref_squeeze %dma_start3A_195 : memref<1x128xi32, #tpu.memory_space<vmem>> -> memref<128xi32, #tpu.memory_space<vmem>>
          %dma_start3A_197 = arith.constant 0 : i32
          %dma_start3A_198 = arith.constant 0 : i32
          %dma_start3A_199 = tpu.memref_slice %arg2[%dma_start3A_197, %dma_start3A_198] : memref<10000x32xf32, #tpu.memory_space<hbm>> -> memref<10000x32xf32, #tpu.memory_space<hbm>>
          tpu.enqueue_indirect_dma source(%dma_start3A_199 : memref<10000x32xf32, #tpu.memory_space<hbm>>) target(%arg11 : memref<128x32xf32, #tpu.memory_space<vmem>>) offsets(%dma_start3A_196 : memref<128xi32, #tpu.memory_space<vmem>>) semaphore(%arg16 : memref<!tpu.dma_semaphore, #tpu.memory_space<semaphore_mem>>)
        } else {
        }
        %scan3A_187 = arith.constant 0 : i32
        scf.yield %scan3A_187 : i32
      }
      %scan3A_66 = arith.constant 15 : i32
      %dma_wait3A = arith.constant 56 : i32
      %dma_wait3A_67 = arith.constant 0 : i32
      %dma_wait3A_68 = tpu.memref_slice %arg9[%dma_wait3A, %dma_wait3A_67] : memref<100x128xi32, #tpu.memory_space<vmem>> -> memref<1x128xi32, #tpu.memory_space<vmem>>
      %dma_wait3A_69 = tpu.memref_squeeze %dma_wait3A_68 : memref<1x128xi32, #tpu.memory_space<vmem>> -> memref<128xi32, #tpu.memory_space<vmem>>
      %dma_wait3A_70 = arith.constant 0 : i32
      %dma_wait3A_71 = arith.constant 0 : i32
      %dma_wait3A_72 = tpu.memref_slice %arg14[%dma_wait3A_70, %dma_wait3A_71] : memref<10240x32xf32, #tpu.memory_space<vmem_shared>> -> memref<10240x32xf32, #tpu.memory_space<vmem_shared>>
      tpu.wait_indirect_dma semaphore(%arg19 : memref<!tpu.dma_semaphore, #tpu.memory_space<semaphore_mem>>) src(%arg10 : memref<128x32xf32, #tpu.memory_space<vmem>>) dst(%dma_wait3A_72 : memref<10240x32xf32, #tpu.memory_space<vmem_shared>>)
      %dma_wait3A_73 = arith.constant 57 : i32
      %dma_wait3A_74 = arith.constant 0 : i32
      %dma_wait3A_75 = tpu.memref_slice %arg9[%dma_wait3A_73, %dma_wait3A_74] : memref<100x128xi32, #tpu.memory_space<vmem>> -> memref<1x128xi32, #tpu.memory_space<vmem>>
      %dma_wait3A_76 = tpu.memref_squeeze %dma_wait3A_75 : memref<1x128xi32, #tpu.memory_space<vmem>> -> memref<128xi32, #tpu.memory_space<vmem>>
      %dma_wait3A_77 = arith.constant 0 : i32
      %dma_wait3A_78 = arith.constant 0 : i32
      %dma_wait3A_79 = tpu.memref_slice %arg14[%dma_wait3A_77, %dma_wait3A_78] : memref<10240x32xf32, #tpu.memory_space<vmem_shared>> -> memref<10240x32xf32, #tpu.memory_space<vmem_shared>>
      tpu.wait_indirect_dma semaphore(%arg20 : memref<!tpu.dma_semaphore, #tpu.memory_space<semaphore_mem>>) src(%arg11 : memref<128x32xf32, #tpu.memory_space<vmem>>) dst(%dma_wait3A_79 : memref<10240x32xf32, #tpu.memory_space<vmem_shared>>)
      %dma_wait3A_80 = arith.constant 58 : i32
      %dma_wait3A_81 = arith.constant 0 : i32
      %dma_wait3A_82 = tpu.memref_slice %arg9[%dma_wait3A_80, %dma_wait3A_81] : memref<100x128xi32, #tpu.memory_space<vmem>> -> memref<1x128xi32, #tpu.memory_space<vmem>>
      %dma_wait3A_83 = tpu.memref_squeeze %dma_wait3A_82 : memref<1x128xi32, #tpu.memory_space<vmem>> -> memref<128xi32, #tpu.memory_space<vmem>>
      %dma_wait3A_84 = arith.constant 0 : i32
      %dma_wait3A_85 = arith.constant 0 : i32
      %dma_wait3A_86 = tpu.memref_slice %arg14[%dma_wait3A_84, %dma_wait3A_85] : memref<10240x32xf32, #tpu.memory_space<vmem_shared>> -> memref<10240x32xf32, #tpu.memory_space<vmem_shared>>
      tpu.wait_indirect_dma semaphore(%arg21 : memref<!tpu.dma_semaphore, #tpu.memory_space<semaphore_mem>>) src(%arg12 : memref<128x32xf32, #tpu.memory_space<vmem>>) dst(%dma_wait3A_86 : memref<10240x32xf32, #tpu.memory_space<vmem_shared>>)
      %dma_wait3A_87 = arith.constant 59 : i32
      %dma_wait3A_88 = arith.constant 0 : i32
      %dma_wait3A_89 = tpu.memref_slice %arg9[%dma_wait3A_87, %dma_wait3A_88] : memref<100x128xi32, #tpu.memory_space<vmem>> -> memref<1x128xi32, #tpu.memory_space<vmem>>
      %dma_wait3A_90 = tpu.memref_squeeze %dma_wait3A_89 : memref<1x128xi32, #tpu.memory_space<vmem>> -> memref<128xi32, #tpu.memory_space<vmem>>
      %dma_wait3A_91 = arith.constant 0 : i32
      %dma_wait3A_92 = arith.constant 0 : i32
      %dma_wait3A_93 = tpu.memref_slice %arg14[%dma_wait3A_91, %dma_wait3A_92] : memref<10240x32xf32, #tpu.memory_space<vmem_shared>> -> memref<10240x32xf32, #tpu.memory_space<vmem_shared>>
      tpu.wait_indirect_dma semaphore(%arg22 : memref<!tpu.dma_semaphore, #tpu.memory_space<semaphore_mem>>) src(%arg13 : memref<128x32xf32, #tpu.memory_space<vmem>>) dst(%dma_wait3A_93 : memref<10240x32xf32, #tpu.memory_space<vmem_shared>>)
    } else {
    }
    %eq3A_37 = arith.constant 1 : i32
    %eq3A_38 = arith.cmpi eq, %arg0, %eq3A_37 : i32
    %convert_element_type3A_39 = arith.extui %eq3A_38 : i1 to i32
    %cond3A_40 = arith.constant 0 : i32
    %cond3A_41 = arith.cmpi ne, %convert_element_type3A_39, %cond3A_40 : i32
    scf.if %cond3A_41 {
      %dma_start3A = arith.constant 0 : i32
      %dma_start3A_47 = arith.constant 0 : i32
      %dma_start3A_48 = tpu.memref_slice %arg8[%dma_start3A, %dma_start3A_47] : memref<100x128xi32, #tpu.memory_space<vmem>> -> memref<1x128xi32, #tpu.memory_space<vmem>>
      %dma_start3A_49 = tpu.memref_squeeze %dma_start3A_48 : memref<1x128xi32, #tpu.memory_space<vmem>> -> memref<128xi32, #tpu.memory_space<vmem>>
      %dma_start3A_50 = arith.constant 0 : i32
      %dma_start3A_51 = arith.constant 0 : i32
      %dma_start3A_52 = tpu.memref_slice %arg2[%dma_start3A_50, %dma_start3A_51] : memref<10000x32xf32, #tpu.memory_space<hbm>> -> memref<10000x32xf32, #tpu.memory_space<hbm>>
      tpu.enqueue_indirect_dma source(%dma_start3A_52 : memref<10000x32xf32, #tpu.memory_space<hbm>>) target(%arg10 : memref<128x32xf32, #tpu.memory_space<vmem>>) offsets(%dma_start3A_49 : memref<128xi32, #tpu.memory_space<vmem>>) semaphore(%arg15 : memref<!tpu.dma_semaphore, #tpu.memory_space<semaphore_mem>>)
      %dma_start3A_53 = arith.constant 1 : i32
      %dma_start3A_54 = arith.constant 0 : i32
      %dma_start3A_55 = tpu.memref_slice %arg8[%dma_start3A_53, %dma_start3A_54] : memref<100x128xi32, #tpu.memory_space<vmem>> -> memref<1x128xi32, #tpu.memory_space<vmem>>
      %dma_start3A_56 = tpu.memref_squeeze %dma_start3A_55 : memref<1x128xi32, #tpu.memory_space<vmem>> -> memref<128xi32, #tpu.memory_space<vmem>>
      %dma_start3A_57 = arith.constant 0 : i32
      %dma_start3A_58 = arith.constant 0 : i32
      %dma_start3A_59 = tpu.memref_slice %arg2[%dma_start3A_57, %dma_start3A_58] : memref<10000x32xf32, #tpu.memory_space<hbm>> -> memref<10000x32xf32, #tpu.memory_space<hbm>>
      tpu.enqueue_indirect_dma source(%dma_start3A_59 : memref<10000x32xf32, #tpu.memory_space<hbm>>) target(%arg11 : memref<128x32xf32, #tpu.memory_space<vmem>>) offsets(%dma_start3A_56 : memref<128xi32, #tpu.memory_space<vmem>>) semaphore(%arg16 : memref<!tpu.dma_semaphore, #tpu.memory_space<semaphore_mem>>)
      %scan3A_60 = arith.constant 0 : i32
      %scan3A_61 = arith.constant 0 : i32
      %scan3A_62 = arith.constant 25 : i32
      %scan3A_63 = arith.addi %scan3A_61, %scan3A_62 : i32
      %scan3A_64 = arith.constant 1 : i32
      %scan3A_65 = scf.for %scan3A_94 = %scan3A_61 to %scan3A_63 step %scan3A_64 iter_args(%scan3A_95 = %scan3A_60) -> (i32)  : i32 {
        %mul3A_96 = arith.constant 4 : i32
        %mul3A_97 = arith.muli %mul3A_96, %scan3A_94 : i32
        %add3A_98 = arith.constant 0 : i32
        %add3A_99 = arith.addi %mul3A_97, %add3A_98 : i32
        %dma_wait3A_100 = arith.constant 0 : i32
        %dma_wait3A_101 = tpu.memref_slice %arg8[%add3A_99, %dma_wait3A_100] : memref<100x128xi32, #tpu.memory_space<vmem>> -> memref<1x128xi32, #tpu.memory_space<vmem>>
        %dma_wait3A_102 = tpu.memref_squeeze %dma_wait3A_101 : memref<1x128xi32, #tpu.memory_space<vmem>> -> memref<128xi32, #tpu.memory_space<vmem>>
        %dma_wait3A_103 = arith.constant 0 : i32
        %dma_wait3A_104 = arith.constant 0 : i32
        %dma_wait3A_105 = tpu.memref_slice %arg2[%dma_wait3A_103, %dma_wait3A_104] : memref<10000x32xf32, #tpu.memory_space<hbm>> -> memref<10000x32xf32, #tpu.memory_space<hbm>>
        tpu.wait_indirect_dma semaphore(%arg15 : memref<!tpu.dma_semaphore, #tpu.memory_space<semaphore_mem>>) src(%dma_wait3A_105 : memref<10000x32xf32, #tpu.memory_space<hbm>>) dst(%arg10 : memref<128x32xf32, #tpu.memory_space<vmem>>)
        %dma_start3A_106 = arith.constant 0 : i32
        %dma_start3A_107 = tpu.memref_slice %arg9[%add3A_99, %dma_start3A_106] : memref<100x128xi32, #tpu.memory_space<vmem>> -> memref<1x128xi32, #tpu.memory_space<vmem>>
        %dma_start3A_108 = tpu.memref_squeeze %dma_start3A_107 : memref<1x128xi32, #tpu.memory_space<vmem>> -> memref<128xi32, #tpu.memory_space<vmem>>
        %dma_start3A_109 = arith.constant 0 : i32
        %dma_start3A_110 = arith.constant 0 : i32
        %dma_start3A_111 = tpu.memref_slice %arg14[%dma_start3A_109, %dma_start3A_110] : memref<10240x32xf32, #tpu.memory_space<vmem_shared>> -> memref<10240x32xf32, #tpu.memory_space<vmem_shared>>
        tpu.enqueue_indirect_dma source(%arg10 : memref<128x32xf32, #tpu.memory_space<vmem>>) target(%dma_start3A_111 : memref<10240x32xf32, #tpu.memory_space<vmem_shared>>) offsets(%dma_start3A_108 : memref<128xi32, #tpu.memory_space<vmem>>) semaphore(%arg19 : memref<!tpu.dma_semaphore, #tpu.memory_space<semaphore_mem>>) {add = true}
        %add3A_112 = arith.constant 2 : i32
        %add3A_113 = arith.addi %add3A_99, %add3A_112 : i32
        %lt3A = arith.constant 100 : i32
        %lt3A_114 = arith.cmpi slt, %add3A_113, %lt3A : i32
        %convert_element_type3A_115 = arith.extui %lt3A_114 : i1 to i32
        %cond3A_116 = arith.constant 0 : i32
        %cond3A_117 = arith.cmpi ne, %convert_element_type3A_115, %cond3A_116 : i32
        scf.if %cond3A_117 {
          %ge3A = arith.constant 2 : i32
          %ge3A_188 = arith.cmpi sge, %add3A_99, %ge3A : i32
          %convert_element_type3A_189 = arith.extui %ge3A_188 : i1 to i32
          %cond3A_190 = arith.constant 0 : i32
          %cond3A_191 = arith.cmpi ne, %convert_element_type3A_189, %cond3A_190 : i32
          scf.if %cond3A_191 {
            %sub3A = arith.constant 2 : i32
            %sub3A_200 = arith.subi %add3A_99, %sub3A : i32
            %dma_wait3A_201 = arith.constant 0 : i32
            %dma_wait3A_202 = tpu.memref_slice %arg9[%sub3A_200, %dma_wait3A_201] : memref<100x128xi32, #tpu.memory_space<vmem>> -> memref<1x128xi32, #tpu.memory_space<vmem>>
            %dma_wait3A_203 = tpu.memref_squeeze %dma_wait3A_202 : memref<1x128xi32, #tpu.memory_space<vmem>> -> memref<128xi32, #tpu.memory_space<vmem>>
            %dma_wait3A_204 = arith.constant 0 : i32
            %dma_wait3A_205 = arith.constant 0 : i32
            %dma_wait3A_206 = tpu.memref_slice %arg14[%dma_wait3A_204, %dma_wait3A_205] : memref<10240x32xf32, #tpu.memory_space<vmem_shared>> -> memref<10240x32xf32, #tpu.memory_space<vmem_shared>>
            tpu.wait_indirect_dma semaphore(%arg21 : memref<!tpu.dma_semaphore, #tpu.memory_space<semaphore_mem>>) src(%arg12 : memref<128x32xf32, #tpu.memory_space<vmem>>) dst(%dma_wait3A_206 : memref<10240x32xf32, #tpu.memory_space<vmem_shared>>)
          } else {
          }
          %add3A_192 = arith.constant 2 : i32
          %add3A_193 = arith.addi %add3A_99, %add3A_192 : i32
          %dma_start3A_194 = arith.constant 0 : i32
          %dma_start3A_195 = tpu.memref_slice %arg8[%add3A_193, %dma_start3A_194] : memref<100x128xi32, #tpu.memory_space<vmem>> -> memref<1x128xi32, #tpu.memory_space<vmem>>
          %dma_start3A_196 = tpu.memref_squeeze %dma_start3A_195 : memref<1x128xi32, #tpu.memory_space<vmem>> -> memref<128xi32, #tpu.memory_space<vmem>>
          %dma_start3A_197 = arith.constant 0 : i32
          %dma_start3A_198 = arith.constant 0 : i32
          %dma_start3A_199 = tpu.memref_slice %arg2[%dma_start3A_197, %dma_start3A_198] : memref<10000x32xf32, #tpu.memory_space<hbm>> -> memref<10000x32xf32, #tpu.memory_space<hbm>>
          tpu.enqueue_indirect_dma source(%dma_start3A_199 : memref<10000x32xf32, #tpu.memory_space<hbm>>) target(%arg12 : memref<128x32xf32, #tpu.memory_space<vmem>>) offsets(%dma_start3A_196 : memref<128xi32, #tpu.memory_space<vmem>>) semaphore(%arg17 : memref<!tpu.dma_semaphore, #tpu.memory_space<semaphore_mem>>)
        } else {
        }
        %mul3A_118 = arith.constant 4 : i32
        %mul3A_119 = arith.muli %mul3A_118, %scan3A_94 : i32
        %add3A_120 = arith.constant 1 : i32
        %add3A_121 = arith.addi %mul3A_119, %add3A_120 : i32
        %dma_wait3A_122 = arith.constant 0 : i32
        %dma_wait3A_123 = tpu.memref_slice %arg8[%add3A_121, %dma_wait3A_122] : memref<100x128xi32, #tpu.memory_space<vmem>> -> memref<1x128xi32, #tpu.memory_space<vmem>>
        %dma_wait3A_124 = tpu.memref_squeeze %dma_wait3A_123 : memref<1x128xi32, #tpu.memory_space<vmem>> -> memref<128xi32, #tpu.memory_space<vmem>>
        %dma_wait3A_125 = arith.constant 0 : i32
        %dma_wait3A_126 = arith.constant 0 : i32
        %dma_wait3A_127 = tpu.memref_slice %arg2[%dma_wait3A_125, %dma_wait3A_126] : memref<10000x32xf32, #tpu.memory_space<hbm>> -> memref<10000x32xf32, #tpu.memory_space<hbm>>
        tpu.wait_indirect_dma semaphore(%arg16 : memref<!tpu.dma_semaphore, #tpu.memory_space<semaphore_mem>>) src(%dma_wait3A_127 : memref<10000x32xf32, #tpu.memory_space<hbm>>) dst(%arg11 : memref<128x32xf32, #tpu.memory_space<vmem>>)
        %dma_start3A_128 = arith.constant 0 : i32
        %dma_start3A_129 = tpu.memref_slice %arg9[%add3A_121, %dma_start3A_128] : memref<100x128xi32, #tpu.memory_space<vmem>> -> memref<1x128xi32, #tpu.memory_space<vmem>>
        %dma_start3A_130 = tpu.memref_squeeze %dma_start3A_129 : memref<1x128xi32, #tpu.memory_space<vmem>> -> memref<128xi32, #tpu.memory_space<vmem>>
        %dma_start3A_131 = arith.constant 0 : i32
        %dma_start3A_132 = arith.constant 0 : i32
        %dma_start3A_133 = tpu.memref_slice %arg14[%dma_start3A_131, %dma_start3A_132] : memref<10240x32xf32, #tpu.memory_space<vmem_shared>> -> memref<10240x32xf32, #tpu.memory_space<vmem_shared>>
        tpu.enqueue_indirect_dma source(%arg11 : memref<128x32xf32, #tpu.memory_space<vmem>>) target(%dma_start3A_133 : memref<10240x32xf32, #tpu.memory_space<vmem_shared>>) offsets(%dma_start3A_130 : memref<128xi32, #tpu.memory_space<vmem>>) semaphore(%arg20 : memref<!tpu.dma_semaphore, #tpu.memory_space<semaphore_mem>>) {add = true}
        %add3A_134 = arith.constant 2 : i32
        %add3A_135 = arith.addi %add3A_121, %add3A_134 : i32
        %lt3A_136 = arith.constant 100 : i32
        %lt3A_137 = arith.cmpi slt, %add3A_135, %lt3A_136 : i32
        %convert_element_type3A_138 = arith.extui %lt3A_137 : i1 to i32
        %cond3A_139 = arith.constant 0 : i32
        %cond3A_140 = arith.cmpi ne, %convert_element_type3A_138, %cond3A_139 : i32
        scf.if %cond3A_140 {
          %ge3A = arith.constant 2 : i32
          %ge3A_188 = arith.cmpi sge, %add3A_121, %ge3A : i32
          %convert_element_type3A_189 = arith.extui %ge3A_188 : i1 to i32
          %cond3A_190 = arith.constant 0 : i32
          %cond3A_191 = arith.cmpi ne, %convert_element_type3A_189, %cond3A_190 : i32
          scf.if %cond3A_191 {
            %sub3A = arith.constant 2 : i32
            %sub3A_200 = arith.subi %add3A_121, %sub3A : i32
            %dma_wait3A_201 = arith.constant 0 : i32
            %dma_wait3A_202 = tpu.memref_slice %arg9[%sub3A_200, %dma_wait3A_201] : memref<100x128xi32, #tpu.memory_space<vmem>> -> memref<1x128xi32, #tpu.memory_space<vmem>>
            %dma_wait3A_203 = tpu.memref_squeeze %dma_wait3A_202 : memref<1x128xi32, #tpu.memory_space<vmem>> -> memref<128xi32, #tpu.memory_space<vmem>>
            %dma_wait3A_204 = arith.constant 0 : i32
            %dma_wait3A_205 = arith.constant 0 : i32
            %dma_wait3A_206 = tpu.memref_slice %arg14[%dma_wait3A_204, %dma_wait3A_205] : memref<10240x32xf32, #tpu.memory_space<vmem_shared>> -> memref<10240x32xf32, #tpu.memory_space<vmem_shared>>
            tpu.wait_indirect_dma semaphore(%arg22 : memref<!tpu.dma_semaphore, #tpu.memory_space<semaphore_mem>>) src(%arg13 : memref<128x32xf32, #tpu.memory_space<vmem>>) dst(%dma_wait3A_206 : memref<10240x32xf32, #tpu.memory_space<vmem_shared>>)
          } else {
          }
          %add3A_192 = arith.constant 2 : i32
          %add3A_193 = arith.addi %add3A_121, %add3A_192 : i32
          %dma_start3A_194 = arith.constant 0 : i32
          %dma_start3A_195 = tpu.memref_slice %arg8[%add3A_193, %dma_start3A_194] : memref<100x128xi32, #tpu.memory_space<vmem>> -> memref<1x128xi32, #tpu.memory_space<vmem>>
          %dma_start3A_196 = tpu.memref_squeeze %dma_start3A_195 : memref<1x128xi32, #tpu.memory_space<vmem>> -> memref<128xi32, #tpu.memory_space<vmem>>
          %dma_start3A_197 = arith.constant 0 : i32
          %dma_start3A_198 = arith.constant 0 : i32
          %dma_start3A_199 = tpu.memref_slice %arg2[%dma_start3A_197, %dma_start3A_198] : memref<10000x32xf32, #tpu.memory_space<hbm>> -> memref<10000x32xf32, #tpu.memory_space<hbm>>
          tpu.enqueue_indirect_dma source(%dma_start3A_199 : memref<10000x32xf32, #tpu.memory_space<hbm>>) target(%arg13 : memref<128x32xf32, #tpu.memory_space<vmem>>) offsets(%dma_start3A_196 : memref<128xi32, #tpu.memory_space<vmem>>) semaphore(%arg18 : memref<!tpu.dma_semaphore, #tpu.memory_space<semaphore_mem>>)
        } else {
        }
        %mul3A_141 = arith.constant 4 : i32
        %mul3A_142 = arith.muli %mul3A_141, %scan3A_94 : i32
        %add3A_143 = arith.constant 2 : i32
        %add3A_144 = arith.addi %mul3A_142, %add3A_143 : i32
        %dma_wait3A_145 = arith.constant 0 : i32
        %dma_wait3A_146 = tpu.memref_slice %arg8[%add3A_144, %dma_wait3A_145] : memref<100x128xi32, #tpu.memory_space<vmem>> -> memref<1x128xi32, #tpu.memory_space<vmem>>
        %dma_wait3A_147 = tpu.memref_squeeze %dma_wait3A_146 : memref<1x128xi32, #tpu.memory_space<vmem>> -> memref<128xi32, #tpu.memory_space<vmem>>
        %dma_wait3A_148 = arith.constant 0 : i32
        %dma_wait3A_149 = arith.constant 0 : i32
        %dma_wait3A_150 = tpu.memref_slice %arg2[%dma_wait3A_148, %dma_wait3A_149] : memref<10000x32xf32, #tpu.memory_space<hbm>> -> memref<10000x32xf32, #tpu.memory_space<hbm>>
        tpu.wait_indirect_dma semaphore(%arg17 : memref<!tpu.dma_semaphore, #tpu.memory_space<semaphore_mem>>) src(%dma_wait3A_150 : memref<10000x32xf32, #tpu.memory_space<hbm>>) dst(%arg12 : memref<128x32xf32, #tpu.memory_space<vmem>>)
        %dma_start3A_151 = arith.constant 0 : i32
        %dma_start3A_152 = tpu.memref_slice %arg9[%add3A_144, %dma_start3A_151] : memref<100x128xi32, #tpu.memory_space<vmem>> -> memref<1x128xi32, #tpu.memory_space<vmem>>
        %dma_start3A_153 = tpu.memref_squeeze %dma_start3A_152 : memref<1x128xi32, #tpu.memory_space<vmem>> -> memref<128xi32, #tpu.memory_space<vmem>>
        %dma_start3A_154 = arith.constant 0 : i32
        %dma_start3A_155 = arith.constant 0 : i32
        %dma_start3A_156 = tpu.memref_slice %arg14[%dma_start3A_154, %dma_start3A_155] : memref<10240x32xf32, #tpu.memory_space<vmem_shared>> -> memref<10240x32xf32, #tpu.memory_space<vmem_shared>>
        tpu.enqueue_indirect_dma source(%arg12 : memref<128x32xf32, #tpu.memory_space<vmem>>) target(%dma_start3A_156 : memref<10240x32xf32, #tpu.memory_space<vmem_shared>>) offsets(%dma_start3A_153 : memref<128xi32, #tpu.memory_space<vmem>>) semaphore(%arg21 : memref<!tpu.dma_semaphore, #tpu.memory_space<semaphore_mem>>) {add = true}
        %add3A_157 = arith.constant 2 : i32
        %add3A_158 = arith.addi %add3A_144, %add3A_157 : i32
        %lt3A_159 = arith.constant 100 : i32
        %lt3A_160 = arith.cmpi slt, %add3A_158, %lt3A_159 : i32
        %convert_element_type3A_161 = arith.extui %lt3A_160 : i1 to i32
        %cond3A_162 = arith.constant 0 : i32
        %cond3A_163 = arith.cmpi ne, %convert_element_type3A_161, %cond3A_162 : i32
        scf.if %cond3A_163 {
          %ge3A = arith.constant 2 : i32
          %ge3A_188 = arith.cmpi sge, %add3A_144, %ge3A : i32
          %convert_element_type3A_189 = arith.extui %ge3A_188 : i1 to i32
          %cond3A_190 = arith.constant 0 : i32
          %cond3A_191 = arith.cmpi ne, %convert_element_type3A_189, %cond3A_190 : i32
          scf.if %cond3A_191 {
            %sub3A = arith.constant 2 : i32
            %sub3A_200 = arith.subi %add3A_144, %sub3A : i32
            %dma_wait3A_201 = arith.constant 0 : i32
            %dma_wait3A_202 = tpu.memref_slice %arg9[%sub3A_200, %dma_wait3A_201] : memref<100x128xi32, #tpu.memory_space<vmem>> -> memref<1x128xi32, #tpu.memory_space<vmem>>
            %dma_wait3A_203 = tpu.memref_squeeze %dma_wait3A_202 : memref<1x128xi32, #tpu.memory_space<vmem>> -> memref<128xi32, #tpu.memory_space<vmem>>
            %dma_wait3A_204 = arith.constant 0 : i32
            %dma_wait3A_205 = arith.constant 0 : i32
            %dma_wait3A_206 = tpu.memref_slice %arg14[%dma_wait3A_204, %dma_wait3A_205] : memref<10240x32xf32, #tpu.memory_space<vmem_shared>> -> memref<10240x32xf32, #tpu.memory_space<vmem_shared>>
            tpu.wait_indirect_dma semaphore(%arg19 : memref<!tpu.dma_semaphore, #tpu.memory_space<semaphore_mem>>) src(%arg10 : memref<128x32xf32, #tpu.memory_space<vmem>>) dst(%dma_wait3A_206 : memref<10240x32xf32, #tpu.memory_space<vmem_shared>>)
          } else {
          }
          %add3A_192 = arith.constant 2 : i32
          %add3A_193 = arith.addi %add3A_144, %add3A_192 : i32
          %dma_start3A_194 = arith.constant 0 : i32
          %dma_start3A_195 = tpu.memref_slice %arg8[%add3A_193, %dma_start3A_194] : memref<100x128xi32, #tpu.memory_space<vmem>> -> memref<1x128xi32, #tpu.memory_space<vmem>>
          %dma_start3A_196 = tpu.memref_squeeze %dma_start3A_195 : memref<1x128xi32, #tpu.memory_space<vmem>> -> memref<128xi32, #tpu.memory_space<vmem>>
          %dma_start3A_197 = arith.constant 0 : i32
          %dma_start3A_198 = arith.constant 0 : i32
          %dma_start3A_199 = tpu.memref_slice %arg2[%dma_start3A_197, %dma_start3A_198] : memref<10000x32xf32, #tpu.memory_space<hbm>> -> memref<10000x32xf32, #tpu.memory_space<hbm>>
          tpu.enqueue_indirect_dma source(%dma_start3A_199 : memref<10000x32xf32, #tpu.memory_space<hbm>>) target(%arg10 : memref<128x32xf32, #tpu.memory_space<vmem>>) offsets(%dma_start3A_196 : memref<128xi32, #tpu.memory_space<vmem>>) semaphore(%arg15 : memref<!tpu.dma_semaphore, #tpu.memory_space<semaphore_mem>>)
        } else {
        }
        %mul3A_164 = arith.constant 4 : i32
        %mul3A_165 = arith.muli %mul3A_164, %scan3A_94 : i32
        %add3A_166 = arith.constant 3 : i32
        %add3A_167 = arith.addi %mul3A_165, %add3A_166 : i32
        %dma_wait3A_168 = arith.constant 0 : i32
        %dma_wait3A_169 = tpu.memref_slice %arg8[%add3A_167, %dma_wait3A_168] : memref<100x128xi32, #tpu.memory_space<vmem>> -> memref<1x128xi32, #tpu.memory_space<vmem>>
        %dma_wait3A_170 = tpu.memref_squeeze %dma_wait3A_169 : memref<1x128xi32, #tpu.memory_space<vmem>> -> memref<128xi32, #tpu.memory_space<vmem>>
        %dma_wait3A_171 = arith.constant 0 : i32
        %dma_wait3A_172 = arith.constant 0 : i32
        %dma_wait3A_173 = tpu.memref_slice %arg2[%dma_wait3A_171, %dma_wait3A_172] : memref<10000x32xf32, #tpu.memory_space<hbm>> -> memref<10000x32xf32, #tpu.memory_space<hbm>>
        tpu.wait_indirect_dma semaphore(%arg18 : memref<!tpu.dma_semaphore, #tpu.memory_space<semaphore_mem>>) src(%dma_wait3A_173 : memref<10000x32xf32, #tpu.memory_space<hbm>>) dst(%arg13 : memref<128x32xf32, #tpu.memory_space<vmem>>)
        %dma_start3A_174 = arith.constant 0 : i32
        %dma_start3A_175 = tpu.memref_slice %arg9[%add3A_167, %dma_start3A_174] : memref<100x128xi32, #tpu.memory_space<vmem>> -> memref<1x128xi32, #tpu.memory_space<vmem>>
        %dma_start3A_176 = tpu.memref_squeeze %dma_start3A_175 : memref<1x128xi32, #tpu.memory_space<vmem>> -> memref<128xi32, #tpu.memory_space<vmem>>
        %dma_start3A_177 = arith.constant 0 : i32
        %dma_start3A_178 = arith.constant 0 : i32
        %dma_start3A_179 = tpu.memref_slice %arg14[%dma_start3A_177, %dma_start3A_178] : memref<10240x32xf32, #tpu.memory_space<vmem_shared>> -> memref<10240x32xf32, #tpu.memory_space<vmem_shared>>
        tpu.enqueue_indirect_dma source(%arg13 : memref<128x32xf32, #tpu.memory_space<vmem>>) target(%dma_start3A_179 : memref<10240x32xf32, #tpu.memory_space<vmem_shared>>) offsets(%dma_start3A_176 : memref<128xi32, #tpu.memory_space<vmem>>) semaphore(%arg22 : memref<!tpu.dma_semaphore, #tpu.memory_space<semaphore_mem>>) {add = true}
        %add3A_180 = arith.constant 2 : i32
        %add3A_181 = arith.addi %add3A_167, %add3A_180 : i32
        %lt3A_182 = arith.constant 100 : i32
        %lt3A_183 = arith.cmpi slt, %add3A_181, %lt3A_182 : i32
        %convert_element_type3A_184 = arith.extui %lt3A_183 : i1 to i32
        %cond3A_185 = arith.constant 0 : i32
        %cond3A_186 = arith.cmpi ne, %convert_element_type3A_184, %cond3A_185 : i32
        scf.if %cond3A_186 {
          %ge3A = arith.constant 2 : i32
          %ge3A_188 = arith.cmpi sge, %add3A_167, %ge3A : i32
          %convert_element_type3A_189 = arith.extui %ge3A_188 : i1 to i32
          %cond3A_190 = arith.constant 0 : i32
          %cond3A_191 = arith.cmpi ne, %convert_element_type3A_189, %cond3A_190 : i32
          scf.if %cond3A_191 {
            %sub3A = arith.constant 2 : i32
            %sub3A_200 = arith.subi %add3A_167, %sub3A : i32
            %dma_wait3A_201 = arith.constant 0 : i32
            %dma_wait3A_202 = tpu.memref_slice %arg9[%sub3A_200, %dma_wait3A_201] : memref<100x128xi32, #tpu.memory_space<vmem>> -> memref<1x128xi32, #tpu.memory_space<vmem>>
            %dma_wait3A_203 = tpu.memref_squeeze %dma_wait3A_202 : memref<1x128xi32, #tpu.memory_space<vmem>> -> memref<128xi32, #tpu.memory_space<vmem>>
            %dma_wait3A_204 = arith.constant 0 : i32
            %dma_wait3A_205 = arith.constant 0 : i32
            %dma_wait3A_206 = tpu.memref_slice %arg14[%dma_wait3A_204, %dma_wait3A_205] : memref<10240x32xf32, #tpu.memory_space<vmem_shared>> -> memref<10240x32xf32, #tpu.memory_space<vmem_shared>>
            tpu.wait_indirect_dma semaphore(%arg20 : memref<!tpu.dma_semaphore, #tpu.memory_space<semaphore_mem>>) src(%arg11 : memref<128x32xf32, #tpu.memory_space<vmem>>) dst(%dma_wait3A_206 : memref<10240x32xf32, #tpu.memory_space<vmem_shared>>)
          } else {
          }
          %add3A_192 = arith.constant 2 : i32
          %add3A_193 = arith.addi %add3A_167, %add3A_192 : i32
          %dma_start3A_194 = arith.constant 0 : i32
          %dma_start3A_195 = tpu.memref_slice %arg8[%add3A_193, %dma_start3A_194] : memref<100x128xi32, #tpu.memory_space<vmem>> -> memref<1x128xi32, #tpu.memory_space<vmem>>
          %dma_start3A_196 = tpu.memref_squeeze %dma_start3A_195 : memref<1x128xi32, #tpu.memory_space<vmem>> -> memref<128xi32, #tpu.memory_space<vmem>>
          %dma_start3A_197 = arith.constant 0 : i32
          %dma_start3A_198 = arith.constant 0 : i32
          %dma_start3A_199 = tpu.memref_slice %arg2[%dma_start3A_197, %dma_start3A_198] : memref<10000x32xf32, #tpu.memory_space<hbm>> -> memref<10000x32xf32, #tpu.memory_space<hbm>>
          tpu.enqueue_indirect_dma source(%dma_start3A_199 : memref<10000x32xf32, #tpu.memory_space<hbm>>) target(%arg11 : memref<128x32xf32, #tpu.memory_space<vmem>>) offsets(%dma_start3A_196 : memref<128xi32, #tpu.memory_space<vmem>>) semaphore(%arg16 : memref<!tpu.dma_semaphore, #tpu.memory_space<semaphore_mem>>)
        } else {
        }
        %scan3A_187 = arith.constant 0 : i32
        scf.yield %scan3A_187 : i32
      }
      %scan3A_66 = arith.constant 25 : i32
      %dma_wait3A = arith.constant 96 : i32
      %dma_wait3A_67 = arith.constant 0 : i32
      %dma_wait3A_68 = tpu.memref_slice %arg9[%dma_wait3A, %dma_wait3A_67] : memref<100x128xi32, #tpu.memory_space<vmem>> -> memref<1x128xi32, #tpu.memory_space<vmem>>
      %dma_wait3A_69 = tpu.memref_squeeze %dma_wait3A_68 : memref<1x128xi32, #tpu.memory_space<vmem>> -> memref<128xi32, #tpu.memory_space<vmem>>
      %dma_wait3A_70 = arith.constant 0 : i32
      %dma_wait3A_71 = arith.constant 0 : i32
      %dma_wait3A_72 = tpu.memref_slice %arg14[%dma_wait3A_70, %dma_wait3A_71] : memref<10240x32xf32, #tpu.memory_space<vmem_shared>> -> memref<10240x32xf32, #tpu.memory_space<vmem_shared>>
      tpu.wait_indirect_dma semaphore(%arg19 : memref<!tpu.dma_semaphore, #tpu.memory_space<semaphore_mem>>) src(%arg10 : memref<128x32xf32, #tpu.memory_space<vmem>>) dst(%dma_wait3A_72 : memref<10240x32xf32, #tpu.memory_space<vmem_shared>>)
      %dma_wait3A_73 = arith.constant 97 : i32
      %dma_wait3A_74 = arith.constant 0 : i32
      %dma_wait3A_75 = tpu.memref_slice %arg9[%dma_wait3A_73, %dma_wait3A_74] : memref<100x128xi32, #tpu.memory_space<vmem>> -> memref<1x128xi32, #tpu.memory_space<vmem>>
      %dma_wait3A_76 = tpu.memref_squeeze %dma_wait3A_75 : memref<1x128xi32, #tpu.memory_space<vmem>> -> memref<128xi32, #tpu.memory_space<vmem>>
      %dma_wait3A_77 = arith.constant 0 : i32
      %dma_wait3A_78 = arith.constant 0 : i32
      %dma_wait3A_79 = tpu.memref_slice %arg14[%dma_wait3A_77, %dma_wait3A_78] : memref<10240x32xf32, #tpu.memory_space<vmem_shared>> -> memref<10240x32xf32, #tpu.memory_space<vmem_shared>>
      tpu.wait_indirect_dma semaphore(%arg20 : memref<!tpu.dma_semaphore, #tpu.memory_space<semaphore_mem>>) src(%arg11 : memref<128x32xf32, #tpu.memory_space<vmem>>) dst(%dma_wait3A_79 : memref<10240x32xf32, #tpu.memory_space<vmem_shared>>)
      %dma_wait3A_80 = arith.constant 98 : i32
      %dma_wait3A_81 = arith.constant 0 : i32
      %dma_wait3A_82 = tpu.memref_slice %arg9[%dma_wait3A_80, %dma_wait3A_81] : memref<100x128xi32, #tpu.memory_space<vmem>> -> memref<1x128xi32, #tpu.memory_space<vmem>>
      %dma_wait3A_83 = tpu.memref_squeeze %dma_wait3A_82 : memref<1x128xi32, #tpu.memory_space<vmem>> -> memref<128xi32, #tpu.memory_space<vmem>>
      %dma_wait3A_84 = arith.constant 0 : i32
      %dma_wait3A_85 = arith.constant 0 : i32
      %dma_wait3A_86 = tpu.memref_slice %arg14[%dma_wait3A_84, %dma_wait3A_85] : memref<10240x32xf32, #tpu.memory_space<vmem_shared>> -> memref<10240x32xf32, #tpu.memory_space<vmem_shared>>
      tpu.wait_indirect_dma semaphore(%arg21 : memref<!tpu.dma_semaphore, #tpu.memory_space<semaphore_mem>>) src(%arg12 : memref<128x32xf32, #tpu.memory_space<vmem>>) dst(%dma_wait3A_86 : memref<10240x32xf32, #tpu.memory_space<vmem_shared>>)
      %dma_wait3A_87 = arith.constant 99 : i32
      %dma_wait3A_88 = arith.constant 0 : i32
      %dma_wait3A_89 = tpu.memref_slice %arg9[%dma_wait3A_87, %dma_wait3A_88] : memref<100x128xi32, #tpu.memory_space<vmem>> -> memref<1x128xi32, #tpu.memory_space<vmem>>
      %dma_wait3A_90 = tpu.memref_squeeze %dma_wait3A_89 : memref<1x128xi32, #tpu.memory_space<vmem>> -> memref<128xi32, #tpu.memory_space<vmem>>
      %dma_wait3A_91 = arith.constant 0 : i32
      %dma_wait3A_92 = arith.constant 0 : i32
      %dma_wait3A_93 = tpu.memref_slice %arg14[%dma_wait3A_91, %dma_wait3A_92] : memref<10240x32xf32, #tpu.memory_space<vmem_shared>> -> memref<10240x32xf32, #tpu.memory_space<vmem_shared>>
      tpu.wait_indirect_dma semaphore(%arg22 : memref<!tpu.dma_semaphore, #tpu.memory_space<semaphore_mem>>) src(%arg13 : memref<128x32xf32, #tpu.memory_space<vmem>>) dst(%dma_wait3A_93 : memref<10240x32xf32, #tpu.memory_space<vmem_shared>>)
    } else {
    }
    %barrier3A_42 = arith.constant 0 : index
    tpu.barrier barrier_id(%barrier3A_42)
    %mul3A_43 = arith.constant 640 : i32
    %mul3A_44 = arith.muli %arg1, %mul3A_43 : i32
    %mul3A_45 = arith.constant 640 : i32
    %mul3A_46 = arith.muli %arg1, %mul3A_45 : i32
    "tpu.region"() ({
      %run_scoped3A = tpu.sem_alloc : memref<!tpu.dma_semaphore, #tpu.memory_space<semaphore_mem>>
      %dma_start3A = arith.constant 0 : i32
      %dma_start3A_47 = tpu.memref_slice %arg7[%arg0, %mul3A_46, %dma_start3A] : memref<2x10240x32xf32, #tpu.memory_space<hbm>> -> memref<1x640x32xf32, #tpu.memory_space<hbm>>
      %dma_start3A_48 = tpu.memref_squeeze %dma_start3A_47 : memref<1x640x32xf32, #tpu.memory_space<hbm>> -> memref<640x32xf32, #tpu.memory_space<hbm>>
      %dma_start3A_49 = arith.constant 0 : i32
      %dma_start3A_50 = tpu.memref_slice %arg14[%mul3A_44, %dma_start3A_49] : memref<10240x32xf32, #tpu.memory_space<vmem_shared>> -> memref<640x32xf32, #tpu.memory_space<vmem_shared>>
      tpu.enqueue_dma source(%dma_start3A_50 : memref<640x32xf32, #tpu.memory_space<vmem_shared>>) target(%dma_start3A_48 : memref<640x32xf32, #tpu.memory_space<hbm>>) target_semaphore(%run_scoped3A : memref<!tpu.dma_semaphore, #tpu.memory_space<semaphore_mem>>)
      %dma_wait3A = arith.constant 0 : i32
      %dma_wait3A_51 = tpu.memref_slice %arg7[%arg0, %mul3A_46, %dma_wait3A] : memref<2x10240x32xf32, #tpu.memory_space<hbm>> -> memref<1x640x32xf32, #tpu.memory_space<hbm>>
      %dma_wait3A_52 = tpu.memref_squeeze %dma_wait3A_51 : memref<1x640x32xf32, #tpu.memory_space<hbm>> -> memref<640x32xf32, #tpu.memory_space<hbm>>
      %dma_wait3A_53 = arith.constant 0 : i32
      %dma_wait3A_54 = tpu.memref_slice %arg14[%mul3A_44, %dma_wait3A_53] : memref<10240x32xf32, #tpu.memory_space<vmem_shared>> -> memref<640x32xf32, #tpu.memory_space<vmem_shared>>
      tpu.wait_dma2 semaphore(%run_scoped3A : memref<!tpu.dma_semaphore, #tpu.memory_space<semaphore_mem>>) src(%dma_wait3A_54 : memref<640x32xf32, #tpu.memory_space<vmem_shared>>) dst(%dma_wait3A_52 : memref<640x32xf32, #tpu.memory_space<hbm>>)
      tpu.yield
    }) : () -> ()
    return
  }
}

#map = affine_map<(d0, d1) -> (0, 0)>
#map1 = affine_map<(d0, d1) -> (0, 0, 0)>
module attributes {stable_mosaic.version = 14 : i64} {
  func.func @body(%arg0: i32, %arg1: i32, %arg2: memref<10000x64xf32, #tpu.memory_space<hbm>>, %arg3: memref<16x48x128xi32, #tpu.memory_space<hbm>>, %arg4: memref<16x48x128xi32, #tpu.memory_space<hbm>>, %arg5: memref<16x112x128xi32, #tpu.memory_space<hbm>>, %arg6: memref<16x112x128xi32, #tpu.memory_space<hbm>>, %arg7: memref<2x10240x64xf32, #tpu.memory_space<hbm>>, %arg8: memref<112x128xi32, #tpu.memory_space<vmem>>, %arg9: memref<112x128xi32, #tpu.memory_space<vmem>>, %arg10: memref<128x64xf32, #tpu.memory_space<vmem>>, %arg11: memref<128x64xf32, #tpu.memory_space<vmem>>, %arg12: memref<128x64xf32, #tpu.memory_space<vmem>>, %arg13: memref<128x64xf32, #tpu.memory_space<vmem>>, %arg14: memref<10240x64xf32, #tpu.memory_space<vmem_shared>>, %arg15: memref<!tpu.dma_semaphore, #tpu.memory_space<semaphore_mem>>, %arg16: memref<!tpu.dma_semaphore, #tpu.memory_space<semaphore_mem>>, %arg17: memref<!tpu.dma_semaphore, #tpu.memory_space<semaphore_mem>>, %arg18: memref<!tpu.dma_semaphore, #tpu.memory_space<semaphore_mem>>, %arg19: memref<!tpu.dma_semaphore, #tpu.memory_space<semaphore_mem>>, %arg20: memref<!tpu.dma_semaphore, #tpu.memory_space<semaphore_mem>>, %arg21: memref<!tpu.dma_semaphore, #tpu.memory_space<semaphore_mem>>, %arg22: memref<!tpu.dma_semaphore, #tpu.memory_space<semaphore_mem>>) attributes {dimension_semantics = [#tpu.dimension_semantics<core_parallel>, #tpu.dimension_semantics<subcore_parallel>], iteration_bounds = array<i64: 2, 16>, scalar_prefetch = 0 : i64, scratch_operands = 15 : i64, tpu.core_type = #tpu.core_type<sc_vector_subcore>, window_params = [{transform_indices = #map}, {transform_indices = #map1}, {transform_indices = #map1}, {transform_indices = #map1}, {transform_indices = #map1}, {transform_indices = #map1}]} {
    %eq3A = arith.constant 0 : i32
    %eq3A_0 = arith.cmpi eq, %arg0, %eq3A : i32
    %convert_element_type3A = arith.extui %eq3A_0 : i1 to i32
    %cond3A = arith.constant 0 : i32
    %cond3A_1 = arith.cmpi ne, %convert_element_type3A, %cond3A : i32
    scf.if %cond3A_1 {
      "tpu.region"() ({
        %run_scoped3A = tpu.sem_alloc : memref<!tpu.dma_semaphore, #tpu.memory_space<semaphore_mem>>
        %dma_start3A = arith.constant 0 : i32
        %dma_start3A_47 = arith.constant 0 : i32
        %dma_start3A_48 = tpu.memref_slice %arg8[%dma_start3A, %dma_start3A_47] : memref<112x128xi32, #tpu.memory_space<vmem>> -> memref<48x128xi32, #tpu.memory_space<vmem>>
        %dma_start3A_49 = arith.constant 0 : i32
        %dma_start3A_50 = arith.constant 0 : i32
        %dma_start3A_51 = tpu.memref_slice %arg3[%arg1, %dma_start3A_49, %dma_start3A_50] : memref<16x48x128xi32, #tpu.memory_space<hbm>> -> memref<1x48x128xi32, #tpu.memory_space<hbm>>
        %dma_start3A_52 = tpu.memref_squeeze %dma_start3A_51 : memref<1x48x128xi32, #tpu.memory_space<hbm>> -> memref<48x128xi32, #tpu.memory_space<hbm>>
        %dma_start3A_53 = arith.constant 0 : i32
        %dma_start3A_54 = arith.constant 0 : i32
        %dma_start3A_55 = tpu.memref_slice %arg8[%dma_start3A_53, %dma_start3A_54] : memref<112x128xi32, #tpu.memory_space<vmem>> -> memref<48x128xi32, #tpu.memory_space<vmem>>
        %dma_start3A_56 = arith.constant 0 : i32
        %dma_start3A_57 = arith.constant 0 : i32
        %dma_start3A_58 = tpu.memref_slice %arg3[%arg1, %dma_start3A_56, %dma_start3A_57] : memref<16x48x128xi32, #tpu.memory_space<hbm>> -> memref<1x48x128xi32, #tpu.memory_space<hbm>>
        %dma_start3A_59 = tpu.memref_squeeze %dma_start3A_58 : memref<1x48x128xi32, #tpu.memory_space<hbm>> -> memref<48x128xi32, #tpu.memory_space<hbm>>
        tpu.enqueue_dma source(%dma_start3A_59 : memref<48x128xi32, #tpu.memory_space<hbm>>) target(%dma_start3A_55 : memref<48x128xi32, #tpu.memory_space<vmem>>) target_semaphore(%run_scoped3A : memref<!tpu.dma_semaphore, #tpu.memory_space<semaphore_mem>>)
        %dma_wait3A = arith.constant 0 : i32
        %dma_wait3A_60 = arith.constant 0 : i32
        %dma_wait3A_61 = tpu.memref_slice %arg8[%dma_wait3A, %dma_wait3A_60] : memref<112x128xi32, #tpu.memory_space<vmem>> -> memref<48x128xi32, #tpu.memory_space<vmem>>
        %dma_wait3A_62 = arith.constant 0 : i32
        %dma_wait3A_63 = arith.constant 0 : i32
        %dma_wait3A_64 = tpu.memref_slice %arg3[%arg1, %dma_wait3A_62, %dma_wait3A_63] : memref<16x48x128xi32, #tpu.memory_space<hbm>> -> memref<1x48x128xi32, #tpu.memory_space<hbm>>
        %dma_wait3A_65 = tpu.memref_squeeze %dma_wait3A_64 : memref<1x48x128xi32, #tpu.memory_space<hbm>> -> memref<48x128xi32, #tpu.memory_space<hbm>>
        %dma_wait3A_66 = arith.constant 0 : i32
        %dma_wait3A_67 = arith.constant 0 : i32
        %dma_wait3A_68 = tpu.memref_slice %arg8[%dma_wait3A_66, %dma_wait3A_67] : memref<112x128xi32, #tpu.memory_space<vmem>> -> memref<48x128xi32, #tpu.memory_space<vmem>>
        %dma_wait3A_69 = arith.constant 0 : i32
        %dma_wait3A_70 = arith.constant 0 : i32
        %dma_wait3A_71 = tpu.memref_slice %arg3[%arg1, %dma_wait3A_69, %dma_wait3A_70] : memref<16x48x128xi32, #tpu.memory_space<hbm>> -> memref<1x48x128xi32, #tpu.memory_space<hbm>>
        %dma_wait3A_72 = tpu.memref_squeeze %dma_wait3A_71 : memref<1x48x128xi32, #tpu.memory_space<hbm>> -> memref<48x128xi32, #tpu.memory_space<hbm>>
        tpu.wait_dma2 semaphore(%run_scoped3A : memref<!tpu.dma_semaphore, #tpu.memory_space<semaphore_mem>>) src(%dma_wait3A_72 : memref<48x128xi32, #tpu.memory_space<hbm>>) dst(%dma_wait3A_68 : memref<48x128xi32, #tpu.memory_space<vmem>>)
        tpu.yield
      }) : () -> ()
      "tpu.region"() ({
        %run_scoped3A = tpu.sem_alloc : memref<!tpu.dma_semaphore, #tpu.memory_space<semaphore_mem>>
        %dma_start3A = arith.constant 0 : i32
        %dma_start3A_47 = arith.constant 0 : i32
        %dma_start3A_48 = tpu.memref_slice %arg9[%dma_start3A, %dma_start3A_47] : memref<112x128xi32, #tpu.memory_space<vmem>> -> memref<48x128xi32, #tpu.memory_space<vmem>>
        %dma_start3A_49 = arith.constant 0 : i32
        %dma_start3A_50 = arith.constant 0 : i32
        %dma_start3A_51 = tpu.memref_slice %arg4[%arg1, %dma_start3A_49, %dma_start3A_50] : memref<16x48x128xi32, #tpu.memory_space<hbm>> -> memref<1x48x128xi32, #tpu.memory_space<hbm>>
        %dma_start3A_52 = tpu.memref_squeeze %dma_start3A_51 : memref<1x48x128xi32, #tpu.memory_space<hbm>> -> memref<48x128xi32, #tpu.memory_space<hbm>>
        %dma_start3A_53 = arith.constant 0 : i32
        %dma_start3A_54 = arith.constant 0 : i32
        %dma_start3A_55 = tpu.memref_slice %arg9[%dma_start3A_53, %dma_start3A_54] : memref<112x128xi32, #tpu.memory_space<vmem>> -> memref<48x128xi32, #tpu.memory_space<vmem>>
        %dma_start3A_56 = arith.constant 0 : i32
        %dma_start3A_57 = arith.constant 0 : i32
        %dma_start3A_58 = tpu.memref_slice %arg4[%arg1, %dma_start3A_56, %dma_start3A_57] : memref<16x48x128xi32, #tpu.memory_space<hbm>> -> memref<1x48x128xi32, #tpu.memory_space<hbm>>
        %dma_start3A_59 = tpu.memref_squeeze %dma_start3A_58 : memref<1x48x128xi32, #tpu.memory_space<hbm>> -> memref<48x128xi32, #tpu.memory_space<hbm>>
        tpu.enqueue_dma source(%dma_start3A_59 : memref<48x128xi32, #tpu.memory_space<hbm>>) target(%dma_start3A_55 : memref<48x128xi32, #tpu.memory_space<vmem>>) target_semaphore(%run_scoped3A : memref<!tpu.dma_semaphore, #tpu.memory_space<semaphore_mem>>)
        %dma_wait3A = arith.constant 0 : i32
        %dma_wait3A_60 = arith.constant 0 : i32
        %dma_wait3A_61 = tpu.memref_slice %arg9[%dma_wait3A, %dma_wait3A_60] : memref<112x128xi32, #tpu.memory_space<vmem>> -> memref<48x128xi32, #tpu.memory_space<vmem>>
        %dma_wait3A_62 = arith.constant 0 : i32
        %dma_wait3A_63 = arith.constant 0 : i32
        %dma_wait3A_64 = tpu.memref_slice %arg4[%arg1, %dma_wait3A_62, %dma_wait3A_63] : memref<16x48x128xi32, #tpu.memory_space<hbm>> -> memref<1x48x128xi32, #tpu.memory_space<hbm>>
        %dma_wait3A_65 = tpu.memref_squeeze %dma_wait3A_64 : memref<1x48x128xi32, #tpu.memory_space<hbm>> -> memref<48x128xi32, #tpu.memory_space<hbm>>
        %dma_wait3A_66 = arith.constant 0 : i32
        %dma_wait3A_67 = arith.constant 0 : i32
        %dma_wait3A_68 = tpu.memref_slice %arg9[%dma_wait3A_66, %dma_wait3A_67] : memref<112x128xi32, #tpu.memory_space<vmem>> -> memref<48x128xi32, #tpu.memory_space<vmem>>
        %dma_wait3A_69 = arith.constant 0 : i32
        %dma_wait3A_70 = arith.constant 0 : i32
        %dma_wait3A_71 = tpu.memref_slice %arg4[%arg1, %dma_wait3A_69, %dma_wait3A_70] : memref<16x48x128xi32, #tpu.memory_space<hbm>> -> memref<1x48x128xi32, #tpu.memory_space<hbm>>
        %dma_wait3A_72 = tpu.memref_squeeze %dma_wait3A_71 : memref<1x48x128xi32, #tpu.memory_space<hbm>> -> memref<48x128xi32, #tpu.memory_space<hbm>>
        tpu.wait_dma2 semaphore(%run_scoped3A : memref<!tpu.dma_semaphore, #tpu.memory_space<semaphore_mem>>) src(%dma_wait3A_72 : memref<48x128xi32, #tpu.memory_space<hbm>>) dst(%dma_wait3A_68 : memref<48x128xi32, #tpu.memory_space<vmem>>)
        tpu.yield
      }) : () -> ()
    } else {
    }
    %eq3A_2 = arith.constant 1 : i32
    %eq3A_3 = arith.cmpi eq, %arg0, %eq3A_2 : i32
    %convert_element_type3A_4 = arith.extui %eq3A_3 : i1 to i32
    %cond3A_5 = arith.constant 0 : i32
    %cond3A_6 = arith.cmpi ne, %convert_element_type3A_4, %cond3A_5 : i32
    scf.if %cond3A_6 {
      "tpu.region"() ({
        %run_scoped3A = tpu.sem_alloc : memref<!tpu.dma_semaphore, #tpu.memory_space<semaphore_mem>>
        %dma_start3A = arith.constant 0 : i32
        %dma_start3A_47 = arith.constant 0 : i32
        %dma_start3A_48 = tpu.memref_slice %arg8[%dma_start3A, %dma_start3A_47] : memref<112x128xi32, #tpu.memory_space<vmem>> -> memref<112x128xi32, #tpu.memory_space<vmem>>
        %dma_start3A_49 = arith.constant 0 : i32
        %dma_start3A_50 = arith.constant 0 : i32
        %dma_start3A_51 = tpu.memref_slice %arg5[%arg1, %dma_start3A_49, %dma_start3A_50] : memref<16x112x128xi32, #tpu.memory_space<hbm>> -> memref<1x112x128xi32, #tpu.memory_space<hbm>>
        %dma_start3A_52 = tpu.memref_squeeze %dma_start3A_51 : memref<1x112x128xi32, #tpu.memory_space<hbm>> -> memref<112x128xi32, #tpu.memory_space<hbm>>
        %dma_start3A_53 = arith.constant 0 : i32
        %dma_start3A_54 = arith.constant 0 : i32
        %dma_start3A_55 = tpu.memref_slice %arg8[%dma_start3A_53, %dma_start3A_54] : memref<112x128xi32, #tpu.memory_space<vmem>> -> memref<112x128xi32, #tpu.memory_space<vmem>>
        %dma_start3A_56 = arith.constant 0 : i32
        %dma_start3A_57 = arith.constant 0 : i32
        %dma_start3A_58 = tpu.memref_slice %arg5[%arg1, %dma_start3A_56, %dma_start3A_57] : memref<16x112x128xi32, #tpu.memory_space<hbm>> -> memref<1x112x128xi32, #tpu.memory_space<hbm>>
        %dma_start3A_59 = tpu.memref_squeeze %dma_start3A_58 : memref<1x112x128xi32, #tpu.memory_space<hbm>> -> memref<112x128xi32, #tpu.memory_space<hbm>>
        tpu.enqueue_dma source(%dma_start3A_59 : memref<112x128xi32, #tpu.memory_space<hbm>>) target(%dma_start3A_55 : memref<112x128xi32, #tpu.memory_space<vmem>>) target_semaphore(%run_scoped3A : memref<!tpu.dma_semaphore, #tpu.memory_space<semaphore_mem>>)
        %dma_wait3A = arith.constant 0 : i32
        %dma_wait3A_60 = arith.constant 0 : i32
        %dma_wait3A_61 = tpu.memref_slice %arg8[%dma_wait3A, %dma_wait3A_60] : memref<112x128xi32, #tpu.memory_space<vmem>> -> memref<112x128xi32, #tpu.memory_space<vmem>>
        %dma_wait3A_62 = arith.constant 0 : i32
        %dma_wait3A_63 = arith.constant 0 : i32
        %dma_wait3A_64 = tpu.memref_slice %arg5[%arg1, %dma_wait3A_62, %dma_wait3A_63] : memref<16x112x128xi32, #tpu.memory_space<hbm>> -> memref<1x112x128xi32, #tpu.memory_space<hbm>>
        %dma_wait3A_65 = tpu.memref_squeeze %dma_wait3A_64 : memref<1x112x128xi32, #tpu.memory_space<hbm>> -> memref<112x128xi32, #tpu.memory_space<hbm>>
        %dma_wait3A_66 = arith.constant 0 : i32
        %dma_wait3A_67 = arith.constant 0 : i32
        %dma_wait3A_68 = tpu.memref_slice %arg8[%dma_wait3A_66, %dma_wait3A_67] : memref<112x128xi32, #tpu.memory_space<vmem>> -> memref<112x128xi32, #tpu.memory_space<vmem>>
        %dma_wait3A_69 = arith.constant 0 : i32
        %dma_wait3A_70 = arith.constant 0 : i32
        %dma_wait3A_71 = tpu.memref_slice %arg5[%arg1, %dma_wait3A_69, %dma_wait3A_70] : memref<16x112x128xi32, #tpu.memory_space<hbm>> -> memref<1x112x128xi32, #tpu.memory_space<hbm>>
        %dma_wait3A_72 = tpu.memref_squeeze %dma_wait3A_71 : memref<1x112x128xi32, #tpu.memory_space<hbm>> -> memref<112x128xi32, #tpu.memory_space<hbm>>
        tpu.wait_dma2 semaphore(%run_scoped3A : memref<!tpu.dma_semaphore, #tpu.memory_space<semaphore_mem>>) src(%dma_wait3A_72 : memref<112x128xi32, #tpu.memory_space<hbm>>) dst(%dma_wait3A_68 : memref<112x128xi32, #tpu.memory_space<vmem>>)
        tpu.yield
      }) : () -> ()
      "tpu.region"() ({
        %run_scoped3A = tpu.sem_alloc : memref<!tpu.dma_semaphore, #tpu.memory_space<semaphore_mem>>
        %dma_start3A = arith.constant 0 : i32
        %dma_start3A_47 = arith.constant 0 : i32
        %dma_start3A_48 = tpu.memref_slice %arg9[%dma_start3A, %dma_start3A_47] : memref<112x128xi32, #tpu.memory_space<vmem>> -> memref<112x128xi32, #tpu.memory_space<vmem>>
        %dma_start3A_49 = arith.constant 0 : i32
        %dma_start3A_50 = arith.constant 0 : i32
        %dma_start3A_51 = tpu.memref_slice %arg6[%arg1, %dma_start3A_49, %dma_start3A_50] : memref<16x112x128xi32, #tpu.memory_space<hbm>> -> memref<1x112x128xi32, #tpu.memory_space<hbm>>
        %dma_start3A_52 = tpu.memref_squeeze %dma_start3A_51 : memref<1x112x128xi32, #tpu.memory_space<hbm>> -> memref<112x128xi32, #tpu.memory_space<hbm>>
        %dma_start3A_53 = arith.constant 0 : i32
        %dma_start3A_54 = arith.constant 0 : i32
        %dma_start3A_55 = tpu.memref_slice %arg9[%dma_start3A_53, %dma_start3A_54] : memref<112x128xi32, #tpu.memory_space<vmem>> -> memref<112x128xi32, #tpu.memory_space<vmem>>
        %dma_start3A_56 = arith.constant 0 : i32
        %dma_start3A_57 = arith.constant 0 : i32
        %dma_start3A_58 = tpu.memref_slice %arg6[%arg1, %dma_start3A_56, %dma_start3A_57] : memref<16x112x128xi32, #tpu.memory_space<hbm>> -> memref<1x112x128xi32, #tpu.memory_space<hbm>>
        %dma_start3A_59 = tpu.memref_squeeze %dma_start3A_58 : memref<1x112x128xi32, #tpu.memory_space<hbm>> -> memref<112x128xi32, #tpu.memory_space<hbm>>
        tpu.enqueue_dma source(%dma_start3A_59 : memref<112x128xi32, #tpu.memory_space<hbm>>) target(%dma_start3A_55 : memref<112x128xi32, #tpu.memory_space<vmem>>) target_semaphore(%run_scoped3A : memref<!tpu.dma_semaphore, #tpu.memory_space<semaphore_mem>>)
        %dma_wait3A = arith.constant 0 : i32
        %dma_wait3A_60 = arith.constant 0 : i32
        %dma_wait3A_61 = tpu.memref_slice %arg9[%dma_wait3A, %dma_wait3A_60] : memref<112x128xi32, #tpu.memory_space<vmem>> -> memref<112x128xi32, #tpu.memory_space<vmem>>
        %dma_wait3A_62 = arith.constant 0 : i32
        %dma_wait3A_63 = arith.constant 0 : i32
        %dma_wait3A_64 = tpu.memref_slice %arg6[%arg1, %dma_wait3A_62, %dma_wait3A_63] : memref<16x112x128xi32, #tpu.memory_space<hbm>> -> memref<1x112x128xi32, #tpu.memory_space<hbm>>
        %dma_wait3A_65 = tpu.memref_squeeze %dma_wait3A_64 : memref<1x112x128xi32, #tpu.memory_space<hbm>> -> memref<112x128xi32, #tpu.memory_space<hbm>>
        %dma_wait3A_66 = arith.constant 0 : i32
        %dma_wait3A_67 = arith.constant 0 : i32
        %dma_wait3A_68 = tpu.memref_slice %arg9[%dma_wait3A_66, %dma_wait3A_67] : memref<112x128xi32, #tpu.memory_space<vmem>> -> memref<112x128xi32, #tpu.memory_space<vmem>>
        %dma_wait3A_69 = arith.constant 0 : i32
        %dma_wait3A_70 = arith.constant 0 : i32
        %dma_wait3A_71 = tpu.memref_slice %arg6[%arg1, %dma_wait3A_69, %dma_wait3A_70] : memref<16x112x128xi32, #tpu.memory_space<hbm>> -> memref<1x112x128xi32, #tpu.memory_space<hbm>>
        %dma_wait3A_72 = tpu.memref_squeeze %dma_wait3A_71 : memref<1x112x128xi32, #tpu.memory_space<hbm>> -> memref<112x128xi32, #tpu.memory_space<hbm>>
        tpu.wait_dma2 semaphore(%run_scoped3A : memref<!tpu.dma_semaphore, #tpu.memory_space<semaphore_mem>>) src(%dma_wait3A_72 : memref<112x128xi32, #tpu.memory_space<hbm>>) dst(%dma_wait3A_68 : memref<112x128xi32, #tpu.memory_space<vmem>>)
        tpu.yield
      }) : () -> ()
    } else {
    }
    %broadcast_in_dim3A = arith.constant 0.000000e+00 : f32
    %broadcast_in_dim3A_7 = vector.broadcast %broadcast_in_dim3A : f32 to vector<16xf32>
    %scan3A = arith.constant 0 : i32
    %scan3A_8 = arith.constant 0 : i32
    %scan3A_9 = arith.constant 128 : i32
    %scan3A_10 = arith.addi %scan3A_8, %scan3A_9 : i32
    %scan3A_11 = arith.constant 1 : i32
    %scan3A_12 = scf.for %scan3A_47 = %scan3A_8 to %scan3A_10 step %scan3A_11 iter_args(%scan3A_48 = %scan3A) -> (i32)  : i32 {
      %swap3A = arith.index_cast %scan3A_47 : i32 to index
      %swap3A_49 = arith.constant 0 : index
      %swap3A_50 = tpu.vector_load %arg10[%swap3A, %swap3A_49] {strides = array<i32>} : memref<128x64xf32, #tpu.memory_space<vmem>>, vector<1x16xf32>,
      %swap3A_51 = vector.shape_cast %swap3A_50 : vector<1x16xf32> to vector<16xf32>
      %swap3A_52 = vector.shape_cast %broadcast_in_dim3A_7 : vector<16xf32> to vector<1x16xf32>
      tpu.vector_store %arg10[%swap3A, %swap3A_49], %swap3A_52 {strides = array<i32>} : memref<128x64xf32, #tpu.memory_space<vmem>>, vector<1x16xf32>,
      %swap3A_53 = arith.index_cast %scan3A_47 : i32 to index
      %swap3A_54 = arith.constant 16 : index
      %swap3A_55 = tpu.vector_load %arg10[%swap3A_53, %swap3A_54] {strides = array<i32>} : memref<128x64xf32, #tpu.memory_space<vmem>>, vector<1x16xf32>,
      %swap3A_56 = vector.shape_cast %swap3A_55 : vector<1x16xf32> to vector<16xf32>
      %swap3A_57 = vector.shape_cast %broadcast_in_dim3A_7 : vector<16xf32> to vector<1x16xf32>
      tpu.vector_store %arg10[%swap3A_53, %swap3A_54], %swap3A_57 {strides = array<i32>} : memref<128x64xf32, #tpu.memory_space<vmem>>, vector<1x16xf32>,
      %swap3A_58 = arith.index_cast %scan3A_47 : i32 to index
      %swap3A_59 = arith.constant 32 : index
      %swap3A_60 = tpu.vector_load %arg10[%swap3A_58, %swap3A_59] {strides = array<i32>} : memref<128x64xf32, #tpu.memory_space<vmem>>, vector<1x16xf32>,
      %swap3A_61 = vector.shape_cast %swap3A_60 : vector<1x16xf32> to vector<16xf32>
      %swap3A_62 = vector.shape_cast %broadcast_in_dim3A_7 : vector<16xf32> to vector<1x16xf32>
      tpu.vector_store %arg10[%swap3A_58, %swap3A_59], %swap3A_62 {strides = array<i32>} : memref<128x64xf32, #tpu.memory_space<vmem>>, vector<1x16xf32>,
      %swap3A_63 = arith.index_cast %scan3A_47 : i32 to index
      %swap3A_64 = arith.constant 48 : index
      %swap3A_65 = tpu.vector_load %arg10[%swap3A_63, %swap3A_64] {strides = array<i32>} : memref<128x64xf32, #tpu.memory_space<vmem>>, vector<1x16xf32>,
      %swap3A_66 = vector.shape_cast %swap3A_65 : vector<1x16xf32> to vector<16xf32>
      %swap3A_67 = vector.shape_cast %broadcast_in_dim3A_7 : vector<16xf32> to vector<1x16xf32>
      tpu.vector_store %arg10[%swap3A_63, %swap3A_64], %swap3A_67 {strides = array<i32>} : memref<128x64xf32, #tpu.memory_space<vmem>>, vector<1x16xf32>,
      %scan3A_68 = arith.constant 0 : i32
      scf.yield %scan3A_68 : i32
    }
    %scan3A_13 = arith.constant 128 : i32
    %mul3A = arith.constant 640 : i32
    %mul3A_14 = arith.muli %arg1, %mul3A : i32
    %add3A = arith.constant 0 : i32
    %add3A_15 = arith.addi %mul3A_14, %add3A : i32
    "tpu.region"() ({
      %run_scoped3A = tpu.sem_alloc : memref<!tpu.dma_semaphore, #tpu.memory_space<semaphore_mem>>
      %dma_start3A = arith.constant 0 : i32
      %dma_start3A_47 = tpu.memref_slice %arg14[%add3A_15, %dma_start3A] : memref<10240x64xf32, #tpu.memory_space<vmem_shared>> -> memref<128x64xf32, #tpu.memory_space<vmem_shared>>
      %dma_start3A_48 = arith.constant 0 : i32
      %dma_start3A_49 = tpu.memref_slice %arg14[%add3A_15, %dma_start3A_48] : memref<10240x64xf32, #tpu.memory_space<vmem_shared>> -> memref<128x64xf32, #tpu.memory_space<vmem_shared>>
      tpu.enqueue_dma source(%arg10 : memref<128x64xf32, #tpu.memory_space<vmem>>) target(%dma_start3A_49 : memref<128x64xf32, #tpu.memory_space<vmem_shared>>) target_semaphore(%run_scoped3A : memref<!tpu.dma_semaphore, #tpu.memory_space<semaphore_mem>>)
      %dma_wait3A = arith.constant 0 : i32
      %dma_wait3A_50 = tpu.memref_slice %arg14[%add3A_15, %dma_wait3A] : memref<10240x64xf32, #tpu.memory_space<vmem_shared>> -> memref<128x64xf32, #tpu.memory_space<vmem_shared>>
      %dma_wait3A_51 = arith.constant 0 : i32
      %dma_wait3A_52 = tpu.memref_slice %arg14[%add3A_15, %dma_wait3A_51] : memref<10240x64xf32, #tpu.memory_space<vmem_shared>> -> memref<128x64xf32, #tpu.memory_space<vmem_shared>>
      tpu.wait_dma2 semaphore(%run_scoped3A : memref<!tpu.dma_semaphore, #tpu.memory_space<semaphore_mem>>) src(%arg10 : memref<128x64xf32, #tpu.memory_space<vmem>>) dst(%dma_wait3A_52 : memref<128x64xf32, #tpu.memory_space<vmem_shared>>)
      tpu.yield
    }) : () -> ()
    %mul3A_16 = arith.constant 640 : i32
    %mul3A_17 = arith.muli %arg1, %mul3A_16 : i32
    %add3A_18 = arith.constant 128 : i32
    %add3A_19 = arith.addi %mul3A_17, %add3A_18 : i32
    "tpu.region"() ({
      %run_scoped3A = tpu.sem_alloc : memref<!tpu.dma_semaphore, #tpu.memory_space<semaphore_mem>>
      %dma_start3A = arith.constant 0 : i32
      %dma_start3A_47 = tpu.memref_slice %arg14[%add3A_19, %dma_start3A] : memref<10240x64xf32, #tpu.memory_space<vmem_shared>> -> memref<128x64xf32, #tpu.memory_space<vmem_shared>>
      %dma_start3A_48 = arith.constant 0 : i32
      %dma_start3A_49 = tpu.memref_slice %arg14[%add3A_19, %dma_start3A_48] : memref<10240x64xf32, #tpu.memory_space<vmem_shared>> -> memref<128x64xf32, #tpu.memory_space<vmem_shared>>
      tpu.enqueue_dma source(%arg10 : memref<128x64xf32, #tpu.memory_space<vmem>>) target(%dma_start3A_49 : memref<128x64xf32, #tpu.memory_space<vmem_shared>>) target_semaphore(%run_scoped3A : memref<!tpu.dma_semaphore, #tpu.memory_space<semaphore_mem>>)
      %dma_wait3A = arith.constant 0 : i32
      %dma_wait3A_50 = tpu.memref_slice %arg14[%add3A_19, %dma_wait3A] : memref<10240x64xf32, #tpu.memory_space<vmem_shared>> -> memref<128x64xf32, #tpu.memory_space<vmem_shared>>
      %dma_wait3A_51 = arith.constant 0 : i32
      %dma_wait3A_52 = tpu.memref_slice %arg14[%add3A_19, %dma_wait3A_51] : memref<10240x64xf32, #tpu.memory_space<vmem_shared>> -> memref<128x64xf32, #tpu.memory_space<vmem_shared>>
      tpu.wait_dma2 semaphore(%run_scoped3A : memref<!tpu.dma_semaphore, #tpu.memory_space<semaphore_mem>>) src(%arg10 : memref<128x64xf32, #tpu.memory_space<vmem>>) dst(%dma_wait3A_52 : memref<128x64xf32, #tpu.memory_space<vmem_shared>>)
      tpu.yield
    }) : () -> ()
    %mul3A_20 = arith.constant 640 : i32
    %mul3A_21 = arith.muli %arg1, %mul3A_20 : i32
    %add3A_22 = arith.constant 256 : i32
    %add3A_23 = arith.addi %mul3A_21, %add3A_22 : i32
    "tpu.region"() ({
      %run_scoped3A = tpu.sem_alloc : memref<!tpu.dma_semaphore, #tpu.memory_space<semaphore_mem>>
      %dma_start3A = arith.constant 0 : i32
      %dma_start3A_47 = tpu.memref_slice %arg14[%add3A_23, %dma_start3A] : memref<10240x64xf32, #tpu.memory_space<vmem_shared>> -> memref<128x64xf32, #tpu.memory_space<vmem_shared>>
      %dma_start3A_48 = arith.constant 0 : i32
      %dma_start3A_49 = tpu.memref_slice %arg14[%add3A_23, %dma_start3A_48] : memref<10240x64xf32, #tpu.memory_space<vmem_shared>> -> memref<128x64xf32, #tpu.memory_space<vmem_shared>>
      tpu.enqueue_dma source(%arg10 : memref<128x64xf32, #tpu.memory_space<vmem>>) target(%dma_start3A_49 : memref<128x64xf32, #tpu.memory_space<vmem_shared>>) target_semaphore(%run_scoped3A : memref<!tpu.dma_semaphore, #tpu.memory_space<semaphore_mem>>)
      %dma_wait3A = arith.constant 0 : i32
      %dma_wait3A_50 = tpu.memref_slice %arg14[%add3A_23, %dma_wait3A] : memref<10240x64xf32, #tpu.memory_space<vmem_shared>> -> memref<128x64xf32, #tpu.memory_space<vmem_shared>>
      %dma_wait3A_51 = arith.constant 0 : i32
      %dma_wait3A_52 = tpu.memref_slice %arg14[%add3A_23, %dma_wait3A_51] : memref<10240x64xf32, #tpu.memory_space<vmem_shared>> -> memref<128x64xf32, #tpu.memory_space<vmem_shared>>
      tpu.wait_dma2 semaphore(%run_scoped3A : memref<!tpu.dma_semaphore, #tpu.memory_space<semaphore_mem>>) src(%arg10 : memref<128x64xf32, #tpu.memory_space<vmem>>) dst(%dma_wait3A_52 : memref<128x64xf32, #tpu.memory_space<vmem_shared>>)
      tpu.yield
    }) : () -> ()
    %mul3A_24 = arith.constant 640 : i32
    %mul3A_25 = arith.muli %arg1, %mul3A_24 : i32
    %add3A_26 = arith.constant 384 : i32
    %add3A_27 = arith.addi %mul3A_25, %add3A_26 : i32
    "tpu.region"() ({
      %run_scoped3A = tpu.sem_alloc : memref<!tpu.dma_semaphore, #tpu.memory_space<semaphore_mem>>
      %dma_start3A = arith.constant 0 : i32
      %dma_start3A_47 = tpu.memref_slice %arg14[%add3A_27, %dma_start3A] : memref<10240x64xf32, #tpu.memory_space<vmem_shared>> -> memref<128x64xf32, #tpu.memory_space<vmem_shared>>
      %dma_start3A_48 = arith.constant 0 : i32
      %dma_start3A_49 = tpu.memref_slice %arg14[%add3A_27, %dma_start3A_48] : memref<10240x64xf32, #tpu.memory_space<vmem_shared>> -> memref<128x64xf32, #tpu.memory_space<vmem_shared>>
      tpu.enqueue_dma source(%arg10 : memref<128x64xf32, #tpu.memory_space<vmem>>) target(%dma_start3A_49 : memref<128x64xf32, #tpu.memory_space<vmem_shared>>) target_semaphore(%run_scoped3A : memref<!tpu.dma_semaphore, #tpu.memory_space<semaphore_mem>>)
      %dma_wait3A = arith.constant 0 : i32
      %dma_wait3A_50 = tpu.memref_slice %arg14[%add3A_27, %dma_wait3A] : memref<10240x64xf32, #tpu.memory_space<vmem_shared>> -> memref<128x64xf32, #tpu.memory_space<vmem_shared>>
      %dma_wait3A_51 = arith.constant 0 : i32
      %dma_wait3A_52 = tpu.memref_slice %arg14[%add3A_27, %dma_wait3A_51] : memref<10240x64xf32, #tpu.memory_space<vmem_shared>> -> memref<128x64xf32, #tpu.memory_space<vmem_shared>>
      tpu.wait_dma2 semaphore(%run_scoped3A : memref<!tpu.dma_semaphore, #tpu.memory_space<semaphore_mem>>) src(%arg10 : memref<128x64xf32, #tpu.memory_space<vmem>>) dst(%dma_wait3A_52 : memref<128x64xf32, #tpu.memory_space<vmem_shared>>)
      tpu.yield
    }) : () -> ()
    %mul3A_28 = arith.constant 640 : i32
    %mul3A_29 = arith.muli %arg1, %mul3A_28 : i32
    %add3A_30 = arith.constant 512 : i32
    %add3A_31 = arith.addi %mul3A_29, %add3A_30 : i32
    "tpu.region"() ({
      %run_scoped3A = tpu.sem_alloc : memref<!tpu.dma_semaphore, #tpu.memory_space<semaphore_mem>>
      %dma_start3A = arith.constant 0 : i32
      %dma_start3A_47 = tpu.memref_slice %arg14[%add3A_31, %dma_start3A] : memref<10240x64xf32, #tpu.memory_space<vmem_shared>> -> memref<128x64xf32, #tpu.memory_space<vmem_shared>>
      %dma_start3A_48 = arith.constant 0 : i32
      %dma_start3A_49 = tpu.memref_slice %arg14[%add3A_31, %dma_start3A_48] : memref<10240x64xf32, #tpu.memory_space<vmem_shared>> -> memref<128x64xf32, #tpu.memory_space<vmem_shared>>
      tpu.enqueue_dma source(%arg10 : memref<128x64xf32, #tpu.memory_space<vmem>>) target(%dma_start3A_49 : memref<128x64xf32, #tpu.memory_space<vmem_shared>>) target_semaphore(%run_scoped3A : memref<!tpu.dma_semaphore, #tpu.memory_space<semaphore_mem>>)
      %dma_wait3A = arith.constant 0 : i32
      %dma_wait3A_50 = tpu.memref_slice %arg14[%add3A_31, %dma_wait3A] : memref<10240x64xf32, #tpu.memory_space<vmem_shared>> -> memref<128x64xf32, #tpu.memory_space<vmem_shared>>
      %dma_wait3A_51 = arith.constant 0 : i32
      %dma_wait3A_52 = tpu.memref_slice %arg14[%add3A_31, %dma_wait3A_51] : memref<10240x64xf32, #tpu.memory_space<vmem_shared>> -> memref<128x64xf32, #tpu.memory_space<vmem_shared>>
      tpu.wait_dma2 semaphore(%run_scoped3A : memref<!tpu.dma_semaphore, #tpu.memory_space<semaphore_mem>>) src(%arg10 : memref<128x64xf32, #tpu.memory_space<vmem>>) dst(%dma_wait3A_52 : memref<128x64xf32, #tpu.memory_space<vmem_shared>>)
      tpu.yield
    }) : () -> ()
    %barrier3A = arith.constant 0 : index
    tpu.barrier barrier_id(%barrier3A)
    %eq3A_32 = arith.constant 0 : i32
    %eq3A_33 = arith.cmpi eq, %arg0, %eq3A_32 : i32
    %convert_element_type3A_34 = arith.extui %eq3A_33 : i1 to i32
    %cond3A_35 = arith.constant 0 : i32
    %cond3A_36 = arith.cmpi ne, %convert_element_type3A_34, %cond3A_35 : i32
    scf.if %cond3A_36 {
      %dma_start3A = arith.constant 0 : i32
      %dma_start3A_47 = arith.constant 0 : i32
      %dma_start3A_48 = tpu.memref_slice %arg8[%dma_start3A, %dma_start3A_47] : memref<112x128xi32, #tpu.memory_space<vmem>> -> memref<1x128xi32, #tpu.memory_space<vmem>>
      %dma_start3A_49 = tpu.memref_squeeze %dma_start3A_48 : memref<1x128xi32, #tpu.memory_space<vmem>> -> memref<128xi32, #tpu.memory_space<vmem>>
      %dma_start3A_50 = arith.constant 0 : i32
      %dma_start3A_51 = arith.constant 0 : i32
      %dma_start3A_52 = tpu.memref_slice %arg2[%dma_start3A_50, %dma_start3A_51] : memref<10000x64xf32, #tpu.memory_space<hbm>> -> memref<10000x64xf32, #tpu.memory_space<hbm>>
      tpu.enqueue_indirect_dma source(%dma_start3A_52 : memref<10000x64xf32, #tpu.memory_space<hbm>>) target(%arg10 : memref<128x64xf32, #tpu.memory_space<vmem>>) offsets(%dma_start3A_49 : memref<128xi32, #tpu.memory_space<vmem>>) semaphore(%arg15 : memref<!tpu.dma_semaphore, #tpu.memory_space<semaphore_mem>>)
      %dma_start3A_53 = arith.constant 1 : i32
      %dma_start3A_54 = arith.constant 0 : i32
      %dma_start3A_55 = tpu.memref_slice %arg8[%dma_start3A_53, %dma_start3A_54] : memref<112x128xi32, #tpu.memory_space<vmem>> -> memref<1x128xi32, #tpu.memory_space<vmem>>
      %dma_start3A_56 = tpu.memref_squeeze %dma_start3A_55 : memref<1x128xi32, #tpu.memory_space<vmem>> -> memref<128xi32, #tpu.memory_space<vmem>>
      %dma_start3A_57 = arith.constant 0 : i32
      %dma_start3A_58 = arith.constant 0 : i32
      %dma_start3A_59 = tpu.memref_slice %arg2[%dma_start3A_57, %dma_start3A_58] : memref<10000x64xf32, #tpu.memory_space<hbm>> -> memref<10000x64xf32, #tpu.memory_space<hbm>>
      tpu.enqueue_indirect_dma source(%dma_start3A_59 : memref<10000x64xf32, #tpu.memory_space<hbm>>) target(%arg11 : memref<128x64xf32, #tpu.memory_space<vmem>>) offsets(%dma_start3A_56 : memref<128xi32, #tpu.memory_space<vmem>>) semaphore(%arg16 : memref<!tpu.dma_semaphore, #tpu.memory_space<semaphore_mem>>)
      %scan3A_60 = arith.constant 0 : i32
      %scan3A_61 = arith.constant 0 : i32
      %scan3A_62 = arith.constant 12 : i32
      %scan3A_63 = arith.addi %scan3A_61, %scan3A_62 : i32
      %scan3A_64 = arith.constant 1 : i32
      %scan3A_65 = scf.for %scan3A_94 = %scan3A_61 to %scan3A_63 step %scan3A_64 iter_args(%scan3A_95 = %scan3A_60) -> (i32)  : i32 {
        %mul3A_96 = arith.constant 4 : i32
        %mul3A_97 = arith.muli %mul3A_96, %scan3A_94 : i32
        %add3A_98 = arith.constant 0 : i32
        %add3A_99 = arith.addi %mul3A_97, %add3A_98 : i32
        %dma_wait3A_100 = arith.constant 0 : i32
        %dma_wait3A_101 = tpu.memref_slice %arg8[%add3A_99, %dma_wait3A_100] : memref<112x128xi32, #tpu.memory_space<vmem>> -> memref<1x128xi32, #tpu.memory_space<vmem>>
        %dma_wait3A_102 = tpu.memref_squeeze %dma_wait3A_101 : memref<1x128xi32, #tpu.memory_space<vmem>> -> memref<128xi32, #tpu.memory_space<vmem>>
        %dma_wait3A_103 = arith.constant 0 : i32
        %dma_wait3A_104 = arith.constant 0 : i32
        %dma_wait3A_105 = tpu.memref_slice %arg2[%dma_wait3A_103, %dma_wait3A_104] : memref<10000x64xf32, #tpu.memory_space<hbm>> -> memref<10000x64xf32, #tpu.memory_space<hbm>>
        tpu.wait_indirect_dma semaphore(%arg15 : memref<!tpu.dma_semaphore, #tpu.memory_space<semaphore_mem>>) src(%dma_wait3A_105 : memref<10000x64xf32, #tpu.memory_space<hbm>>) dst(%arg10 : memref<128x64xf32, #tpu.memory_space<vmem>>)
        %dma_start3A_106 = arith.constant 0 : i32
        %dma_start3A_107 = tpu.memref_slice %arg9[%add3A_99, %dma_start3A_106] : memref<112x128xi32, #tpu.memory_space<vmem>> -> memref<1x128xi32, #tpu.memory_space<vmem>>
        %dma_start3A_108 = tpu.memref_squeeze %dma_start3A_107 : memref<1x128xi32, #tpu.memory_space<vmem>> -> memref<128xi32, #tpu.memory_space<vmem>>
        %dma_start3A_109 = arith.constant 0 : i32
        %dma_start3A_110 = arith.constant 0 : i32
        %dma_start3A_111 = tpu.memref_slice %arg14[%dma_start3A_109, %dma_start3A_110] : memref<10240x64xf32, #tpu.memory_space<vmem_shared>> -> memref<10240x64xf32, #tpu.memory_space<vmem_shared>>
        tpu.enqueue_indirect_dma source(%arg10 : memref<128x64xf32, #tpu.memory_space<vmem>>) target(%dma_start3A_111 : memref<10240x64xf32, #tpu.memory_space<vmem_shared>>) offsets(%dma_start3A_108 : memref<128xi32, #tpu.memory_space<vmem>>) semaphore(%arg19 : memref<!tpu.dma_semaphore, #tpu.memory_space<semaphore_mem>>) {add = true}
        %add3A_112 = arith.constant 2 : i32
        %add3A_113 = arith.addi %add3A_99, %add3A_112 : i32
        %lt3A = arith.constant 48 : i32
        %lt3A_114 = arith.cmpi slt, %add3A_113, %lt3A : i32
        %convert_element_type3A_115 = arith.extui %lt3A_114 : i1 to i32
        %cond3A_116 = arith.constant 0 : i32
        %cond3A_117 = arith.cmpi ne, %convert_element_type3A_115, %cond3A_116 : i32
        scf.if %cond3A_117 {
          %ge3A = arith.constant 2 : i32
          %ge3A_188 = arith.cmpi sge, %add3A_99, %ge3A : i32
          %convert_element_type3A_189 = arith.extui %ge3A_188 : i1 to i32
          %cond3A_190 = arith.constant 0 : i32
          %cond3A_191 = arith.cmpi ne, %convert_element_type3A_189, %cond3A_190 : i32
          scf.if %cond3A_191 {
            %sub3A = arith.constant 2 : i32
            %sub3A_200 = arith.subi %add3A_99, %sub3A : i32
            %dma_wait3A_201 = arith.constant 0 : i32
            %dma_wait3A_202 = tpu.memref_slice %arg9[%sub3A_200, %dma_wait3A_201] : memref<112x128xi32, #tpu.memory_space<vmem>> -> memref<1x128xi32, #tpu.memory_space<vmem>>
            %dma_wait3A_203 = tpu.memref_squeeze %dma_wait3A_202 : memref<1x128xi32, #tpu.memory_space<vmem>> -> memref<128xi32, #tpu.memory_space<vmem>>
            %dma_wait3A_204 = arith.constant 0 : i32
            %dma_wait3A_205 = arith.constant 0 : i32
            %dma_wait3A_206 = tpu.memref_slice %arg14[%dma_wait3A_204, %dma_wait3A_205] : memref<10240x64xf32, #tpu.memory_space<vmem_shared>> -> memref<10240x64xf32, #tpu.memory_space<vmem_shared>>
            tpu.wait_indirect_dma semaphore(%arg21 : memref<!tpu.dma_semaphore, #tpu.memory_space<semaphore_mem>>) src(%arg12 : memref<128x64xf32, #tpu.memory_space<vmem>>) dst(%dma_wait3A_206 : memref<10240x64xf32, #tpu.memory_space<vmem_shared>>)
          } else {
          }
          %add3A_192 = arith.constant 2 : i32
          %add3A_193 = arith.addi %add3A_99, %add3A_192 : i32
          %dma_start3A_194 = arith.constant 0 : i32
          %dma_start3A_195 = tpu.memref_slice %arg8[%add3A_193, %dma_start3A_194] : memref<112x128xi32, #tpu.memory_space<vmem>> -> memref<1x128xi32, #tpu.memory_space<vmem>>
          %dma_start3A_196 = tpu.memref_squeeze %dma_start3A_195 : memref<1x128xi32, #tpu.memory_space<vmem>> -> memref<128xi32, #tpu.memory_space<vmem>>
          %dma_start3A_197 = arith.constant 0 : i32
          %dma_start3A_198 = arith.constant 0 : i32
          %dma_start3A_199 = tpu.memref_slice %arg2[%dma_start3A_197, %dma_start3A_198] : memref<10000x64xf32, #tpu.memory_space<hbm>> -> memref<10000x64xf32, #tpu.memory_space<hbm>>
          tpu.enqueue_indirect_dma source(%dma_start3A_199 : memref<10000x64xf32, #tpu.memory_space<hbm>>) target(%arg12 : memref<128x64xf32, #tpu.memory_space<vmem>>) offsets(%dma_start3A_196 : memref<128xi32, #tpu.memory_space<vmem>>) semaphore(%arg17 : memref<!tpu.dma_semaphore, #tpu.memory_space<semaphore_mem>>)
        } else {
        }
        %mul3A_118 = arith.constant 4 : i32
        %mul3A_119 = arith.muli %mul3A_118, %scan3A_94 : i32
        %add3A_120 = arith.constant 1 : i32
        %add3A_121 = arith.addi %mul3A_119, %add3A_120 : i32
        %dma_wait3A_122 = arith.constant 0 : i32
        %dma_wait3A_123 = tpu.memref_slice %arg8[%add3A_121, %dma_wait3A_122] : memref<112x128xi32, #tpu.memory_space<vmem>> -> memref<1x128xi32, #tpu.memory_space<vmem>>
        %dma_wait3A_124 = tpu.memref_squeeze %dma_wait3A_123 : memref<1x128xi32, #tpu.memory_space<vmem>> -> memref<128xi32, #tpu.memory_space<vmem>>
        %dma_wait3A_125 = arith.constant 0 : i32
        %dma_wait3A_126 = arith.constant 0 : i32
        %dma_wait3A_127 = tpu.memref_slice %arg2[%dma_wait3A_125, %dma_wait3A_126] : memref<10000x64xf32, #tpu.memory_space<hbm>> -> memref<10000x64xf32, #tpu.memory_space<hbm>>
        tpu.wait_indirect_dma semaphore(%arg16 : memref<!tpu.dma_semaphore, #tpu.memory_space<semaphore_mem>>) src(%dma_wait3A_127 : memref<10000x64xf32, #tpu.memory_space<hbm>>) dst(%arg11 : memref<128x64xf32, #tpu.memory_space<vmem>>)
        %dma_start3A_128 = arith.constant 0 : i32
        %dma_start3A_129 = tpu.memref_slice %arg9[%add3A_121, %dma_start3A_128] : memref<112x128xi32, #tpu.memory_space<vmem>> -> memref<1x128xi32, #tpu.memory_space<vmem>>
        %dma_start3A_130 = tpu.memref_squeeze %dma_start3A_129 : memref<1x128xi32, #tpu.memory_space<vmem>> -> memref<128xi32, #tpu.memory_space<vmem>>
        %dma_start3A_131 = arith.constant 0 : i32
        %dma_start3A_132 = arith.constant 0 : i32
        %dma_start3A_133 = tpu.memref_slice %arg14[%dma_start3A_131, %dma_start3A_132] : memref<10240x64xf32, #tpu.memory_space<vmem_shared>> -> memref<10240x64xf32, #tpu.memory_space<vmem_shared>>
        tpu.enqueue_indirect_dma source(%arg11 : memref<128x64xf32, #tpu.memory_space<vmem>>) target(%dma_start3A_133 : memref<10240x64xf32, #tpu.memory_space<vmem_shared>>) offsets(%dma_start3A_130 : memref<128xi32, #tpu.memory_space<vmem>>) semaphore(%arg20 : memref<!tpu.dma_semaphore, #tpu.memory_space<semaphore_mem>>) {add = true}
        %add3A_134 = arith.constant 2 : i32
        %add3A_135 = arith.addi %add3A_121, %add3A_134 : i32
        %lt3A_136 = arith.constant 48 : i32
        %lt3A_137 = arith.cmpi slt, %add3A_135, %lt3A_136 : i32
        %convert_element_type3A_138 = arith.extui %lt3A_137 : i1 to i32
        %cond3A_139 = arith.constant 0 : i32
        %cond3A_140 = arith.cmpi ne, %convert_element_type3A_138, %cond3A_139 : i32
        scf.if %cond3A_140 {
          %ge3A = arith.constant 2 : i32
          %ge3A_188 = arith.cmpi sge, %add3A_121, %ge3A : i32
          %convert_element_type3A_189 = arith.extui %ge3A_188 : i1 to i32
          %cond3A_190 = arith.constant 0 : i32
          %cond3A_191 = arith.cmpi ne, %convert_element_type3A_189, %cond3A_190 : i32
          scf.if %cond3A_191 {
            %sub3A = arith.constant 2 : i32
            %sub3A_200 = arith.subi %add3A_121, %sub3A : i32
            %dma_wait3A_201 = arith.constant 0 : i32
            %dma_wait3A_202 = tpu.memref_slice %arg9[%sub3A_200, %dma_wait3A_201] : memref<112x128xi32, #tpu.memory_space<vmem>> -> memref<1x128xi32, #tpu.memory_space<vmem>>
            %dma_wait3A_203 = tpu.memref_squeeze %dma_wait3A_202 : memref<1x128xi32, #tpu.memory_space<vmem>> -> memref<128xi32, #tpu.memory_space<vmem>>
            %dma_wait3A_204 = arith.constant 0 : i32
            %dma_wait3A_205 = arith.constant 0 : i32
            %dma_wait3A_206 = tpu.memref_slice %arg14[%dma_wait3A_204, %dma_wait3A_205] : memref<10240x64xf32, #tpu.memory_space<vmem_shared>> -> memref<10240x64xf32, #tpu.memory_space<vmem_shared>>
            tpu.wait_indirect_dma semaphore(%arg22 : memref<!tpu.dma_semaphore, #tpu.memory_space<semaphore_mem>>) src(%arg13 : memref<128x64xf32, #tpu.memory_space<vmem>>) dst(%dma_wait3A_206 : memref<10240x64xf32, #tpu.memory_space<vmem_shared>>)
          } else {
          }
          %add3A_192 = arith.constant 2 : i32
          %add3A_193 = arith.addi %add3A_121, %add3A_192 : i32
          %dma_start3A_194 = arith.constant 0 : i32
          %dma_start3A_195 = tpu.memref_slice %arg8[%add3A_193, %dma_start3A_194] : memref<112x128xi32, #tpu.memory_space<vmem>> -> memref<1x128xi32, #tpu.memory_space<vmem>>
          %dma_start3A_196 = tpu.memref_squeeze %dma_start3A_195 : memref<1x128xi32, #tpu.memory_space<vmem>> -> memref<128xi32, #tpu.memory_space<vmem>>
          %dma_start3A_197 = arith.constant 0 : i32
          %dma_start3A_198 = arith.constant 0 : i32
          %dma_start3A_199 = tpu.memref_slice %arg2[%dma_start3A_197, %dma_start3A_198] : memref<10000x64xf32, #tpu.memory_space<hbm>> -> memref<10000x64xf32, #tpu.memory_space<hbm>>
          tpu.enqueue_indirect_dma source(%dma_start3A_199 : memref<10000x64xf32, #tpu.memory_space<hbm>>) target(%arg13 : memref<128x64xf32, #tpu.memory_space<vmem>>) offsets(%dma_start3A_196 : memref<128xi32, #tpu.memory_space<vmem>>) semaphore(%arg18 : memref<!tpu.dma_semaphore, #tpu.memory_space<semaphore_mem>>)
        } else {
        }
        %mul3A_141 = arith.constant 4 : i32
        %mul3A_142 = arith.muli %mul3A_141, %scan3A_94 : i32
        %add3A_143 = arith.constant 2 : i32
        %add3A_144 = arith.addi %mul3A_142, %add3A_143 : i32
        %dma_wait3A_145 = arith.constant 0 : i32
        %dma_wait3A_146 = tpu.memref_slice %arg8[%add3A_144, %dma_wait3A_145] : memref<112x128xi32, #tpu.memory_space<vmem>> -> memref<1x128xi32, #tpu.memory_space<vmem>>
        %dma_wait3A_147 = tpu.memref_squeeze %dma_wait3A_146 : memref<1x128xi32, #tpu.memory_space<vmem>> -> memref<128xi32, #tpu.memory_space<vmem>>
        %dma_wait3A_148 = arith.constant 0 : i32
        %dma_wait3A_149 = arith.constant 0 : i32
        %dma_wait3A_150 = tpu.memref_slice %arg2[%dma_wait3A_148, %dma_wait3A_149] : memref<10000x64xf32, #tpu.memory_space<hbm>> -> memref<10000x64xf32, #tpu.memory_space<hbm>>
        tpu.wait_indirect_dma semaphore(%arg17 : memref<!tpu.dma_semaphore, #tpu.memory_space<semaphore_mem>>) src(%dma_wait3A_150 : memref<10000x64xf32, #tpu.memory_space<hbm>>) dst(%arg12 : memref<128x64xf32, #tpu.memory_space<vmem>>)
        %dma_start3A_151 = arith.constant 0 : i32
        %dma_start3A_152 = tpu.memref_slice %arg9[%add3A_144, %dma_start3A_151] : memref<112x128xi32, #tpu.memory_space<vmem>> -> memref<1x128xi32, #tpu.memory_space<vmem>>
        %dma_start3A_153 = tpu.memref_squeeze %dma_start3A_152 : memref<1x128xi32, #tpu.memory_space<vmem>> -> memref<128xi32, #tpu.memory_space<vmem>>
        %dma_start3A_154 = arith.constant 0 : i32
        %dma_start3A_155 = arith.constant 0 : i32
        %dma_start3A_156 = tpu.memref_slice %arg14[%dma_start3A_154, %dma_start3A_155] : memref<10240x64xf32, #tpu.memory_space<vmem_shared>> -> memref<10240x64xf32, #tpu.memory_space<vmem_shared>>
        tpu.enqueue_indirect_dma source(%arg12 : memref<128x64xf32, #tpu.memory_space<vmem>>) target(%dma_start3A_156 : memref<10240x64xf32, #tpu.memory_space<vmem_shared>>) offsets(%dma_start3A_153 : memref<128xi32, #tpu.memory_space<vmem>>) semaphore(%arg21 : memref<!tpu.dma_semaphore, #tpu.memory_space<semaphore_mem>>) {add = true}
        %add3A_157 = arith.constant 2 : i32
        %add3A_158 = arith.addi %add3A_144, %add3A_157 : i32
        %lt3A_159 = arith.constant 48 : i32
        %lt3A_160 = arith.cmpi slt, %add3A_158, %lt3A_159 : i32
        %convert_element_type3A_161 = arith.extui %lt3A_160 : i1 to i32
        %cond3A_162 = arith.constant 0 : i32
        %cond3A_163 = arith.cmpi ne, %convert_element_type3A_161, %cond3A_162 : i32
        scf.if %cond3A_163 {
          %ge3A = arith.constant 2 : i32
          %ge3A_188 = arith.cmpi sge, %add3A_144, %ge3A : i32
          %convert_element_type3A_189 = arith.extui %ge3A_188 : i1 to i32
          %cond3A_190 = arith.constant 0 : i32
          %cond3A_191 = arith.cmpi ne, %convert_element_type3A_189, %cond3A_190 : i32
          scf.if %cond3A_191 {
            %sub3A = arith.constant 2 : i32
            %sub3A_200 = arith.subi %add3A_144, %sub3A : i32
            %dma_wait3A_201 = arith.constant 0 : i32
            %dma_wait3A_202 = tpu.memref_slice %arg9[%sub3A_200, %dma_wait3A_201] : memref<112x128xi32, #tpu.memory_space<vmem>> -> memref<1x128xi32, #tpu.memory_space<vmem>>
            %dma_wait3A_203 = tpu.memref_squeeze %dma_wait3A_202 : memref<1x128xi32, #tpu.memory_space<vmem>> -> memref<128xi32, #tpu.memory_space<vmem>>
            %dma_wait3A_204 = arith.constant 0 : i32
            %dma_wait3A_205 = arith.constant 0 : i32
            %dma_wait3A_206 = tpu.memref_slice %arg14[%dma_wait3A_204, %dma_wait3A_205] : memref<10240x64xf32, #tpu.memory_space<vmem_shared>> -> memref<10240x64xf32, #tpu.memory_space<vmem_shared>>
            tpu.wait_indirect_dma semaphore(%arg19 : memref<!tpu.dma_semaphore, #tpu.memory_space<semaphore_mem>>) src(%arg10 : memref<128x64xf32, #tpu.memory_space<vmem>>) dst(%dma_wait3A_206 : memref<10240x64xf32, #tpu.memory_space<vmem_shared>>)
          } else {
          }
          %add3A_192 = arith.constant 2 : i32
          %add3A_193 = arith.addi %add3A_144, %add3A_192 : i32
          %dma_start3A_194 = arith.constant 0 : i32
          %dma_start3A_195 = tpu.memref_slice %arg8[%add3A_193, %dma_start3A_194] : memref<112x128xi32, #tpu.memory_space<vmem>> -> memref<1x128xi32, #tpu.memory_space<vmem>>
          %dma_start3A_196 = tpu.memref_squeeze %dma_start3A_195 : memref<1x128xi32, #tpu.memory_space<vmem>> -> memref<128xi32, #tpu.memory_space<vmem>>
          %dma_start3A_197 = arith.constant 0 : i32
          %dma_start3A_198 = arith.constant 0 : i32
          %dma_start3A_199 = tpu.memref_slice %arg2[%dma_start3A_197, %dma_start3A_198] : memref<10000x64xf32, #tpu.memory_space<hbm>> -> memref<10000x64xf32, #tpu.memory_space<hbm>>
          tpu.enqueue_indirect_dma source(%dma_start3A_199 : memref<10000x64xf32, #tpu.memory_space<hbm>>) target(%arg10 : memref<128x64xf32, #tpu.memory_space<vmem>>) offsets(%dma_start3A_196 : memref<128xi32, #tpu.memory_space<vmem>>) semaphore(%arg15 : memref<!tpu.dma_semaphore, #tpu.memory_space<semaphore_mem>>)
        } else {
        }
        %mul3A_164 = arith.constant 4 : i32
        %mul3A_165 = arith.muli %mul3A_164, %scan3A_94 : i32
        %add3A_166 = arith.constant 3 : i32
        %add3A_167 = arith.addi %mul3A_165, %add3A_166 : i32
        %dma_wait3A_168 = arith.constant 0 : i32
        %dma_wait3A_169 = tpu.memref_slice %arg8[%add3A_167, %dma_wait3A_168] : memref<112x128xi32, #tpu.memory_space<vmem>> -> memref<1x128xi32, #tpu.memory_space<vmem>>
        %dma_wait3A_170 = tpu.memref_squeeze %dma_wait3A_169 : memref<1x128xi32, #tpu.memory_space<vmem>> -> memref<128xi32, #tpu.memory_space<vmem>>
        %dma_wait3A_171 = arith.constant 0 : i32
        %dma_wait3A_172 = arith.constant 0 : i32
        %dma_wait3A_173 = tpu.memref_slice %arg2[%dma_wait3A_171, %dma_wait3A_172] : memref<10000x64xf32, #tpu.memory_space<hbm>> -> memref<10000x64xf32, #tpu.memory_space<hbm>>
        tpu.wait_indirect_dma semaphore(%arg18 : memref<!tpu.dma_semaphore, #tpu.memory_space<semaphore_mem>>) src(%dma_wait3A_173 : memref<10000x64xf32, #tpu.memory_space<hbm>>) dst(%arg13 : memref<128x64xf32, #tpu.memory_space<vmem>>)
        %dma_start3A_174 = arith.constant 0 : i32
        %dma_start3A_175 = tpu.memref_slice %arg9[%add3A_167, %dma_start3A_174] : memref<112x128xi32, #tpu.memory_space<vmem>> -> memref<1x128xi32, #tpu.memory_space<vmem>>
        %dma_start3A_176 = tpu.memref_squeeze %dma_start3A_175 : memref<1x128xi32, #tpu.memory_space<vmem>> -> memref<128xi32, #tpu.memory_space<vmem>>
        %dma_start3A_177 = arith.constant 0 : i32
        %dma_start3A_178 = arith.constant 0 : i32
        %dma_start3A_179 = tpu.memref_slice %arg14[%dma_start3A_177, %dma_start3A_178] : memref<10240x64xf32, #tpu.memory_space<vmem_shared>> -> memref<10240x64xf32, #tpu.memory_space<vmem_shared>>
        tpu.enqueue_indirect_dma source(%arg13 : memref<128x64xf32, #tpu.memory_space<vmem>>) target(%dma_start3A_179 : memref<10240x64xf32, #tpu.memory_space<vmem_shared>>) offsets(%dma_start3A_176 : memref<128xi32, #tpu.memory_space<vmem>>) semaphore(%arg22 : memref<!tpu.dma_semaphore, #tpu.memory_space<semaphore_mem>>) {add = true}
        %add3A_180 = arith.constant 2 : i32
        %add3A_181 = arith.addi %add3A_167, %add3A_180 : i32
        %lt3A_182 = arith.constant 48 : i32
        %lt3A_183 = arith.cmpi slt, %add3A_181, %lt3A_182 : i32
        %convert_element_type3A_184 = arith.extui %lt3A_183 : i1 to i32
        %cond3A_185 = arith.constant 0 : i32
        %cond3A_186 = arith.cmpi ne, %convert_element_type3A_184, %cond3A_185 : i32
        scf.if %cond3A_186 {
          %ge3A = arith.constant 2 : i32
          %ge3A_188 = arith.cmpi sge, %add3A_167, %ge3A : i32
          %convert_element_type3A_189 = arith.extui %ge3A_188 : i1 to i32
          %cond3A_190 = arith.constant 0 : i32
          %cond3A_191 = arith.cmpi ne, %convert_element_type3A_189, %cond3A_190 : i32
          scf.if %cond3A_191 {
            %sub3A = arith.constant 2 : i32
            %sub3A_200 = arith.subi %add3A_167, %sub3A : i32
            %dma_wait3A_201 = arith.constant 0 : i32
            %dma_wait3A_202 = tpu.memref_slice %arg9[%sub3A_200, %dma_wait3A_201] : memref<112x128xi32, #tpu.memory_space<vmem>> -> memref<1x128xi32, #tpu.memory_space<vmem>>
            %dma_wait3A_203 = tpu.memref_squeeze %dma_wait3A_202 : memref<1x128xi32, #tpu.memory_space<vmem>> -> memref<128xi32, #tpu.memory_space<vmem>>
            %dma_wait3A_204 = arith.constant 0 : i32
            %dma_wait3A_205 = arith.constant 0 : i32
            %dma_wait3A_206 = tpu.memref_slice %arg14[%dma_wait3A_204, %dma_wait3A_205] : memref<10240x64xf32, #tpu.memory_space<vmem_shared>> -> memref<10240x64xf32, #tpu.memory_space<vmem_shared>>
            tpu.wait_indirect_dma semaphore(%arg20 : memref<!tpu.dma_semaphore, #tpu.memory_space<semaphore_mem>>) src(%arg11 : memref<128x64xf32, #tpu.memory_space<vmem>>) dst(%dma_wait3A_206 : memref<10240x64xf32, #tpu.memory_space<vmem_shared>>)
          } else {
          }
          %add3A_192 = arith.constant 2 : i32
          %add3A_193 = arith.addi %add3A_167, %add3A_192 : i32
          %dma_start3A_194 = arith.constant 0 : i32
          %dma_start3A_195 = tpu.memref_slice %arg8[%add3A_193, %dma_start3A_194] : memref<112x128xi32, #tpu.memory_space<vmem>> -> memref<1x128xi32, #tpu.memory_space<vmem>>
          %dma_start3A_196 = tpu.memref_squeeze %dma_start3A_195 : memref<1x128xi32, #tpu.memory_space<vmem>> -> memref<128xi32, #tpu.memory_space<vmem>>
          %dma_start3A_197 = arith.constant 0 : i32
          %dma_start3A_198 = arith.constant 0 : i32
          %dma_start3A_199 = tpu.memref_slice %arg2[%dma_start3A_197, %dma_start3A_198] : memref<10000x64xf32, #tpu.memory_space<hbm>> -> memref<10000x64xf32, #tpu.memory_space<hbm>>
          tpu.enqueue_indirect_dma source(%dma_start3A_199 : memref<10000x64xf32, #tpu.memory_space<hbm>>) target(%arg11 : memref<128x64xf32, #tpu.memory_space<vmem>>) offsets(%dma_start3A_196 : memref<128xi32, #tpu.memory_space<vmem>>) semaphore(%arg16 : memref<!tpu.dma_semaphore, #tpu.memory_space<semaphore_mem>>)
        } else {
        }
        %scan3A_187 = arith.constant 0 : i32
        scf.yield %scan3A_187 : i32
      }
      %scan3A_66 = arith.constant 12 : i32
      %dma_wait3A = arith.constant 44 : i32
      %dma_wait3A_67 = arith.constant 0 : i32
      %dma_wait3A_68 = tpu.memref_slice %arg9[%dma_wait3A, %dma_wait3A_67] : memref<112x128xi32, #tpu.memory_space<vmem>> -> memref<1x128xi32, #tpu.memory_space<vmem>>
      %dma_wait3A_69 = tpu.memref_squeeze %dma_wait3A_68 : memref<1x128xi32, #tpu.memory_space<vmem>> -> memref<128xi32, #tpu.memory_space<vmem>>
      %dma_wait3A_70 = arith.constant 0 : i32
      %dma_wait3A_71 = arith.constant 0 : i32
      %dma_wait3A_72 = tpu.memref_slice %arg14[%dma_wait3A_70, %dma_wait3A_71] : memref<10240x64xf32, #tpu.memory_space<vmem_shared>> -> memref<10240x64xf32, #tpu.memory_space<vmem_shared>>
      tpu.wait_indirect_dma semaphore(%arg19 : memref<!tpu.dma_semaphore, #tpu.memory_space<semaphore_mem>>) src(%arg10 : memref<128x64xf32, #tpu.memory_space<vmem>>) dst(%dma_wait3A_72 : memref<10240x64xf32, #tpu.memory_space<vmem_shared>>)
      %dma_wait3A_73 = arith.constant 45 : i32
      %dma_wait3A_74 = arith.constant 0 : i32
      %dma_wait3A_75 = tpu.memref_slice %arg9[%dma_wait3A_73, %dma_wait3A_74] : memref<112x128xi32, #tpu.memory_space<vmem>> -> memref<1x128xi32, #tpu.memory_space<vmem>>
      %dma_wait3A_76 = tpu.memref_squeeze %dma_wait3A_75 : memref<1x128xi32, #tpu.memory_space<vmem>> -> memref<128xi32, #tpu.memory_space<vmem>>
      %dma_wait3A_77 = arith.constant 0 : i32
      %dma_wait3A_78 = arith.constant 0 : i32
      %dma_wait3A_79 = tpu.memref_slice %arg14[%dma_wait3A_77, %dma_wait3A_78] : memref<10240x64xf32, #tpu.memory_space<vmem_shared>> -> memref<10240x64xf32, #tpu.memory_space<vmem_shared>>
      tpu.wait_indirect_dma semaphore(%arg20 : memref<!tpu.dma_semaphore, #tpu.memory_space<semaphore_mem>>) src(%arg11 : memref<128x64xf32, #tpu.memory_space<vmem>>) dst(%dma_wait3A_79 : memref<10240x64xf32, #tpu.memory_space<vmem_shared>>)
      %dma_wait3A_80 = arith.constant 46 : i32
      %dma_wait3A_81 = arith.constant 0 : i32
      %dma_wait3A_82 = tpu.memref_slice %arg9[%dma_wait3A_80, %dma_wait3A_81] : memref<112x128xi32, #tpu.memory_space<vmem>> -> memref<1x128xi32, #tpu.memory_space<vmem>>
      %dma_wait3A_83 = tpu.memref_squeeze %dma_wait3A_82 : memref<1x128xi32, #tpu.memory_space<vmem>> -> memref<128xi32, #tpu.memory_space<vmem>>
      %dma_wait3A_84 = arith.constant 0 : i32
      %dma_wait3A_85 = arith.constant 0 : i32
      %dma_wait3A_86 = tpu.memref_slice %arg14[%dma_wait3A_84, %dma_wait3A_85] : memref<10240x64xf32, #tpu.memory_space<vmem_shared>> -> memref<10240x64xf32, #tpu.memory_space<vmem_shared>>
      tpu.wait_indirect_dma semaphore(%arg21 : memref<!tpu.dma_semaphore, #tpu.memory_space<semaphore_mem>>) src(%arg12 : memref<128x64xf32, #tpu.memory_space<vmem>>) dst(%dma_wait3A_86 : memref<10240x64xf32, #tpu.memory_space<vmem_shared>>)
      %dma_wait3A_87 = arith.constant 47 : i32
      %dma_wait3A_88 = arith.constant 0 : i32
      %dma_wait3A_89 = tpu.memref_slice %arg9[%dma_wait3A_87, %dma_wait3A_88] : memref<112x128xi32, #tpu.memory_space<vmem>> -> memref<1x128xi32, #tpu.memory_space<vmem>>
      %dma_wait3A_90 = tpu.memref_squeeze %dma_wait3A_89 : memref<1x128xi32, #tpu.memory_space<vmem>> -> memref<128xi32, #tpu.memory_space<vmem>>
      %dma_wait3A_91 = arith.constant 0 : i32
      %dma_wait3A_92 = arith.constant 0 : i32
      %dma_wait3A_93 = tpu.memref_slice %arg14[%dma_wait3A_91, %dma_wait3A_92] : memref<10240x64xf32, #tpu.memory_space<vmem_shared>> -> memref<10240x64xf32, #tpu.memory_space<vmem_shared>>
      tpu.wait_indirect_dma semaphore(%arg22 : memref<!tpu.dma_semaphore, #tpu.memory_space<semaphore_mem>>) src(%arg13 : memref<128x64xf32, #tpu.memory_space<vmem>>) dst(%dma_wait3A_93 : memref<10240x64xf32, #tpu.memory_space<vmem_shared>>)
    } else {
    }
    %eq3A_37 = arith.constant 1 : i32
    %eq3A_38 = arith.cmpi eq, %arg0, %eq3A_37 : i32
    %convert_element_type3A_39 = arith.extui %eq3A_38 : i1 to i32
    %cond3A_40 = arith.constant 0 : i32
    %cond3A_41 = arith.cmpi ne, %convert_element_type3A_39, %cond3A_40 : i32
    scf.if %cond3A_41 {
      %dma_start3A = arith.constant 0 : i32
      %dma_start3A_47 = arith.constant 0 : i32
      %dma_start3A_48 = tpu.memref_slice %arg8[%dma_start3A, %dma_start3A_47] : memref<112x128xi32, #tpu.memory_space<vmem>> -> memref<1x128xi32, #tpu.memory_space<vmem>>
      %dma_start3A_49 = tpu.memref_squeeze %dma_start3A_48 : memref<1x128xi32, #tpu.memory_space<vmem>> -> memref<128xi32, #tpu.memory_space<vmem>>
      %dma_start3A_50 = arith.constant 0 : i32
      %dma_start3A_51 = arith.constant 0 : i32
      %dma_start3A_52 = tpu.memref_slice %arg2[%dma_start3A_50, %dma_start3A_51] : memref<10000x64xf32, #tpu.memory_space<hbm>> -> memref<10000x64xf32, #tpu.memory_space<hbm>>
      tpu.enqueue_indirect_dma source(%dma_start3A_52 : memref<10000x64xf32, #tpu.memory_space<hbm>>) target(%arg10 : memref<128x64xf32, #tpu.memory_space<vmem>>) offsets(%dma_start3A_49 : memref<128xi32, #tpu.memory_space<vmem>>) semaphore(%arg15 : memref<!tpu.dma_semaphore, #tpu.memory_space<semaphore_mem>>)
      %dma_start3A_53 = arith.constant 1 : i32
      %dma_start3A_54 = arith.constant 0 : i32
      %dma_start3A_55 = tpu.memref_slice %arg8[%dma_start3A_53, %dma_start3A_54] : memref<112x128xi32, #tpu.memory_space<vmem>> -> memref<1x128xi32, #tpu.memory_space<vmem>>
      %dma_start3A_56 = tpu.memref_squeeze %dma_start3A_55 : memref<1x128xi32, #tpu.memory_space<vmem>> -> memref<128xi32, #tpu.memory_space<vmem>>
      %dma_start3A_57 = arith.constant 0 : i32
      %dma_start3A_58 = arith.constant 0 : i32
      %dma_start3A_59 = tpu.memref_slice %arg2[%dma_start3A_57, %dma_start3A_58] : memref<10000x64xf32, #tpu.memory_space<hbm>> -> memref<10000x64xf32, #tpu.memory_space<hbm>>
      tpu.enqueue_indirect_dma source(%dma_start3A_59 : memref<10000x64xf32, #tpu.memory_space<hbm>>) target(%arg11 : memref<128x64xf32, #tpu.memory_space<vmem>>) offsets(%dma_start3A_56 : memref<128xi32, #tpu.memory_space<vmem>>) semaphore(%arg16 : memref<!tpu.dma_semaphore, #tpu.memory_space<semaphore_mem>>)
      %scan3A_60 = arith.constant 0 : i32
      %scan3A_61 = arith.constant 0 : i32
      %scan3A_62 = arith.constant 28 : i32
      %scan3A_63 = arith.addi %scan3A_61, %scan3A_62 : i32
      %scan3A_64 = arith.constant 1 : i32
      %scan3A_65 = scf.for %scan3A_94 = %scan3A_61 to %scan3A_63 step %scan3A_64 iter_args(%scan3A_95 = %scan3A_60) -> (i32)  : i32 {
        %mul3A_96 = arith.constant 4 : i32
        %mul3A_97 = arith.muli %mul3A_96, %scan3A_94 : i32
        %add3A_98 = arith.constant 0 : i32
        %add3A_99 = arith.addi %mul3A_97, %add3A_98 : i32
        %dma_wait3A_100 = arith.constant 0 : i32
        %dma_wait3A_101 = tpu.memref_slice %arg8[%add3A_99, %dma_wait3A_100] : memref<112x128xi32, #tpu.memory_space<vmem>> -> memref<1x128xi32, #tpu.memory_space<vmem>>
        %dma_wait3A_102 = tpu.memref_squeeze %dma_wait3A_101 : memref<1x128xi32, #tpu.memory_space<vmem>> -> memref<128xi32, #tpu.memory_space<vmem>>
        %dma_wait3A_103 = arith.constant 0 : i32
        %dma_wait3A_104 = arith.constant 0 : i32
        %dma_wait3A_105 = tpu.memref_slice %arg2[%dma_wait3A_103, %dma_wait3A_104] : memref<10000x64xf32, #tpu.memory_space<hbm>> -> memref<10000x64xf32, #tpu.memory_space<hbm>>
        tpu.wait_indirect_dma semaphore(%arg15 : memref<!tpu.dma_semaphore, #tpu.memory_space<semaphore_mem>>) src(%dma_wait3A_105 : memref<10000x64xf32, #tpu.memory_space<hbm>>) dst(%arg10 : memref<128x64xf32, #tpu.memory_space<vmem>>)
        %dma_start3A_106 = arith.constant 0 : i32
        %dma_start3A_107 = tpu.memref_slice %arg9[%add3A_99, %dma_start3A_106] : memref<112x128xi32, #tpu.memory_space<vmem>> -> memref<1x128xi32, #tpu.memory_space<vmem>>
        %dma_start3A_108 = tpu.memref_squeeze %dma_start3A_107 : memref<1x128xi32, #tpu.memory_space<vmem>> -> memref<128xi32, #tpu.memory_space<vmem>>
        %dma_start3A_109 = arith.constant 0 : i32
        %dma_start3A_110 = arith.constant 0 : i32
        %dma_start3A_111 = tpu.memref_slice %arg14[%dma_start3A_109, %dma_start3A_110] : memref<10240x64xf32, #tpu.memory_space<vmem_shared>> -> memref<10240x64xf32, #tpu.memory_space<vmem_shared>>
        tpu.enqueue_indirect_dma source(%arg10 : memref<128x64xf32, #tpu.memory_space<vmem>>) target(%dma_start3A_111 : memref<10240x64xf32, #tpu.memory_space<vmem_shared>>) offsets(%dma_start3A_108 : memref<128xi32, #tpu.memory_space<vmem>>) semaphore(%arg19 : memref<!tpu.dma_semaphore, #tpu.memory_space<semaphore_mem>>) {add = true}
        %add3A_112 = arith.constant 2 : i32
        %add3A_113 = arith.addi %add3A_99, %add3A_112 : i32
        %lt3A = arith.constant 112 : i32
        %lt3A_114 = arith.cmpi slt, %add3A_113, %lt3A : i32
        %convert_element_type3A_115 = arith.extui %lt3A_114 : i1 to i32
        %cond3A_116 = arith.constant 0 : i32
        %cond3A_117 = arith.cmpi ne, %convert_element_type3A_115, %cond3A_116 : i32
        scf.if %cond3A_117 {
          %ge3A = arith.constant 2 : i32
          %ge3A_188 = arith.cmpi sge, %add3A_99, %ge3A : i32
          %convert_element_type3A_189 = arith.extui %ge3A_188 : i1 to i32
          %cond3A_190 = arith.constant 0 : i32
          %cond3A_191 = arith.cmpi ne, %convert_element_type3A_189, %cond3A_190 : i32
          scf.if %cond3A_191 {
            %sub3A = arith.constant 2 : i32
            %sub3A_200 = arith.subi %add3A_99, %sub3A : i32
            %dma_wait3A_201 = arith.constant 0 : i32
            %dma_wait3A_202 = tpu.memref_slice %arg9[%sub3A_200, %dma_wait3A_201] : memref<112x128xi32, #tpu.memory_space<vmem>> -> memref<1x128xi32, #tpu.memory_space<vmem>>
            %dma_wait3A_203 = tpu.memref_squeeze %dma_wait3A_202 : memref<1x128xi32, #tpu.memory_space<vmem>> -> memref<128xi32, #tpu.memory_space<vmem>>
            %dma_wait3A_204 = arith.constant 0 : i32
            %dma_wait3A_205 = arith.constant 0 : i32
            %dma_wait3A_206 = tpu.memref_slice %arg14[%dma_wait3A_204, %dma_wait3A_205] : memref<10240x64xf32, #tpu.memory_space<vmem_shared>> -> memref<10240x64xf32, #tpu.memory_space<vmem_shared>>
            tpu.wait_indirect_dma semaphore(%arg21 : memref<!tpu.dma_semaphore, #tpu.memory_space<semaphore_mem>>) src(%arg12 : memref<128x64xf32, #tpu.memory_space<vmem>>) dst(%dma_wait3A_206 : memref<10240x64xf32, #tpu.memory_space<vmem_shared>>)
          } else {
          }
          %add3A_192 = arith.constant 2 : i32
          %add3A_193 = arith.addi %add3A_99, %add3A_192 : i32
          %dma_start3A_194 = arith.constant 0 : i32
          %dma_start3A_195 = tpu.memref_slice %arg8[%add3A_193, %dma_start3A_194] : memref<112x128xi32, #tpu.memory_space<vmem>> -> memref<1x128xi32, #tpu.memory_space<vmem>>
          %dma_start3A_196 = tpu.memref_squeeze %dma_start3A_195 : memref<1x128xi32, #tpu.memory_space<vmem>> -> memref<128xi32, #tpu.memory_space<vmem>>
          %dma_start3A_197 = arith.constant 0 : i32
          %dma_start3A_198 = arith.constant 0 : i32
          %dma_start3A_199 = tpu.memref_slice %arg2[%dma_start3A_197, %dma_start3A_198] : memref<10000x64xf32, #tpu.memory_space<hbm>> -> memref<10000x64xf32, #tpu.memory_space<hbm>>
          tpu.enqueue_indirect_dma source(%dma_start3A_199 : memref<10000x64xf32, #tpu.memory_space<hbm>>) target(%arg12 : memref<128x64xf32, #tpu.memory_space<vmem>>) offsets(%dma_start3A_196 : memref<128xi32, #tpu.memory_space<vmem>>) semaphore(%arg17 : memref<!tpu.dma_semaphore, #tpu.memory_space<semaphore_mem>>)
        } else {
        }
        %mul3A_118 = arith.constant 4 : i32
        %mul3A_119 = arith.muli %mul3A_118, %scan3A_94 : i32
        %add3A_120 = arith.constant 1 : i32
        %add3A_121 = arith.addi %mul3A_119, %add3A_120 : i32
        %dma_wait3A_122 = arith.constant 0 : i32
        %dma_wait3A_123 = tpu.memref_slice %arg8[%add3A_121, %dma_wait3A_122] : memref<112x128xi32, #tpu.memory_space<vmem>> -> memref<1x128xi32, #tpu.memory_space<vmem>>
        %dma_wait3A_124 = tpu.memref_squeeze %dma_wait3A_123 : memref<1x128xi32, #tpu.memory_space<vmem>> -> memref<128xi32, #tpu.memory_space<vmem>>
        %dma_wait3A_125 = arith.constant 0 : i32
        %dma_wait3A_126 = arith.constant 0 : i32
        %dma_wait3A_127 = tpu.memref_slice %arg2[%dma_wait3A_125, %dma_wait3A_126] : memref<10000x64xf32, #tpu.memory_space<hbm>> -> memref<10000x64xf32, #tpu.memory_space<hbm>>
        tpu.wait_indirect_dma semaphore(%arg16 : memref<!tpu.dma_semaphore, #tpu.memory_space<semaphore_mem>>) src(%dma_wait3A_127 : memref<10000x64xf32, #tpu.memory_space<hbm>>) dst(%arg11 : memref<128x64xf32, #tpu.memory_space<vmem>>)
        %dma_start3A_128 = arith.constant 0 : i32
        %dma_start3A_129 = tpu.memref_slice %arg9[%add3A_121, %dma_start3A_128] : memref<112x128xi32, #tpu.memory_space<vmem>> -> memref<1x128xi32, #tpu.memory_space<vmem>>
        %dma_start3A_130 = tpu.memref_squeeze %dma_start3A_129 : memref<1x128xi32, #tpu.memory_space<vmem>> -> memref<128xi32, #tpu.memory_space<vmem>>
        %dma_start3A_131 = arith.constant 0 : i32
        %dma_start3A_132 = arith.constant 0 : i32
        %dma_start3A_133 = tpu.memref_slice %arg14[%dma_start3A_131, %dma_start3A_132] : memref<10240x64xf32, #tpu.memory_space<vmem_shared>> -> memref<10240x64xf32, #tpu.memory_space<vmem_shared>>
        tpu.enqueue_indirect_dma source(%arg11 : memref<128x64xf32, #tpu.memory_space<vmem>>) target(%dma_start3A_133 : memref<10240x64xf32, #tpu.memory_space<vmem_shared>>) offsets(%dma_start3A_130 : memref<128xi32, #tpu.memory_space<vmem>>) semaphore(%arg20 : memref<!tpu.dma_semaphore, #tpu.memory_space<semaphore_mem>>) {add = true}
        %add3A_134 = arith.constant 2 : i32
        %add3A_135 = arith.addi %add3A_121, %add3A_134 : i32
        %lt3A_136 = arith.constant 112 : i32
        %lt3A_137 = arith.cmpi slt, %add3A_135, %lt3A_136 : i32
        %convert_element_type3A_138 = arith.extui %lt3A_137 : i1 to i32
        %cond3A_139 = arith.constant 0 : i32
        %cond3A_140 = arith.cmpi ne, %convert_element_type3A_138, %cond3A_139 : i32
        scf.if %cond3A_140 {
          %ge3A = arith.constant 2 : i32
          %ge3A_188 = arith.cmpi sge, %add3A_121, %ge3A : i32
          %convert_element_type3A_189 = arith.extui %ge3A_188 : i1 to i32
          %cond3A_190 = arith.constant 0 : i32
          %cond3A_191 = arith.cmpi ne, %convert_element_type3A_189, %cond3A_190 : i32
          scf.if %cond3A_191 {
            %sub3A = arith.constant 2 : i32
            %sub3A_200 = arith.subi %add3A_121, %sub3A : i32
            %dma_wait3A_201 = arith.constant 0 : i32
            %dma_wait3A_202 = tpu.memref_slice %arg9[%sub3A_200, %dma_wait3A_201] : memref<112x128xi32, #tpu.memory_space<vmem>> -> memref<1x128xi32, #tpu.memory_space<vmem>>
            %dma_wait3A_203 = tpu.memref_squeeze %dma_wait3A_202 : memref<1x128xi32, #tpu.memory_space<vmem>> -> memref<128xi32, #tpu.memory_space<vmem>>
            %dma_wait3A_204 = arith.constant 0 : i32
            %dma_wait3A_205 = arith.constant 0 : i32
            %dma_wait3A_206 = tpu.memref_slice %arg14[%dma_wait3A_204, %dma_wait3A_205] : memref<10240x64xf32, #tpu.memory_space<vmem_shared>> -> memref<10240x64xf32, #tpu.memory_space<vmem_shared>>
            tpu.wait_indirect_dma semaphore(%arg22 : memref<!tpu.dma_semaphore, #tpu.memory_space<semaphore_mem>>) src(%arg13 : memref<128x64xf32, #tpu.memory_space<vmem>>) dst(%dma_wait3A_206 : memref<10240x64xf32, #tpu.memory_space<vmem_shared>>)
          } else {
          }
          %add3A_192 = arith.constant 2 : i32
          %add3A_193 = arith.addi %add3A_121, %add3A_192 : i32
          %dma_start3A_194 = arith.constant 0 : i32
          %dma_start3A_195 = tpu.memref_slice %arg8[%add3A_193, %dma_start3A_194] : memref<112x128xi32, #tpu.memory_space<vmem>> -> memref<1x128xi32, #tpu.memory_space<vmem>>
          %dma_start3A_196 = tpu.memref_squeeze %dma_start3A_195 : memref<1x128xi32, #tpu.memory_space<vmem>> -> memref<128xi32, #tpu.memory_space<vmem>>
          %dma_start3A_197 = arith.constant 0 : i32
          %dma_start3A_198 = arith.constant 0 : i32
          %dma_start3A_199 = tpu.memref_slice %arg2[%dma_start3A_197, %dma_start3A_198] : memref<10000x64xf32, #tpu.memory_space<hbm>> -> memref<10000x64xf32, #tpu.memory_space<hbm>>
          tpu.enqueue_indirect_dma source(%dma_start3A_199 : memref<10000x64xf32, #tpu.memory_space<hbm>>) target(%arg13 : memref<128x64xf32, #tpu.memory_space<vmem>>) offsets(%dma_start3A_196 : memref<128xi32, #tpu.memory_space<vmem>>) semaphore(%arg18 : memref<!tpu.dma_semaphore, #tpu.memory_space<semaphore_mem>>)
        } else {
        }
        %mul3A_141 = arith.constant 4 : i32
        %mul3A_142 = arith.muli %mul3A_141, %scan3A_94 : i32
        %add3A_143 = arith.constant 2 : i32
        %add3A_144 = arith.addi %mul3A_142, %add3A_143 : i32
        %dma_wait3A_145 = arith.constant 0 : i32
        %dma_wait3A_146 = tpu.memref_slice %arg8[%add3A_144, %dma_wait3A_145] : memref<112x128xi32, #tpu.memory_space<vmem>> -> memref<1x128xi32, #tpu.memory_space<vmem>>
        %dma_wait3A_147 = tpu.memref_squeeze %dma_wait3A_146 : memref<1x128xi32, #tpu.memory_space<vmem>> -> memref<128xi32, #tpu.memory_space<vmem>>
        %dma_wait3A_148 = arith.constant 0 : i32
        %dma_wait3A_149 = arith.constant 0 : i32
        %dma_wait3A_150 = tpu.memref_slice %arg2[%dma_wait3A_148, %dma_wait3A_149] : memref<10000x64xf32, #tpu.memory_space<hbm>> -> memref<10000x64xf32, #tpu.memory_space<hbm>>
        tpu.wait_indirect_dma semaphore(%arg17 : memref<!tpu.dma_semaphore, #tpu.memory_space<semaphore_mem>>) src(%dma_wait3A_150 : memref<10000x64xf32, #tpu.memory_space<hbm>>) dst(%arg12 : memref<128x64xf32, #tpu.memory_space<vmem>>)
        %dma_start3A_151 = arith.constant 0 : i32
        %dma_start3A_152 = tpu.memref_slice %arg9[%add3A_144, %dma_start3A_151] : memref<112x128xi32, #tpu.memory_space<vmem>> -> memref<1x128xi32, #tpu.memory_space<vmem>>
        %dma_start3A_153 = tpu.memref_squeeze %dma_start3A_152 : memref<1x128xi32, #tpu.memory_space<vmem>> -> memref<128xi32, #tpu.memory_space<vmem>>
        %dma_start3A_154 = arith.constant 0 : i32
        %dma_start3A_155 = arith.constant 0 : i32
        %dma_start3A_156 = tpu.memref_slice %arg14[%dma_start3A_154, %dma_start3A_155] : memref<10240x64xf32, #tpu.memory_space<vmem_shared>> -> memref<10240x64xf32, #tpu.memory_space<vmem_shared>>
        tpu.enqueue_indirect_dma source(%arg12 : memref<128x64xf32, #tpu.memory_space<vmem>>) target(%dma_start3A_156 : memref<10240x64xf32, #tpu.memory_space<vmem_shared>>) offsets(%dma_start3A_153 : memref<128xi32, #tpu.memory_space<vmem>>) semaphore(%arg21 : memref<!tpu.dma_semaphore, #tpu.memory_space<semaphore_mem>>) {add = true}
        %add3A_157 = arith.constant 2 : i32
        %add3A_158 = arith.addi %add3A_144, %add3A_157 : i32
        %lt3A_159 = arith.constant 112 : i32
        %lt3A_160 = arith.cmpi slt, %add3A_158, %lt3A_159 : i32
        %convert_element_type3A_161 = arith.extui %lt3A_160 : i1 to i32
        %cond3A_162 = arith.constant 0 : i32
        %cond3A_163 = arith.cmpi ne, %convert_element_type3A_161, %cond3A_162 : i32
        scf.if %cond3A_163 {
          %ge3A = arith.constant 2 : i32
          %ge3A_188 = arith.cmpi sge, %add3A_144, %ge3A : i32
          %convert_element_type3A_189 = arith.extui %ge3A_188 : i1 to i32
          %cond3A_190 = arith.constant 0 : i32
          %cond3A_191 = arith.cmpi ne, %convert_element_type3A_189, %cond3A_190 : i32
          scf.if %cond3A_191 {
            %sub3A = arith.constant 2 : i32
            %sub3A_200 = arith.subi %add3A_144, %sub3A : i32
            %dma_wait3A_201 = arith.constant 0 : i32
            %dma_wait3A_202 = tpu.memref_slice %arg9[%sub3A_200, %dma_wait3A_201] : memref<112x128xi32, #tpu.memory_space<vmem>> -> memref<1x128xi32, #tpu.memory_space<vmem>>
            %dma_wait3A_203 = tpu.memref_squeeze %dma_wait3A_202 : memref<1x128xi32, #tpu.memory_space<vmem>> -> memref<128xi32, #tpu.memory_space<vmem>>
            %dma_wait3A_204 = arith.constant 0 : i32
            %dma_wait3A_205 = arith.constant 0 : i32
            %dma_wait3A_206 = tpu.memref_slice %arg14[%dma_wait3A_204, %dma_wait3A_205] : memref<10240x64xf32, #tpu.memory_space<vmem_shared>> -> memref<10240x64xf32, #tpu.memory_space<vmem_shared>>
            tpu.wait_indirect_dma semaphore(%arg19 : memref<!tpu.dma_semaphore, #tpu.memory_space<semaphore_mem>>) src(%arg10 : memref<128x64xf32, #tpu.memory_space<vmem>>) dst(%dma_wait3A_206 : memref<10240x64xf32, #tpu.memory_space<vmem_shared>>)
          } else {
          }
          %add3A_192 = arith.constant 2 : i32
          %add3A_193 = arith.addi %add3A_144, %add3A_192 : i32
          %dma_start3A_194 = arith.constant 0 : i32
          %dma_start3A_195 = tpu.memref_slice %arg8[%add3A_193, %dma_start3A_194] : memref<112x128xi32, #tpu.memory_space<vmem>> -> memref<1x128xi32, #tpu.memory_space<vmem>>
          %dma_start3A_196 = tpu.memref_squeeze %dma_start3A_195 : memref<1x128xi32, #tpu.memory_space<vmem>> -> memref<128xi32, #tpu.memory_space<vmem>>
          %dma_start3A_197 = arith.constant 0 : i32
          %dma_start3A_198 = arith.constant 0 : i32
          %dma_start3A_199 = tpu.memref_slice %arg2[%dma_start3A_197, %dma_start3A_198] : memref<10000x64xf32, #tpu.memory_space<hbm>> -> memref<10000x64xf32, #tpu.memory_space<hbm>>
          tpu.enqueue_indirect_dma source(%dma_start3A_199 : memref<10000x64xf32, #tpu.memory_space<hbm>>) target(%arg10 : memref<128x64xf32, #tpu.memory_space<vmem>>) offsets(%dma_start3A_196 : memref<128xi32, #tpu.memory_space<vmem>>) semaphore(%arg15 : memref<!tpu.dma_semaphore, #tpu.memory_space<semaphore_mem>>)
        } else {
        }
        %mul3A_164 = arith.constant 4 : i32
        %mul3A_165 = arith.muli %mul3A_164, %scan3A_94 : i32
        %add3A_166 = arith.constant 3 : i32
        %add3A_167 = arith.addi %mul3A_165, %add3A_166 : i32
        %dma_wait3A_168 = arith.constant 0 : i32
        %dma_wait3A_169 = tpu.memref_slice %arg8[%add3A_167, %dma_wait3A_168] : memref<112x128xi32, #tpu.memory_space<vmem>> -> memref<1x128xi32, #tpu.memory_space<vmem>>
        %dma_wait3A_170 = tpu.memref_squeeze %dma_wait3A_169 : memref<1x128xi32, #tpu.memory_space<vmem>> -> memref<128xi32, #tpu.memory_space<vmem>>
        %dma_wait3A_171 = arith.constant 0 : i32
        %dma_wait3A_172 = arith.constant 0 : i32
        %dma_wait3A_173 = tpu.memref_slice %arg2[%dma_wait3A_171, %dma_wait3A_172] : memref<10000x64xf32, #tpu.memory_space<hbm>> -> memref<10000x64xf32, #tpu.memory_space<hbm>>
        tpu.wait_indirect_dma semaphore(%arg18 : memref<!tpu.dma_semaphore, #tpu.memory_space<semaphore_mem>>) src(%dma_wait3A_173 : memref<10000x64xf32, #tpu.memory_space<hbm>>) dst(%arg13 : memref<128x64xf32, #tpu.memory_space<vmem>>)
        %dma_start3A_174 = arith.constant 0 : i32
        %dma_start3A_175 = tpu.memref_slice %arg9[%add3A_167, %dma_start3A_174] : memref<112x128xi32, #tpu.memory_space<vmem>> -> memref<1x128xi32, #tpu.memory_space<vmem>>
        %dma_start3A_176 = tpu.memref_squeeze %dma_start3A_175 : memref<1x128xi32, #tpu.memory_space<vmem>> -> memref<128xi32, #tpu.memory_space<vmem>>
        %dma_start3A_177 = arith.constant 0 : i32
        %dma_start3A_178 = arith.constant 0 : i32
        %dma_start3A_179 = tpu.memref_slice %arg14[%dma_start3A_177, %dma_start3A_178] : memref<10240x64xf32, #tpu.memory_space<vmem_shared>> -> memref<10240x64xf32, #tpu.memory_space<vmem_shared>>
        tpu.enqueue_indirect_dma source(%arg13 : memref<128x64xf32, #tpu.memory_space<vmem>>) target(%dma_start3A_179 : memref<10240x64xf32, #tpu.memory_space<vmem_shared>>) offsets(%dma_start3A_176 : memref<128xi32, #tpu.memory_space<vmem>>) semaphore(%arg22 : memref<!tpu.dma_semaphore, #tpu.memory_space<semaphore_mem>>) {add = true}
        %add3A_180 = arith.constant 2 : i32
        %add3A_181 = arith.addi %add3A_167, %add3A_180 : i32
        %lt3A_182 = arith.constant 112 : i32
        %lt3A_183 = arith.cmpi slt, %add3A_181, %lt3A_182 : i32
        %convert_element_type3A_184 = arith.extui %lt3A_183 : i1 to i32
        %cond3A_185 = arith.constant 0 : i32
        %cond3A_186 = arith.cmpi ne, %convert_element_type3A_184, %cond3A_185 : i32
        scf.if %cond3A_186 {
          %ge3A = arith.constant 2 : i32
          %ge3A_188 = arith.cmpi sge, %add3A_167, %ge3A : i32
          %convert_element_type3A_189 = arith.extui %ge3A_188 : i1 to i32
          %cond3A_190 = arith.constant 0 : i32
          %cond3A_191 = arith.cmpi ne, %convert_element_type3A_189, %cond3A_190 : i32
          scf.if %cond3A_191 {
            %sub3A = arith.constant 2 : i32
            %sub3A_200 = arith.subi %add3A_167, %sub3A : i32
            %dma_wait3A_201 = arith.constant 0 : i32
            %dma_wait3A_202 = tpu.memref_slice %arg9[%sub3A_200, %dma_wait3A_201] : memref<112x128xi32, #tpu.memory_space<vmem>> -> memref<1x128xi32, #tpu.memory_space<vmem>>
            %dma_wait3A_203 = tpu.memref_squeeze %dma_wait3A_202 : memref<1x128xi32, #tpu.memory_space<vmem>> -> memref<128xi32, #tpu.memory_space<vmem>>
            %dma_wait3A_204 = arith.constant 0 : i32
            %dma_wait3A_205 = arith.constant 0 : i32
            %dma_wait3A_206 = tpu.memref_slice %arg14[%dma_wait3A_204, %dma_wait3A_205] : memref<10240x64xf32, #tpu.memory_space<vmem_shared>> -> memref<10240x64xf32, #tpu.memory_space<vmem_shared>>
            tpu.wait_indirect_dma semaphore(%arg20 : memref<!tpu.dma_semaphore, #tpu.memory_space<semaphore_mem>>) src(%arg11 : memref<128x64xf32, #tpu.memory_space<vmem>>) dst(%dma_wait3A_206 : memref<10240x64xf32, #tpu.memory_space<vmem_shared>>)
          } else {
          }
          %add3A_192 = arith.constant 2 : i32
          %add3A_193 = arith.addi %add3A_167, %add3A_192 : i32
          %dma_start3A_194 = arith.constant 0 : i32
          %dma_start3A_195 = tpu.memref_slice %arg8[%add3A_193, %dma_start3A_194] : memref<112x128xi32, #tpu.memory_space<vmem>> -> memref<1x128xi32, #tpu.memory_space<vmem>>
          %dma_start3A_196 = tpu.memref_squeeze %dma_start3A_195 : memref<1x128xi32, #tpu.memory_space<vmem>> -> memref<128xi32, #tpu.memory_space<vmem>>
          %dma_start3A_197 = arith.constant 0 : i32
          %dma_start3A_198 = arith.constant 0 : i32
          %dma_start3A_199 = tpu.memref_slice %arg2[%dma_start3A_197, %dma_start3A_198] : memref<10000x64xf32, #tpu.memory_space<hbm>> -> memref<10000x64xf32, #tpu.memory_space<hbm>>
          tpu.enqueue_indirect_dma source(%dma_start3A_199 : memref<10000x64xf32, #tpu.memory_space<hbm>>) target(%arg11 : memref<128x64xf32, #tpu.memory_space<vmem>>) offsets(%dma_start3A_196 : memref<128xi32, #tpu.memory_space<vmem>>) semaphore(%arg16 : memref<!tpu.dma_semaphore, #tpu.memory_space<semaphore_mem>>)
        } else {
        }
        %scan3A_187 = arith.constant 0 : i32
        scf.yield %scan3A_187 : i32
      }
      %scan3A_66 = arith.constant 28 : i32
      %dma_wait3A = arith.constant 108 : i32
      %dma_wait3A_67 = arith.constant 0 : i32
      %dma_wait3A_68 = tpu.memref_slice %arg9[%dma_wait3A, %dma_wait3A_67] : memref<112x128xi32, #tpu.memory_space<vmem>> -> memref<1x128xi32, #tpu.memory_space<vmem>>
      %dma_wait3A_69 = tpu.memref_squeeze %dma_wait3A_68 : memref<1x128xi32, #tpu.memory_space<vmem>> -> memref<128xi32, #tpu.memory_space<vmem>>
      %dma_wait3A_70 = arith.constant 0 : i32
      %dma_wait3A_71 = arith.constant 0 : i32
      %dma_wait3A_72 = tpu.memref_slice %arg14[%dma_wait3A_70, %dma_wait3A_71] : memref<10240x64xf32, #tpu.memory_space<vmem_shared>> -> memref<10240x64xf32, #tpu.memory_space<vmem_shared>>
      tpu.wait_indirect_dma semaphore(%arg19 : memref<!tpu.dma_semaphore, #tpu.memory_space<semaphore_mem>>) src(%arg10 : memref<128x64xf32, #tpu.memory_space<vmem>>) dst(%dma_wait3A_72 : memref<10240x64xf32, #tpu.memory_space<vmem_shared>>)
      %dma_wait3A_73 = arith.constant 109 : i32
      %dma_wait3A_74 = arith.constant 0 : i32
      %dma_wait3A_75 = tpu.memref_slice %arg9[%dma_wait3A_73, %dma_wait3A_74] : memref<112x128xi32, #tpu.memory_space<vmem>> -> memref<1x128xi32, #tpu.memory_space<vmem>>
      %dma_wait3A_76 = tpu.memref_squeeze %dma_wait3A_75 : memref<1x128xi32, #tpu.memory_space<vmem>> -> memref<128xi32, #tpu.memory_space<vmem>>
      %dma_wait3A_77 = arith.constant 0 : i32
      %dma_wait3A_78 = arith.constant 0 : i32
      %dma_wait3A_79 = tpu.memref_slice %arg14[%dma_wait3A_77, %dma_wait3A_78] : memref<10240x64xf32, #tpu.memory_space<vmem_shared>> -> memref<10240x64xf32, #tpu.memory_space<vmem_shared>>
      tpu.wait_indirect_dma semaphore(%arg20 : memref<!tpu.dma_semaphore, #tpu.memory_space<semaphore_mem>>) src(%arg11 : memref<128x64xf32, #tpu.memory_space<vmem>>) dst(%dma_wait3A_79 : memref<10240x64xf32, #tpu.memory_space<vmem_shared>>)
      %dma_wait3A_80 = arith.constant 110 : i32
      %dma_wait3A_81 = arith.constant 0 : i32
      %dma_wait3A_82 = tpu.memref_slice %arg9[%dma_wait3A_80, %dma_wait3A_81] : memref<112x128xi32, #tpu.memory_space<vmem>> -> memref<1x128xi32, #tpu.memory_space<vmem>>
      %dma_wait3A_83 = tpu.memref_squeeze %dma_wait3A_82 : memref<1x128xi32, #tpu.memory_space<vmem>> -> memref<128xi32, #tpu.memory_space<vmem>>
      %dma_wait3A_84 = arith.constant 0 : i32
      %dma_wait3A_85 = arith.constant 0 : i32
      %dma_wait3A_86 = tpu.memref_slice %arg14[%dma_wait3A_84, %dma_wait3A_85] : memref<10240x64xf32, #tpu.memory_space<vmem_shared>> -> memref<10240x64xf32, #tpu.memory_space<vmem_shared>>
      tpu.wait_indirect_dma semaphore(%arg21 : memref<!tpu.dma_semaphore, #tpu.memory_space<semaphore_mem>>) src(%arg12 : memref<128x64xf32, #tpu.memory_space<vmem>>) dst(%dma_wait3A_86 : memref<10240x64xf32, #tpu.memory_space<vmem_shared>>)
      %dma_wait3A_87 = arith.constant 111 : i32
      %dma_wait3A_88 = arith.constant 0 : i32
      %dma_wait3A_89 = tpu.memref_slice %arg9[%dma_wait3A_87, %dma_wait3A_88] : memref<112x128xi32, #tpu.memory_space<vmem>> -> memref<1x128xi32, #tpu.memory_space<vmem>>
      %dma_wait3A_90 = tpu.memref_squeeze %dma_wait3A_89 : memref<1x128xi32, #tpu.memory_space<vmem>> -> memref<128xi32, #tpu.memory_space<vmem>>
      %dma_wait3A_91 = arith.constant 0 : i32
      %dma_wait3A_92 = arith.constant 0 : i32
      %dma_wait3A_93 = tpu.memref_slice %arg14[%dma_wait3A_91, %dma_wait3A_92] : memref<10240x64xf32, #tpu.memory_space<vmem_shared>> -> memref<10240x64xf32, #tpu.memory_space<vmem_shared>>
      tpu.wait_indirect_dma semaphore(%arg22 : memref<!tpu.dma_semaphore, #tpu.memory_space<semaphore_mem>>) src(%arg13 : memref<128x64xf32, #tpu.memory_space<vmem>>) dst(%dma_wait3A_93 : memref<10240x64xf32, #tpu.memory_space<vmem_shared>>)
    } else {
    }
    %barrier3A_42 = arith.constant 0 : index
    tpu.barrier barrier_id(%barrier3A_42)
    %mul3A_43 = arith.constant 640 : i32
    %mul3A_44 = arith.muli %arg1, %mul3A_43 : i32
    %mul3A_45 = arith.constant 640 : i32
    %mul3A_46 = arith.muli %arg1, %mul3A_45 : i32
    "tpu.region"() ({
      %run_scoped3A = tpu.sem_alloc : memref<!tpu.dma_semaphore, #tpu.memory_space<semaphore_mem>>
      %dma_start3A = arith.constant 0 : i32
      %dma_start3A_47 = tpu.memref_slice %arg7[%arg0, %mul3A_46, %dma_start3A] : memref<2x10240x64xf32, #tpu.memory_space<hbm>> -> memref<1x640x64xf32, #tpu.memory_space<hbm>>
      %dma_start3A_48 = tpu.memref_squeeze %dma_start3A_47 : memref<1x640x64xf32, #tpu.memory_space<hbm>> -> memref<640x64xf32, #tpu.memory_space<hbm>>
      %dma_start3A_49 = arith.constant 0 : i32
      %dma_start3A_50 = tpu.memref_slice %arg14[%mul3A_44, %dma_start3A_49] : memref<10240x64xf32, #tpu.memory_space<vmem_shared>> -> memref<640x64xf32, #tpu.memory_space<vmem_shared>>
      tpu.enqueue_dma source(%dma_start3A_50 : memref<640x64xf32, #tpu.memory_space<vmem_shared>>) target(%dma_start3A_48 : memref<640x64xf32, #tpu.memory_space<hbm>>) target_semaphore(%run_scoped3A : memref<!tpu.dma_semaphore, #tpu.memory_space<semaphore_mem>>)
      %dma_wait3A = arith.constant 0 : i32
      %dma_wait3A_51 = tpu.memref_slice %arg7[%arg0, %mul3A_46, %dma_wait3A] : memref<2x10240x64xf32, #tpu.memory_space<hbm>> -> memref<1x640x64xf32, #tpu.memory_space<hbm>>
      %dma_wait3A_52 = tpu.memref_squeeze %dma_wait3A_51 : memref<1x640x64xf32, #tpu.memory_space<hbm>> -> memref<640x64xf32, #tpu.memory_space<hbm>>
      %dma_wait3A_53 = arith.constant 0 : i32
      %dma_wait3A_54 = tpu.memref_slice %arg14[%mul3A_44, %dma_wait3A_53] : memref<10240x64xf32, #tpu.memory_space<vmem_shared>> -> memref<640x64xf32, #tpu.memory_space<vmem_shared>>
      tpu.wait_dma2 semaphore(%run_scoped3A : memref<!tpu.dma_semaphore, #tpu.memory_space<semaphore_mem>>) src(%dma_wait3A_54 : memref<640x64xf32, #tpu.memory_space<vmem_shared>>) dst(%dma_wait3A_52 : memref<640x64xf32, #tpu.memory_space<hbm>>)
      tpu.yield
    }) : () -> ()
    return
  }
}

module attributes {stable_mosaic.version = 14 : i64} {
  func.func @body(%arg0: memref<10000x128xf32, #tpu.memory_space<vmem>>, %arg1: memref<128x128xf32, #tpu.memory_space<vmem>>, %arg2: memref<10000x64xf32, #tpu.memory_space<vmem>>, %arg3: memref<10000x64xf32, #tpu.memory_space<vmem>>) attributes {dimension_semantics = [], scalar_prefetch = 0 : i64, scratch_operands = 0 : i64, tpu.core_type = #tpu.core_type<tc>} {
    %get3A = arith.constant 0 : index
    %get3A_0 = arith.constant 0 : index
    %get3A_1 = vector.load %arg0[%get3A, %get3A_0] : memref<10000x128xf32, #tpu.memory_space<vmem>>, vector<10000x128xf32>
    %get3A_2 = arith.constant 0 : index
    %get3A_3 = arith.constant 0 : index
    %get3A_4 = vector.load %arg1[%get3A_2, %get3A_3] : memref<128x128xf32, #tpu.memory_space<vmem>>, vector<128x128xf32>
    %dot_general3A = arith.constant dense<0.000000e+00> : vector<10000x128xf32>
    %dot_general3A_5 = tpu.matmul %get3A_1, %get3A_4, %dot_general3A {dimension_numbers = #tpu.dot_dimension_numbers<[1], [0], [0], [1], [0, 0, 1, 1], [], []>, transpose_lhs_hint = false} : vector<10000x128xf32>, vector<128x128xf32>, vector<10000x128xf32> -> vector<10000x128xf32>
    %slice3A = vector.extract_strided_slice %dot_general3A_5 {offsets = [0, 0], sizes = [10000, 64], strides = [1, 1]} : vector<10000x128xf32> to vector<10000x64xf32>
    %swap3A = arith.constant 0 : index
    %swap3A_6 = arith.constant 0 : index
    %swap3A_7 = vector.load %arg2[%swap3A, %swap3A_6] : memref<10000x64xf32, #tpu.memory_space<vmem>>, vector<10000x64xf32>
    tpu.vector_store %arg2[%swap3A, %swap3A_6], %slice3A {strides = array<i32>} : memref<10000x64xf32, #tpu.memory_space<vmem>>, vector<10000x64xf32>,
    %slice3A_8 = vector.extract_strided_slice %dot_general3A_5 {offsets = [0, 64], sizes = [10000, 64], strides = [1, 1]} : vector<10000x128xf32> to vector<10000x64xf32>
    %swap3A_9 = arith.constant 0 : index
    %swap3A_10 = arith.constant 0 : index
    %swap3A_11 = vector.load %arg3[%swap3A_9, %swap3A_10] : memref<10000x64xf32, #tpu.memory_space<vmem>>, vector<10000x64xf32>
    tpu.vector_store %arg3[%swap3A_9, %swap3A_10], %slice3A_8 {strides = array<i32>} : memref<10000x64xf32, #tpu.memory_space<vmem>>, vector<10000x64xf32>,
    return
  }
}

module attributes {stable_mosaic.version = 14 : i64} {
  func.func @body(%arg0: memref<10000x64xf32, #tpu.memory_space<vmem>>, %arg1: memref<10000x64xf32, #tpu.memory_space<vmem>>, %arg2: memref<10000x1xf32, #tpu.memory_space<vmem>>, %arg3: memref<10000x1xf32, #tpu.memory_space<vmem>>, %arg4: memref<10000x64xf32, #tpu.memory_space<vmem>>, %arg5: memref<1x64xf32, #tpu.memory_space<vmem>>, %arg6: memref<64x128xf32, #tpu.memory_space<vmem>>, %arg7: memref<10000x64xf32, #tpu.memory_space<vmem>>, %arg8: memref<10000x64xf32, #tpu.memory_space<vmem>>) attributes {dimension_semantics = [], scalar_prefetch = 0 : i64, scratch_operands = 0 : i64, tpu.core_type = #tpu.core_type<tc>} {
    %get3A = arith.constant 0 : index
    %get3A_0 = arith.constant 0 : index
    %get3A_1 = vector.load %arg2[%get3A, %get3A_0] : memref<10000x1xf32, #tpu.memory_space<vmem>>, vector<10000x1xf32>
    %get3A_2 = arith.constant 0 : index
    %get3A_3 = arith.constant 0 : index
    %get3A_4 = vector.load %arg3[%get3A_2, %get3A_3] : memref<10000x1xf32, #tpu.memory_space<vmem>>, vector<10000x1xf32>
    %add3A = arith.addf %get3A_1, %get3A_4 : vector<10000x1xf32>
    %max3A = arith.constant 1.000000e+00 : f32
    %max3A_5 = vector.broadcast %max3A : f32 to vector<10000x1xf32>
    %max3A_6 = arith.maximumf %add3A, %max3A_5 : vector<10000x1xf32>
    %div3A = arith.constant 1.000000e+00 : f32
    %div3A_7 = vector.broadcast %div3A : f32 to vector<10000x1xf32>
    %div3A_8 = arith.divf %div3A_7, %max3A_6 : vector<10000x1xf32>
    %get3A_9 = arith.constant 0 : index
    %get3A_10 = arith.constant 0 : index
    %get3A_11 = vector.load %arg0[%get3A_9, %get3A_10] : memref<10000x64xf32, #tpu.memory_space<vmem>>, vector<10000x64xf32>
    %get3A_12 = arith.constant 0 : index
    %get3A_13 = arith.constant 0 : index
    %get3A_14 = vector.load %arg1[%get3A_12, %get3A_13] : memref<10000x64xf32, #tpu.memory_space<vmem>>, vector<10000x64xf32>
    %add3A_15 = arith.addf %get3A_11, %get3A_14 : vector<10000x64xf32>
    %mul3A = vector.broadcast %div3A_8 : vector<10000x1xf32> to vector<10000x64xf32>
    %mul3A_16 = arith.mulf %add3A_15, %mul3A : vector<10000x64xf32>
    %get3A_17 = arith.constant 0 : index
    %get3A_18 = arith.constant 0 : index
    %get3A_19 = vector.load %arg4[%get3A_17, %get3A_18] : memref<10000x64xf32, #tpu.memory_space<vmem>>, vector<10000x64xf32>
    %add3A_20 = arith.addf %mul3A_16, %get3A_19 : vector<10000x64xf32>
    %get3A_21 = arith.constant 0 : index
    %get3A_22 = arith.constant 0 : index
    %get3A_23 = vector.load %arg5[%get3A_21, %get3A_22] : memref<1x64xf32, #tpu.memory_space<vmem>>, vector<1x64xf32>
    %add3A_24 = vector.broadcast %get3A_23 : vector<1x64xf32> to vector<10000x64xf32>
    %add3A_25 = arith.addf %add3A_20, %add3A_24 : vector<10000x64xf32>
    %max3A_26 = arith.constant 0.000000e+00 : f32
    %max3A_27 = vector.broadcast %max3A_26 : f32 to vector<10000x64xf32>
    %max3A_28 = arith.maximumf %add3A_25, %max3A_27 : vector<10000x64xf32>
    %get3A_29 = arith.constant 0 : index
    %get3A_30 = arith.constant 0 : index
    %get3A_31 = vector.load %arg6[%get3A_29, %get3A_30] : memref<64x128xf32, #tpu.memory_space<vmem>>, vector<64x128xf32>
    %dot_general3A = arith.constant dense<0.000000e+00> : vector<10000x128xf32>
    %dot_general3A_32 = tpu.matmul %max3A_28, %get3A_31, %dot_general3A {dimension_numbers = #tpu.dot_dimension_numbers<[1], [0], [0], [1], [0, 0, 1, 1], [], []>, transpose_lhs_hint = false} : vector<10000x64xf32>, vector<64x128xf32>, vector<10000x128xf32> -> vector<10000x128xf32>
    %slice3A = vector.extract_strided_slice %dot_general3A_32 {offsets = [0, 0], sizes = [10000, 64], strides = [1, 1]} : vector<10000x128xf32> to vector<10000x64xf32>
    %swap3A = arith.constant 0 : index
    %swap3A_33 = arith.constant 0 : index
    %swap3A_34 = vector.load %arg7[%swap3A, %swap3A_33] : memref<10000x64xf32, #tpu.memory_space<vmem>>, vector<10000x64xf32>
    tpu.vector_store %arg7[%swap3A, %swap3A_33], %slice3A {strides = array<i32>} : memref<10000x64xf32, #tpu.memory_space<vmem>>, vector<10000x64xf32>,
    %slice3A_35 = vector.extract_strided_slice %dot_general3A_32 {offsets = [0, 64], sizes = [10000, 64], strides = [1, 1]} : vector<10000x128xf32> to vector<10000x64xf32>
    %swap3A_36 = arith.constant 0 : index
    %swap3A_37 = arith.constant 0 : index
    %swap3A_38 = vector.load %arg8[%swap3A_36, %swap3A_37] : memref<10000x64xf32, #tpu.memory_space<vmem>>, vector<10000x64xf32>
    tpu.vector_store %arg8[%swap3A_36, %swap3A_37], %slice3A_35 {strides = array<i32>} : memref<10000x64xf32, #tpu.memory_space<vmem>>, vector<10000x64xf32>,
    return
  }
}

module attributes {stable_mosaic.version = 14 : i64} {
  func.func @body(%arg0: memref<10000x64xf32, #tpu.memory_space<vmem>>, %arg1: memref<10000x64xf32, #tpu.memory_space<vmem>>, %arg2: memref<10000x1xf32, #tpu.memory_space<vmem>>, %arg3: memref<10000x1xf32, #tpu.memory_space<vmem>>, %arg4: memref<10000x64xf32, #tpu.memory_space<vmem>>, %arg5: memref<1x64xf32, #tpu.memory_space<vmem>>, %arg6: memref<64x64xf32, #tpu.memory_space<vmem>>, %arg7: memref<10000x32xf32, #tpu.memory_space<vmem>>, %arg8: memref<10000x32xf32, #tpu.memory_space<vmem>>) attributes {dimension_semantics = [], scalar_prefetch = 0 : i64, scratch_operands = 0 : i64, tpu.core_type = #tpu.core_type<tc>} {
    %get3A = arith.constant 0 : index
    %get3A_0 = arith.constant 0 : index
    %get3A_1 = vector.load %arg2[%get3A, %get3A_0] : memref<10000x1xf32, #tpu.memory_space<vmem>>, vector<10000x1xf32>
    %get3A_2 = arith.constant 0 : index
    %get3A_3 = arith.constant 0 : index
    %get3A_4 = vector.load %arg3[%get3A_2, %get3A_3] : memref<10000x1xf32, #tpu.memory_space<vmem>>, vector<10000x1xf32>
    %add3A = arith.addf %get3A_1, %get3A_4 : vector<10000x1xf32>
    %max3A = arith.constant 1.000000e+00 : f32
    %max3A_5 = vector.broadcast %max3A : f32 to vector<10000x1xf32>
    %max3A_6 = arith.maximumf %add3A, %max3A_5 : vector<10000x1xf32>
    %div3A = arith.constant 1.000000e+00 : f32
    %div3A_7 = vector.broadcast %div3A : f32 to vector<10000x1xf32>
    %div3A_8 = arith.divf %div3A_7, %max3A_6 : vector<10000x1xf32>
    %get3A_9 = arith.constant 0 : index
    %get3A_10 = arith.constant 0 : index
    %get3A_11 = vector.load %arg0[%get3A_9, %get3A_10] : memref<10000x64xf32, #tpu.memory_space<vmem>>, vector<10000x64xf32>
    %get3A_12 = arith.constant 0 : index
    %get3A_13 = arith.constant 0 : index
    %get3A_14 = vector.load %arg1[%get3A_12, %get3A_13] : memref<10000x64xf32, #tpu.memory_space<vmem>>, vector<10000x64xf32>
    %add3A_15 = arith.addf %get3A_11, %get3A_14 : vector<10000x64xf32>
    %mul3A = vector.broadcast %div3A_8 : vector<10000x1xf32> to vector<10000x64xf32>
    %mul3A_16 = arith.mulf %add3A_15, %mul3A : vector<10000x64xf32>
    %get3A_17 = arith.constant 0 : index
    %get3A_18 = arith.constant 0 : index
    %get3A_19 = vector.load %arg4[%get3A_17, %get3A_18] : memref<10000x64xf32, #tpu.memory_space<vmem>>, vector<10000x64xf32>
    %add3A_20 = arith.addf %mul3A_16, %get3A_19 : vector<10000x64xf32>
    %get3A_21 = arith.constant 0 : index
    %get3A_22 = arith.constant 0 : index
    %get3A_23 = vector.load %arg5[%get3A_21, %get3A_22] : memref<1x64xf32, #tpu.memory_space<vmem>>, vector<1x64xf32>
    %add3A_24 = vector.broadcast %get3A_23 : vector<1x64xf32> to vector<10000x64xf32>
    %add3A_25 = arith.addf %add3A_20, %add3A_24 : vector<10000x64xf32>
    %max3A_26 = arith.constant 0.000000e+00 : f32
    %max3A_27 = vector.broadcast %max3A_26 : f32 to vector<10000x64xf32>
    %max3A_28 = arith.maximumf %add3A_25, %max3A_27 : vector<10000x64xf32>
    %get3A_29 = arith.constant 0 : index
    %get3A_30 = arith.constant 0 : index
    %get3A_31 = vector.load %arg6[%get3A_29, %get3A_30] : memref<64x64xf32, #tpu.memory_space<vmem>>, vector<64x64xf32>
    %dot_general3A = arith.constant dense<0.000000e+00> : vector<10000x64xf32>
    %dot_general3A_32 = tpu.matmul %max3A_28, %get3A_31, %dot_general3A {dimension_numbers = #tpu.dot_dimension_numbers<[1], [0], [0], [1], [0, 0, 1, 1], [], []>, transpose_lhs_hint = false} : vector<10000x64xf32>, vector<64x64xf32>, vector<10000x64xf32> -> vector<10000x64xf32>
    %slice3A = vector.extract_strided_slice %dot_general3A_32 {offsets = [0, 0], sizes = [10000, 32], strides = [1, 1]} : vector<10000x64xf32> to vector<10000x32xf32>
    %swap3A = arith.constant 0 : index
    %swap3A_33 = arith.constant 0 : index
    %swap3A_34 = vector.load %arg7[%swap3A, %swap3A_33] : memref<10000x32xf32, #tpu.memory_space<vmem>>, vector<10000x32xf32>
    tpu.vector_store %arg7[%swap3A, %swap3A_33], %slice3A {strides = array<i32>} : memref<10000x32xf32, #tpu.memory_space<vmem>>, vector<10000x32xf32>,
    %slice3A_35 = vector.extract_strided_slice %dot_general3A_32 {offsets = [0, 32], sizes = [10000, 32], strides = [1, 1]} : vector<10000x64xf32> to vector<10000x32xf32>
    %swap3A_36 = arith.constant 0 : index
    %swap3A_37 = arith.constant 0 : index
    %swap3A_38 = vector.load %arg8[%swap3A_36, %swap3A_37] : memref<10000x32xf32, #tpu.memory_space<vmem>>, vector<10000x32xf32>
    tpu.vector_store %arg8[%swap3A_36, %swap3A_37], %slice3A_35 {strides = array<i32>} : memref<10000x32xf32, #tpu.memory_space<vmem>>, vector<10000x32xf32>,
    return
  }
}

module attributes {stable_mosaic.version = 14 : i64} {
  func.func @body(%arg0: memref<10000x32xf32, #tpu.memory_space<vmem>>, %arg1: memref<10000x32xf32, #tpu.memory_space<vmem>>, %arg2: memref<10000x1xf32, #tpu.memory_space<vmem>>, %arg3: memref<10000x1xf32, #tpu.memory_space<vmem>>, %arg4: memref<10000x32xf32, #tpu.memory_space<vmem>>, %arg5: memref<1x32xf32, #tpu.memory_space<vmem>>, %arg6: memref<32x128xf32, #tpu.memory_space<vmem>>, %arg7: memref<1x1xf32, #tpu.memory_space<vmem>>, %arg8: memref<10000x128xf32, #tpu.memory_space<vmem>>) attributes {dimension_semantics = [], scalar_prefetch = 0 : i64, scratch_operands = 0 : i64, tpu.core_type = #tpu.core_type<tc>} {
    %get3A = arith.constant 0 : index
    %get3A_0 = arith.constant 0 : index
    %get3A_1 = vector.load %arg2[%get3A, %get3A_0] : memref<10000x1xf32, #tpu.memory_space<vmem>>, vector<10000x1xf32>
    %get3A_2 = arith.constant 0 : index
    %get3A_3 = arith.constant 0 : index
    %get3A_4 = vector.load %arg3[%get3A_2, %get3A_3] : memref<10000x1xf32, #tpu.memory_space<vmem>>, vector<10000x1xf32>
    %add3A = arith.addf %get3A_1, %get3A_4 : vector<10000x1xf32>
    %max3A = arith.constant 1.000000e+00 : f32
    %max3A_5 = vector.broadcast %max3A : f32 to vector<10000x1xf32>
    %max3A_6 = arith.maximumf %add3A, %max3A_5 : vector<10000x1xf32>
    %div3A = arith.constant 1.000000e+00 : f32
    %div3A_7 = vector.broadcast %div3A : f32 to vector<10000x1xf32>
    %div3A_8 = arith.divf %div3A_7, %max3A_6 : vector<10000x1xf32>
    %get3A_9 = arith.constant 0 : index
    %get3A_10 = arith.constant 0 : index
    %get3A_11 = vector.load %arg0[%get3A_9, %get3A_10] : memref<10000x32xf32, #tpu.memory_space<vmem>>, vector<10000x32xf32>
    %get3A_12 = arith.constant 0 : index
    %get3A_13 = arith.constant 0 : index
    %get3A_14 = vector.load %arg1[%get3A_12, %get3A_13] : memref<10000x32xf32, #tpu.memory_space<vmem>>, vector<10000x32xf32>
    %add3A_15 = arith.addf %get3A_11, %get3A_14 : vector<10000x32xf32>
    %mul3A = vector.broadcast %div3A_8 : vector<10000x1xf32> to vector<10000x32xf32>
    %mul3A_16 = arith.mulf %add3A_15, %mul3A : vector<10000x32xf32>
    %get3A_17 = arith.constant 0 : index
    %get3A_18 = arith.constant 0 : index
    %get3A_19 = vector.load %arg4[%get3A_17, %get3A_18] : memref<10000x32xf32, #tpu.memory_space<vmem>>, vector<10000x32xf32>
    %add3A_20 = arith.addf %mul3A_16, %get3A_19 : vector<10000x32xf32>
    %get3A_21 = arith.constant 0 : index
    %get3A_22 = arith.constant 0 : index
    %get3A_23 = vector.load %arg5[%get3A_21, %get3A_22] : memref<1x32xf32, #tpu.memory_space<vmem>>, vector<1x32xf32>
    %add3A_24 = vector.broadcast %get3A_23 : vector<1x32xf32> to vector<10000x32xf32>
    %add3A_25 = arith.addf %add3A_20, %add3A_24 : vector<10000x32xf32>
    %get3A_26 = arith.constant 0 : index
    %get3A_27 = arith.constant 0 : index
    %get3A_28 = vector.load %arg6[%get3A_26, %get3A_27] : memref<32x128xf32, #tpu.memory_space<vmem>>, vector<32x128xf32>
    %dot_general3A = arith.constant dense<0.000000e+00> : vector<10000x128xf32>
    %dot_general3A_29 = tpu.matmul %add3A_25, %get3A_28, %dot_general3A {dimension_numbers = #tpu.dot_dimension_numbers<[1], [0], [0], [1], [0, 0, 1, 1], [], []>, transpose_lhs_hint = false} : vector<10000x32xf32>, vector<32x128xf32>, vector<10000x128xf32> -> vector<10000x128xf32>
    %get3A_30 = arith.constant 0 : index
    %get3A_31 = arith.constant 0 : index
    %get3A_32 = vector.load %arg7[%get3A_30, %get3A_31] : memref<1x1xf32, #tpu.memory_space<vmem>>, vector<1x1xf32>
    %add3A_33 = vector.broadcast %get3A_32 : vector<1x1xf32> to vector<10000x128xf32>
    %add3A_34 = arith.addf %dot_general3A_29, %add3A_33 : vector<10000x128xf32>
    %logistic3A = arith.negf %add3A_34 : vector<10000x128xf32>
    %logistic3A_35 = math.exp %logistic3A : vector<10000x128xf32>
    %logistic3A_36 = arith.constant 1.000000e+00 : f32
    %logistic3A_37 = vector.broadcast %logistic3A_36 : f32 to vector<10000x128xf32>
    %logistic3A_38 = arith.addf %logistic3A_37, %logistic3A_35 : vector<10000x128xf32>
    %logistic3A_39 = arith.divf %logistic3A_37, %logistic3A_38 : vector<10000x128xf32>
    %swap3A = arith.constant 0 : index
    %swap3A_40 = arith.constant 0 : index
    %swap3A_41 = vector.load %arg8[%swap3A, %swap3A_40] : memref<10000x128xf32, #tpu.memory_space<vmem>>, vector<10000x128xf32>
    tpu.vector_store %arg8[%swap3A, %swap3A_40], %logistic3A_39 {strides = array<i32>} : memref<10000x128xf32, #tpu.memory_space<vmem>>, vector<10000x128xf32>,
    return
  }
}

</mosaic_0001>

<sc_bundles>
// kernel: kernel.12.cloned.1.call-start
scs
__scs_entry_jumppad:
0x0: {  	(pc) =	sbr.rel $0x88, $3  }
0x1: {  	(tag) =	ssettag $0x0;
	lr =	simm.s32 $0x1  }
0x2: {  	[smem:$0x3F94] =	sst lr;
	_ =	strace $0xD0000000  }
0x3: {  	_ = 	snop  }
0x4: {  	_ = 	snop  }
0x5: {  	_ = 	snop  }
0x6: {  	_ = 	snop  }
0x7: {  	_ = 	snop  }
__scs_overlays_trampoline_lowered:
0x8: {  	[smem:$0x3FA3] =	sst s0  }
0x9: {  	[smem:$0x3FA4] =	sst s1  }
0xa: {  	[smem:$0x3FA5] =	sst s2  }
0xb: {  	[smem:$0x3FA6] =	sst s3  }
0xc: {  	[smem:$0x3FA7] =	sst s4  }
0xd: {  	[smem:$0x3FA8] =	sst s5  }
0xe: {  	[smem:$0x3FA9] =	sst s6  }
0xf: {  	[smem:$0x3FAA] =	sst s7  }
0x10: {  	[smem:$0x3FAB] =	sst s8  }
0x11: {  	[smem:$0x3FAC] =	sst s9;
	s0 =	simm.s32 @!p0 $0x0  }
0x12: {  	s1 =	sld [smem:$0x3F92];
	s0 =	simm.s32 @p0 $0x1  }
0x13: {  	[smem:$0x3FAD] =	sst s0;
	s0 =	simm.s32 @!p1 $0x0  }
0x14: {  	s2 =	sld [smem:$0x3F91];
	s0 =	simm.s32 @p1 $0x1  }
0x15: {  	[smem:$0x3FAE] =	sst s0;
	s0 =	simm.s32 @!p2 $0x0  }
0x16: {  	s3 =	sld [smem:$0x3FDB];
	s0 =	simm.s32 @p2 $0x1  }
0x17: {  	s4 =	simm.s32 $0x1BF5;
	[smem:$0x3FB0] =	sst s0  }
0x18: {  	s0 =	sld [smem:$0x3F93];
	_ =	swait.ge [sflag:s4], $0x0  }
0x19: {  	s7 =	sld [smem:$0x3F94]  }
0x1a: {  	s8 =	sadd.s32 $0xFFFFE003, lr  }
0x1b: {  	s9 =	sadd.s32 $0xFFFFFEF7, lr;
	s5 =	simm.s32 $0xFFFFFFFF;
	p2 =	slt.u32 s8, $0xFFFFF086  }
0x1c: {  	p1 =	slt.u32 s9, $0xF7A;
	s5 =	simm.s32 @!p2 $0x0  }
0x1d: {  	s5 =	simm.s32 @p1 $0x1;
	p0 =	seq.s32 s7, s2  }
0x1e: {  	s7 =	smul.u32 @!p0 $0xF7A, s2;
	p2 =	seq.s32 @!p0 s5, $0x0  }
0x1f: {  	s9 =	smul.u32 $0xF7A, s1;
	s8 =	simm.s32 @!p0 $0x1BF5;
	p2 =	por !p2, p0  }
0x20: {  	[sflag:s8] =	ssyncset.s32 @!p0 $0xFFFFF086;
	s6 =	sadd.s32 @!p0 s3, s7;
	s7 =	simm.s32 @!p0 $0x108  }
0x21: {  	s3 =	sadd.s32 s3, s9;
	s6 =	sadd.s32 @!p0 $0x88, s6;
	s7 =	simm.s32 @p2 $0x1082  }
0x22: {  	[simem:s7], [sflag:s8] =	dma.local @!p0 [hbm:s6], $0xF7A  }
0x23: {  	s9 =	sor.u32 $0xD0000000, s2;
	s6 =	simm.s32 $0x108;
	_ =	swait.ge @!p0 [sflag:s8], $0x0  }
0x24: {  	s3 =	sadd.s32 $0x88, s3;
	s6 =	simm.s32 @!p1 $0x1082;
	[sflag:s4] =	ssyncset.s32 $0xFFFFF086  }
0x25: {  	[simem:s6], [sflag:s4] =	dma.local [hbm:s3], $0xF7A  }
0x26: {  	[smem:$0x3F94] =	sst s1;
	(tag) =	ssettag s2;
	_ =	strace s9  }
0x27: {  	s1 =	sld [smem:$0x3FA4]  }
0x28: {  	s2 =	sld [smem:$0x3FA5]  }
0x29: {  	s4 =	sld [smem:$0x3FA7]  }
0x2a: {  	p0 =	seq.s32 s5, $0x0;
	s5 =	sld [smem:$0x3FA8]  }
0x2b: {  	s6 =	sld [smem:$0x3FA9]  }
0x2c: {  	s7 =	sld [smem:$0x3FAA]  }
0x2d: {  	s3 =	simm.s32 $0x108;
	s8 =	sld [smem:$0x3FAB]  }
0x2e: {  	s3 =	simm.s32 @!p0 $0x1082;
	s9 =	sld [smem:$0x3FAC]  }
0x2f: {  	lr =	sadd.s32 s0, s3;
	s0 =	sld [smem:$0x3FA3]  }
0x30: {  	s3 =	sld [smem:$0x3FA6]  }
0x31: {  	[smem:$0x3FAF] =	sst s10  }
0x32: {  	s10 =	sld [smem:$0x3FAD];
	_ =	sdelay $0x3  }
0x33: {  	p0 =	seq.s32 s10, $0x1;
	s10 =	sld [smem:$0x3FAF];
	_ =	sdelay $0x3  }
0x34: {  	[smem:$0x3FAF] =	sst s10  }
0x35: {  	s10 =	sld [smem:$0x3FAE];
	_ =	sdelay $0x3  }
0x36: {  	p1 =	seq.s32 s10, $0x1;
	s10 =	sld [smem:$0x3FAF];
	_ =	sdelay $0x3  }
0x37: {  	[smem:$0x3FAF] =	sst s10  }
0x38: {  	s10 =	sld [smem:$0x3FB0]  }
0x39: {  	_ = 	snop;
	(pc) =	sbr.ind lr, $3  }
0x3a: {  	_ = 	snop  }
0x3b: {  	_ = 	snop  }
0x3c: {  	p2 =	seq.s32 s10, $0x1;
	s10 =	sld [smem:$0x3FAF]  }
0x3d: {  	_ =	shalt  }
0x3e: {  	_ =	shalt  }
0x3f: {  	_ =	shalt  }
0x40: {  	_ =	shalt  }
0x41: {  	_ =	shalt  }
0x42: {  	_ =	shalt  }
0x43: {  	_ =	shalt  }
0x44: {  	_ =	shalt  }
0x45: {  	_ =	shalt  }
0x46: {  	_ =	shalt  }
0x47: {  	_ =	shalt  }
0x48: {  	_ =	shalt  }
0x49: {  	_ =	shalt  }
0x4a: {  	_ =	shalt  }
0x4b: {  	_ =	shalt  }
0x4c: {  	_ =	shalt  }
0x4d: {  	_ =	shalt  }
0x4e: {  	_ =	shalt  }
0x4f: {  	_ =	shalt  }
0x50: {  	_ =	shalt  }
0x51: {  	_ =	shalt  }
0x52: {  	_ =	shalt  }
0x53: {  	_ =	shalt  }
0x54: {  	_ =	shalt  }
0x55: {  	_ =	shalt  }
0x56: {  	_ =	shalt  }
0x57: {  	_ =	shalt  }
0x58: {  	_ =	shalt  }
0x59: {  	_ =	shalt  }
0x5a: {  	_ =	shalt  }
0x5b: {  	_ =	shalt  }
0x5c: {  	_ =	shalt  }
0x5d: {  	_ =	shalt  }
0x5e: {  	_ =	shalt  }
0x5f: {  	_ =	shalt  }
0x60: {  	_ =	shalt  }
0x61: {  	_ =	shalt  }
0x62: {  	_ =	shalt  }
0x63: {  	_ =	shalt  }
0x64: {  	_ =	shalt  }
0x65: {  	_ =	shalt  }
0x66: {  	_ =	shalt  }
0x67: {  	_ =	shalt  }
0x68: {  	_ =	shalt  }
0x69: {  	_ =	shalt  }
0x6a: {  	_ =	shalt  }
0x6b: {  	_ =	shalt  }
0x6c: {  	_ =	shalt  }
0x6d: {  	_ =	shalt  }
0x6e: {  	_ =	shalt  }
0x6f: {  	_ =	shalt  }
0x70: {  	_ =	shalt  }
0x71: {  	_ =	shalt  }
0x72: {  	_ =	shalt  }
0x73: {  	_ =	shalt  }
0x74: {  	_ =	shalt  }
0x75: {  	_ =	shalt  }
0x76: {  	_ =	shalt  }
0x77: {  	_ =	shalt  }
0x78: {  	_ =	shalt  }
0x79: {  	_ =	shalt  }
0x7a: {  	_ =	shalt  }
0x7b: {  	_ =	shalt  }
0x7c: {  	_ =	shalt  }
0x7d: {  	_ =	shalt  }
0x7e: {  	_ =	shalt  }
0x7f: {  	_ =	shalt  }
0x80: {  	_ =	shalt  }
0x81: {  	_ =	shalt  }
0x82: {  	_ =	shalt  }
0x83: {  	_ =	shalt  }
0x84: {  	_ =	shalt  }
0x85: {  	_ =	shalt  }
0x86: {  	_ =	shalt  }
0x87: {  	_ =	shalt  }
.Lfunc_end0:
.L_simem_size_0:
called_computation.1_lowered:
.L_overlay_start_0:
0x88: {  	s2 =	sld [smem:$0x3FD9]  }
0x89: {  	s3 =	sld [smem:$0x3FFE];
	_ =	sdelay $0x1  }
0x8a: {  	s1 =	srdreg.scid  }
0x8b: {  	s0 =	sand.u32 $0x1, s1  }
0x8c: {  	s16 =	sshll.u32 s0, $0xA;
	s2 =	sadd.s32 s3, s2  }
0x8d: {  	s2 =	sadd.s32 s2, s16  }
0x8e: {  	[smem:$0x3FBB] =	sst s2  }
0x8f: {  	_ = 	snop  }
0x90: {  	(tm) =	ssettm $0x1  }
0x91: {  	s17 =	sld [smem:$0x3FFB];
	_ =	sdelay $0x3  }
0x92: {  	_ =	strace s17  }
0x93: {  	s2 =	sld [smem:$0x3FFC];
	_ =	sdelay $0x3  }
0x94: {  	_ =	strace s2  }
0x95: {  	s2 =	sld [smem:$0x3FFD];
	_ =	sdelay $0x3  }
0x96: {  	_ =	strace s2  }
0x97: {  	_ =	strace $0x8FFFFFFF  }
0x98: {  	s18 =	sld [smem:$0x3FDB];
	_ =	sdelay $0x1  }
0x99: {  	s19 =	simm.s32 $_scs_section_size  }
0x9a: {  	s4 =	simm.s32 $_size__tile_overlayer_lowered;
	s5 =	simm.s32 $_tile_overlayer_lowered  }
0x9b: {  	s22 =	simm.s32 $0x1BFF;
	s21 =	sshll.u32 s5, $0x1;
	s2 =	sadd.s32 s19, s18  }
0x9c: {  	s6 =	simm.s32 $0x0;
	s20 =	sshll.u32 s4, $0x1;
	s4 =	sadd.s32 s21, s2  }
0x9d: {  	[timem:s6], [sflag:s22] =	dma.local [hbm:s4], s20  }
0x9e: {  	_ =	swait.ge [sflag:s22], s20  }
0x9f: {  	s3 =	ssub.s32 $0x0, s20;
	[sflag:s22] =	ssyncset.done $0x0  }
0xa0: {  	[sflag:s22] =	ssyncadd.s32 s3;
	_ =	sdelay $0x1  }
0xa1: {  	s23 =	simm.s32 $0x1B8B  }
0xa2: {  	_ =	swait.ge [sflag:s23], $0x1  }
0xa3: {  	[sflag:s23] =	ssyncset.done $0x0  }
0xa4: {  	s25 =	simm.s32 $0x1B8E;
	s24 =	sld [smem:$0x3FFE];
	[sflag:s23] =	ssyncadd.s32 $0xFFFFFFFF  }
0xa5: {  	s26 =	simm.s32 $execute0_lowered;
	[smem:$0x3FD2] =	sst s25  }
0xa6: {  	s4 =	sshll.u32 s26, $0x1;
	_ =	strace $0x80000049;
	[dreg:$0x1] =	wrdreg $0xFFFFFFFF  }
0xa7: {  	s28 =	simm.s32 $_size_execute0_lowered;
	s2 =	sadd.s32 s2, s4;
	[dreg:$0x0] =	wrdreg $0x0  }
0xa8: {  	s4 =	sshll.u32 s28, $0x1;
	[dreg:$0x2] =	wrdreg s2  }
0xa9: {  	[dreg:$0x3] =	wrdreg s4  }
0xaa: {  	[dreg:$0x4] =	wrdreg $0xC0  }
0xab: {  	_ =	task [dreg:s6], $0x5FFFF  }
0xac: {  	[dreg:$0x1] =	wrdreg $0xFFFFFFFF  }
0xad: {  	[dreg:$0x0] =	wrdreg $0x60  }
0xae: {  	[dreg:$0x2] =	wrdreg s24  }
0xaf: {  	[dreg:$0x3] =	wrdreg $0xF0000  }
0xb0: {  	[dreg:$0x4] =	wrdreg $0x9  }
0xb1: {  	_ =	task.clear_ibuf [dreg:s6], $0x5FFFF;
	_ =	strace $0x90000049  }
0xb2: {  	s29 =	simm.s32 $0x9;
	_ =	strace $0x8000004B  }
0xb3: {  	_ =	swait.ge [sflag:s29], $0x1  }
0xb4: {  	[sflag:s29] =	ssyncadd.s32 $0xFFFFFFFF  }
0xb5: {  	_ =	strace $0x9000004B  }
0xb6: {  	_ =	sfence  }
0xb7: {  	s30 =	sld [smem:$0x0];
	_ =	sdelay $0x2  }
0xb8: {  	s31 =	sshll.u32 s1, $0xD;
	s1 =	sshrl.u32 s1, $0x2  }
0xb9: {  	s3 =	sand.u32 $0x4000, s31;
	s1 =	sadd.s32 s1, s30  }
0xba: {  	s0 =	sor.u32 s3, s0;
	s1 =	sshll.u32 s1, $0x11  }
0xbb: {  	s0 =	sor.u32 s1, s0  }
0xbc: {  	s0 =	sadd.s32 $0x8F2B, s0  }
0xbd: {  	[sflag:s0] =	ssyncadd.remote.s32 $0x1  }
0xbe: {  	_ =	sfence.sel $0xFFFF  }
0xbf: {  	[dreg:$0x0] =	wrdreg $0xFFFFFFFF;
	(pc) =	sbr.abs _section_cstart, $3  }
0xc0: {  	[dreg:$0x1] =	wrdreg $0xFFFFFFFF  }
0xc1: {  	_ =	task.clear_ibuf [dreg:s6], $0x2FFFF;
	_ =	strace $0x9FFFFFFF  }
0xc2: {  	(tm) =	ssettm $0x7FFFFFFF  }
0xc3: {  	_ =	shalt  }
tec
execute0_lowered:
.L_overlay_start_1:
0x0: {  	(tag) =	ssettag $0x1  }
0x1: {  	s0 =	rddreg [dreg:$0x0]  }
0x2: {  	s2 =	rddreg [dreg:$0x1]  }
0x3: {  	s8 =	stileid.u32;
	s4 =	srdreg.scid  }
0x4: {  	s5 =	simm.s32 $0x0;
	s17 =	simm.s32 $0x9;
	s18 =	simm.s32 $0x80  }
0x5: {  	s19 =	simm.s32 $0x9000;
	s20 =	simm.s32 $0x1;
	s23 =	simm.s32 $0xB000  }
0x6: {  	s28 =	simm.s32 $0xD000;
	s29 =	simm.s32 $0x3;
	s1 =	smul.u32 $0x300, s8  }
0x7: {  	s31 =	simm.s32 $0x5;
	s22 =	simm.s32 $0x6;
	s3 =	smul.u32 $0x700, s8  }
0x8: {  	s30 =	simm.s32 $0x0;
	s16 =	sand.u32 $0x1, s4;
	s9 =	smul.u32 $0xA000, s8  }
0x9: {  	[smem:$0x7FF] =	sst s5;
	s4 =	sadd.s32 $0xA400, s0;
	s8 =	smul.u32 $0x28000, s8  }
0xa: {  	s24 =	smul.u32 $0xA0000, s16;
	_ =	strace $0x8000004A;
	s6 =	ssub.s32 $0x2, s16  }
0xb: {  	p0 =	sne.s32 s16, $0x0;
	s16 =	simm.s32 $0x7000;
	s1 =	sadd.s32 s1, s0  }
0xc: {  	s3 =	sadd.s32 s3, s0;
	s7 =	sshrl.u32 s6, $0x1;
	s25 =	sshrl.u32 s8, $0x2  }
0xd: {  	s5 =	sadd.s32 s9, s24;
	s15 =	ssub.s32 s6, s7;
	s6 =	sadd.s32 $0x4C000, s3  }
0xe: {  	s7 =	sadd.s32 $0x7400, s1;
	s8 =	sadd.s32 $0x4400, s1;
	s9 =	sadd.s32 s9, s2  }
.Ltmp0:
0xf: {  	s26 =	sadd.s32 s25, s2;
	s24 =	simm.s32 $0x2;
	(pc) =	sbr.rel .LBB2_1-.Ltmp0, $4  }
0x10: {  	s25 =	simm.s32 $0x7;
	s5 =	sshrl.u32 s5, $0x3;
	s10 =	sadd.s32 $0x2000, s26  }
0x11: {  	s11 =	sadd.s32 $0x4000, s26;
	s12 =	sadd.s32 $0x6000, s26;
	s13 =	sadd.s32 $0x8000, s26  }
0x12: {  	s15 =	smax.u32 s15, $0x1;
	s26 =	simm.s32 $0x8;
	s0 =	sadd.s32 s5, s0  }
0x13: {  	v0 =	vimm.f32 $0.0e+00;
	s5 =	sadd.s32 $0x45000, s3;
	s3 =	simm.s32 $0x4;
	s14 =	sadd.s32 $0xD3400, s0  }
.LBB2_11:
0x14: {  	s0 =	sadd.s32 $0xE00, s0  }
.LBB2_12:
0x15: {  	_ =	swait.ge [sflag:s3], $0x2000  }
0x16: {  	s0 =	sshra.s32 s0, $0x2;
	[sflag:s3] =	ssyncset.done $0x0  }
0x17: {  	s0 =	sadd.s32 $0x3800, s0;
	[sflag:s3] =	ssyncadd.s32 $0xFFFFE000  }
0x18: {  	[spmem:s2] =	stream.indirect.scatter.add.f32 [tilespmem:s28], [sflag:$0x8], $0x40, s0, s18, $0xb8;
	[tilespmem:$0x19000] =	vst v63  }
0x19: {  	_ =	swait.ge [sflag:s31], $0x2000  }
0x1a: {  	[sflag:s31] =	ssyncset.done $0x0  }
0x1b: {  	[sflag:s31] =	ssyncadd.s32 $0xFFFFE000  }
0x1c: {  	_ =	swait.ge [sflag:s22], $0x2000  }
0x1d: {  	[sflag:s22] =	ssyncset.done $0x0  }
0x1e: {  	[sflag:s22] =	ssyncadd.s32 $0xFFFFE000  }
0x1f: {  	_ =	swait.ge [sflag:s25], $0x2000  }
0x20: {  	[sflag:s25] =	ssyncset.done $0x0  }
0x21: {  	[sflag:s25] =	ssyncadd.s32 $0xFFFFE000  }
0x22: {  	s21 =	stileid.u32;
	_ =	swait.ge [sflag:s26], $0x2000  }
0x23: {  	s1 =	sshrl.u32 s9, $0x3;
	s30 =	sadd.s32 $0x1, s30;
	[sflag:s26] =	ssyncset.done $0x0  }
0x24: {  	p1 =	sne.s32 s30, s15;
	s0 =	sshll.u32 s21, $0x6;
	[sflag:s26] =	ssyncadd.s32 $0xFFFFE000  }
.Ltmp1:
0x25: {  	s0 =	sor.u32 $0x1C09, s0;
	[bflag:$0x0] =	sbarrier.arrive $0xFFFF;
	(pc) =	sbr.rel @!p1 .LBB2_13-.Ltmp1, $4  }
0x26: {  	[hbm:s14], [sflag:s0] =	dma.local [spmem:s1], $0x1400  }
0x27: {  	_ =	swait.ge [sflag:s17], $0x1400  }
0x28: {  	[sflag:s17] =	ssyncset.done $0x0  }
0x29: {  	[sflag:s17] =	ssyncadd.s32 $0xFFFFEC00  }
.LBB2_1:
0x2a: {  	s0 =	simm.s32 @p0 $0x0;
	s21 =	simm.s32 @p0 $0x9  }
0x2b: {  	[tilespmem:s0], [sflag:$0x9] =	stream.linear.gather @p0 [hbm4b:s5+s0], $0x3800, $0x38;
	[tilespmem:$0x19000] =	vst v63  }
0x2c: {  	_ =	swait.ge @p0 [sflag:s21], $0x3800  }
0x2d: {  	[sflag:s21] =	ssyncset.done @p0 $0x0  }
0x2e: {  	s1 =	simm.s32 @p0 $0x3800;
	[sflag:s21] =	ssyncadd.s32 @p0 $0xFFFFC800  }
0x2f: {  	[tilespmem:s1], [sflag:$0x9] =	stream.linear.gather @p0 [hbm4b:s6+s0], $0x3800, $0x38;
	[tilespmem:$0x19000] =	vst v63  }
0x30: {  	_ =	swait.ge @p0 [sflag:s21], $0x3800  }
0x31: {  	[sflag:s21] =	ssyncset.done @p0 $0x0  }
0x32: {  	s0 =	simm.s32 @!p0 $0x0;
	s1 =	simm.s32 @!p0 $0x9;
	[sflag:s21] =	ssyncadd.s32 @p0 $0xFFFFC800  }
0x33: {  	[tilespmem:s0], [sflag:$0x9] =	stream.linear.gather @!p0 [hbm4b:s7+s0], $0x1800, $0x38;
	[tilespmem:$0x19000] =	vst v63  }
0x34: {  	_ =	swait.ge @!p0 [sflag:s1], $0x1800  }
0x35: {  	[sflag:s1] =	ssyncset.done @!p0 $0x0  }
0x36: {  	s21 =	simm.s32 @!p0 $0x3800;
	[sflag:s1] =	ssyncadd.s32 @!p0 $0xFFFFE800  }
0x37: {  	[tilespmem:s21], [sflag:$0x9] =	stream.linear.gather @!p0 [hbm4b:s8+s0], $0x1800, $0x38;
	[tilespmem:$0x19000] =	vst v63  }
0x38: {  	_ =	swait.ge @!p0 [sflag:s1], $0x1800  }
0x39: {  	[sflag:s1] =	ssyncset.done @!p0 $0x0  }
0x3a: {  	s21 =	simm.s32 $0x100;
	s0 =	simm.s32 $0x0;
	[sflag:s1] =	ssyncadd.s32 @!p0 $0xFFFFE800  }
.LBB2_2:
0x3b: {  	p1 =	sne.s32 s21, $0x7F00;
	[tilespmem:s0+$0x7030] =	vst v0;
	s1 =	smov.u32 s21;
	s21 =	sadd.s32 $0x100, s21  }
.Ltmp2:
0x3c: {  	[tilespmem:s0+$0x7020] =	vst v0;
	(pc) =	sbr.rel @p1 .LBB2_2-.Ltmp2, $3  }
0x3d: {  	[tilespmem:s0+$0x7000] =	vst v0  }
0x3e: {  	[tilespmem:s0+$0x7010] =	vst v0;
	_ =	sdelay $0x1  }
0x3f: {  	s0 =	sshra.s32 s1, $0x2  }
0x40: {  	[tilespmem:s0+$0x7030] =	vst v0  }
0x41: {  	[tilespmem:s0+$0x7020] =	vst v0  }
0x42: {  	[tilespmem:s0+$0x7000] =	vst v0  }
0x43: {  	[tilespmem:s0+$0x7010] =	vst v0  }
0x44: {  	[spmem:s9] =	stream.linear.scatter [tilespmem:s16], [sflag:$0x9], $0x2000, $0x38;
	[tilespmem:$0x19000] =	vst v63  }
0x45: {  	_ =	swait.ge [sflag:s17], $0x2000  }
0x46: {  	[sflag:s17] =	ssyncset.done $0x0  }
0x47: {  	[sflag:s17] =	ssyncadd.s32 $0xFFFFE000  }
0x48: {  	[spmem:s10] =	stream.linear.scatter [tilespmem:s16], [sflag:$0x9], $0x2000, $0x38;
	[tilespmem:$0x19000] =	vst v63  }
0x49: {  	_ =	swait.ge [sflag:s17], $0x2000  }
0x4a: {  	[sflag:s17] =	ssyncset.done $0x0  }
0x4b: {  	[sflag:s17] =	ssyncadd.s32 $0xFFFFE000  }
0x4c: {  	[spmem:s11] =	stream.linear.scatter [tilespmem:s16], [sflag:$0x9], $0x2000, $0x38;
	[tilespmem:$0x19000] =	vst v63  }
0x4d: {  	_ =	swait.ge [sflag:s17], $0x2000  }
0x4e: {  	[sflag:s17] =	ssyncset.done $0x0  }
0x4f: {  	[sflag:s17] =	ssyncadd.s32 $0xFFFFE000  }
0x50: {  	[spmem:s12] =	stream.linear.scatter [tilespmem:s16], [sflag:$0x9], $0x2000, $0x38;
	[tilespmem:$0x19000] =	vst v63  }
0x51: {  	_ =	swait.ge [sflag:s17], $0x2000  }
0x52: {  	[sflag:s17] =	ssyncset.done $0x0  }
0x53: {  	[sflag:s17] =	ssyncadd.s32 $0xFFFFE000  }
0x54: {  	[spmem:s13] =	stream.linear.scatter [tilespmem:s16], [sflag:$0x9], $0x2000, $0x38;
	[tilespmem:$0x19000] =	vst v63  }
0x55: {  	_ =	swait.ge [sflag:s17], $0x2000  }
0x56: {  	[sflag:s17] =	ssyncset.done $0x0  }
0x57: {  	[sflag:s17] =	ssyncadd.s32 $0xFFFFE000  }
0x58: {  	s1 =	simm.s32 $0x0;
	[bflag:$0x0] =	sbarrier.arrive $0xFFFF  }
0x59: {  	[tilespmem:s16], [sflag:$0x1] =	stream.indirect.gather [hbm4b:s4+s18], $0x40, s1, s18, $0xb8;
	[tilespmem:$0x19000] =	vst v63  }
0x5a: {  	_ = 	snop  }
0x5b: {  	[tilespmem:s19], [sflag:$0x2] =	stream.indirect.gather [hbm4b:s4+s18], $0x40, s18, s18, $0xb8;
	[tilespmem:$0x19000] =	vst v63  }
.Ltmp3:
0x5c: {  	_ = 	snop;
	(pc) =	sbr.rel @p0 .LBB2_7-.Ltmp3, $4  }
0x5d: {  	_ =	swait.ge [sflag:s20], $0x2000  }
0x5e: {  	[sflag:s20] =	ssyncset.done $0x0  }
0x5f: {  	s21 =	simm.s32 $0x3800;
	s0 =	simm.s32 $0x100;
	[sflag:s20] =	ssyncadd.s32 $0xFFFFE000  }
0x60: {  	[spmem:s2] =	stream.indirect.scatter.add.f32 [tilespmem:s16], [sflag:$0x5], $0x40, s21, s18, $0xb8;
	[tilespmem:$0x19000] =	vst v63  }
0x61: {  	[tilespmem:s23], [sflag:$0x3] =	stream.indirect.gather [hbm4b:s4+s18], $0x40, s0, s18, $0xb8;
	[tilespmem:$0x19000] =	vst v63  }
0x62: {  	_ =	swait.ge [sflag:s24], $0x2000  }
0x63: {  	[sflag:s24] =	ssyncset.done $0x0  }
0x64: {  	s1 =	simm.s32 $0x3880;
	[sflag:s24] =	ssyncadd.s32 $0xFFFFE000  }
0x65: {  	[spmem:s2] =	stream.indirect.scatter.add.f32 [tilespmem:s19], [sflag:$0x6], $0x40, s1, s18, $0xb8;
	[tilespmem:$0x19000] =	vst v63  }
0x66: {  	s21 =	simm.s32 $0x180  }
0x67: {  	[tilespmem:s28], [sflag:$0x4] =	stream.indirect.gather [hbm4b:s4+s18], $0x40, s21, s18, $0xb8;
	[tilespmem:$0x19000] =	vst v63  }
0x68: {  	_ =	swait.ge [sflag:s29], $0x2000  }
0x69: {  	[sflag:s29] =	ssyncset.done $0x0  }
0x6a: {  	s1 =	simm.s32 $0x3900;
	[sflag:s29] =	ssyncadd.s32 $0xFFFFE000  }
0x6b: {  	[spmem:s2] =	stream.indirect.scatter.add.f32 [tilespmem:s23], [sflag:$0x7], $0x40, s1, s18, $0xb8;
	[tilespmem:$0x19000] =	vst v63  }
0x6c: {  	_ =	swait.ge [sflag:s31], $0x2000  }
0x6d: {  	[sflag:s31] =	ssyncset.done $0x0  }
0x6e: {  	s21 =	simm.s32 $0x200;
	[sflag:s31] =	ssyncadd.s32 $0xFFFFE000  }
0x6f: {  	[tilespmem:s16], [sflag:$0x1] =	stream.indirect.gather [hbm4b:s4+s18], $0x40, s21, s18, $0xb8;
	[tilespmem:$0x19000] =	vst v63  }
0x70: {  	_ =	swait.ge [sflag:s3], $0x2000  }
0x71: {  	[sflag:s3] =	ssyncset.done $0x0  }
0x72: {  	s1 =	simm.s32 $0x3980;
	[sflag:s3] =	ssyncadd.s32 $0xFFFFE000  }
0x73: {  	[spmem:s2] =	stream.indirect.scatter.add.f32 [tilespmem:s28], [sflag:$0x8], $0x40, s1, s18, $0xb8;
	[tilespmem:$0x19000] =	vst v63  }
0x74: {  	_ =	swait.ge [sflag:s22], $0x2000  }
0x75: {  	[sflag:s22] =	ssyncset.done $0x0  }
0x76: {  	s0 =	simm.s32 $0x0;
	s21 =	simm.s32 $0x280;
	[sflag:s22] =	ssyncadd.s32 $0xFFFFE000  }
0x77: {  	[tilespmem:s19], [sflag:$0x2] =	stream.indirect.gather [hbm4b:s4+s18], $0x40, s21, s18, $0xb8;
	[tilespmem:$0x19000] =	vst v63  }
.LBB2_5:
0x78: {  	_ =	swait.ge [sflag:s20], $0x2000  }
0x79: {  	s21 =	sshra.s32 s0, $0x2;
	[sflag:s20] =	ssyncset.done $0x0  }
0x7a: {  	s1 =	sadd.s32 $0x3A00, s21;
	[sflag:s20] =	ssyncadd.s32 $0xFFFFE000  }
0x7b: {  	[spmem:s2] =	stream.indirect.scatter.add.f32 [tilespmem:s16], [sflag:$0x5], $0x40, s1, s18, $0xb8;
	[tilespmem:$0x19000] =	vst v63  }
0x7c: {  	_ =	swait.ge [sflag:s25], $0x2000  }
0x7d: {  	[sflag:s25] =	ssyncset.done $0x0  }
0x7e: {  	s1 =	sadd.s32 $0x300, s21;
	[sflag:s25] =	ssyncadd.s32 $0xFFFFE000  }
0x7f: {  	[tilespmem:s23], [sflag:$0x3] =	stream.indirect.gather [hbm4b:s4+s18], $0x40, s1, s18, $0xb8;
	[tilespmem:$0x19000] =	vst v63  }
0x80: {  	_ =	swait.ge [sflag:s24], $0x2000  }
0x81: {  	[sflag:s24] =	ssyncset.done $0x0  }
0x82: {  	s1 =	sadd.s32 $0x3A80, s21;
	[sflag:s24] =	ssyncadd.s32 $0xFFFFE000  }
0x83: {  	[spmem:s2] =	stream.indirect.scatter.add.f32 [tilespmem:s19], [sflag:$0x6], $0x40, s1, s18, $0xb8;
	[tilespmem:$0x19000] =	vst v63  }
0x84: {  	_ =	swait.ge [sflag:s26], $0x2000  }
0x85: {  	[sflag:s26] =	ssyncset.done $0x0  }
0x86: {  	p1 =	seq.s32 s0, $0x5000;
	s1 =	sadd.s32 $0x380, s21;
	[sflag:s26] =	ssyncadd.s32 $0xFFFFE000  }
0x87: {  	[tilespmem:s28], [sflag:$0x4] =	stream.indirect.gather [hbm4b:s4+s18], $0x40, s1, s18, $0xb8;
	[tilespmem:$0x19000] =	vst v63  }
.Ltmp4:
0x88: {  	_ = 	snop;
	(pc) =	sbr.rel @p1 .LBB2_10-.Ltmp4, $4  }
0x89: {  	_ =	swait.ge [sflag:s29], $0x2000  }
0x8a: {  	[sflag:s29] =	ssyncset.done $0x0  }
0x8b: {  	s1 =	sadd.s32 $0x3B00, s21;
	[sflag:s29] =	ssyncadd.s32 $0xFFFFE000  }
0x8c: {  	[spmem:s2] =	stream.indirect.scatter.add.f32 [tilespmem:s23], [sflag:$0x7], $0x40, s1, s18, $0xb8;
	[tilespmem:$0x19000] =	vst v63  }
0x8d: {  	_ =	swait.ge [sflag:s31], $0x2000  }
0x8e: {  	[sflag:s31] =	ssyncset.done $0x0  }
0x8f: {  	s1 =	sadd.s32 $0x400, s21;
	[sflag:s31] =	ssyncadd.s32 $0xFFFFE000  }
0x90: {  	[tilespmem:s16], [sflag:$0x1] =	stream.indirect.gather [hbm4b:s4+s18], $0x40, s1, s18, $0xb8;
	[tilespmem:$0x19000] =	vst v63  }
0x91: {  	_ =	swait.ge [sflag:s3], $0x2000  }
0x92: {  	[sflag:s3] =	ssyncset.done $0x0  }
0x93: {  	s1 =	sadd.s32 $0x3B80, s21;
	[sflag:s3] =	ssyncadd.s32 $0xFFFFE000  }
0x94: {  	[spmem:s2] =	stream.indirect.scatter.add.f32 [tilespmem:s28], [sflag:$0x8], $0x40, s1, s18, $0xb8;
	[tilespmem:$0x19000] =	vst v63  }
.Ltmp5:
0x95: {  	_ = 	snop;
	(pc) =	sbr.rel .LBB2_5-.Ltmp5, $4  }
0x96: {  	_ =	swait.ge [sflag:s22], $0x2000  }
0x97: {  	[sflag:s22] =	ssyncset.done $0x0  }
0x98: {  	s0 =	sadd.s32 $0x800, s0;
	s21 =	sadd.s32 $0x480, s21;
	[sflag:s22] =	ssyncadd.s32 $0xFFFFE000  }
0x99: {  	[tilespmem:s19], [sflag:$0x2] =	stream.indirect.gather [hbm4b:s4+s18], $0x40, s21, s18, $0xb8;
	[tilespmem:$0x19000] =	vst v63  }
.LBB2_7:
0x9a: {  	[tilespmem:s23], [sflag:$0x3] =	stream.indirect.gather [hbm4b:s4+s18], $0x40, s0, s18, $0xb8;
	[tilespmem:$0x19000] =	vst v63  }
0x9b: {  	_ =	swait.ge [sflag:s24], $0x2000  }
0x9c: {  	[sflag:s24] =	ssyncset.done $0x0  }
0x9d: {  	s1 =	simm.s32 $0x3880;
	[sflag:s24] =	ssyncadd.s32 $0xFFFFE000  }
0x9e: {  	[spmem:s2] =	stream.indirect.scatter.add.f32 [tilespmem:s19], [sflag:$0x6], $0x40, s1, s18, $0xb8;
	[tilespmem:$0x19000] =	vst v63  }
0x9f: {  	s21 =	simm.s32 $0x180  }
0xa0: {  	[tilespmem:s28], [sflag:$0x4] =	stream.indirect.gather [hbm4b:s4+s18], $0x40, s21, s18, $0xb8;
	[tilespmem:$0x19000] =	vst v63  }
0xa1: {  	_ =	swait.ge [sflag:s29], $0x2000  }
0xa2: {  	[sflag:s29] =	ssyncset.done $0x0  }
0xa3: {  	s1 =	simm.s32 $0x3900;
	[sflag:s29] =	ssyncadd.s32 $0xFFFFE000  }
0xa4: {  	[spmem:s2] =	stream.indirect.scatter.add.f32 [tilespmem:s23], [sflag:$0x7], $0x40, s1, s18, $0xb8;
	[tilespmem:$0x19000] =	vst v63  }
0xa5: {  	_ =	swait.ge [sflag:s31], $0x2000  }
0xa6: {  	[sflag:s31] =	ssyncset.done $0x0  }
0xa7: {  	s21 =	simm.s32 $0x200;
	[sflag:s31] =	ssyncadd.s32 $0xFFFFE000  }
0xa8: {  	[tilespmem:s16], [sflag:$0x1] =	stream.indirect.gather [hbm4b:s4+s18], $0x40, s21, s18, $0xb8;
	[tilespmem:$0x19000] =	vst v63  }
0xa9: {  	_ =	swait.ge [sflag:s3], $0x2000  }
0xaa: {  	[sflag:s3] =	ssyncset.done $0x0  }
0xab: {  	s1 =	simm.s32 $0x3980;
	[sflag:s3] =	ssyncadd.s32 $0xFFFFE000  }
0xac: {  	[spmem:s2] =	stream.indirect.scatter.add.f32 [tilespmem:s28], [sflag:$0x8], $0x40, s1, s18, $0xb8;
	[tilespmem:$0x19000] =	vst v63  }
0xad: {  	_ =	swait.ge [sflag:s22], $0x2000  }
0xae: {  	[sflag:s22] =	ssyncset.done $0x0  }
0xaf: {  	s0 =	simm.s32 $0x0;
	s21 =	simm.s32 $0x280;
	[sflag:s22] =	ssyncadd.s32 $0xFFFFE000  }
0xb0: {  	[tilespmem:s19], [sflag:$0x2] =	stream.indirect.gather [hbm4b:s4+s18], $0x40, s21, s18, $0xb8;
	[tilespmem:$0x19000] =	vst v63  }
.LBB2_8:
0xb1: {  	_ =	swait.ge [sflag:s20], $0x2000  }
0xb2: {  	s21 =	sshra.s32 s0, $0x2;
	[sflag:s20] =	ssyncset.done $0x0  }
0xb3: {  	s1 =	sadd.s32 $0x3A00, s21;
	[sflag:s20] =	ssyncadd.s32 $0xFFFFE000  }
0xb4: {  	[spmem:s2] =	stream.indirect.scatter.add.f32 [tilespmem:s16], [sflag:$0x5], $0x40, s1, s18, $0xb8;
	[tilespmem:$0x19000] =	vst v63  }
0xb5: {  	_ =	swait.ge [sflag:s25], $0x2000  }
0xb6: {  	[sflag:s25] =	ssyncset.done $0x0  }
0xb7: {  	s1 =	sadd.s32 $0x300, s21;
	[sflag:s25] =	ssyncadd.s32 $0xFFFFE000  }
0xb8: {  	[tilespmem:s23], [sflag:$0x3] =	stream.indirect.gather [hbm4b:s4+s18], $0x40, s1, s18, $0xb8;
	[tilespmem:$0x19000] =	vst v63  }
0xb9: {  	_ =	swait.ge [sflag:s24], $0x2000  }
0xba: {  	[sflag:s24] =	ssyncset.done $0x0  }
0xbb: {  	s1 =	sadd.s32 $0x3A80, s21;
	[sflag:s24] =	ssyncadd.s32 $0xFFFFE000  }
0xbc: {  	[spmem:s2] =	stream.indirect.scatter.add.f32 [tilespmem:s19], [sflag:$0x6], $0x40, s1, s18, $0xb8;
	[tilespmem:$0x19000] =	vst v63  }
0xbd: {  	_ =	swait.ge [sflag:s26], $0x2000  }
0xbe: {  	[sflag:s26] =	ssyncset.done $0x0  }
0xbf: {  	p1 =	seq.s32 s0, $0xD000;
	s1 =	sadd.s32 $0x380, s21;
	[sflag:s26] =	ssyncadd.s32 $0xFFFFE000  }
0xc0: {  	[tilespmem:s28], [sflag:$0x4] =	stream.indirect.gather [hbm4b:s4+s18], $0x40, s1, s18, $0xb8;
	[tilespmem:$0x19000] =	vst v63  }
.Ltmp6:
0xc1: {  	_ = 	snop;
	(pc) =	sbr.rel @p1 .LBB2_11-.Ltmp6, $4  }
0xc2: {  	_ =	swait.ge [sflag:s29], $0x2000  }
0xc3: {  	[sflag:s29] =	ssyncset.done $0x0  }
0xc4: {  	s1 =	sadd.s32 $0x3B00, s21;
	[sflag:s29] =	ssyncadd.s32 $0xFFFFE000  }
0xc5: {  	[spmem:s2] =	stream.indirect.scatter.add.f32 [tilespmem:s23], [sflag:$0x7], $0x40, s1, s18, $0xb8;
	[tilespmem:$0x19000] =	vst v63  }
0xc6: {  	_ =	swait.ge [sflag:s31], $0x2000  }
0xc7: {  	[sflag:s31] =	ssyncset.done $0x0  }
0xc8: {  	s1 =	sadd.s32 $0x400, s21;
	[sflag:s31] =	ssyncadd.s32 $0xFFFFE000  }
0xc9: {  	[tilespmem:s16], [sflag:$0x1] =	stream.indirect.gather [hbm4b:s4+s18], $0x40, s1, s18, $0xb8;
	[tilespmem:$0x19000] =	vst v63  }
0xca: {  	_ =	swait.ge [sflag:s3], $0x2000  }
0xcb: {  	[sflag:s3] =	ssyncset.done $0x0  }
0xcc: {  	s1 =	sadd.s32 $0x3B80, s21;
	[sflag:s3] =	ssyncadd.s32 $0xFFFFE000  }
0xcd: {  	[spmem:s2] =	stream.indirect.scatter.add.f32 [tilespmem:s28], [sflag:$0x8], $0x40, s1, s18, $0xb8;
	[tilespmem:$0x19000] =	vst v63  }
.Ltmp7:
0xce: {  	_ = 	snop;
	(pc) =	sbr.rel .LBB2_8-.Ltmp7, $4  }
0xcf: {  	_ =	swait.ge [sflag:s22], $0x2000  }
0xd0: {  	[sflag:s22] =	ssyncset.done $0x0  }
0xd1: {  	s0 =	sadd.s32 $0x800, s0;
	s21 =	sadd.s32 $0x480, s21;
	[sflag:s22] =	ssyncadd.s32 $0xFFFFE000  }
0xd2: {  	[tilespmem:s19], [sflag:$0x2] =	stream.indirect.gather [hbm4b:s4+s18], $0x40, s21, s18, $0xb8;
	[tilespmem:$0x19000] =	vst v63  }
.LBB2_10:
.Ltmp8:
0xd3: {  	(pc) =	sbr.rel .LBB2_12-.Ltmp8, $2  }
0xd4: {  	_ =	sdelay $0x2  }
0xd5: {  	s0 =	sadd.s32 $0xE00, s0  }
.LBB2_13:
0xd6: {  	_ =	sfence.sel $0x180000  }
0xd7: {  	[bflag:$0x0] =	sbarrier.arrive $0xFFFF  }
0xd8: {  	_ =	strace $0x9000004A  }
0xd9: {  	s0 =	stileid.u32;
	[bflag:$0x2] =	sbarrier.arrive $0xFFFF  }
0xda: {  	p0 =	sne.s32 s0, $0x0;
	s0 =	rddreg [dreg:$0x2]  }
0xdb: {  	s0 =	sadd.s32 @!p0 $0x100000, s0  }
0xdc: {  	[sflag:s0] =	ssyncadd.tile.s32 @!p0 $0x1;
	_ =	shalt  }
.Lfunc_end2:
_tile_overlayer_lowered:
.L_overlay_start_2:
0xdd: {  	(tag) =	ssettag $0x2  }
0xde: {  	s0 =	rddreg [dreg:$0x0];
	s2 =	stileid.u32  }
0xdf: {  	s1 =	rddreg [dreg:$0x1];
	p0 =	sne.s32 s2, $0x0  }
0xe0: {  	s3 =	rddreg [dreg:$0x2];
	[bflag:$0x3] =	sbarrier.arrive $0xFFFF;
	s2 =	simm.s32 @!p0 $0x1C09  }
0xe1: {  	[timem:s3], [sflag:s2] =	dma.local @!p0 [hbm:s0], s1  }
0xe2: {  	s0 =	simm.s32 @!p0 $0x9  }
0xe3: {  	_ =	swait.ge @!p0 [sflag:s0], s1  }
0xe4: {  	s1 =	ssub.s32 @!p0 $0x0, s1;
	[sflag:s0] =	ssyncset.done @!p0 $0x0  }
0xe5: {  	[sflag:s0] =	ssyncadd.s32 @!p0 s1  }
0xe6: {  	[bflag:$0x3] =	sbarrier.arrive $0xFFFF  }
0xe7: {  	_ =	shalt  }

// kernel: kernel.15.cloned.1.call-start
scs
__scs_entry_jumppad:
0x0: {  	(pc) =	sbr.rel $0x88, $3  }
0x1: {  	(tag) =	ssettag $0x0;
	lr =	simm.s32 $0x1  }
0x2: {  	[smem:$0x3F94] =	sst lr;
	_ =	strace $0xD0000000  }
0x3: {  	_ = 	snop  }
0x4: {  	_ = 	snop  }
0x5: {  	_ = 	snop  }
0x6: {  	_ = 	snop  }
0x7: {  	_ = 	snop  }
__scs_overlays_trampoline_lowered:
0x8: {  	[smem:$0x3FA3] =	sst s0  }
0x9: {  	[smem:$0x3FA4] =	sst s1  }
0xa: {  	[smem:$0x3FA5] =	sst s2  }
0xb: {  	[smem:$0x3FA6] =	sst s3  }
0xc: {  	[smem:$0x3FA7] =	sst s4  }
0xd: {  	[smem:$0x3FA8] =	sst s5  }
0xe: {  	[smem:$0x3FA9] =	sst s6  }
0xf: {  	[smem:$0x3FAA] =	sst s7  }
0x10: {  	[smem:$0x3FAB] =	sst s8  }
0x11: {  	[smem:$0x3FAC] =	sst s9;
	s0 =	simm.s32 @!p0 $0x0  }
0x12: {  	s1 =	sld [smem:$0x3F92];
	s0 =	simm.s32 @p0 $0x1  }
0x13: {  	[smem:$0x3FAD] =	sst s0;
	s0 =	simm.s32 @!p1 $0x0  }
0x14: {  	s2 =	sld [smem:$0x3F91];
	s0 =	simm.s32 @p1 $0x1  }
0x15: {  	[smem:$0x3FAE] =	sst s0;
	s0 =	simm.s32 @!p2 $0x0  }
0x16: {  	s3 =	sld [smem:$0x3FDB];
	s0 =	simm.s32 @p2 $0x1  }
0x17: {  	s4 =	simm.s32 $0x1BF5;
	[smem:$0x3FB0] =	sst s0  }
0x18: {  	s0 =	sld [smem:$0x3F93];
	_ =	swait.ge [sflag:s4], $0x0  }
0x19: {  	s7 =	sld [smem:$0x3F94]  }
0x1a: {  	s8 =	sadd.s32 $0xFFFFE003, lr  }
0x1b: {  	s9 =	sadd.s32 $0xFFFFFEF7, lr;
	s5 =	simm.s32 $0xFFFFFFFF;
	p2 =	slt.u32 s8, $0xFFFFF086  }
0x1c: {  	p1 =	slt.u32 s9, $0xF7A;
	s5 =	simm.s32 @!p2 $0x0  }
0x1d: {  	s5 =	simm.s32 @p1 $0x1;
	p0 =	seq.s32 s7, s2  }
0x1e: {  	s7 =	smul.u32 @!p0 $0xF7A, s2;
	p2 =	seq.s32 @!p0 s5, $0x0  }
0x1f: {  	s9 =	smul.u32 $0xF7A, s1;
	s8 =	simm.s32 @!p0 $0x1BF5;
	p2 =	por !p2, p0  }
0x20: {  	[sflag:s8] =	ssyncset.s32 @!p0 $0xFFFFF086;
	s6 =	sadd.s32 @!p0 s3, s7;
	s7 =	simm.s32 @!p0 $0x108  }
0x21: {  	s3 =	sadd.s32 s3, s9;
	s6 =	sadd.s32 @!p0 $0x88, s6;
	s7 =	simm.s32 @p2 $0x1082  }
0x22: {  	[simem:s7], [sflag:s8] =	dma.local @!p0 [hbm:s6], $0xF7A  }
0x23: {  	s9 =	sor.u32 $0xD0000000, s2;
	s6 =	simm.s32 $0x108;
	_ =	swait.ge @!p0 [sflag:s8], $0x0  }
0x24: {  	s3 =	sadd.s32 $0x88, s3;
	s6 =	simm.s32 @!p1 $0x1082;
	[sflag:s4] =	ssyncset.s32 $0xFFFFF086  }
0x25: {  	[simem:s6], [sflag:s4] =	dma.local [hbm:s3], $0xF7A  }
0x26: {  	[smem:$0x3F94] =	sst s1;
	(tag) =	ssettag s2;
	_ =	strace s9  }
0x27: {  	s1 =	sld [smem:$0x3FA4]  }
0x28: {  	s2 =	sld [smem:$0x3FA5]  }
0x29: {  	s4 =	sld [smem:$0x3FA7]  }
0x2a: {  	p0 =	seq.s32 s5, $0x0;
	s5 =	sld [smem:$0x3FA8]  }
0x2b: {  	s6 =	sld [smem:$0x3FA9]  }
0x2c: {  	s7 =	sld [smem:$0x3FAA]  }
0x2d: {  	s3 =	simm.s32 $0x108;
	s8 =	sld [smem:$0x3FAB]  }
0x2e: {  	s3 =	simm.s32 @!p0 $0x1082;
	s9 =	sld [smem:$0x3FAC]  }
0x2f: {  	lr =	sadd.s32 s0, s3;
	s0 =	sld [smem:$0x3FA3]  }
0x30: {  	s3 =	sld [smem:$0x3FA6]  }
0x31: {  	[smem:$0x3FAF] =	sst s10  }
0x32: {  	s10 =	sld [smem:$0x3FAD];
	_ =	sdelay $0x3  }
0x33: {  	p0 =	seq.s32 s10, $0x1;
	s10 =	sld [smem:$0x3FAF];
	_ =	sdelay $0x3  }
0x34: {  	[smem:$0x3FAF] =	sst s10  }
0x35: {  	s10 =	sld [smem:$0x3FAE];
	_ =	sdelay $0x3  }
0x36: {  	p1 =	seq.s32 s10, $0x1;
	s10 =	sld [smem:$0x3FAF];
	_ =	sdelay $0x3  }
0x37: {  	[smem:$0x3FAF] =	sst s10  }
0x38: {  	s10 =	sld [smem:$0x3FB0]  }
0x39: {  	_ = 	snop;
	(pc) =	sbr.ind lr, $3  }
0x3a: {  	_ = 	snop  }
0x3b: {  	_ = 	snop  }
0x3c: {  	p2 =	seq.s32 s10, $0x1;
	s10 =	sld [smem:$0x3FAF]  }
0x3d: {  	_ =	shalt  }
0x3e: {  	_ =	shalt  }
0x3f: {  	_ =	shalt  }
0x40: {  	_ =	shalt  }
0x41: {  	_ =	shalt  }
0x42: {  	_ =	shalt  }
0x43: {  	_ =	shalt  }
0x44: {  	_ =	shalt  }
0x45: {  	_ =	shalt  }
0x46: {  	_ =	shalt  }
0x47: {  	_ =	shalt  }
0x48: {  	_ =	shalt  }
0x49: {  	_ =	shalt  }
0x4a: {  	_ =	shalt  }
0x4b: {  	_ =	shalt  }
0x4c: {  	_ =	shalt  }
0x4d: {  	_ =	shalt  }
0x4e: {  	_ =	shalt  }
0x4f: {  	_ =	shalt  }
0x50: {  	_ =	shalt  }
0x51: {  	_ =	shalt  }
0x52: {  	_ =	shalt  }
0x53: {  	_ =	shalt  }
0x54: {  	_ =	shalt  }
0x55: {  	_ =	shalt  }
0x56: {  	_ =	shalt  }
0x57: {  	_ =	shalt  }
0x58: {  	_ =	shalt  }
0x59: {  	_ =	shalt  }
0x5a: {  	_ =	shalt  }
0x5b: {  	_ =	shalt  }
0x5c: {  	_ =	shalt  }
0x5d: {  	_ =	shalt  }
0x5e: {  	_ =	shalt  }
0x5f: {  	_ =	shalt  }
0x60: {  	_ =	shalt  }
0x61: {  	_ =	shalt  }
0x62: {  	_ =	shalt  }
0x63: {  	_ =	shalt  }
0x64: {  	_ =	shalt  }
0x65: {  	_ =	shalt  }
0x66: {  	_ =	shalt  }
0x67: {  	_ =	shalt  }
0x68: {  	_ =	shalt  }
0x69: {  	_ =	shalt  }
0x6a: {  	_ =	shalt  }
0x6b: {  	_ =	shalt  }
0x6c: {  	_ =	shalt  }
0x6d: {  	_ =	shalt  }
0x6e: {  	_ =	shalt  }
0x6f: {  	_ =	shalt  }
0x70: {  	_ =	shalt  }
0x71: {  	_ =	shalt  }
0x72: {  	_ =	shalt  }
0x73: {  	_ =	shalt  }
0x74: {  	_ =	shalt  }
0x75: {  	_ =	shalt  }
0x76: {  	_ =	shalt  }
0x77: {  	_ =	shalt  }
0x78: {  	_ =	shalt  }
0x79: {  	_ =	shalt  }
0x7a: {  	_ =	shalt  }
0x7b: {  	_ =	shalt  }
0x7c: {  	_ =	shalt  }
0x7d: {  	_ =	shalt  }
0x7e: {  	_ =	shalt  }
0x7f: {  	_ =	shalt  }
0x80: {  	_ =	shalt  }
0x81: {  	_ =	shalt  }
0x82: {  	_ =	shalt  }
0x83: {  	_ =	shalt  }
0x84: {  	_ =	shalt  }
0x85: {  	_ =	shalt  }
0x86: {  	_ =	shalt  }
0x87: {  	_ =	shalt  }
.Lfunc_end0:
.L_simem_size_0:
called_computation.2_lowered:
.L_overlay_start_0:
0x88: {  	s2 =	sld [smem:$0x3FD9]  }
0x89: {  	s3 =	sld [smem:$0x3FFE];
	_ =	sdelay $0x1  }
0x8a: {  	s1 =	srdreg.scid  }
0x8b: {  	s0 =	sand.u32 $0x1, s1  }
0x8c: {  	s16 =	sshll.u32 s0, $0xA;
	s2 =	sadd.s32 s3, s2  }
0x8d: {  	s2 =	sadd.s32 s2, s16  }
0x8e: {  	[smem:$0x3FBB] =	sst s2  }
0x8f: {  	_ = 	snop  }
0x90: {  	(tm) =	ssettm $0x1  }
0x91: {  	s17 =	sld [smem:$0x3FFB];
	_ =	sdelay $0x3  }
0x92: {  	_ =	strace s17  }
0x93: {  	s2 =	sld [smem:$0x3FFC];
	_ =	sdelay $0x3  }
0x94: {  	_ =	strace s2  }
0x95: {  	s2 =	sld [smem:$0x3FFD];
	_ =	sdelay $0x3  }
0x96: {  	_ =	strace s2  }
0x97: {  	_ =	strace $0x8FFFFFFF  }
0x98: {  	s18 =	sld [smem:$0x3FDB];
	_ =	sdelay $0x1  }
0x99: {  	s19 =	simm.s32 $_scs_section_size  }
0x9a: {  	s4 =	simm.s32 $_size__tile_overlayer_lowered;
	s5 =	simm.s32 $_tile_overlayer_lowered  }
0x9b: {  	s22 =	simm.s32 $0x1BFF;
	s21 =	sshll.u32 s5, $0x1;
	s2 =	sadd.s32 s19, s18  }
0x9c: {  	s6 =	simm.s32 $0x0;
	s20 =	sshll.u32 s4, $0x1;
	s4 =	sadd.s32 s21, s2  }
0x9d: {  	[timem:s6], [sflag:s22] =	dma.local [hbm:s4], s20  }
0x9e: {  	_ =	swait.ge [sflag:s22], s20  }
0x9f: {  	s3 =	ssub.s32 $0x0, s20;
	[sflag:s22] =	ssyncset.done $0x0  }
0xa0: {  	[sflag:s22] =	ssyncadd.s32 s3;
	_ =	sdelay $0x1  }
0xa1: {  	s23 =	simm.s32 $0x1B8B  }
0xa2: {  	_ =	swait.ge [sflag:s23], $0x1  }
0xa3: {  	[sflag:s23] =	ssyncset.done $0x0  }
0xa4: {  	s25 =	simm.s32 $0x1B8E;
	s24 =	sld [smem:$0x3FFE];
	[sflag:s23] =	ssyncadd.s32 $0xFFFFFFFF  }
0xa5: {  	s26 =	simm.s32 $execute0_lowered;
	[smem:$0x3FD2] =	sst s25  }
0xa6: {  	s4 =	sshll.u32 s26, $0x1;
	_ =	strace $0x8000004C;
	[dreg:$0x1] =	wrdreg $0xFFFFFFFF  }
0xa7: {  	s28 =	simm.s32 $_size_execute0_lowered;
	s2 =	sadd.s32 s2, s4;
	[dreg:$0x0] =	wrdreg $0x0  }
0xa8: {  	s4 =	sshll.u32 s28, $0x1;
	[dreg:$0x2] =	wrdreg s2  }
0xa9: {  	[dreg:$0x3] =	wrdreg s4  }
0xaa: {  	[dreg:$0x4] =	wrdreg $0xC0  }
0xab: {  	_ =	task [dreg:s6], $0x5FFFF  }
0xac: {  	[dreg:$0x1] =	wrdreg $0xFFFFFFFF  }
0xad: {  	[dreg:$0x0] =	wrdreg $0x60  }
0xae: {  	[dreg:$0x2] =	wrdreg s24  }
0xaf: {  	[dreg:$0x3] =	wrdreg $0xA4000  }
0xb0: {  	[dreg:$0x4] =	wrdreg $0x9  }
0xb1: {  	_ =	task.clear_ibuf [dreg:s6], $0x5FFFF;
	_ =	strace $0x9000004C  }
0xb2: {  	s29 =	simm.s32 $0x9;
	_ =	strace $0x8000004E  }
0xb3: {  	_ =	swait.ge [sflag:s29], $0x1  }
0xb4: {  	[sflag:s29] =	ssyncadd.s32 $0xFFFFFFFF  }
0xb5: {  	_ =	strace $0x9000004E  }
0xb6: {  	_ =	sfence  }
0xb7: {  	s30 =	sld [smem:$0x0];
	_ =	sdelay $0x2  }
0xb8: {  	s31 =	sshll.u32 s1, $0xD;
	s1 =	sshrl.u32 s1, $0x2  }
0xb9: {  	s3 =	sand.u32 $0x4000, s31;
	s1 =	sadd.s32 s1, s30  }
0xba: {  	s0 =	sor.u32 s3, s0;
	s1 =	sshll.u32 s1, $0x11  }
0xbb: {  	s0 =	sor.u32 s1, s0  }
0xbc: {  	s0 =	sadd.s32 $0x8F2B, s0  }
0xbd: {  	[sflag:s0] =	ssyncadd.remote.s32 $0x1  }
0xbe: {  	_ =	sfence.sel $0xFFFF  }
0xbf: {  	[dreg:$0x0] =	wrdreg $0xFFFFFFFF;
	(pc) =	sbr.abs _section_cstart, $3  }
0xc0: {  	[dreg:$0x1] =	wrdreg $0xFFFFFFFF  }
0xc1: {  	_ =	task.clear_ibuf [dreg:s6], $0x2FFFF;
	_ =	strace $0x9FFFFFFF  }
0xc2: {  	(tm) =	ssettm $0x7FFFFFFF  }
0xc3: {  	_ =	shalt  }
tec
execute0_lowered:
.L_overlay_start_1:
0x0: {  	(tag) =	ssettag $0x1  }
0x1: {  	s0 =	rddreg [dreg:$0x0]  }
0x2: {  	s2 =	rddreg [dreg:$0x1]  }
0x3: {  	s8 =	stileid.u32;
	s4 =	srdreg.scid  }
0x4: {  	s5 =	simm.s32 $0x0;
	s17 =	simm.s32 $0x9;
	s18 =	simm.s32 $0x80  }
0x5: {  	s19 =	simm.s32 $0x7400;
	s20 =	simm.s32 $0x1;
	s1 =	smul.u32 $0x3C0, s8  }
0x6: {  	s23 =	simm.s32 $0x8400;
	s28 =	simm.s32 $0x9400;
	s3 =	smul.u32 $0x640, s8  }
0x7: {  	s29 =	simm.s32 $0x3;
	s31 =	simm.s32 $0x5;
	s9 =	smul.u32 $0x5000, s8  }
0x8: {  	s30 =	simm.s32 $0x0;
	s16 =	sand.u32 $0x1, s4;
	s8 =	smul.u32 $0x14000, s8  }
0x9: {  	[smem:$0x7FF] =	sst s5;
	s4 =	sadd.s32 $0x4400, s0;
	s24 =	smul.u32 $0x50000, s16  }
0xa: {  	_ =	strace $0x8000004D;
	s6 =	ssub.s32 $0x2, s16;
	p0 =	sne.s32 s16, $0x0  }
0xb: {  	s16 =	simm.s32 $0x6400;
	s1 =	sadd.s32 s1, s0;
	s3 =	sadd.s32 s3, s0  }
0xc: {  	s7 =	sshrl.u32 s6, $0x1;
	s25 =	sshrl.u32 s8, $0x2;
	s5 =	sadd.s32 s9, s24  }
0xd: {  	s15 =	ssub.s32 s6, s7;
	s6 =	sadd.s32 $0x1DE00, s3;
	s7 =	sadd.s32 $0x24200, s1  }
0xe: {  	s8 =	sadd.s32 $0x80600, s1;
	s9 =	sadd.s32 s9, s2;
	s26 =	sadd.s32 s25, s2  }
.Ltmp0:
0xf: {  	s24 =	simm.s32 $0x2;
	s1 =	simm.s32 $0x6;
	(pc) =	sbr.rel .LBB2_1-.Ltmp0, $4  }
0x10: {  	s25 =	simm.s32 $0x7;
	s5 =	sshrl.u32 s5, $0x3;
	s10 =	sadd.s32 $0x1000, s26  }
0x11: {  	s11 =	sadd.s32 $0x2000, s26;
	s12 =	sadd.s32 $0x3000, s26;
	s13 =	sadd.s32 $0x4000, s26  }
0x12: {  	s15 =	smax.u32 s15, $0x1;
	s26 =	simm.s32 $0x8;
	s0 =	sadd.s32 s5, s0  }
0x13: {  	v0 =	vimm.f32 $0.0e+00;
	s5 =	sadd.s32 $0x7A200, s3;
	s3 =	simm.s32 $0x4;
	s14 =	sadd.s32 $0x4F000, s0  }
.LBB2_11:
0x14: {  	s0 =	sadd.s32 $0xE00, s0  }
.LBB2_12:
0x15: {  	_ =	swait.ge [sflag:s3], $0x1000  }
0x16: {  	s0 =	sshra.s32 s0, $0x2;
	[sflag:s3] =	ssyncset.done $0x0  }
0x17: {  	s0 =	sadd.s32 $0x3200, s0;
	[sflag:s3] =	ssyncadd.s32 $0xFFFFF000  }
0x18: {  	[spmem:s2] =	stream.indirect.scatter.add.f32 [tilespmem:s28], [sflag:$0x8], $0x20, s0, s18, $0xb8;
	[tilespmem:$0xF400] =	vst v63  }
0x19: {  	_ =	swait.ge [sflag:s31], $0x1000  }
0x1a: {  	[sflag:s31] =	ssyncset.done $0x0  }
0x1b: {  	[sflag:s31] =	ssyncadd.s32 $0xFFFFF000  }
0x1c: {  	_ =	swait.ge [sflag:s1], $0x1000  }
0x1d: {  	[sflag:s1] =	ssyncset.done $0x0  }
0x1e: {  	[sflag:s1] =	ssyncadd.s32 $0xFFFFF000  }
0x1f: {  	_ =	swait.ge [sflag:s25], $0x1000  }
0x20: {  	[sflag:s25] =	ssyncset.done $0x0  }
0x21: {  	[sflag:s25] =	ssyncadd.s32 $0xFFFFF000  }
0x22: {  	s22 =	stileid.u32;
	_ =	swait.ge [sflag:s26], $0x1000  }
0x23: {  	s21 =	sshrl.u32 s9, $0x3;
	s30 =	sadd.s32 $0x1, s30;
	[sflag:s26] =	ssyncset.done $0x0  }
0x24: {  	p1 =	sne.s32 s30, s15;
	s0 =	sshll.u32 s22, $0x6;
	[sflag:s26] =	ssyncadd.s32 $0xFFFFF000  }
.Ltmp1:
0x25: {  	s0 =	sor.u32 $0x1C09, s0;
	[bflag:$0x0] =	sbarrier.arrive $0xFFFF;
	(pc) =	sbr.rel @!p1 .LBB2_13-.Ltmp1, $4  }
0x26: {  	[hbm:s14], [sflag:s0] =	dma.local [spmem:s21], $0xA00  }
0x27: {  	_ =	swait.ge [sflag:s17], $0xA00  }
0x28: {  	[sflag:s17] =	ssyncset.done $0x0  }
0x29: {  	[sflag:s17] =	ssyncadd.s32 $0xFFFFF600  }
.LBB2_1:
0x2a: {  	s0 =	simm.s32 @p0 $0x0;
	s21 =	simm.s32 @p0 $0x9  }
0x2b: {  	[tilespmem:s0], [sflag:$0x9] =	stream.linear.gather @p0 [hbm4b:s5+s0], $0x3200, $0x38;
	[tilespmem:$0xF400] =	vst v63  }
0x2c: {  	_ =	swait.ge @p0 [sflag:s21], $0x3200  }
0x2d: {  	[sflag:s21] =	ssyncset.done @p0 $0x0  }
0x2e: {  	s22 =	simm.s32 @p0 $0x3200;
	[sflag:s21] =	ssyncadd.s32 @p0 $0xFFFFCE00  }
0x2f: {  	[tilespmem:s22], [sflag:$0x9] =	stream.linear.gather @p0 [hbm4b:s6+s0], $0x3200, $0x38;
	[tilespmem:$0xF400] =	vst v63  }
0x30: {  	_ =	swait.ge @p0 [sflag:s21], $0x3200  }
0x31: {  	[sflag:s21] =	ssyncset.done @p0 $0x0  }
0x32: {  	s0 =	simm.s32 @!p0 $0x0;
	[sflag:s21] =	ssyncadd.s32 @p0 $0xFFFFCE00;
	s21 =	simm.s32 @!p0 $0x9  }
0x33: {  	[tilespmem:s0], [sflag:$0x9] =	stream.linear.gather @!p0 [hbm4b:s7+s0], $0x1E00, $0x38;
	[tilespmem:$0xF400] =	vst v63  }
0x34: {  	_ =	swait.ge @!p0 [sflag:s21], $0x1E00  }
0x35: {  	[sflag:s21] =	ssyncset.done @!p0 $0x0  }
0x36: {  	s22 =	simm.s32 @!p0 $0x3200;
	[sflag:s21] =	ssyncadd.s32 @!p0 $0xFFFFE200  }
0x37: {  	[tilespmem:s22], [sflag:$0x9] =	stream.linear.gather @!p0 [hbm4b:s8+s0], $0x1E00, $0x38;
	[tilespmem:$0xF400] =	vst v63  }
0x38: {  	_ =	swait.ge @!p0 [sflag:s21], $0x1E00  }
0x39: {  	[sflag:s21] =	ssyncset.done @!p0 $0x0  }
0x3a: {  	s0 =	simm.s32 $0x80;
	[sflag:s21] =	ssyncadd.s32 @!p0 $0xFFFFE200;
	s21 =	simm.s32 $0x0  }
.LBB2_2:
0x3b: {  	p1 =	sne.s32 s0, $0x3F80;
	[tilespmem:s21+$0x6400] =	vst v0;
	s22 =	smov.u32 s0;
	s0 =	sadd.s32 $0x80, s0  }
.Ltmp2:
0x3c: {  	[tilespmem:s21+$0x6410] =	vst v0;
	(pc) =	sbr.rel @p1 .LBB2_2-.Ltmp2, $2  }
0x3d: {  	_ =	sdelay $0x2  }
0x3e: {  	s21 =	sshra.s32 s22, $0x2  }
0x3f: {  	[tilespmem:s21+$0x6400] =	vst v0  }
0x40: {  	[tilespmem:s21+$0x6410] =	vst v0  }
0x41: {  	[spmem:s9] =	stream.linear.scatter [tilespmem:s16], [sflag:$0x9], $0x1000, $0x38;
	[tilespmem:$0xF400] =	vst v63  }
0x42: {  	_ =	swait.ge [sflag:s17], $0x1000  }
0x43: {  	[sflag:s17] =	ssyncset.done $0x0  }
0x44: {  	[sflag:s17] =	ssyncadd.s32 $0xFFFFF000  }
0x45: {  	[spmem:s10] =	stream.linear.scatter [tilespmem:s16], [sflag:$0x9], $0x1000, $0x38;
	[tilespmem:$0xF400] =	vst v63  }
0x46: {  	_ =	swait.ge [sflag:s17], $0x1000  }
0x47: {  	[sflag:s17] =	ssyncset.done $0x0  }
0x48: {  	[sflag:s17] =	ssyncadd.s32 $0xFFFFF000  }
0x49: {  	[spmem:s11] =	stream.linear.scatter [tilespmem:s16], [sflag:$0x9], $0x1000, $0x38;
	[tilespmem:$0xF400] =	vst v63  }
0x4a: {  	_ =	swait.ge [sflag:s17], $0x1000  }
0x4b: {  	[sflag:s17] =	ssyncset.done $0x0  }
0x4c: {  	[sflag:s17] =	ssyncadd.s32 $0xFFFFF000  }
0x4d: {  	[spmem:s12] =	stream.linear.scatter [tilespmem:s16], [sflag:$0x9], $0x1000, $0x38;
	[tilespmem:$0xF400] =	vst v63  }
0x4e: {  	_ =	swait.ge [sflag:s17], $0x1000  }
0x4f: {  	[sflag:s17] =	ssyncset.done $0x0  }
0x50: {  	[sflag:s17] =	ssyncadd.s32 $0xFFFFF000  }
0x51: {  	[spmem:s13] =	stream.linear.scatter [tilespmem:s16], [sflag:$0x9], $0x1000, $0x38;
	[tilespmem:$0xF400] =	vst v63  }
0x52: {  	_ =	swait.ge [sflag:s17], $0x1000  }
0x53: {  	[sflag:s17] =	ssyncset.done $0x0  }
0x54: {  	[sflag:s17] =	ssyncadd.s32 $0xFFFFF000  }
0x55: {  	s0 =	simm.s32 $0x0;
	[bflag:$0x0] =	sbarrier.arrive $0xFFFF  }
0x56: {  	[tilespmem:s16], [sflag:$0x1] =	stream.indirect.gather [hbm4b:s4+s18], $0x20, s0, s18, $0xb8;
	[tilespmem:$0xF400] =	vst v63  }
0x57: {  	_ = 	snop  }
0x58: {  	[tilespmem:s19], [sflag:$0x2] =	stream.indirect.gather [hbm4b:s4+s18], $0x20, s18, s18, $0xb8;
	[tilespmem:$0xF400] =	vst v63  }
.Ltmp3:
0x59: {  	_ = 	snop;
	(pc) =	sbr.rel @p0 .LBB2_7-.Ltmp3, $4  }
0x5a: {  	_ =	swait.ge [sflag:s20], $0x1000  }
0x5b: {  	[sflag:s20] =	ssyncset.done $0x0  }
0x5c: {  	s22 =	simm.s32 $0x3200;
	s0 =	simm.s32 $0x100;
	[sflag:s20] =	ssyncadd.s32 $0xFFFFF000  }
0x5d: {  	[spmem:s2] =	stream.indirect.scatter.add.f32 [tilespmem:s16], [sflag:$0x5], $0x20, s22, s18, $0xb8;
	[tilespmem:$0xF400] =	vst v63  }
0x5e: {  	[tilespmem:s23], [sflag:$0x3] =	stream.indirect.gather [hbm4b:s4+s18], $0x20, s0, s18, $0xb8;
	[tilespmem:$0xF400] =	vst v63  }
0x5f: {  	_ =	swait.ge [sflag:s24], $0x1000  }
0x60: {  	[sflag:s24] =	ssyncset.done $0x0  }
0x61: {  	s21 =	simm.s32 $0x3280;
	[sflag:s24] =	ssyncadd.s32 $0xFFFFF000  }
0x62: {  	[spmem:s2] =	stream.indirect.scatter.add.f32 [tilespmem:s19], [sflag:$0x6], $0x20, s21, s18, $0xb8;
	[tilespmem:$0xF400] =	vst v63  }
0x63: {  	s22 =	simm.s32 $0x180  }
0x64: {  	[tilespmem:s28], [sflag:$0x4] =	stream.indirect.gather [hbm4b:s4+s18], $0x20, s22, s18, $0xb8;
	[tilespmem:$0xF400] =	vst v63  }
0x65: {  	_ =	swait.ge [sflag:s29], $0x1000  }
0x66: {  	[sflag:s29] =	ssyncset.done $0x0  }
0x67: {  	s21 =	simm.s32 $0x3300;
	[sflag:s29] =	ssyncadd.s32 $0xFFFFF000  }
0x68: {  	[spmem:s2] =	stream.indirect.scatter.add.f32 [tilespmem:s23], [sflag:$0x7], $0x20, s21, s18, $0xb8;
	[tilespmem:$0xF400] =	vst v63  }
0x69: {  	_ =	swait.ge [sflag:s31], $0x1000  }
0x6a: {  	[sflag:s31] =	ssyncset.done $0x0  }
0x6b: {  	s22 =	simm.s32 $0x200;
	[sflag:s31] =	ssyncadd.s32 $0xFFFFF000  }
0x6c: {  	[tilespmem:s16], [sflag:$0x1] =	stream.indirect.gather [hbm4b:s4+s18], $0x20, s22, s18, $0xb8;
	[tilespmem:$0xF400] =	vst v63  }
0x6d: {  	_ =	swait.ge [sflag:s3], $0x1000  }
0x6e: {  	[sflag:s3] =	ssyncset.done $0x0  }
0x6f: {  	s21 =	simm.s32 $0x3380;
	[sflag:s3] =	ssyncadd.s32 $0xFFFFF000  }
0x70: {  	[spmem:s2] =	stream.indirect.scatter.add.f32 [tilespmem:s28], [sflag:$0x8], $0x20, s21, s18, $0xb8;
	[tilespmem:$0xF400] =	vst v63  }
0x71: {  	_ =	swait.ge [sflag:s1], $0x1000  }
0x72: {  	[sflag:s1] =	ssyncset.done $0x0  }
0x73: {  	s0 =	simm.s32 $0x0;
	s22 =	simm.s32 $0x280;
	[sflag:s1] =	ssyncadd.s32 $0xFFFFF000  }
0x74: {  	[tilespmem:s19], [sflag:$0x2] =	stream.indirect.gather [hbm4b:s4+s18], $0x20, s22, s18, $0xb8;
	[tilespmem:$0xF400] =	vst v63  }
.LBB2_5:
0x75: {  	_ =	swait.ge [sflag:s20], $0x1000  }
0x76: {  	s21 =	sshra.s32 s0, $0x2;
	[sflag:s20] =	ssyncset.done $0x0  }
0x77: {  	s22 =	sadd.s32 $0x3400, s21;
	[sflag:s20] =	ssyncadd.s32 $0xFFFFF000  }
0x78: {  	[spmem:s2] =	stream.indirect.scatter.add.f32 [tilespmem:s16], [sflag:$0x5], $0x20, s22, s18, $0xb8;
	[tilespmem:$0xF400] =	vst v63  }
0x79: {  	_ =	swait.ge [sflag:s25], $0x1000  }
0x7a: {  	[sflag:s25] =	ssyncset.done $0x0  }
0x7b: {  	s22 =	sadd.s32 $0x300, s21;
	[sflag:s25] =	ssyncadd.s32 $0xFFFFF000  }
0x7c: {  	[tilespmem:s23], [sflag:$0x3] =	stream.indirect.gather [hbm4b:s4+s18], $0x20, s22, s18, $0xb8;
	[tilespmem:$0xF400] =	vst v63  }
0x7d: {  	_ =	swait.ge [sflag:s24], $0x1000  }
0x7e: {  	[sflag:s24] =	ssyncset.done $0x0  }
0x7f: {  	s22 =	sadd.s32 $0x3480, s21;
	[sflag:s24] =	ssyncadd.s32 $0xFFFFF000  }
0x80: {  	[spmem:s2] =	stream.indirect.scatter.add.f32 [tilespmem:s19], [sflag:$0x6], $0x20, s22, s18, $0xb8;
	[tilespmem:$0xF400] =	vst v63  }
0x81: {  	_ =	swait.ge [sflag:s26], $0x1000  }
0x82: {  	[sflag:s26] =	ssyncset.done $0x0  }
0x83: {  	p1 =	seq.s32 s0, $0x6800;
	s22 =	sadd.s32 $0x380, s21;
	[sflag:s26] =	ssyncadd.s32 $0xFFFFF000  }
0x84: {  	[tilespmem:s28], [sflag:$0x4] =	stream.indirect.gather [hbm4b:s4+s18], $0x20, s22, s18, $0xb8;
	[tilespmem:$0xF400] =	vst v63  }
.Ltmp4:
0x85: {  	_ = 	snop;
	(pc) =	sbr.rel @p1 .LBB2_10-.Ltmp4, $4  }
0x86: {  	_ =	swait.ge [sflag:s29], $0x1000  }
0x87: {  	[sflag:s29] =	ssyncset.done $0x0  }
0x88: {  	s22 =	sadd.s32 $0x3500, s21;
	[sflag:s29] =	ssyncadd.s32 $0xFFFFF000  }
0x89: {  	[spmem:s2] =	stream.indirect.scatter.add.f32 [tilespmem:s23], [sflag:$0x7], $0x20, s22, s18, $0xb8;
	[tilespmem:$0xF400] =	vst v63  }
0x8a: {  	_ =	swait.ge [sflag:s31], $0x1000  }
0x8b: {  	[sflag:s31] =	ssyncset.done $0x0  }
0x8c: {  	s22 =	sadd.s32 $0x400, s21;
	[sflag:s31] =	ssyncadd.s32 $0xFFFFF000  }
0x8d: {  	[tilespmem:s16], [sflag:$0x1] =	stream.indirect.gather [hbm4b:s4+s18], $0x20, s22, s18, $0xb8;
	[tilespmem:$0xF400] =	vst v63  }
0x8e: {  	_ =	swait.ge [sflag:s3], $0x1000  }
0x8f: {  	[sflag:s3] =	ssyncset.done $0x0  }
0x90: {  	s22 =	sadd.s32 $0x3580, s21;
	[sflag:s3] =	ssyncadd.s32 $0xFFFFF000  }
0x91: {  	[spmem:s2] =	stream.indirect.scatter.add.f32 [tilespmem:s28], [sflag:$0x8], $0x20, s22, s18, $0xb8;
	[tilespmem:$0xF400] =	vst v63  }
.Ltmp5:
0x92: {  	_ = 	snop;
	(pc) =	sbr.rel .LBB2_5-.Ltmp5, $4  }
0x93: {  	_ =	swait.ge [sflag:s1], $0x1000  }
0x94: {  	[sflag:s1] =	ssyncset.done $0x0  }
0x95: {  	s0 =	sadd.s32 $0x800, s0;
	s22 =	sadd.s32 $0x480, s21;
	[sflag:s1] =	ssyncadd.s32 $0xFFFFF000  }
0x96: {  	[tilespmem:s19], [sflag:$0x2] =	stream.indirect.gather [hbm4b:s4+s18], $0x20, s22, s18, $0xb8;
	[tilespmem:$0xF400] =	vst v63  }
.LBB2_7:
0x97: {  	[tilespmem:s23], [sflag:$0x3] =	stream.indirect.gather [hbm4b:s4+s18], $0x20, s0, s18, $0xb8;
	[tilespmem:$0xF400] =	vst v63  }
0x98: {  	_ =	swait.ge [sflag:s24], $0x1000  }
0x99: {  	[sflag:s24] =	ssyncset.done $0x0  }
0x9a: {  	s21 =	simm.s32 $0x3280;
	[sflag:s24] =	ssyncadd.s32 $0xFFFFF000  }
0x9b: {  	[spmem:s2] =	stream.indirect.scatter.add.f32 [tilespmem:s19], [sflag:$0x6], $0x20, s21, s18, $0xb8;
	[tilespmem:$0xF400] =	vst v63  }
0x9c: {  	s22 =	simm.s32 $0x180  }
0x9d: {  	[tilespmem:s28], [sflag:$0x4] =	stream.indirect.gather [hbm4b:s4+s18], $0x20, s22, s18, $0xb8;
	[tilespmem:$0xF400] =	vst v63  }
0x9e: {  	_ =	swait.ge [sflag:s29], $0x1000  }
0x9f: {  	[sflag:s29] =	ssyncset.done $0x0  }
0xa0: {  	s21 =	simm.s32 $0x3300;
	[sflag:s29] =	ssyncadd.s32 $0xFFFFF000  }
0xa1: {  	[spmem:s2] =	stream.indirect.scatter.add.f32 [tilespmem:s23], [sflag:$0x7], $0x20, s21, s18, $0xb8;
	[tilespmem:$0xF400] =	vst v63  }
0xa2: {  	_ =	swait.ge [sflag:s31], $0x1000  }
0xa3: {  	[sflag:s31] =	ssyncset.done $0x0  }
0xa4: {  	s22 =	simm.s32 $0x200;
	[sflag:s31] =	ssyncadd.s32 $0xFFFFF000  }
0xa5: {  	[tilespmem:s16], [sflag:$0x1] =	stream.indirect.gather [hbm4b:s4+s18], $0x20, s22, s18, $0xb8;
	[tilespmem:$0xF400] =	vst v63  }
0xa6: {  	_ =	swait.ge [sflag:s3], $0x1000  }
0xa7: {  	[sflag:s3] =	ssyncset.done $0x0  }
0xa8: {  	s21 =	simm.s32 $0x3380;
	[sflag:s3] =	ssyncadd.s32 $0xFFFFF000  }
0xa9: {  	[spmem:s2] =	stream.indirect.scatter.add.f32 [tilespmem:s28], [sflag:$0x8], $0x20, s21, s18, $0xb8;
	[tilespmem:$0xF400] =	vst v63  }
0xaa: {  	_ =	swait.ge [sflag:s1], $0x1000  }
0xab: {  	[sflag:s1] =	ssyncset.done $0x0  }
0xac: {  	s0 =	simm.s32 $0x0;
	s22 =	simm.s32 $0x280;
	[sflag:s1] =	ssyncadd.s32 $0xFFFFF000  }
0xad: {  	[tilespmem:s19], [sflag:$0x2] =	stream.indirect.gather [hbm4b:s4+s18], $0x20, s22, s18, $0xb8;
	[tilespmem:$0xF400] =	vst v63  }
.LBB2_8:
0xae: {  	_ =	swait.ge [sflag:s20], $0x1000  }
0xaf: {  	s21 =	sshra.s32 s0, $0x2;
	[sflag:s20] =	ssyncset.done $0x0  }
0xb0: {  	s22 =	sadd.s32 $0x3400, s21;
	[sflag:s20] =	ssyncadd.s32 $0xFFFFF000  }
0xb1: {  	[spmem:s2] =	stream.indirect.scatter.add.f32 [tilespmem:s16], [sflag:$0x5], $0x20, s22, s18, $0xb8;
	[tilespmem:$0xF400] =	vst v63  }
0xb2: {  	_ =	swait.ge [sflag:s25], $0x1000  }
0xb3: {  	[sflag:s25] =	ssyncset.done $0x0  }
0xb4: {  	s22 =	sadd.s32 $0x300, s21;
	[sflag:s25] =	ssyncadd.s32 $0xFFFFF000  }
0xb5: {  	[tilespmem:s23], [sflag:$0x3] =	stream.indirect.gather [hbm4b:s4+s18], $0x20, s22, s18, $0xb8;
	[tilespmem:$0xF400] =	vst v63  }
0xb6: {  	_ =	swait.ge [sflag:s24], $0x1000  }
0xb7: {  	[sflag:s24] =	ssyncset.done $0x0  }
0xb8: {  	s22 =	sadd.s32 $0x3480, s21;
	[sflag:s24] =	ssyncadd.s32 $0xFFFFF000  }
0xb9: {  	[spmem:s2] =	stream.indirect.scatter.add.f32 [tilespmem:s19], [sflag:$0x6], $0x20, s22, s18, $0xb8;
	[tilespmem:$0xF400] =	vst v63  }
0xba: {  	_ =	swait.ge [sflag:s26], $0x1000  }
0xbb: {  	[sflag:s26] =	ssyncset.done $0x0  }
0xbc: {  	p1 =	seq.s32 s0, $0xB800;
	s22 =	sadd.s32 $0x380, s21;
	[sflag:s26] =	ssyncadd.s32 $0xFFFFF000  }
0xbd: {  	[tilespmem:s28], [sflag:$0x4] =	stream.indirect.gather [hbm4b:s4+s18], $0x20, s22, s18, $0xb8;
	[tilespmem:$0xF400] =	vst v63  }
.Ltmp6:
0xbe: {  	_ = 	snop;
	(pc) =	sbr.rel @p1 .LBB2_11-.Ltmp6, $4  }
0xbf: {  	_ =	swait.ge [sflag:s29], $0x1000  }
0xc0: {  	[sflag:s29] =	ssyncset.done $0x0  }
0xc1: {  	s22 =	sadd.s32 $0x3500, s21;
	[sflag:s29] =	ssyncadd.s32 $0xFFFFF000  }
0xc2: {  	[spmem:s2] =	stream.indirect.scatter.add.f32 [tilespmem:s23], [sflag:$0x7], $0x20, s22, s18, $0xb8;
	[tilespmem:$0xF400] =	vst v63  }
0xc3: {  	_ =	swait.ge [sflag:s31], $0x1000  }
0xc4: {  	[sflag:s31] =	ssyncset.done $0x0  }
0xc5: {  	s22 =	sadd.s32 $0x400, s21;
	[sflag:s31] =	ssyncadd.s32 $0xFFFFF000  }
0xc6: {  	[tilespmem:s16], [sflag:$0x1] =	stream.indirect.gather [hbm4b:s4+s18], $0x20, s22, s18, $0xb8;
	[tilespmem:$0xF400] =	vst v63  }
0xc7: {  	_ =	swait.ge [sflag:s3], $0x1000  }
0xc8: {  	[sflag:s3] =	ssyncset.done $0x0  }
0xc9: {  	s22 =	sadd.s32 $0x3580, s21;
	[sflag:s3] =	ssyncadd.s32 $0xFFFFF000  }
0xca: {  	[spmem:s2] =	stream.indirect.scatter.add.f32 [tilespmem:s28], [sflag:$0x8], $0x20, s22, s18, $0xb8;
	[tilespmem:$0xF400] =	vst v63  }
.Ltmp7:
0xcb: {  	_ = 	snop;
	(pc) =	sbr.rel .LBB2_8-.Ltmp7, $4  }
0xcc: {  	_ =	swait.ge [sflag:s1], $0x1000  }
0xcd: {  	[sflag:s1] =	ssyncset.done $0x0  }
0xce: {  	s0 =	sadd.s32 $0x800, s0;
	s22 =	sadd.s32 $0x480, s21;
	[sflag:s1] =	ssyncadd.s32 $0xFFFFF000  }
0xcf: {  	[tilespmem:s19], [sflag:$0x2] =	stream.indirect.gather [hbm4b:s4+s18], $0x20, s22, s18, $0xb8;
	[tilespmem:$0xF400] =	vst v63  }
.LBB2_10:
.Ltmp8:
0xd0: {  	(pc) =	sbr.rel .LBB2_12-.Ltmp8, $2  }
0xd1: {  	_ =	sdelay $0x2  }
0xd2: {  	s0 =	sadd.s32 $0xE00, s0  }
.LBB2_13:
0xd3: {  	_ =	sfence.sel $0x180000  }
0xd4: {  	[bflag:$0x0] =	sbarrier.arrive $0xFFFF  }
0xd5: {  	_ =	strace $0x9000004D  }
0xd6: {  	s0 =	stileid.u32;
	[bflag:$0x2] =	sbarrier.arrive $0xFFFF  }
0xd7: {  	p0 =	sne.s32 s0, $0x0;
	s0 =	rddreg [dreg:$0x2]  }
0xd8: {  	s0 =	sadd.s32 @!p0 $0x100000, s0  }
0xd9: {  	[sflag:s0] =	ssyncadd.tile.s32 @!p0 $0x1;
	_ =	shalt  }
.Lfunc_end2:
_tile_overlayer_lowered:
.L_overlay_start_2:
0xda: {  	(tag) =	ssettag $0x2  }
0xdb: {  	s0 =	rddreg [dreg:$0x0];
	s2 =	stileid.u32  }
0xdc: {  	s1 =	rddreg [dreg:$0x1];
	p0 =	sne.s32 s2, $0x0  }
0xdd: {  	s3 =	rddreg [dreg:$0x2];
	[bflag:$0x3] =	sbarrier.arrive $0xFFFF;
	s2 =	simm.s32 @!p0 $0x1C09  }
0xde: {  	[timem:s3], [sflag:s2] =	dma.local @!p0 [hbm:s0], s1  }
0xdf: {  	s0 =	simm.s32 @!p0 $0x9  }
0xe0: {  	_ =	swait.ge @!p0 [sflag:s0], s1  }
0xe1: {  	s1 =	ssub.s32 @!p0 $0x0, s1;
	[sflag:s0] =	ssyncset.done @!p0 $0x0  }
0xe2: {  	[sflag:s0] =	ssyncadd.s32 @!p0 s1  }
0xe3: {  	[bflag:$0x3] =	sbarrier.arrive $0xFFFF  }
0xe4: {  	_ =	shalt  }

// kernel: kernel.9.cloned.1.call-start
scs
__scs_entry_jumppad:
0x0: {  	(pc) =	sbr.rel $0x88, $3  }
0x1: {  	(tag) =	ssettag $0x0;
	lr =	simm.s32 $0x1  }
0x2: {  	[smem:$0x3F94] =	sst lr;
	_ =	strace $0xD0000000  }
0x3: {  	_ = 	snop  }
0x4: {  	_ = 	snop  }
0x5: {  	_ = 	snop  }
0x6: {  	_ = 	snop  }
0x7: {  	_ = 	snop  }
__scs_overlays_trampoline_lowered:
0x8: {  	[smem:$0x3FA3] =	sst s0  }
0x9: {  	[smem:$0x3FA4] =	sst s1  }
0xa: {  	[smem:$0x3FA5] =	sst s2  }
0xb: {  	[smem:$0x3FA6] =	sst s3  }
0xc: {  	[smem:$0x3FA7] =	sst s4  }
0xd: {  	[smem:$0x3FA8] =	sst s5  }
0xe: {  	[smem:$0x3FA9] =	sst s6  }
0xf: {  	[smem:$0x3FAA] =	sst s7  }
0x10: {  	[smem:$0x3FAB] =	sst s8  }
0x11: {  	[smem:$0x3FAC] =	sst s9;
	s0 =	simm.s32 @!p0 $0x0  }
0x12: {  	s1 =	sld [smem:$0x3F92];
	s0 =	simm.s32 @p0 $0x1  }
0x13: {  	[smem:$0x3FAD] =	sst s0;
	s0 =	simm.s32 @!p1 $0x0  }
0x14: {  	s2 =	sld [smem:$0x3F91];
	s0 =	simm.s32 @p1 $0x1  }
0x15: {  	[smem:$0x3FAE] =	sst s0;
	s0 =	simm.s32 @!p2 $0x0  }
0x16: {  	s3 =	sld [smem:$0x3FDB];
	s0 =	simm.s32 @p2 $0x1  }
0x17: {  	s4 =	simm.s32 $0x1BF5;
	[smem:$0x3FB0] =	sst s0  }
0x18: {  	s0 =	sld [smem:$0x3F93];
	_ =	swait.ge [sflag:s4], $0x0  }
0x19: {  	s7 =	sld [smem:$0x3F94]  }
0x1a: {  	s8 =	sadd.s32 $0xFFFFE003, lr  }
0x1b: {  	s9 =	sadd.s32 $0xFFFFFEF7, lr;
	s5 =	simm.s32 $0xFFFFFFFF;
	p2 =	slt.u32 s8, $0xFFFFF086  }
0x1c: {  	p1 =	slt.u32 s9, $0xF7A;
	s5 =	simm.s32 @!p2 $0x0  }
0x1d: {  	s5 =	simm.s32 @p1 $0x1;
	p0 =	seq.s32 s7, s2  }
0x1e: {  	s7 =	smul.u32 @!p0 $0xF7A, s2;
	p2 =	seq.s32 @!p0 s5, $0x0  }
0x1f: {  	s9 =	smul.u32 $0xF7A, s1;
	s8 =	simm.s32 @!p0 $0x1BF5;
	p2 =	por !p2, p0  }
0x20: {  	[sflag:s8] =	ssyncset.s32 @!p0 $0xFFFFF086;
	s6 =	sadd.s32 @!p0 s3, s7;
	s7 =	simm.s32 @!p0 $0x108  }
0x21: {  	s3 =	sadd.s32 s3, s9;
	s6 =	sadd.s32 @!p0 $0x88, s6;
	s7 =	simm.s32 @p2 $0x1082  }
0x22: {  	[simem:s7], [sflag:s8] =	dma.local @!p0 [hbm:s6], $0xF7A  }
0x23: {  	s9 =	sor.u32 $0xD0000000, s2;
	s6 =	simm.s32 $0x108;
	_ =	swait.ge @!p0 [sflag:s8], $0x0  }
0x24: {  	s3 =	sadd.s32 $0x88, s3;
	s6 =	simm.s32 @!p1 $0x1082;
	[sflag:s4] =	ssyncset.s32 $0xFFFFF086  }
0x25: {  	[simem:s6], [sflag:s4] =	dma.local [hbm:s3], $0xF7A  }
0x26: {  	[smem:$0x3F94] =	sst s1;
	(tag) =	ssettag s2;
	_ =	strace s9  }
0x27: {  	s1 =	sld [smem:$0x3FA4]  }
0x28: {  	s2 =	sld [smem:$0x3FA5]  }
0x29: {  	s4 =	sld [smem:$0x3FA7]  }
0x2a: {  	p0 =	seq.s32 s5, $0x0;
	s5 =	sld [smem:$0x3FA8]  }
0x2b: {  	s6 =	sld [smem:$0x3FA9]  }
0x2c: {  	s7 =	sld [smem:$0x3FAA]  }
0x2d: {  	s3 =	simm.s32 $0x108;
	s8 =	sld [smem:$0x3FAB]  }
0x2e: {  	s3 =	simm.s32 @!p0 $0x1082;
	s9 =	sld [smem:$0x3FAC]  }
0x2f: {  	lr =	sadd.s32 s0, s3;
	s0 =	sld [smem:$0x3FA3]  }
0x30: {  	s3 =	sld [smem:$0x3FA6]  }
0x31: {  	[smem:$0x3FAF] =	sst s10  }
0x32: {  	s10 =	sld [smem:$0x3FAD];
	_ =	sdelay $0x3  }
0x33: {  	p0 =	seq.s32 s10, $0x1;
	s10 =	sld [smem:$0x3FAF];
	_ =	sdelay $0x3  }
0x34: {  	[smem:$0x3FAF] =	sst s10  }
0x35: {  	s10 =	sld [smem:$0x3FAE];
	_ =	sdelay $0x3  }
0x36: {  	p1 =	seq.s32 s10, $0x1;
	s10 =	sld [smem:$0x3FAF];
	_ =	sdelay $0x3  }
0x37: {  	[smem:$0x3FAF] =	sst s10  }
0x38: {  	s10 =	sld [smem:$0x3FB0]  }
0x39: {  	_ = 	snop;
	(pc) =	sbr.ind lr, $3  }
0x3a: {  	_ = 	snop  }
0x3b: {  	_ = 	snop  }
0x3c: {  	p2 =	seq.s32 s10, $0x1;
	s10 =	sld [smem:$0x3FAF]  }
0x3d: {  	_ =	shalt  }
0x3e: {  	_ =	shalt  }
0x3f: {  	_ =	shalt  }
0x40: {  	_ =	shalt  }
0x41: {  	_ =	shalt  }
0x42: {  	_ =	shalt  }
0x43: {  	_ =	shalt  }
0x44: {  	_ =	shalt  }
0x45: {  	_ =	shalt  }
0x46: {  	_ =	shalt  }
0x47: {  	_ =	shalt  }
0x48: {  	_ =	shalt  }
0x49: {  	_ =	shalt  }
0x4a: {  	_ =	shalt  }
0x4b: {  	_ =	shalt  }
0x4c: {  	_ =	shalt  }
0x4d: {  	_ =	shalt  }
0x4e: {  	_ =	shalt  }
0x4f: {  	_ =	shalt  }
0x50: {  	_ =	shalt  }
0x51: {  	_ =	shalt  }
0x52: {  	_ =	shalt  }
0x53: {  	_ =	shalt  }
0x54: {  	_ =	shalt  }
0x55: {  	_ =	shalt  }
0x56: {  	_ =	shalt  }
0x57: {  	_ =	shalt  }
0x58: {  	_ =	shalt  }
0x59: {  	_ =	shalt  }
0x5a: {  	_ =	shalt  }
0x5b: {  	_ =	shalt  }
0x5c: {  	_ =	shalt  }
0x5d: {  	_ =	shalt  }
0x5e: {  	_ =	shalt  }
0x5f: {  	_ =	shalt  }
0x60: {  	_ =	shalt  }
0x61: {  	_ =	shalt  }
0x62: {  	_ =	shalt  }
0x63: {  	_ =	shalt  }
0x64: {  	_ =	shalt  }
0x65: {  	_ =	shalt  }
0x66: {  	_ =	shalt  }
0x67: {  	_ =	shalt  }
0x68: {  	_ =	shalt  }
0x69: {  	_ =	shalt  }
0x6a: {  	_ =	shalt  }
0x6b: {  	_ =	shalt  }
0x6c: {  	_ =	shalt  }
0x6d: {  	_ =	shalt  }
0x6e: {  	_ =	shalt  }
0x6f: {  	_ =	shalt  }
0x70: {  	_ =	shalt  }
0x71: {  	_ =	shalt  }
0x72: {  	_ =	shalt  }
0x73: {  	_ =	shalt  }
0x74: {  	_ =	shalt  }
0x75: {  	_ =	shalt  }
0x76: {  	_ =	shalt  }
0x77: {  	_ =	shalt  }
0x78: {  	_ =	shalt  }
0x79: {  	_ =	shalt  }
0x7a: {  	_ =	shalt  }
0x7b: {  	_ =	shalt  }
0x7c: {  	_ =	shalt  }
0x7d: {  	_ =	shalt  }
0x7e: {  	_ =	shalt  }
0x7f: {  	_ =	shalt  }
0x80: {  	_ =	shalt  }
0x81: {  	_ =	shalt  }
0x82: {  	_ =	shalt  }
0x83: {  	_ =	shalt  }
0x84: {  	_ =	shalt  }
0x85: {  	_ =	shalt  }
0x86: {  	_ =	shalt  }
0x87: {  	_ =	shalt  }
.Lfunc_end0:
.L_simem_size_0:
called_computation_lowered:
.L_overlay_start_0:
0x88: {  	s2 =	sld [smem:$0x3FD9]  }
0x89: {  	s3 =	sld [smem:$0x3FFE];
	_ =	sdelay $0x1  }
0x8a: {  	s1 =	srdreg.scid  }
0x8b: {  	s0 =	sand.u32 $0x1, s1  }
0x8c: {  	s16 =	sshll.u32 s0, $0xA;
	s2 =	sadd.s32 s3, s2  }
0x8d: {  	s2 =	sadd.s32 s2, s16  }
0x8e: {  	[smem:$0x3FBB] =	sst s2  }
0x8f: {  	_ = 	snop  }
0x90: {  	(tm) =	ssettm $0x1  }
0x91: {  	s17 =	sld [smem:$0x3FFB];
	_ =	sdelay $0x3  }
0x92: {  	_ =	strace s17  }
0x93: {  	s2 =	sld [smem:$0x3FFC];
	_ =	sdelay $0x3  }
0x94: {  	_ =	strace s2  }
0x95: {  	s2 =	sld [smem:$0x3FFD];
	_ =	sdelay $0x3  }
0x96: {  	_ =	strace s2  }
0x97: {  	_ =	strace $0x8FFFFFFF  }
0x98: {  	s18 =	sld [smem:$0x3FDB];
	_ =	sdelay $0x1  }
0x99: {  	s19 =	simm.s32 $_scs_section_size  }
0x9a: {  	s4 =	simm.s32 $_size__tile_overlayer_lowered;
	s5 =	simm.s32 $_tile_overlayer_lowered  }
0x9b: {  	s22 =	simm.s32 $0x1BFF;
	s21 =	sshll.u32 s5, $0x1;
	s2 =	sadd.s32 s19, s18  }
0x9c: {  	s6 =	simm.s32 $0x0;
	s20 =	sshll.u32 s4, $0x1;
	s4 =	sadd.s32 s21, s2  }
0x9d: {  	[timem:s6], [sflag:s22] =	dma.local [hbm:s4], s20  }
0x9e: {  	_ =	swait.ge [sflag:s22], s20  }
0x9f: {  	s3 =	ssub.s32 $0x0, s20;
	[sflag:s22] =	ssyncset.done $0x0  }
0xa0: {  	[sflag:s22] =	ssyncadd.s32 s3;
	_ =	sdelay $0x1  }
0xa1: {  	s23 =	simm.s32 $0x1B8B  }
0xa2: {  	_ =	swait.ge [sflag:s23], $0x1  }
0xa3: {  	[sflag:s23] =	ssyncset.done $0x0  }
0xa4: {  	s25 =	simm.s32 $0x1B8E;
	s24 =	sld [smem:$0x3FFE];
	[sflag:s23] =	ssyncadd.s32 $0xFFFFFFFF  }
0xa5: {  	s26 =	simm.s32 $execute0_lowered;
	[smem:$0x3FD2] =	sst s25  }
0xa6: {  	s4 =	sshll.u32 s26, $0x1;
	_ =	strace $0x80000046;
	[dreg:$0x1] =	wrdreg $0xFFFFFFFF  }
0xa7: {  	s28 =	simm.s32 $_size_execute0_lowered;
	s2 =	sadd.s32 s2, s4;
	[dreg:$0x0] =	wrdreg $0x0  }
0xa8: {  	s4 =	sshll.u32 s28, $0x1;
	[dreg:$0x2] =	wrdreg s2  }
0xa9: {  	[dreg:$0x3] =	wrdreg s4  }
0xaa: {  	[dreg:$0x4] =	wrdreg $0xC0  }
0xab: {  	_ =	task [dreg:s6], $0x5FFFF  }
0xac: {  	[dreg:$0x1] =	wrdreg $0xFFFFFFFF  }
0xad: {  	[dreg:$0x0] =	wrdreg $0x60  }
0xae: {  	[dreg:$0x2] =	wrdreg s24  }
0xaf: {  	[dreg:$0x3] =	wrdreg $0xF0000  }
0xb0: {  	[dreg:$0x4] =	wrdreg $0x1A0000  }
0xb1: {  	[dreg:$0x5] =	wrdreg $0x9  }
0xb2: {  	_ =	task.clear_ibuf [dreg:s6], $0x6FFFF;
	_ =	strace $0x90000046  }
0xb3: {  	s29 =	simm.s32 $0x9;
	_ =	strace $0x80000048  }
0xb4: {  	_ =	swait.ge [sflag:s29], $0x1  }
0xb5: {  	[sflag:s29] =	ssyncadd.s32 $0xFFFFFFFF  }
0xb6: {  	_ =	strace $0x90000048  }
0xb7: {  	_ =	sfence  }
0xb8: {  	s30 =	sld [smem:$0x0];
	_ =	sdelay $0x2  }
0xb9: {  	s31 =	sshll.u32 s1, $0xD;
	s1 =	sshrl.u32 s1, $0x2  }
0xba: {  	s3 =	sand.u32 $0x4000, s31;
	s1 =	sadd.s32 s1, s30  }
0xbb: {  	s0 =	sor.u32 s3, s0;
	s1 =	sshll.u32 s1, $0x11  }
0xbc: {  	s0 =	sor.u32 s1, s0  }
0xbd: {  	s0 =	sadd.s32 $0x8F2B, s0  }
0xbe: {  	[sflag:s0] =	ssyncadd.remote.s32 $0x1  }
0xbf: {  	_ =	sfence.sel $0xFFFF  }
0xc0: {  	[dreg:$0x0] =	wrdreg $0xFFFFFFFF;
	(pc) =	sbr.abs _section_cstart, $3  }
0xc1: {  	[dreg:$0x1] =	wrdreg $0xFFFFFFFF  }
0xc2: {  	_ =	task.clear_ibuf [dreg:s6], $0x2FFFF;
	_ =	strace $0x9FFFFFFF  }
0xc3: {  	(tm) =	ssettm $0x7FFFFFFF  }
tec
execute0_lowered:
.L_overlay_start_1:
0x0: {  	(tag) =	ssettag $0x1  }
0x1: {  	s0 =	rddreg [dreg:$0x0]  }
0x2: {  	s2 =	rddreg [dreg:$0x1];
	s13 =	stileid.u32  }
0x3: {  	s3 =	rddreg [dreg:$0x2];
	s1 =	smul.u32 $0x300, s13  }
0x4: {  	s5 =	srdreg.scid;
	s4 =	smul.u32 $0x700, s13  }
0x5: {  	s8 =	simm.s32 $0x0;
	s28 =	simm.s32 $0x9000;
	s7 =	smul.u32 $0xA000, s13  }
0x6: {  	s29 =	simm.s32 $0x1;
	s30 =	simm.s32 $0x3800;
	s9 =	smul.u32 $0x2800, s13  }
0x7: {  	s31 =	simm.s32 $0x19000;
	s6 =	sand.u32 $0x1, s5;
	s13 =	smul.u32 $0x280, s13  }
0x8: {  	[smem:$0x7FF] =	sst s8;
	s5 =	sadd.s32 $0x31600, s0;
	s12 =	smul.u32 $0xA0000, s6  }
0x9: {  	_ =	strace $0x80000047;
	s10 =	smul.u32 $0x28000, s6;
	s11 =	ssub.s32 $0x2, s6  }
0xa: {  	p0 =	sne.s32 s6, $0x0;
	s6 =	simm.s32 $0xD000;
	s1 =	sadd.s32 s1, s0  }
0xb: {  	s4 =	sadd.s32 s4, s0;
	s16 =	sadd.s32 $0x80, s13;
	s18 =	sadd.s32 $0x100, s13  }
0xc: {  	s19 =	sadd.s32 $0x180, s13;
	s13 =	sadd.s32 $0x200, s13;
	s8 =	sadd.s32 s7, s12  }
0xd: {  	s10 =	sadd.s32 s9, s10;
	s12 =	sshrl.u32 s11, $0x1;
	s14 =	sadd.s32 $0x45000, s4  }
0xe: {  	s4 =	sadd.s32 $0x4C000, s4;
	s15 =	sadd.s32 $0x7400, s1;
	s1 =	sadd.s32 $0x4400, s1  }
0xf: {  	s17 =	sshll.u32 s16, $0x6;
	s20 =	sshll.u32 s18, $0x6;
	s22 =	sshll.u32 s13, $0x6  }
0x10: {  	s23 =	sshll.u32 s19, $0x4;
	s25 =	sshll.u32 s13, $0x4;
	[dreg:$0x4] =	wrdreg s14  }
0x11: {  	s13 =	simm.s32 $0x6;
	s8 =	sshrl.u32 s8, $0x3;
	[dreg:$0x5] =	wrdreg s4  }
0x12: {  	s10 =	sshrl.u32 s10, $0x3;
	s11 =	ssub.s32 s11, s12;
	[dreg:$0x6] =	wrdreg s15  }
0x13: {  	[dreg:$0x7] =	wrdreg s1;
	s1 =	sadd.s32 s17, s2;
	s14 =	sshll.u32 s19, $0x6  }
0x14: {  	s12 =	sadd.s32 s20, s2;
	s15 =	sadd.s32 s9, s3;
	s4 =	sshll.u32 s16, $0x4  }
0x15: {  	s24 =	sadd.s32 s23, s3;
	s23 =	simm.s32 $0x7000;
	s9 =	simm.s32 $0x5  }
0x16: {  	s16 =	simm.s32 $0x8;
	s17 =	simm.s32 $0x0;
	s8 =	sadd.s32 s8, s0  }
0x17: {  	s0 =	sadd.s32 s10, s0;
	s10 =	sadd.s32 s7, s2;
	[dreg:$0x8] =	wrdreg s1  }
0x18: {  	[dreg:$0x9] =	wrdreg s12;
	s21 =	sadd.s32 s14, s2;
	s12 =	sadd.s32 s22, s2  }
0x19: {  	s4 =	sadd.s32 s4, s3;
	s1 =	sshll.u32 s18, $0x4;
	[dreg:$0xe] =	wrdreg s24  }
0x1a: {  	s22 =	smax.u32 s11, $0x1;
	s24 =	simm.s32 $0x9;
	[dreg:$0xa] =	wrdreg s21  }
0x1b: {  	s7 =	simm.s32 $0x3;
	s11 =	simm.s32 $0x4;
	[dreg:$0xb] =	wrdreg s12  }
0x1c: {  	s14 =	simm.s32 $0x7;
	[dreg:$0xc] =	wrdreg s4;
	s1 =	sadd.s32 s1, s3  }
.Ltmp0:
0x1d: {  	s26 =	sadd.s32 $0x5D000, s8;
	s0 =	sadd.s32 $0x53000, s0;
	(pc) =	sbr.rel .LBB2_1-.Ltmp0, $4  }
0x1e: {  	s4 =	simm.s32 $0xB000;
	s8 =	simm.s32 $0x3900;
	[dreg:$0xd] =	wrdreg s1  }
0x1f: {  	s12 =	simm.s32 $0x3980;
	s1 =	sadd.s32 s25, s3;
	[dreg:$0x10] =	wrdreg s26  }
0x20: {  	[dreg:$0x11] =	wrdreg s0;
	s25 =	simm.s32 $0x19800;
	s26 =	simm.s32 $0x80  }
0x21: {  	v0 =	vimm.f32 $0.0e+00;
	v1 =	vimm.f32 $1.000000000e+00;
	s0 =	simm.s32 $0x2;
	[dreg:$0xf] =	wrdreg s1;
	s1 =	simm.s32 $0x3880  }
.LBB2_15:
0x22: {  	s18 =	sadd.s32 $0xE00, s18  }
.LBB2_16:
0x23: {  	_ =	swait.ge [sflag:s11], $0x2000  }
0x24: {  	s18 =	sshra.s32 s18, $0x2;
	[sflag:s11] =	ssyncset.done $0x0  }
0x25: {  	s18 =	sadd.s32 $0x3800, s18;
	[sflag:s11] =	ssyncadd.s32 $0xFFFFE000  }
0x26: {  	[spmem:s2] =	stream.indirect.scatter.add.f32 [tilespmem:s6], [sflag:$0x8], $0x40, s18, s26, $0xb8;
	[tilespmem:$0x1C800] =	vst v63  }
0x27: {  	_ = 	snop  }
0x28: {  	[spmem:s3] =	stream.indirect.scatter.add.f32 [tilespmem:s31], [sflag:$0x8], $0x10, s18, s26, $0xb8;
	[tilespmem:$0x1C800] =	vst v63  }
0x29: {  	_ =	swait.ge [sflag:s9], $0x2000  }
0x2a: {  	[sflag:s9] =	ssyncset.done $0x0  }
0x2b: {  	[sflag:s9] =	ssyncadd.s32 $0xFFFFE000  }
0x2c: {  	_ =	swait.ge [sflag:s9], $0x800  }
0x2d: {  	[sflag:s9] =	ssyncset.done $0x0  }
0x2e: {  	[sflag:s9] =	ssyncadd.s32 $0xFFFFF800  }
0x2f: {  	_ =	swait.ge [sflag:s13], $0x2000  }
0x30: {  	[sflag:s13] =	ssyncset.done $0x0  }
0x31: {  	[sflag:s13] =	ssyncadd.s32 $0xFFFFE000  }
0x32: {  	_ =	swait.ge [sflag:s13], $0x800  }
0x33: {  	[sflag:s13] =	ssyncset.done $0x0  }
0x34: {  	[sflag:s13] =	ssyncadd.s32 $0xFFFFF800  }
0x35: {  	_ =	swait.ge [sflag:s14], $0x2000  }
0x36: {  	[sflag:s14] =	ssyncset.done $0x0  }
0x37: {  	[sflag:s14] =	ssyncadd.s32 $0xFFFFE000  }
0x38: {  	_ =	swait.ge [sflag:s14], $0x800  }
0x39: {  	[sflag:s14] =	ssyncset.done $0x0  }
0x3a: {  	[sflag:s14] =	ssyncadd.s32 $0xFFFFF800  }
0x3b: {  	_ =	swait.ge [sflag:s16], $0x2000  }
0x3c: {  	[sflag:s16] =	ssyncset.done $0x0  }
0x3d: {  	[sflag:s16] =	ssyncadd.s32 $0xFFFFE000  }
0x3e: {  	_ =	swait.ge [sflag:s16], $0x800  }
0x3f: {  	[sflag:s16] =	ssyncset.done $0x0  }
0x40: {  	s19 =	stileid.u32;
	[sflag:s16] =	ssyncadd.s32 $0xFFFFF800  }
0x41: {  	s18 =	sshll.u32 s19, $0x6;
	[bflag:$0x0] =	sbarrier.arrive $0xFFFF  }
0x42: {  	s19 =	sshrl.u32 s10, $0x3;
	s18 =	sor.u32 $0x1C09, s18;
	s20 =	rddreg [dreg:$0x10]  }
0x43: {  	[hbm:s20], [sflag:s18] =	dma.local [spmem:s19], $0x1400  }
0x44: {  	s17 =	sadd.s32 $0x1, s17;
	_ =	swait.ge [sflag:s24], $0x1400  }
0x45: {  	p1 =	sne.s32 s17, s22;
	s20 =	sshrl.u32 s15, $0x3;
	[sflag:s24] =	ssyncset.done $0x0  }
.Ltmp1:
0x46: {  	s21 =	rddreg [dreg:$0x11];
	[sflag:s24] =	ssyncadd.s32 $0xFFFFEC00;
	(pc) =	sbr.rel @!p1 .LBB2_17-.Ltmp1, $4  }
0x47: {  	[hbm:s21], [sflag:s18] =	dma.local [spmem:s20], $0x500  }
0x48: {  	_ =	swait.ge [sflag:s24], $0x500  }
0x49: {  	[sflag:s24] =	ssyncset.done $0x0  }
0x4a: {  	[sflag:s24] =	ssyncadd.s32 $0xFFFFFB00  }
.LBB2_1:
0x4b: {  	s18 =	simm.s32 @p0 $0x0;
	s19 =	rddreg [dreg:$0x4]  }
0x4c: {  	[tilespmem:s18], [sflag:$0x9] =	stream.linear.gather @p0 [hbm4b:s19+s18], $0x3800, $0x38;
	[tilespmem:$0x1C800] =	vst v63  }
0x4d: {  	s19 =	simm.s32 @p0 $0x9  }
0x4e: {  	_ =	swait.ge @p0 [sflag:s19], $0x3800  }
0x4f: {  	[sflag:s19] =	ssyncset.done @p0 $0x0  }
0x50: {  	s20 =	simm.s32 @p0 $0x3800;
	s21 =	rddreg [dreg:$0x5];
	[sflag:s19] =	ssyncadd.s32 @p0 $0xFFFFC800  }
0x51: {  	[tilespmem:s20], [sflag:$0x9] =	stream.linear.gather @p0 [hbm4b:s21+s18], $0x3800, $0x38;
	[tilespmem:$0x1C800] =	vst v63  }
0x52: {  	_ =	swait.ge @p0 [sflag:s19], $0x3800  }
0x53: {  	[sflag:s19] =	ssyncset.done @p0 $0x0  }
0x54: {  	s18 =	simm.s32 @!p0 $0x0;
	[sflag:s19] =	ssyncadd.s32 @p0 $0xFFFFC800;
	s19 =	rddreg [dreg:$0x6]  }
0x55: {  	[tilespmem:s18], [sflag:$0x9] =	stream.linear.gather @!p0 [hbm4b:s19+s18], $0x1800, $0x38;
	[tilespmem:$0x1C800] =	vst v63  }
0x56: {  	s19 =	simm.s32 @!p0 $0x9  }
0x57: {  	_ =	swait.ge @!p0 [sflag:s19], $0x1800  }
0x58: {  	[sflag:s19] =	ssyncset.done @!p0 $0x0  }
0x59: {  	s20 =	simm.s32 @!p0 $0x3800;
	s21 =	rddreg [dreg:$0x7];
	[sflag:s19] =	ssyncadd.s32 @!p0 $0xFFFFE800  }
0x5a: {  	[tilespmem:s20], [sflag:$0x9] =	stream.linear.gather @!p0 [hbm4b:s21+s18], $0x1800, $0x38;
	[tilespmem:$0x1C800] =	vst v63  }
0x5b: {  	_ =	swait.ge @!p0 [sflag:s19], $0x1800  }
0x5c: {  	[sflag:s19] =	ssyncset.done @!p0 $0x0  }
0x5d: {  	s18 =	simm.s32 $0x0;
	[sflag:s19] =	ssyncadd.s32 @!p0 $0xFFFFE800;
	s19 =	simm.s32 $0x100  }
.LBB2_2:
0x5e: {  	p1 =	sne.s32 s19, $0x7F00;
	[tilespmem:s18+$0x7030] =	vst v0;
	s20 =	smov.u32 s19;
	s19 =	sadd.s32 $0x100, s19  }
.Ltmp2:
0x5f: {  	[tilespmem:s18+$0x7020] =	vst v0;
	(pc) =	sbr.rel @p1 .LBB2_2-.Ltmp2, $3  }
0x60: {  	[tilespmem:s18+$0x7000] =	vst v0  }
0x61: {  	[tilespmem:s18+$0x7010] =	vst v0;
	_ =	sdelay $0x1  }
0x62: {  	s18 =	sshra.s32 s20, $0x2  }
0x63: {  	[tilespmem:s18+$0x7030] =	vst v0  }
0x64: {  	[tilespmem:s18+$0x7020] =	vst v0  }
0x65: {  	[tilespmem:s18+$0x7000] =	vst v0  }
0x66: {  	[tilespmem:s18+$0x7010] =	vst v0  }
0x67: {  	[spmem:s10] =	stream.linear.scatter [tilespmem:s23], [sflag:$0x9], $0x2000, $0x38;
	[tilespmem:$0x1C800] =	vst v63  }
0x68: {  	_ =	swait.ge [sflag:s24], $0x2000  }
0x69: {  	[sflag:s24] =	ssyncset.done $0x0  }
0x6a: {  	s21 =	rddreg [dreg:$0x8];
	[sflag:s24] =	ssyncadd.s32 $0xFFFFE000  }
0x6b: {  	[spmem:s21] =	stream.linear.scatter [tilespmem:s23], [sflag:$0x9], $0x2000, $0x38;
	[tilespmem:$0x1C800] =	vst v63  }
0x6c: {  	_ =	swait.ge [sflag:s24], $0x2000  }
0x6d: {  	[sflag:s24] =	ssyncset.done $0x0  }
0x6e: {  	s19 =	rddreg [dreg:$0x9];
	[sflag:s24] =	ssyncadd.s32 $0xFFFFE000  }
0x6f: {  	[spmem:s19] =	stream.linear.scatter [tilespmem:s23], [sflag:$0x9], $0x2000, $0x38;
	[tilespmem:$0x1C800] =	vst v63  }
0x70: {  	_ =	swait.ge [sflag:s24], $0x2000  }
0x71: {  	[sflag:s24] =	ssyncset.done $0x0  }
0x72: {  	s20 =	rddreg [dreg:$0xa];
	[sflag:s24] =	ssyncadd.s32 $0xFFFFE000  }
0x73: {  	[spmem:s20] =	stream.linear.scatter [tilespmem:s23], [sflag:$0x9], $0x2000, $0x38;
	[tilespmem:$0x1C800] =	vst v63  }
0x74: {  	_ =	swait.ge [sflag:s24], $0x2000  }
0x75: {  	[sflag:s24] =	ssyncset.done $0x0  }
0x76: {  	s21 =	rddreg [dreg:$0xb];
	[sflag:s24] =	ssyncadd.s32 $0xFFFFE000  }
0x77: {  	[spmem:s21] =	stream.linear.scatter [tilespmem:s23], [sflag:$0x9], $0x2000, $0x38;
	[tilespmem:$0x1C800] =	vst v63  }
0x78: {  	_ =	swait.ge [sflag:s24], $0x2000  }
0x79: {  	[sflag:s24] =	ssyncset.done $0x0  }
0x7a: {  	s18 =	simm.s32 $0x40;
	s19 =	simm.s32 $0x0;
	[sflag:s24] =	ssyncadd.s32 $0xFFFFE000  }
.LBB2_4:
0x7b: {  	p1 =	sne.s32 s18, $0x1FC0;
	[tilespmem:s19+$0x19800] =	vst v0;
	s19 =	smov.u32 s18;
	s18 =	sadd.s32 $0x40, s18  }
.Ltmp3:
0x7c: {  	(pc) =	sbr.rel @p1 .LBB2_4-.Ltmp3, $2  }
0x7d: {  	_ =	sdelay $0x2  }
0x7e: {  	s19 =	sshra.s32 s19, $0x2  }
0x7f: {  	[tilespmem:s19+$0x19800] =	vst v0;
	s18 =	simm.s32 $0x40;
	s19 =	simm.s32 $0x0  }
.LBB2_6:
0x80: {  	p1 =	sne.s32 s18, $0x1FC0;
	[tilespmem:s19+$0x19000] =	vst v1;
	s19 =	smov.u32 s18;
	s18 =	sadd.s32 $0x40, s18  }
.Ltmp4:
0x81: {  	(pc) =	sbr.rel @p1 .LBB2_6-.Ltmp4, $2  }
0x82: {  	_ =	sdelay $0x2  }
0x83: {  	s19 =	sshra.s32 s19, $0x2  }
0x84: {  	[tilespmem:s19+$0x19000] =	vst v1  }
0x85: {  	[spmem:s15] =	stream.linear.scatter [tilespmem:s25], [sflag:$0x9], $0x800, $0x38;
	[tilespmem:$0x1C800] =	vst v63  }
0x86: {  	_ =	swait.ge [sflag:s24], $0x800  }
0x87: {  	[sflag:s24] =	ssyncset.done $0x0  }
0x88: {  	s18 =	rddreg [dreg:$0xc];
	[sflag:s24] =	ssyncadd.s32 $0xFFFFF800  }
0x89: {  	[spmem:s18] =	stream.linear.scatter [tilespmem:s25], [sflag:$0x9], $0x800, $0x38;
	[tilespmem:$0x1C800] =	vst v63  }
0x8a: {  	_ =	swait.ge [sflag:s24], $0x800  }
0x8b: {  	[sflag:s24] =	ssyncset.done $0x0  }
0x8c: {  	s21 =	rddreg [dreg:$0xd];
	[sflag:s24] =	ssyncadd.s32 $0xFFFFF800  }
0x8d: {  	[spmem:s21] =	stream.linear.scatter [tilespmem:s25], [sflag:$0x9], $0x800, $0x38;
	[tilespmem:$0x1C800] =	vst v63  }
0x8e: {  	_ =	swait.ge [sflag:s24], $0x800  }
0x8f: {  	[sflag:s24] =	ssyncset.done $0x0  }
0x90: {  	s19 =	rddreg [dreg:$0xe];
	[sflag:s24] =	ssyncadd.s32 $0xFFFFF800  }
0x91: {  	[spmem:s19] =	stream.linear.scatter [tilespmem:s25], [sflag:$0x9], $0x800, $0x38;
	[tilespmem:$0x1C800] =	vst v63  }
0x92: {  	_ =	swait.ge [sflag:s24], $0x800  }
0x93: {  	[sflag:s24] =	ssyncset.done $0x0  }
0x94: {  	s20 =	rddreg [dreg:$0xf];
	[sflag:s24] =	ssyncadd.s32 $0xFFFFF800  }
0x95: {  	[spmem:s20] =	stream.linear.scatter [tilespmem:s25], [sflag:$0x9], $0x800, $0x38;
	[tilespmem:$0x1C800] =	vst v63  }
0x96: {  	_ =	swait.ge [sflag:s24], $0x800  }
0x97: {  	[sflag:s24] =	ssyncset.done $0x0  }
0x98: {  	[sflag:s24] =	ssyncadd.s32 $0xFFFFF800  }
0x99: {  	s21 =	simm.s32 $0x0;
	[bflag:$0x0] =	sbarrier.arrive $0xFFFF  }
0x9a: {  	[tilespmem:s23], [sflag:$0x1] =	stream.indirect.gather [hbm4b:s5+s26], $0x40, s21, s26, $0xb8;
	[tilespmem:$0x1C800] =	vst v63  }
0x9b: {  	_ = 	snop  }
0x9c: {  	[tilespmem:s28], [sflag:$0x2] =	stream.indirect.gather [hbm4b:s5+s26], $0x40, s26, s26, $0xb8;
	[tilespmem:$0x1C800] =	vst v63  }
0x9d: {  	_ =	swait.ge [sflag:s29], $0x2000  }
.Ltmp5:
0x9e: {  	[sflag:s29] =	ssyncset.done $0x0;
	(pc) =	sbr.rel @p0 .LBB2_11-.Ltmp5, $4  }
0x9f: {  	[sflag:s29] =	ssyncadd.s32 $0xFFFFE000  }
0xa0: {  	[spmem:s2] =	stream.indirect.scatter.add.f32 [tilespmem:s23], [sflag:$0x5], $0x40, s30, s26, $0xb8;
	[tilespmem:$0x1C800] =	vst v63  }
0xa1: {  	s18 =	simm.s32 $0x100  }
0xa2: {  	[spmem:s3] =	stream.indirect.scatter.add.f32 [tilespmem:s31], [sflag:$0x5], $0x10, s30, s26, $0xb8;
	[tilespmem:$0x1C800] =	vst v63  }
0xa3: {  	[tilespmem:s4], [sflag:$0x3] =	stream.indirect.gather [hbm4b:s5+s26], $0x40, s18, s26, $0xb8;
	[tilespmem:$0x1C800] =	vst v63  }
0xa4: {  	_ =	swait.ge [sflag:s0], $0x2000  }
0xa5: {  	[sflag:s0] =	ssyncset.done $0x0  }
0xa6: {  	[sflag:s0] =	ssyncadd.s32 $0xFFFFE000  }
0xa7: {  	[spmem:s2] =	stream.indirect.scatter.add.f32 [tilespmem:s28], [sflag:$0x6], $0x40, s1, s26, $0xb8;
	[tilespmem:$0x1C800] =	vst v63  }
0xa8: {  	_ = 	snop  }
0xa9: {  	[spmem:s3] =	stream.indirect.scatter.add.f32 [tilespmem:s31], [sflag:$0x6], $0x10, s1, s26, $0xb8;
	[tilespmem:$0x1C800] =	vst v63  }
0xaa: {  	s19 =	simm.s32 $0x180  }
0xab: {  	[tilespmem:s6], [sflag:$0x4] =	stream.indirect.gather [hbm4b:s5+s26], $0x40, s19, s26, $0xb8;
	[tilespmem:$0x1C800] =	vst v63  }
0xac: {  	_ =	swait.ge [sflag:s7], $0x2000  }
0xad: {  	[sflag:s7] =	ssyncset.done $0x0  }
0xae: {  	[sflag:s7] =	ssyncadd.s32 $0xFFFFE000  }
0xaf: {  	[spmem:s2] =	stream.indirect.scatter.add.f32 [tilespmem:s4], [sflag:$0x7], $0x40, s8, s26, $0xb8;
	[tilespmem:$0x1C800] =	vst v63  }
0xb0: {  	_ = 	snop  }
0xb1: {  	[spmem:s3] =	stream.indirect.scatter.add.f32 [tilespmem:s31], [sflag:$0x7], $0x10, s8, s26, $0xb8;
	[tilespmem:$0x1C800] =	vst v63  }
0xb2: {  	_ =	swait.ge [sflag:s9], $0x2000  }
0xb3: {  	[sflag:s9] =	ssyncset.done $0x0  }
0xb4: {  	[sflag:s9] =	ssyncadd.s32 $0xFFFFE000  }
0xb5: {  	_ =	swait.ge [sflag:s9], $0x800  }
0xb6: {  	[sflag:s9] =	ssyncset.done $0x0  }
0xb7: {  	s20 =	simm.s32 $0x200;
	[sflag:s9] =	ssyncadd.s32 $0xFFFFF800  }
0xb8: {  	[tilespmem:s23], [sflag:$0x1] =	stream.indirect.gather [hbm4b:s5+s26], $0x40, s20, s26, $0xb8;
	[tilespmem:$0x1C800] =	vst v63  }
0xb9: {  	_ =	swait.ge [sflag:s11], $0x2000  }
0xba: {  	[sflag:s11] =	ssyncset.done $0x0  }
0xbb: {  	[sflag:s11] =	ssyncadd.s32 $0xFFFFE000  }
0xbc: {  	[spmem:s2] =	stream.indirect.scatter.add.f32 [tilespmem:s6], [sflag:$0x8], $0x40, s12, s26, $0xb8;
	[tilespmem:$0x1C800] =	vst v63  }
0xbd: {  	_ = 	snop  }
0xbe: {  	[spmem:s3] =	stream.indirect.scatter.add.f32 [tilespmem:s31], [sflag:$0x8], $0x10, s12, s26, $0xb8;
	[tilespmem:$0x1C800] =	vst v63  }
0xbf: {  	_ =	swait.ge [sflag:s13], $0x2000  }
0xc0: {  	[sflag:s13] =	ssyncset.done $0x0  }
0xc1: {  	[sflag:s13] =	ssyncadd.s32 $0xFFFFE000  }
0xc2: {  	_ =	swait.ge [sflag:s13], $0x800  }
0xc3: {  	[sflag:s13] =	ssyncset.done $0x0  }
0xc4: {  	s21 =	simm.s32 $0x280;
	s18 =	simm.s32 $0x0;
	[sflag:s13] =	ssyncadd.s32 $0xFFFFF800  }
0xc5: {  	[tilespmem:s28], [sflag:$0x2] =	stream.indirect.gather [hbm4b:s5+s26], $0x40, s21, s26, $0xb8;
	[tilespmem:$0x1C800] =	vst v63  }
.LBB2_9:
0xc6: {  	_ =	swait.ge [sflag:s29], $0x2000  }
0xc7: {  	s19 =	sshra.s32 s18, $0x2;
	[sflag:s29] =	ssyncset.done $0x0  }
0xc8: {  	s20 =	sadd.s32 $0x3A00, s19;
	[sflag:s29] =	ssyncadd.s32 $0xFFFFE000  }
0xc9: {  	[spmem:s2] =	stream.indirect.scatter.add.f32 [tilespmem:s23], [sflag:$0x5], $0x40, s20, s26, $0xb8;
	[tilespmem:$0x1C800] =	vst v63  }
0xca: {  	_ = 	snop  }
0xcb: {  	[spmem:s3] =	stream.indirect.scatter.add.f32 [tilespmem:s31], [sflag:$0x5], $0x10, s20, s26, $0xb8;
	[tilespmem:$0x1C800] =	vst v63  }
0xcc: {  	_ =	swait.ge [sflag:s14], $0x2000  }
0xcd: {  	[sflag:s14] =	ssyncset.done $0x0  }
0xce: {  	[sflag:s14] =	ssyncadd.s32 $0xFFFFE000  }
0xcf: {  	_ =	swait.ge [sflag:s14], $0x800  }
0xd0: {  	[sflag:s14] =	ssyncset.done $0x0  }
0xd1: {  	s21 =	sadd.s32 $0x300, s19;
	[sflag:s14] =	ssyncadd.s32 $0xFFFFF800  }
0xd2: {  	[tilespmem:s4], [sflag:$0x3] =	stream.indirect.gather [hbm4b:s5+s26], $0x40, s21, s26, $0xb8;
	[tilespmem:$0x1C800] =	vst v63  }
0xd3: {  	_ =	swait.ge [sflag:s0], $0x2000  }
0xd4: {  	[sflag:s0] =	ssyncset.done $0x0  }
0xd5: {  	s21 =	sadd.s32 $0x3A80, s19;
	[sflag:s0] =	ssyncadd.s32 $0xFFFFE000  }
0xd6: {  	[spmem:s2] =	stream.indirect.scatter.add.f32 [tilespmem:s28], [sflag:$0x6], $0x40, s21, s26, $0xb8;
	[tilespmem:$0x1C800] =	vst v63  }
0xd7: {  	_ = 	snop  }
0xd8: {  	[spmem:s3] =	stream.indirect.scatter.add.f32 [tilespmem:s31], [sflag:$0x6], $0x10, s21, s26, $0xb8;
	[tilespmem:$0x1C800] =	vst v63  }
0xd9: {  	_ =	swait.ge [sflag:s16], $0x2000  }
0xda: {  	[sflag:s16] =	ssyncset.done $0x0  }
0xdb: {  	[sflag:s16] =	ssyncadd.s32 $0xFFFFE000  }
0xdc: {  	_ =	swait.ge [sflag:s16], $0x800  }
0xdd: {  	[sflag:s16] =	ssyncset.done $0x0  }
0xde: {  	s21 =	sadd.s32 $0x380, s19;
	[sflag:s16] =	ssyncadd.s32 $0xFFFFF800  }
0xdf: {  	[tilespmem:s6], [sflag:$0x4] =	stream.indirect.gather [hbm4b:s5+s26], $0x40, s21, s26, $0xb8;
	[tilespmem:$0x1C800] =	vst v63  }
0xe0: {  	p1 =	seq.s32 s18, $0x5000;
	_ =	swait.ge [sflag:s7], $0x2000  }
.Ltmp6:
0xe1: {  	[sflag:s7] =	ssyncset.done $0x0;
	(pc) =	sbr.rel @p1 .LBB2_14-.Ltmp6, $4  }
0xe2: {  	s21 =	sadd.s32 $0x3B00, s19;
	[sflag:s7] =	ssyncadd.s32 $0xFFFFE000  }
0xe3: {  	[spmem:s2] =	stream.indirect.scatter.add.f32 [tilespmem:s4], [sflag:$0x7], $0x40, s21, s26, $0xb8;
	[tilespmem:$0x1C800] =	vst v63  }
0xe4: {  	_ = 	snop  }
0xe5: {  	[spmem:s3] =	stream.indirect.scatter.add.f32 [tilespmem:s31], [sflag:$0x7], $0x10, s21, s26, $0xb8;
	[tilespmem:$0x1C800] =	vst v63  }
0xe6: {  	_ =	swait.ge [sflag:s9], $0x2000  }
0xe7: {  	[sflag:s9] =	ssyncset.done $0x0  }
0xe8: {  	[sflag:s9] =	ssyncadd.s32 $0xFFFFE000  }
0xe9: {  	_ =	swait.ge [sflag:s9], $0x800  }
0xea: {  	[sflag:s9] =	ssyncset.done $0x0  }
0xeb: {  	s20 =	sadd.s32 $0x400, s19;
	[sflag:s9] =	ssyncadd.s32 $0xFFFFF800  }
0xec: {  	[tilespmem:s23], [sflag:$0x1] =	stream.indirect.gather [hbm4b:s5+s26], $0x40, s20, s26, $0xb8;
	[tilespmem:$0x1C800] =	vst v63  }
0xed: {  	_ =	swait.ge [sflag:s11], $0x2000  }
0xee: {  	[sflag:s11] =	ssyncset.done $0x0  }
0xef: {  	s21 =	sadd.s32 $0x3B80, s19;
	[sflag:s11] =	ssyncadd.s32 $0xFFFFE000  }
0xf0: {  	[spmem:s2] =	stream.indirect.scatter.add.f32 [tilespmem:s6], [sflag:$0x8], $0x40, s21, s26, $0xb8;
	[tilespmem:$0x1C800] =	vst v63  }
0xf1: {  	_ = 	snop  }
0xf2: {  	[spmem:s3] =	stream.indirect.scatter.add.f32 [tilespmem:s31], [sflag:$0x8], $0x10, s21, s26, $0xb8;
	[tilespmem:$0x1C800] =	vst v63  }
0xf3: {  	_ =	swait.ge [sflag:s13], $0x2000  }
0xf4: {  	[sflag:s13] =	ssyncset.done $0x0  }
.Ltmp7:
0xf5: {  	[sflag:s13] =	ssyncadd.s32 $0xFFFFE000;
	(pc) =	sbr.rel .LBB2_9-.Ltmp7, $4  }
0xf6: {  	_ =	swait.ge [sflag:s13], $0x800  }
0xf7: {  	[sflag:s13] =	ssyncset.done $0x0  }
0xf8: {  	s18 =	sadd.s32 $0x800, s18;
	s21 =	sadd.s32 $0x480, s19;
	[sflag:s13] =	ssyncadd.s32 $0xFFFFF800  }
0xf9: {  	[tilespmem:s28], [sflag:$0x2] =	stream.indirect.gather [hbm4b:s5+s26], $0x40, s21, s26, $0xb8;
	[tilespmem:$0x1C800] =	vst v63  }
.LBB2_11:
0xfa: {  	[tilespmem:s4], [sflag:$0x3] =	stream.indirect.gather [hbm4b:s5+s26], $0x40, s18, s26, $0xb8;
	[tilespmem:$0x1C800] =	vst v63  }
0xfb: {  	_ =	swait.ge [sflag:s0], $0x2000  }
0xfc: {  	[sflag:s0] =	ssyncset.done $0x0  }
0xfd: {  	[sflag:s0] =	ssyncadd.s32 $0xFFFFE000  }
0xfe: {  	[spmem:s2] =	stream.indirect.scatter.add.f32 [tilespmem:s28], [sflag:$0x6], $0x40, s1, s26, $0xb8;
	[tilespmem:$0x1C800] =	vst v63  }
0xff: {  	_ = 	snop  }
0x100: {  	[spmem:s3] =	stream.indirect.scatter.add.f32 [tilespmem:s31], [sflag:$0x6], $0x10, s1, s26, $0xb8;
	[tilespmem:$0x1C800] =	vst v63  }
0x101: {  	s19 =	simm.s32 $0x180  }
0x102: {  	[tilespmem:s6], [sflag:$0x4] =	stream.indirect.gather [hbm4b:s5+s26], $0x40, s19, s26, $0xb8;
	[tilespmem:$0x1C800] =	vst v63  }
0x103: {  	_ =	swait.ge [sflag:s7], $0x2000  }
0x104: {  	[sflag:s7] =	ssyncset.done $0x0  }
0x105: {  	[sflag:s7] =	ssyncadd.s32 $0xFFFFE000  }
0x106: {  	[spmem:s2] =	stream.indirect.scatter.add.f32 [tilespmem:s4], [sflag:$0x7], $0x40, s8, s26, $0xb8;
	[tilespmem:$0x1C800] =	vst v63  }
0x107: {  	_ = 	snop  }
0x108: {  	[spmem:s3] =	stream.indirect.scatter.add.f32 [tilespmem:s31], [sflag:$0x7], $0x10, s8, s26, $0xb8;
	[tilespmem:$0x1C800] =	vst v63  }
0x109: {  	_ =	swait.ge [sflag:s9], $0x2000  }
0x10a: {  	[sflag:s9] =	ssyncset.done $0x0  }
0x10b: {  	[sflag:s9] =	ssyncadd.s32 $0xFFFFE000  }
0x10c: {  	_ =	swait.ge [sflag:s9], $0x800  }
0x10d: {  	[sflag:s9] =	ssyncset.done $0x0  }
0x10e: {  	s20 =	simm.s32 $0x200;
	[sflag:s9] =	ssyncadd.s32 $0xFFFFF800  }
0x10f: {  	[tilespmem:s23], [sflag:$0x1] =	stream.indirect.gather [hbm4b:s5+s26], $0x40, s20, s26, $0xb8;
	[tilespmem:$0x1C800] =	vst v63  }
0x110: {  	_ =	swait.ge [sflag:s11], $0x2000  }
0x111: {  	[sflag:s11] =	ssyncset.done $0x0  }
0x112: {  	[sflag:s11] =	ssyncadd.s32 $0xFFFFE000  }
0x113: {  	[spmem:s2] =	stream.indirect.scatter.add.f32 [tilespmem:s6], [sflag:$0x8], $0x40, s12, s26, $0xb8;
	[tilespmem:$0x1C800] =	vst v63  }
0x114: {  	_ = 	snop  }
0x115: {  	[spmem:s3] =	stream.indirect.scatter.add.f32 [tilespmem:s31], [sflag:$0x8], $0x10, s12, s26, $0xb8;
	[tilespmem:$0x1C800] =	vst v63  }
0x116: {  	_ =	swait.ge [sflag:s13], $0x2000  }
0x117: {  	[sflag:s13] =	ssyncset.done $0x0  }
0x118: {  	[sflag:s13] =	ssyncadd.s32 $0xFFFFE000  }
0x119: {  	_ =	swait.ge [sflag:s13], $0x800  }
0x11a: {  	[sflag:s13] =	ssyncset.done $0x0  }
0x11b: {  	s21 =	simm.s32 $0x280;
	s18 =	simm.s32 $0x0;
	[sflag:s13] =	ssyncadd.s32 $0xFFFFF800  }
0x11c: {  	[tilespmem:s28], [sflag:$0x2] =	stream.indirect.gather [hbm4b:s5+s26], $0x40, s21, s26, $0xb8;
	[tilespmem:$0x1C800] =	vst v63  }
.LBB2_12:
0x11d: {  	_ =	swait.ge [sflag:s29], $0x2000  }
0x11e: {  	s19 =	sshra.s32 s18, $0x2;
	[sflag:s29] =	ssyncset.done $0x0  }
0x11f: {  	s20 =	sadd.s32 $0x3A00, s19;
	[sflag:s29] =	ssyncadd.s32 $0xFFFFE000  }
0x120: {  	[spmem:s2] =	stream.indirect.scatter.add.f32 [tilespmem:s23], [sflag:$0x5], $0x40, s20, s26, $0xb8;
	[tilespmem:$0x1C800] =	vst v63  }
0x121: {  	_ = 	snop  }
0x122: {  	[spmem:s3] =	stream.indirect.scatter.add.f32 [tilespmem:s31], [sflag:$0x5], $0x10, s20, s26, $0xb8;
	[tilespmem:$0x1C800] =	vst v63  }
0x123: {  	_ =	swait.ge [sflag:s14], $0x2000  }
0x124: {  	[sflag:s14] =	ssyncset.done $0x0  }
0x125: {  	[sflag:s14] =	ssyncadd.s32 $0xFFFFE000  }
0x126: {  	_ =	swait.ge [sflag:s14], $0x800  }
0x127: {  	[sflag:s14] =	ssyncset.done $0x0  }
0x128: {  	s21 =	sadd.s32 $0x300, s19;
	[sflag:s14] =	ssyncadd.s32 $0xFFFFF800  }
0x129: {  	[tilespmem:s4], [sflag:$0x3] =	stream.indirect.gather [hbm4b:s5+s26], $0x40, s21, s26, $0xb8;
	[tilespmem:$0x1C800] =	vst v63  }
0x12a: {  	_ =	swait.ge [sflag:s0], $0x2000  }
0x12b: {  	[sflag:s0] =	ssyncset.done $0x0  }
0x12c: {  	s21 =	sadd.s32 $0x3A80, s19;
	[sflag:s0] =	ssyncadd.s32 $0xFFFFE000  }
0x12d: {  	[spmem:s2] =	stream.indirect.scatter.add.f32 [tilespmem:s28], [sflag:$0x6], $0x40, s21, s26, $0xb8;
	[tilespmem:$0x1C800] =	vst v63  }
0x12e: {  	_ = 	snop  }
0x12f: {  	[spmem:s3] =	stream.indirect.scatter.add.f32 [tilespmem:s31], [sflag:$0x6], $0x10, s21, s26, $0xb8;
	[tilespmem:$0x1C800] =	vst v63  }
0x130: {  	_ =	swait.ge [sflag:s16], $0x2000  }
0x131: {  	[sflag:s16] =	ssyncset.done $0x0  }
0x132: {  	[sflag:s16] =	ssyncadd.s32 $0xFFFFE000  }
0x133: {  	_ =	swait.ge [sflag:s16], $0x800  }
0x134: {  	[sflag:s16] =	ssyncset.done $0x0  }
0x135: {  	s21 =	sadd.s32 $0x380, s19;
	[sflag:s16] =	ssyncadd.s32 $0xFFFFF800  }
0x136: {  	[tilespmem:s6], [sflag:$0x4] =	stream.indirect.gather [hbm4b:s5+s26], $0x40, s21, s26, $0xb8;
	[tilespmem:$0x1C800] =	vst v63  }
0x137: {  	p1 =	seq.s32 s18, $0xD000;
	_ =	swait.ge [sflag:s7], $0x2000  }
.Ltmp8:
0x138: {  	[sflag:s7] =	ssyncset.done $0x0;
	(pc) =	sbr.rel @p1 .LBB2_15-.Ltmp8, $4  }
0x139: {  	s21 =	sadd.s32 $0x3B00, s19;
	[sflag:s7] =	ssyncadd.s32 $0xFFFFE000  }
0x13a: {  	[spmem:s2] =	stream.indirect.scatter.add.f32 [tilespmem:s4], [sflag:$0x7], $0x40, s21, s26, $0xb8;
	[tilespmem:$0x1C800] =	vst v63  }
0x13b: {  	_ = 	snop  }
0x13c: {  	[spmem:s3] =	stream.indirect.scatter.add.f32 [tilespmem:s31], [sflag:$0x7], $0x10, s21, s26, $0xb8;
	[tilespmem:$0x1C800] =	vst v63  }
0x13d: {  	_ =	swait.ge [sflag:s9], $0x2000  }
0x13e: {  	[sflag:s9] =	ssyncset.done $0x0  }
0x13f: {  	[sflag:s9] =	ssyncadd.s32 $0xFFFFE000  }
0x140: {  	_ =	swait.ge [sflag:s9], $0x800  }
0x141: {  	[sflag:s9] =	ssyncset.done $0x0  }
0x142: {  	s20 =	sadd.s32 $0x400, s19;
	[sflag:s9] =	ssyncadd.s32 $0xFFFFF800  }
0x143: {  	[tilespmem:s23], [sflag:$0x1] =	stream.indirect.gather [hbm4b:s5+s26], $0x40, s20, s26, $0xb8;
	[tilespmem:$0x1C800] =	vst v63  }
0x144: {  	_ =	swait.ge [sflag:s11], $0x2000  }
0x145: {  	[sflag:s11] =	ssyncset.done $0x0  }
0x146: {  	s21 =	sadd.s32 $0x3B80, s19;
	[sflag:s11] =	ssyncadd.s32 $0xFFFFE000  }
0x147: {  	[spmem:s2] =	stream.indirect.scatter.add.f32 [tilespmem:s6], [sflag:$0x8], $0x40, s21, s26, $0xb8;
	[tilespmem:$0x1C800] =	vst v63  }
0x148: {  	_ = 	snop  }
0x149: {  	[spmem:s3] =	stream.indirect.scatter.add.f32 [tilespmem:s31], [sflag:$0x8], $0x10, s21, s26, $0xb8;
	[tilespmem:$0x1C800] =	vst v63  }
0x14a: {  	_ =	swait.ge [sflag:s13], $0x2000  }
0x14b: {  	[sflag:s13] =	ssyncset.done $0x0  }
.Ltmp9:
0x14c: {  	[sflag:s13] =	ssyncadd.s32 $0xFFFFE000;
	(pc) =	sbr.rel .LBB2_12-.Ltmp9, $4  }
0x14d: {  	_ =	swait.ge [sflag:s13], $0x800  }
0x14e: {  	[sflag:s13] =	ssyncset.done $0x0  }
0x14f: {  	s18 =	sadd.s32 $0x800, s18;
	s21 =	sadd.s32 $0x480, s19;
	[sflag:s13] =	ssyncadd.s32 $0xFFFFF800  }
0x150: {  	[tilespmem:s28], [sflag:$0x2] =	stream.indirect.gather [hbm4b:s5+s26], $0x40, s21, s26, $0xb8;
	[tilespmem:$0x1C800] =	vst v63  }
.LBB2_14:
.Ltmp10:
0x151: {  	(pc) =	sbr.rel .LBB2_16-.Ltmp10, $2  }
0x152: {  	_ =	sdelay $0x2  }
0x153: {  	s18 =	sadd.s32 $0xE00, s18  }
.LBB2_17:
0x154: {  	_ =	sfence.sel $0x180000  }
0x155: {  	[bflag:$0x0] =	sbarrier.arrive $0xFFFF  }
0x156: {  	_ =	strace $0x90000047  }
0x157: {  	s0 =	stileid.u32;
	[bflag:$0x2] =	sbarrier.arrive $0xFFFF  }
0x158: {  	p0 =	sne.s32 s0, $0x0;
	s0 =	rddreg [dreg:$0x3]  }
0x159: {  	s0 =	sadd.s32 @!p0 $0x100000, s0  }
0x15a: {  	[sflag:s0] =	ssyncadd.tile.s32 @!p0 $0x1;
	_ =	shalt  }
.Lfunc_end2:
_tile_overlayer_lowered:
.L_overlay_start_2:
0x15b: {  	(tag) =	ssettag $0x2  }
0x15c: {  	s0 =	rddreg [dreg:$0x0];
	s2 =	stileid.u32  }
0x15d: {  	s1 =	rddreg [dreg:$0x1];
	p0 =	sne.s32 s2, $0x0  }
0x15e: {  	s3 =	rddreg [dreg:$0x2];
	[bflag:$0x3] =	sbarrier.arrive $0xFFFF;
	s2 =	simm.s32 @!p0 $0x1C09  }
0x15f: {  	[timem:s3], [sflag:s2] =	dma.local @!p0 [hbm:s0], s1  }
0x160: {  	s0 =	simm.s32 @!p0 $0x9  }
0x161: {  	_ =	swait.ge @!p0 [sflag:s0], s1  }
0x162: {  	s1 =	ssub.s32 @!p0 $0x0, s1;
	[sflag:s0] =	ssyncset.done @!p0 $0x0  }
0x163: {  	[sflag:s0] =	ssyncadd.s32 @!p0 s1  }
0x164: {  	[bflag:$0x3] =	sbarrier.arrive $0xFFFF  }
0x165: {  	_ =	shalt  }

</sc_bundles>
